<compile_context>
chip_gen: v7x
topology: tpu7x:2x2x1
jax: 0.10.2.dev20260603
libtpu: 0.0.44.dev20260713+nightly
codegen_flags: <defaults>
</compile_context>

<pallas_src>
import functools

import jax
import jax.numpy as jnp
from jax import lax
from jax.experimental import pallas as pl
from jax.experimental.pallas import tpu as pltpu
from jax.experimental.pallas import tpu_sc as plsc

_L = 16
_NW = 32
_E = 1024
_ENT = 32
_PAIRS = 16
_BB = 64


def _pack_table(t):
    v = t.shape[0]
    b = t.astype(jnp.bfloat16).reshape(v, _PAIRS, 2)
    return lax.bitcast_convert_type(b, jnp.int32).reshape(-1)


def _sc_embed(p0_i, p1_i, p2_i, tables, bases, chunk_e=_E):
    _E = chunk_e
    n = p0_i.shape[0]
    per_w = n // _NW
    n_chunk = per_w // _E
    mesh = plsc.VectorSubcoreMesh(core_axis_name="c", subcore_axis_name="s")

    @functools.partial(
        pl.kernel,
        out_type=jax.ShapeDtypeStruct((n * _PAIRS,), jnp.int32),
        mesh=mesh,
        compiler_params=pltpu.CompilerParams(needs_layout_passes=False),
        scratch_types=[
            pltpu.VMEM(tables.shape, jnp.int32),
            pltpu.VMEM((_E,), jnp.int32),
            pltpu.VMEM((_E,), jnp.int32),
            pltpu.VMEM((_E,), jnp.int32),
            pltpu.VMEM((_E * _PAIRS,), jnp.int32),
        ],
    )
    def k(p0_h, p1_h, p2_h, tbl_h, out, t_all, b_p0, b_p1, b_p2, b_emb):
        wid = lax.axis_index("s") * 2 + lax.axis_index("c")
        pltpu.sync_copy(tbl_h, t_all)
        base_w = wid * per_w

        @pl.loop(0, n_chunk)
        def _chunk(c):
            base = base_w + c * _E
            pltpu.sync_copy(p0_h.at[pl.ds(base, _E)], b_p0)
            pltpu.sync_copy(p1_h.at[pl.ds(base, _E)], b_p1)
            pltpu.sync_copy(p2_h.at[pl.ds(base, _E)], b_p2)

            @plsc.parallel_loop(0, _E, _L, unroll=2)
            def _group(s):
                lanes = lax.iota(jnp.int32, _L)
                w0 = b_p0[pl.ds(s, _L)]
                w1 = b_p1[pl.ds(s, _L)]
                w2 = b_p2[pl.ds(s, _L)]
                addr = [
                    (w0 & 0x7FF) * _PAIRS + bases[0],
                    ((w0 >> 11) & 0x1FF) * _PAIRS + bases[1],
                    (w0 >> 20) * _PAIRS + bases[2],
                    (w2 >> 10) * _PAIRS + bases[3],
                    (w1 & 0x3FF) * _PAIRS + bases[4],
                    ((w1 >> 10) & 0x3FF) * _PAIRS + bases[4],
                    (w1 >> 20) * _PAIRS + bases[4],
                    (w2 & 0x3FF) * _PAIRS + bases[4],
                ]
                accs = []
                for pc in range(_PAIRS):
                    acc = plsc.bitcast(
                        plsc.load_gather(t_all, [addr[0] + pc]), jnp.bfloat16)
                    for j in range(1, 8):
                        w = plsc.bitcast(
                            plsc.load_gather(t_all, [addr[j] + pc]),
                            jnp.bfloat16)
                        acc = acc + w
                    accs.append(plsc.bitcast(acc, jnp.int32))
                rows = (lanes + s) * _PAIRS
                for pc in range(_PAIRS):
                    plsc.store_scatter(b_emb, [rows + pc], accs[pc])

            pltpu.sync_copy(b_emb, out.at[pl.ds(base * _PAIRS, _E * _PAIRS)])

    return k(p0_i, p1_i, p2_i, tables)


def _tc_body(emb, bias, hp, hp_w, units_w, units_b, tv_w1, tv_b1,
             tv_w2, tv_b2, out):
    w = emb[...]
    lo = lax.bitcast_convert_type(w << 16, jnp.float32)
    hi = lax.bitcast_convert_type(w & jnp.int32(-65536), jnp.float32)
    x = jnp.concatenate([lo, hi], axis=1)
    x = x + bias[...] + hp[...] * hp_w[...]
    x = jnp.maximum(x, 0.0)
    u = jnp.dot(x, units_w[...], preferred_element_type=jnp.float32)
    u = jnp.maximum(u + units_b[...], 0.0)
    rows = _BB * 18
    grp = lax.broadcasted_iota(jnp.int32, (_BB, rows), 0)
    row = lax.broadcasted_iota(jnp.int32, (_BB, rows), 1)
    sel = (row // 18 == grp).astype(jnp.float32)
    pooled = jnp.dot(sel, u, preferred_element_type=jnp.float32) * (1.0 / 18.0)
    h = jnp.dot(pooled, tv_w1[...], preferred_element_type=jnp.float32)
    h = jnp.maximum(h + tv_b1[...], 0.0)
    out[...] = (jnp.dot(h, tv_w2[...], preferred_element_type=jnp.float32)
                + tv_b2[...])


def _tc_dense(emb_i32, bias_blk, hp2d, hp_w, units_w, units_b,
              tv_w1, tv_b1, tv_w2, tv_b2, batch):
    rows = _BB * 18
    grid = batch // _BB
    return pl.pallas_call(
        _tc_body,
        grid=(grid,),
        in_specs=[
            pl.BlockSpec((rows, _PAIRS), lambda i: (i, 0)),
            pl.BlockSpec((rows, _ENT), lambda i: (0, 0)),
            pl.BlockSpec((rows, 1), lambda i: (i, 0)),
            pl.BlockSpec((1, _ENT), lambda i: (0, 0)),
            pl.BlockSpec(units_w.shape, lambda i: (0, 0)),
            pl.BlockSpec((1, _ENT), lambda i: (0, 0)),
            pl.BlockSpec(tv_w1.shape, lambda i: (0, 0)),
            pl.BlockSpec((1, 128), lambda i: (0, 0)),
            pl.BlockSpec(tv_w2.shape, lambda i: (0, 0)),
            pl.BlockSpec((1, 128), lambda i: (0, 0)),
        ],
        out_specs=pl.BlockSpec((_BB, 128), lambda i: (i, 0)),
        out_shape=jax.ShapeDtypeStruct((batch, 128), jnp.float32),
    )(emb_i32, bias_blk, hp2d, hp_w, units_w, units_b,
      tv_w1, tv_b1, tv_w2, tv_b2)


def kernel(species, items, abilities, moves, hp_bucket, hp, status, active,
           fainted, species_table, item_table, ability_table, moves_table,
           hp_table, status_table, active_table, fainted_table, side_table,
           public_table, hp_w, hp_b, units_w, units_b, tv_w1, tv_b1, tv_w2,
           tv_b2):
    batch = species.shape[0]
    n = batch * 18

    sm_t = (hp_table[:, None, None, None, :]
            + status_table[None, :, None, None, :]
            + active_table[None, None, :, None, :]
            + fainted_table[None, None, None, :, :]).reshape(-1, _ENT)

    packed = [_pack_table(t) for t in
              (species_table, item_table, ability_table, sm_t, moves_table)]
    off = [0]
    for p in packed[:-1]:
        off.append(off[-1] + p.shape[0])
    bases = (off[0], off[1], off[2], off[3], off[4])
    tables = jnp.concatenate(packed)

    sp = species.reshape(n).astype(jnp.int32)
    it = items.reshape(n).astype(jnp.int32)
    ab = abilities.reshape(n).astype(jnp.int32)
    sm = (((hp_bucket.reshape(n) * 8 + status.reshape(n)) * 4
           + active.reshape(n) * 2 + fainted.reshape(n))
          .astype(jnp.int32))
    mv = moves.reshape(n, 4).astype(jnp.int32)
    p0 = sp | (it << 11) | (ab << 20)
    p1 = mv[:, 0] | (mv[:, 1] << 10) | (mv[:, 2] << 20)
    p2 = mv[:, 3] | (sm << 10)

    half = n // 2
    emb_a = _sc_embed(p0[:half], p1[:half], p2[:half], tables, bases,
                      chunk_e=576).reshape(half, _PAIRS)
    emb_b = _sc_embed(p0[half:], p1[half:], p2[half:], tables, bases,
                      chunk_e=576).reshape(half, _PAIRS)

    perm = jnp.arange(_ENT).reshape(_PAIRS, 2).T.reshape(-1)

    side_token = jnp.zeros((3, 6), dtype=jnp.int32).at[-1].set(1)
    public_token = jnp.zeros((3, 6), dtype=jnp.int32).at[1:].set(1)
    pos18 = (jnp.take(side_table, side_token.reshape(-1), axis=0)
             + jnp.take(public_table, public_token.reshape(-1), axis=0)
             + hp_b[None, :])[:, perm]
    bias_blk = jnp.tile(pos18, (_BB, 1))

    hp2d = hp.reshape(n, 1)
    hpw_p = hp_w.reshape(1, _ENT)[:, perm]
    uw_p = units_w[perm, :]
    ub = units_b.reshape(1, _ENT)
    tb1 = tv_b1.reshape(1, 128)
    tb2 = tv_b2.reshape(1, 128)
    out_a = _tc_dense(emb_a, bias_blk, hp2d[:half], hpw_p, uw_p, ub,
                      tv_w1, tb1, tv_w2, tb2, batch // 2)
    out_b = _tc_dense(emb_b, bias_blk, hp2d[half:], hpw_p, uw_p, ub,
                      tv_w1, tb1, tv_w2, tb2, batch // 2)
    return jnp.concatenate([out_a, out_b])

# --- scband reference (transcript-rebuilt; emitter-appended) ---
"""Pipeline reference for scband-model-41274635715028 (READ-ONLY COPY).

The authoritative reference and input builder live on the scoring server;
editing this copy changes nothing except your own understanding.
"""

import jax, jax.numpy as jnp
import numpy as np

NUM_SPECIES = 1292
NUM_ITEMS = 466
NUM_ABILITIES = 310
NUM_MOVES = 920
NUM_HP_BUCKETS = 16
NUM_STATUS = 7
ENTITY_SIZE = 32
VECTOR_SIZE = 128
B = 16384


def setup_inputs(seed: int = 0):
    key = jax.random.key(seed)
    ks = jax.random.split(key, 30)

    def tbl(k, n, d, scale=None):
        s = scale if scale is not None else 1.0 / np.sqrt(n)
        return jax.random.normal(k, (n, d), dtype=jnp.float32) * s

    inp = {}
    inp["species"] = jax.random.randint(ks[0], (B, 3, 6), 0, NUM_SPECIES + 1)
    inp["items"] = jax.random.randint(ks[1], (B, 3, 6), 0, NUM_ITEMS + 1)
    inp["abilities"] = jax.random.randint(ks[2], (B, 3, 6), 0, NUM_ABILITIES + 1)
    inp["moves"] = jax.random.randint(ks[3], (B, 3, 6, 4), 0, NUM_MOVES + 2)
    inp["hp_bucket"] = jax.random.randint(ks[4], (B, 3, 6), 0, NUM_HP_BUCKETS + 1)
    inp["hp"] = jax.random.uniform(ks[5], (B, 3, 6, 1), dtype=jnp.float32)
    inp["status"] = jax.random.randint(ks[6], (B, 3, 6), 0, NUM_STATUS + 1)
    inp["active"] = jax.random.randint(ks[7], (B, 3, 6), 0, 2)
    inp["fainted"] = jax.random.randint(ks[8], (B, 3, 6), 0, 2)
    inp["species_table"] = tbl(ks[9], NUM_SPECIES + 1, ENTITY_SIZE)
    inp["item_table"] = tbl(ks[10], NUM_ITEMS + 1, ENTITY_SIZE)
    inp["ability_table"] = tbl(ks[11], NUM_ABILITIES + 1, ENTITY_SIZE)
    inp["moves_table"] = tbl(ks[12], NUM_MOVES + 2, ENTITY_SIZE)
    inp["hp_table"] = tbl(ks[13], NUM_HP_BUCKETS + 1, ENTITY_SIZE)
    inp["status_table"] = tbl(ks[14], NUM_STATUS + 1, ENTITY_SIZE)
    inp["active_table"] = tbl(ks[15], 2, ENTITY_SIZE)
    inp["fainted_table"] = tbl(ks[16], 2, ENTITY_SIZE)
    inp["side_table"] = tbl(ks[17], 2, ENTITY_SIZE)
    inp["public_table"] = tbl(ks[18], 2, ENTITY_SIZE)
    inp["hp_w"] = tbl(ks[19], 1, ENTITY_SIZE, scale=1.0)
    inp["hp_b"] = jnp.zeros((ENTITY_SIZE,), dtype=jnp.float32)
    inp["units_w"] = tbl(ks[20], ENTITY_SIZE, ENTITY_SIZE)
    inp["units_b"] = jnp.zeros((ENTITY_SIZE,), dtype=jnp.float32)
    inp["tv_w1"] = tbl(ks[21], ENTITY_SIZE, VECTOR_SIZE)
    inp["tv_b1"] = jnp.zeros((VECTOR_SIZE,), dtype=jnp.float32)
    inp["tv_w2"] = tbl(ks[22], VECTOR_SIZE, VECTOR_SIZE)
    inp["tv_b2"] = jnp.zeros((VECTOR_SIZE,), dtype=jnp.float32)
    return inp


def reference(species, items, abilities, moves, hp_bucket, hp, status, active, fainted,
              species_table, item_table, ability_table, moves_table, hp_table,
              status_table, active_table, fainted_table, side_table, public_table,
              hp_w, hp_b, units_w, units_b, tv_w1, tv_b1, tv_w2, tv_b2):
    # buffers: side_token / public_token, shape [3, 6]
    side_token = jnp.zeros((3, 6), dtype=jnp.int32).at[-1].set(1)
    public_token = jnp.zeros((3, 6), dtype=jnp.int32).at[1:].set(1)

    # sum of embedding lookups for each entity (SparseCore-friendly gathers)
    emb = (jnp.take(species_table, species, axis=0)
           + jnp.take(item_table, items, axis=0)
           + jnp.take(ability_table, abilities, axis=0)
           + jnp.take(moves_table, moves, axis=0).sum(-2)
           + jnp.take(hp_table, hp_bucket, axis=0)
           + hp @ hp_w + hp_b
           + jnp.take(status_table, status, axis=0)
           + jnp.take(active_table, active, axis=0)
           + jnp.take(fainted_table, fainted, axis=0)
           + jnp.take(side_table, side_token, axis=0)
           + jnp.take(public_table, public_token, axis=0))

    # units_mlp: MLP([entity_size, entity_size]) with _USE_LAYER_NORM=False -> ReLU, Linear
    units = jax.nn.relu(emb) @ units_w + units_b

    # ToVector: MLP([entity_size, vector_size]) -> flatten(-3,-2).mean(-2) -> ReLU, Linear
    h = jax.nn.relu(units) @ tv_w1 + tv_b1  # [B, 3, 6, V]
    h = h.reshape(h.shape[:-3] + (18, h.shape[-1])).mean(-2)  # [B, V]
    vector = jax.nn.relu(h) @ tv_w2 + tv_b2
    return vector

if __name__ == "__main__":
    import jax
    _d = setup_inputs()
    print(jax.jit(kernel)(*tuple(_d.values())))

</pallas_src>

<mosaic_0001>
#map = affine_map<(d0, d1) -> (0)>
module attributes {stable_mosaic.version = 14 : i64} {
  func.func @k(%arg0: i32, %arg1: i32, %arg2: memref<147456xi32, #tpu.memory_space<hbm>>, %arg3: memref<147456xi32, #tpu.memory_space<hbm>>, %arg4: memref<147456xi32, #tpu.memory_space<hbm>>, %arg5: memref<56592xi32, #tpu.memory_space<hbm>>, %arg6: memref<2359296xi32, #tpu.memory_space<hbm>>, %arg7: memref<56592xi32, #tpu.memory_space<vmem>>, %arg8: memref<576xi32, #tpu.memory_space<vmem>>, %arg9: memref<576xi32, #tpu.memory_space<vmem>>, %arg10: memref<576xi32, #tpu.memory_space<vmem>>, %arg11: memref<9216xi32, #tpu.memory_space<vmem>>) attributes {dimension_semantics = [#tpu.dimension_semantics<core_parallel>, #tpu.dimension_semantics<subcore_parallel>], iteration_bounds = array<i64: 2, 16>, scalar_prefetch = 0 : i64, scratch_operands = 5 : i64, tpu.core_type = #tpu.core_type<sc_vector_subcore>, window_params = [{transform_indices = #map}, {transform_indices = #map}, {transform_indices = #map}, {transform_indices = #map}, {transform_indices = #map}]} {
    %mul3A = arith.constant 2 : i32
    %mul3A_0 = arith.muli %arg1, %mul3A : i32
    %add3A = arith.addi %mul3A_0, %arg0 : i32
    "tpu.region"() ({
      %run_scoped3A = tpu.sem_alloc : memref<!tpu.dma_semaphore, #tpu.memory_space<semaphore_mem>>
      tpu.enqueue_dma source(%arg5 : memref<56592xi32, #tpu.memory_space<hbm>>) target(%arg7 : memref<56592xi32, #tpu.memory_space<vmem>>) target_semaphore(%run_scoped3A : memref<!tpu.dma_semaphore, #tpu.memory_space<semaphore_mem>>)
      tpu.wait_dma2 semaphore(%run_scoped3A : memref<!tpu.dma_semaphore, #tpu.memory_space<semaphore_mem>>) src(%arg5 : memref<56592xi32, #tpu.memory_space<hbm>>) dst(%arg7 : memref<56592xi32, #tpu.memory_space<vmem>>)
      tpu.yield
    }) : () -> ()
    %mul3A_1 = arith.constant 4608 : i32
    %mul3A_2 = arith.muli %add3A, %mul3A_1 : i32
    %scan3A = arith.constant 0 : i32
    %scan3A_3 = arith.constant 8 : i32
    %scan3A_4 = arith.addi %scan3A, %scan3A_3 : i32
    %scan3A_5 = arith.constant 1 : i32
    scf.for %scan3A_7 = %scan3A to %scan3A_4 step %scan3A_5  : i32 {
      %mul3A_8 = arith.constant 1 : i32
      %mul3A_9 = arith.muli %scan3A_7, %mul3A_8 : i32
      %add3A_10 = arith.constant 0 : i32
      %add3A_11 = arith.addi %add3A_10, %mul3A_9 : i32
      %mul3A_12 = arith.constant 576 : i32
      %mul3A_13 = arith.muli %add3A_11, %mul3A_12 : i32
      %add3A_14 = arith.addi %mul3A_2, %mul3A_13 : i32
      "tpu.region"() ({
        %run_scoped3A = tpu.sem_alloc : memref<!tpu.dma_semaphore, #tpu.memory_space<semaphore_mem>>
        %dma_start3A = tpu.memref_slice %arg2[%add3A_14] : memref<147456xi32, #tpu.memory_space<hbm>> -> memref<576xi32, #tpu.memory_space<hbm>>
        %dma_start3A_19 = tpu.memref_slice %arg2[%add3A_14] : memref<147456xi32, #tpu.memory_space<hbm>> -> memref<576xi32, #tpu.memory_space<hbm>>
        tpu.enqueue_dma source(%dma_start3A_19 : memref<576xi32, #tpu.memory_space<hbm>>) target(%arg8 : memref<576xi32, #tpu.memory_space<vmem>>) target_semaphore(%run_scoped3A : memref<!tpu.dma_semaphore, #tpu.memory_space<semaphore_mem>>)
        %dma_wait3A = tpu.memref_slice %arg2[%add3A_14] : memref<147456xi32, #tpu.memory_space<hbm>> -> memref<576xi32, #tpu.memory_space<hbm>>
        %dma_wait3A_20 = tpu.memref_slice %arg2[%add3A_14] : memref<147456xi32, #tpu.memory_space<hbm>> -> memref<576xi32, #tpu.memory_space<hbm>>
        tpu.wait_dma2 semaphore(%run_scoped3A : memref<!tpu.dma_semaphore, #tpu.memory_space<semaphore_mem>>) src(%dma_wait3A_20 : memref<576xi32, #tpu.memory_space<hbm>>) dst(%arg8 : memref<576xi32, #tpu.memory_space<vmem>>)
        tpu.yield
      }) : () -> ()
      "tpu.region"() ({
        %run_scoped3A = tpu.sem_alloc : memref<!tpu.dma_semaphore, #tpu.memory_space<semaphore_mem>>
        %dma_start3A = tpu.memref_slice %arg3[%add3A_14] : memref<147456xi32, #tpu.memory_space<hbm>> -> memref<576xi32, #tpu.memory_space<hbm>>
        %dma_start3A_19 = tpu.memref_slice %arg3[%add3A_14] : memref<147456xi32, #tpu.memory_space<hbm>> -> memref<576xi32, #tpu.memory_space<hbm>>
        tpu.enqueue_dma source(%dma_start3A_19 : memref<576xi32, #tpu.memory_space<hbm>>) target(%arg9 : memref<576xi32, #tpu.memory_space<vmem>>) target_semaphore(%run_scoped3A : memref<!tpu.dma_semaphore, #tpu.memory_space<semaphore_mem>>)
        %dma_wait3A = tpu.memref_slice %arg3[%add3A_14] : memref<147456xi32, #tpu.memory_space<hbm>> -> memref<576xi32, #tpu.memory_space<hbm>>
        %dma_wait3A_20 = tpu.memref_slice %arg3[%add3A_14] : memref<147456xi32, #tpu.memory_space<hbm>> -> memref<576xi32, #tpu.memory_space<hbm>>
        tpu.wait_dma2 semaphore(%run_scoped3A : memref<!tpu.dma_semaphore, #tpu.memory_space<semaphore_mem>>) src(%dma_wait3A_20 : memref<576xi32, #tpu.memory_space<hbm>>) dst(%arg9 : memref<576xi32, #tpu.memory_space<vmem>>)
        tpu.yield
      }) : () -> ()
      "tpu.region"() ({
        %run_scoped3A = tpu.sem_alloc : memref<!tpu.dma_semaphore, #tpu.memory_space<semaphore_mem>>
        %dma_start3A = tpu.memref_slice %arg4[%add3A_14] : memref<147456xi32, #tpu.memory_space<hbm>> -> memref<576xi32, #tpu.memory_space<hbm>>
        %dma_start3A_19 = tpu.memref_slice %arg4[%add3A_14] : memref<147456xi32, #tpu.memory_space<hbm>> -> memref<576xi32, #tpu.memory_space<hbm>>
        tpu.enqueue_dma source(%dma_start3A_19 : memref<576xi32, #tpu.memory_space<hbm>>) target(%arg10 : memref<576xi32, #tpu.memory_space<vmem>>) target_semaphore(%run_scoped3A : memref<!tpu.dma_semaphore, #tpu.memory_space<semaphore_mem>>)
        %dma_wait3A = tpu.memref_slice %arg4[%add3A_14] : memref<147456xi32, #tpu.memory_space<hbm>> -> memref<576xi32, #tpu.memory_space<hbm>>
        %dma_wait3A_20 = tpu.memref_slice %arg4[%add3A_14] : memref<147456xi32, #tpu.memory_space<hbm>> -> memref<576xi32, #tpu.memory_space<hbm>>
        tpu.wait_dma2 semaphore(%run_scoped3A : memref<!tpu.dma_semaphore, #tpu.memory_space<semaphore_mem>>) src(%dma_wait3A_20 : memref<576xi32, #tpu.memory_space<hbm>>) dst(%arg10 : memref<576xi32, #tpu.memory_space<vmem>>)
        tpu.yield
      }) : () -> ()
      %parallel_loop3A = arith.constant 0 : i32
      %parallel_loop3A_15 = arith.constant 576 : i32
      %parallel_loop3A_16 = arith.constant 16 : i32
      scf.for %parallel_loop3A_19 = %parallel_loop3A to %parallel_loop3A_15 step %parallel_loop3A_16  : i32 {
        %parallel_loop3A_20 = tpu.iota {dimensions = array<i32: 0>} : vector<16xi32>
        %parallel_loop3A_21 = arith.index_cast %parallel_loop3A_19 : i32 to index
        %parallel_loop3A_22 = tpu.vector_load %arg8[%parallel_loop3A_21] {strides = array<i32>} : memref<576xi32, #tpu.memory_space<vmem>>, vector<16xi32>,
        %parallel_loop3A_23 = arith.index_cast %parallel_loop3A_19 : i32 to index
        %parallel_loop3A_24 = tpu.vector_load %arg9[%parallel_loop3A_23] {strides = array<i32>} : memref<576xi32, #tpu.memory_space<vmem>>, vector<16xi32>,
        %parallel_loop3A_25 = arith.index_cast %parallel_loop3A_19 : i32 to index
        %parallel_loop3A_26 = tpu.vector_load %arg10[%parallel_loop3A_25] {strides = array<i32>} : memref<576xi32, #tpu.memory_space<vmem>>, vector<16xi32>,
        %parallel_loop3A_27 = arith.constant 2047 : i32
        %parallel_loop3A_28 = vector.broadcast %parallel_loop3A_27 : i32 to vector<16xi32>
        %parallel_loop3A_29 = arith.andi %parallel_loop3A_22, %parallel_loop3A_28 : vector<16xi32>
        %parallel_loop3A_30 = arith.constant 16 : i32
        %parallel_loop3A_31 = vector.broadcast %parallel_loop3A_30 : i32 to vector<16xi32>
        %parallel_loop3A_32 = arith.muli %parallel_loop3A_29, %parallel_loop3A_31 : vector<16xi32>
        %parallel_loop3A_33 = arith.constant 0 : i32
        %parallel_loop3A_34 = vector.broadcast %parallel_loop3A_33 : i32 to vector<16xi32>
        %parallel_loop3A_35 = arith.addi %parallel_loop3A_32, %parallel_loop3A_34 : vector<16xi32>
        %parallel_loop3A_36 = arith.constant 11 : i32
        %parallel_loop3A_37 = vector.broadcast %parallel_loop3A_36 : i32 to vector<16xi32>
        %parallel_loop3A_38 = arith.shrsi %parallel_loop3A_22, %parallel_loop3A_37 : vector<16xi32>
        %parallel_loop3A_39 = arith.constant 511 : i32
        %parallel_loop3A_40 = vector.broadcast %parallel_loop3A_39 : i32 to vector<16xi32>
        %parallel_loop3A_41 = arith.andi %parallel_loop3A_38, %parallel_loop3A_40 : vector<16xi32>
        %parallel_loop3A_42 = arith.constant 16 : i32
        %parallel_loop3A_43 = vector.broadcast %parallel_loop3A_42 : i32 to vector<16xi32>
        %parallel_loop3A_44 = arith.muli %parallel_loop3A_41, %parallel_loop3A_43 : vector<16xi32>
        %parallel_loop3A_45 = arith.constant 20688 : i32
        %parallel_loop3A_46 = vector.broadcast %parallel_loop3A_45 : i32 to vector<16xi32>
        %parallel_loop3A_47 = arith.addi %parallel_loop3A_44, %parallel_loop3A_46 : vector<16xi32>
        %parallel_loop3A_48 = arith.constant 20 : i32
        %parallel_loop3A_49 = vector.broadcast %parallel_loop3A_48 : i32 to vector<16xi32>
        %parallel_loop3A_50 = arith.shrsi %parallel_loop3A_22, %parallel_loop3A_49 : vector<16xi32>
        %parallel_loop3A_51 = arith.constant 16 : i32
        %parallel_loop3A_52 = vector.broadcast %parallel_loop3A_51 : i32 to vector<16xi32>
        %parallel_loop3A_53 = arith.muli %parallel_loop3A_50, %parallel_loop3A_52 : vector<16xi32>
        %parallel_loop3A_54 = arith.constant 28160 : i32
        %parallel_loop3A_55 = vector.broadcast %parallel_loop3A_54 : i32 to vector<16xi32>
        %parallel_loop3A_56 = arith.addi %parallel_loop3A_53, %parallel_loop3A_55 : vector<16xi32>
        %parallel_loop3A_57 = arith.constant 10 : i32
        %parallel_loop3A_58 = vector.broadcast %parallel_loop3A_57 : i32 to vector<16xi32>
        %parallel_loop3A_59 = arith.shrsi %parallel_loop3A_26, %parallel_loop3A_58 : vector<16xi32>
        %parallel_loop3A_60 = arith.constant 16 : i32
        %parallel_loop3A_61 = vector.broadcast %parallel_loop3A_60 : i32 to vector<16xi32>
        %parallel_loop3A_62 = arith.muli %parallel_loop3A_59, %parallel_loop3A_61 : vector<16xi32>
        %parallel_loop3A_63 = arith.constant 33136 : i32
        %parallel_loop3A_64 = vector.broadcast %parallel_loop3A_63 : i32 to vector<16xi32>
        %parallel_loop3A_65 = arith.addi %parallel_loop3A_62, %parallel_loop3A_64 : vector<16xi32>
        %parallel_loop3A_66 = arith.constant 1023 : i32
        %parallel_loop3A_67 = vector.broadcast %parallel_loop3A_66 : i32 to vector<16xi32>
        %parallel_loop3A_68 = arith.andi %parallel_loop3A_24, %parallel_loop3A_67 : vector<16xi32>
        %parallel_loop3A_69 = arith.constant 16 : i32
        %parallel_loop3A_70 = vector.broadcast %parallel_loop3A_69 : i32 to vector<16xi32>
        %parallel_loop3A_71 = arith.muli %parallel_loop3A_68, %parallel_loop3A_70 : vector<16xi32>
        %parallel_loop3A_72 = arith.constant 41840 : i32
        %parallel_loop3A_73 = vector.broadcast %parallel_loop3A_72 : i32 to vector<16xi32>
        %parallel_loop3A_74 = arith.addi %parallel_loop3A_71, %parallel_loop3A_73 : vector<16xi32>
        %parallel_loop3A_75 = arith.constant 10 : i32
        %parallel_loop3A_76 = vector.broadcast %parallel_loop3A_75 : i32 to vector<16xi32>
        %parallel_loop3A_77 = arith.shrsi %parallel_loop3A_24, %parallel_loop3A_76 : vector<16xi32>
        %parallel_loop3A_78 = arith.constant 1023 : i32
        %parallel_loop3A_79 = vector.broadcast %parallel_loop3A_78 : i32 to vector<16xi32>
        %parallel_loop3A_80 = arith.andi %parallel_loop3A_77, %parallel_loop3A_79 : vector<16xi32>
        %parallel_loop3A_81 = arith.constant 16 : i32
        %parallel_loop3A_82 = vector.broadcast %parallel_loop3A_81 : i32 to vector<16xi32>
        %parallel_loop3A_83 = arith.muli %parallel_loop3A_80, %parallel_loop3A_82 : vector<16xi32>
        %parallel_loop3A_84 = arith.constant 41840 : i32
        %parallel_loop3A_85 = vector.broadcast %parallel_loop3A_84 : i32 to vector<16xi32>
        %parallel_loop3A_86 = arith.addi %parallel_loop3A_83, %parallel_loop3A_85 : vector<16xi32>
        %parallel_loop3A_87 = arith.constant 20 : i32
        %parallel_loop3A_88 = vector.broadcast %parallel_loop3A_87 : i32 to vector<16xi32>
        %parallel_loop3A_89 = arith.shrsi %parallel_loop3A_24, %parallel_loop3A_88 : vector<16xi32>
        %parallel_loop3A_90 = arith.constant 16 : i32
        %parallel_loop3A_91 = vector.broadcast %parallel_loop3A_90 : i32 to vector<16xi32>
        %parallel_loop3A_92 = arith.muli %parallel_loop3A_89, %parallel_loop3A_91 : vector<16xi32>
        %parallel_loop3A_93 = arith.constant 41840 : i32
        %parallel_loop3A_94 = vector.broadcast %parallel_loop3A_93 : i32 to vector<16xi32>
        %parallel_loop3A_95 = arith.addi %parallel_loop3A_92, %parallel_loop3A_94 : vector<16xi32>
        %parallel_loop3A_96 = arith.constant 1023 : i32
        %parallel_loop3A_97 = vector.broadcast %parallel_loop3A_96 : i32 to vector<16xi32>
        %parallel_loop3A_98 = arith.andi %parallel_loop3A_26, %parallel_loop3A_97 : vector<16xi32>
        %parallel_loop3A_99 = arith.constant 16 : i32
        %parallel_loop3A_100 = vector.broadcast %parallel_loop3A_99 : i32 to vector<16xi32>
        %parallel_loop3A_101 = arith.muli %parallel_loop3A_98, %parallel_loop3A_100 : vector<16xi32>
        %parallel_loop3A_102 = arith.constant 41840 : i32
        %parallel_loop3A_103 = vector.broadcast %parallel_loop3A_102 : i32 to vector<16xi32>
        %parallel_loop3A_104 = arith.addi %parallel_loop3A_101, %parallel_loop3A_103 : vector<16xi32>
        %parallel_loop3A_105 = arith.constant 0 : i32
        %parallel_loop3A_106 = vector.broadcast %parallel_loop3A_105 : i32 to vector<16xi32>
        %parallel_loop3A_107 = arith.addi %parallel_loop3A_35, %parallel_loop3A_106 : vector<16xi32>
        %parallel_loop3A_108 = tpu.vector_load_idx %arg7[%parallel_loop3A_107] : memref<56592xi32, #tpu.memory_space<vmem>>[vector<16xi32>], vector<16xi32>,
        %parallel_loop3A_109 = vector.bitcast %parallel_loop3A_108 : vector<16xi32> to vector<32xbf16>
        %parallel_loop3A_110 = arith.constant 0 : i32
        %parallel_loop3A_111 = vector.broadcast %parallel_loop3A_110 : i32 to vector<16xi32>
        %parallel_loop3A_112 = arith.addi %parallel_loop3A_47, %parallel_loop3A_111 : vector<16xi32>
        %parallel_loop3A_113 = tpu.vector_load_idx %arg7[%parallel_loop3A_112] : memref<56592xi32, #tpu.memory_space<vmem>>[vector<16xi32>], vector<16xi32>,
        %parallel_loop3A_114 = vector.bitcast %parallel_loop3A_113 : vector<16xi32> to vector<32xbf16>
        %parallel_loop3A_115 = arith.addf %parallel_loop3A_109, %parallel_loop3A_114 : vector<32xbf16>
        %parallel_loop3A_116 = arith.constant 0 : i32
        %parallel_loop3A_117 = vector.broadcast %parallel_loop3A_116 : i32 to vector<16xi32>
        %parallel_loop3A_118 = arith.addi %parallel_loop3A_56, %parallel_loop3A_117 : vector<16xi32>
        %parallel_loop3A_119 = tpu.vector_load_idx %arg7[%parallel_loop3A_118] : memref<56592xi32, #tpu.memory_space<vmem>>[vector<16xi32>], vector<16xi32>,
        %parallel_loop3A_120 = vector.bitcast %parallel_loop3A_119 : vector<16xi32> to vector<32xbf16>
        %parallel_loop3A_121 = arith.addf %parallel_loop3A_115, %parallel_loop3A_120 : vector<32xbf16>
        %parallel_loop3A_122 = arith.constant 0 : i32
        %parallel_loop3A_123 = vector.broadcast %parallel_loop3A_122 : i32 to vector<16xi32>
        %parallel_loop3A_124 = arith.addi %parallel_loop3A_65, %parallel_loop3A_123 : vector<16xi32>
        %parallel_loop3A_125 = tpu.vector_load_idx %arg7[%parallel_loop3A_124] : memref<56592xi32, #tpu.memory_space<vmem>>[vector<16xi32>], vector<16xi32>,
        %parallel_loop3A_126 = vector.bitcast %parallel_loop3A_125 : vector<16xi32> to vector<32xbf16>
        %parallel_loop3A_127 = arith.addf %parallel_loop3A_121, %parallel_loop3A_126 : vector<32xbf16>
        %parallel_loop3A_128 = arith.constant 0 : i32
        %parallel_loop3A_129 = vector.broadcast %parallel_loop3A_128 : i32 to vector<16xi32>
        %parallel_loop3A_130 = arith.addi %parallel_loop3A_74, %parallel_loop3A_129 : vector<16xi32>
        %parallel_loop3A_131 = tpu.vector_load_idx %arg7[%parallel_loop3A_130] : memref<56592xi32, #tpu.memory_space<vmem>>[vector<16xi32>], vector<16xi32>,
        %parallel_loop3A_132 = vector.bitcast %parallel_loop3A_131 : vector<16xi32> to vector<32xbf16>
        %parallel_loop3A_133 = arith.addf %parallel_loop3A_127, %parallel_loop3A_132 : vector<32xbf16>
        %parallel_loop3A_134 = arith.constant 0 : i32
        %parallel_loop3A_135 = vector.broadcast %parallel_loop3A_134 : i32 to vector<16xi32>
        %parallel_loop3A_136 = arith.addi %parallel_loop3A_86, %parallel_loop3A_135 : vector<16xi32>
        %parallel_loop3A_137 = tpu.vector_load_idx %arg7[%parallel_loop3A_136] : memref<56592xi32, #tpu.memory_space<vmem>>[vector<16xi32>], vector<16xi32>,
        %parallel_loop3A_138 = vector.bitcast %parallel_loop3A_137 : vector<16xi32> to vector<32xbf16>
        %parallel_loop3A_139 = arith.addf %parallel_loop3A_133, %parallel_loop3A_138 : vector<32xbf16>
        %parallel_loop3A_140 = arith.constant 0 : i32
        %parallel_loop3A_141 = vector.broadcast %parallel_loop3A_140 : i32 to vector<16xi32>
        %parallel_loop3A_142 = arith.addi %parallel_loop3A_95, %parallel_loop3A_141 : vector<16xi32>
        %parallel_loop3A_143 = tpu.vector_load_idx %arg7[%parallel_loop3A_142] : memref<56592xi32, #tpu.memory_space<vmem>>[vector<16xi32>], vector<16xi32>,
        %parallel_loop3A_144 = vector.bitcast %parallel_loop3A_143 : vector<16xi32> to vector<32xbf16>
        %parallel_loop3A_145 = arith.addf %parallel_loop3A_139, %parallel_loop3A_144 : vector<32xbf16>
        %parallel_loop3A_146 = arith.constant 0 : i32
        %parallel_loop3A_147 = vector.broadcast %parallel_loop3A_146 : i32 to vector<16xi32>
        %parallel_loop3A_148 = arith.addi %parallel_loop3A_104, %parallel_loop3A_147 : vector<16xi32>
        %parallel_loop3A_149 = tpu.vector_load_idx %arg7[%parallel_loop3A_148] : memref<56592xi32, #tpu.memory_space<vmem>>[vector<16xi32>], vector<16xi32>,
        %parallel_loop3A_150 = vector.bitcast %parallel_loop3A_149 : vector<16xi32> to vector<32xbf16>
        %parallel_loop3A_151 = arith.addf %parallel_loop3A_145, %parallel_loop3A_150 : vector<32xbf16>
        %parallel_loop3A_152 = vector.bitcast %parallel_loop3A_151 : vector<32xbf16> to vector<16xi32>
        %parallel_loop3A_153 = arith.constant 1 : i32
        %parallel_loop3A_154 = vector.broadcast %parallel_loop3A_153 : i32 to vector<16xi32>
        %parallel_loop3A_155 = arith.addi %parallel_loop3A_35, %parallel_loop3A_154 : vector<16xi32>
        %parallel_loop3A_156 = tpu.vector_load_idx %arg7[%parallel_loop3A_155] : memref<56592xi32, #tpu.memory_space<vmem>>[vector<16xi32>], vector<16xi32>,
        %parallel_loop3A_157 = vector.bitcast %parallel_loop3A_156 : vector<16xi32> to vector<32xbf16>
        %parallel_loop3A_158 = arith.constant 1 : i32
        %parallel_loop3A_159 = vector.broadcast %parallel_loop3A_158 : i32 to vector<16xi32>
        %parallel_loop3A_160 = arith.addi %parallel_loop3A_47, %parallel_loop3A_159 : vector<16xi32>
        %parallel_loop3A_161 = tpu.vector_load_idx %arg7[%parallel_loop3A_160] : memref<56592xi32, #tpu.memory_space<vmem>>[vector<16xi32>], vector<16xi32>,
        %parallel_loop3A_162 = vector.bitcast %parallel_loop3A_161 : vector<16xi32> to vector<32xbf16>
        %parallel_loop3A_163 = arith.addf %parallel_loop3A_157, %parallel_loop3A_162 : vector<32xbf16>
        %parallel_loop3A_164 = arith.constant 1 : i32
        %parallel_loop3A_165 = vector.broadcast %parallel_loop3A_164 : i32 to vector<16xi32>
        %parallel_loop3A_166 = arith.addi %parallel_loop3A_56, %parallel_loop3A_165 : vector<16xi32>
        %parallel_loop3A_167 = tpu.vector_load_idx %arg7[%parallel_loop3A_166] : memref<56592xi32, #tpu.memory_space<vmem>>[vector<16xi32>], vector<16xi32>,
        %parallel_loop3A_168 = vector.bitcast %parallel_loop3A_167 : vector<16xi32> to vector<32xbf16>
        %parallel_loop3A_169 = arith.addf %parallel_loop3A_163, %parallel_loop3A_168 : vector<32xbf16>
        %parallel_loop3A_170 = arith.constant 1 : i32
        %parallel_loop3A_171 = vector.broadcast %parallel_loop3A_170 : i32 to vector<16xi32>
        %parallel_loop3A_172 = arith.addi %parallel_loop3A_65, %parallel_loop3A_171 : vector<16xi32>
        %parallel_loop3A_173 = tpu.vector_load_idx %arg7[%parallel_loop3A_172] : memref<56592xi32, #tpu.memory_space<vmem>>[vector<16xi32>], vector<16xi32>,
        %parallel_loop3A_174 = vector.bitcast %parallel_loop3A_173 : vector<16xi32> to vector<32xbf16>
        %parallel_loop3A_175 = arith.addf %parallel_loop3A_169, %parallel_loop3A_174 : vector<32xbf16>
        %parallel_loop3A_176 = arith.constant 1 : i32
        %parallel_loop3A_177 = vector.broadcast %parallel_loop3A_176 : i32 to vector<16xi32>
        %parallel_loop3A_178 = arith.addi %parallel_loop3A_74, %parallel_loop3A_177 : vector<16xi32>
        %parallel_loop3A_179 = tpu.vector_load_idx %arg7[%parallel_loop3A_178] : memref<56592xi32, #tpu.memory_space<vmem>>[vector<16xi32>], vector<16xi32>,
        %parallel_loop3A_180 = vector.bitcast %parallel_loop3A_179 : vector<16xi32> to vector<32xbf16>
        %parallel_loop3A_181 = arith.addf %parallel_loop3A_175, %parallel_loop3A_180 : vector<32xbf16>
        %parallel_loop3A_182 = arith.constant 1 : i32
        %parallel_loop3A_183 = vector.broadcast %parallel_loop3A_182 : i32 to vector<16xi32>
        %parallel_loop3A_184 = arith.addi %parallel_loop3A_86, %parallel_loop3A_183 : vector<16xi32>
        %parallel_loop3A_185 = tpu.vector_load_idx %arg7[%parallel_loop3A_184] : memref<56592xi32, #tpu.memory_space<vmem>>[vector<16xi32>], vector<16xi32>,
        %parallel_loop3A_186 = vector.bitcast %parallel_loop3A_185 : vector<16xi32> to vector<32xbf16>
        %parallel_loop3A_187 = arith.addf %parallel_loop3A_181, %parallel_loop3A_186 : vector<32xbf16>
        %parallel_loop3A_188 = arith.constant 1 : i32
        %parallel_loop3A_189 = vector.broadcast %parallel_loop3A_188 : i32 to vector<16xi32>
        %parallel_loop3A_190 = arith.addi %parallel_loop3A_95, %parallel_loop3A_189 : vector<16xi32>
        %parallel_loop3A_191 = tpu.vector_load_idx %arg7[%parallel_loop3A_190] : memref<56592xi32, #tpu.memory_space<vmem>>[vector<16xi32>], vector<16xi32>,
        %parallel_loop3A_192 = vector.bitcast %parallel_loop3A_191 : vector<16xi32> to vector<32xbf16>
        %parallel_loop3A_193 = arith.addf %parallel_loop3A_187, %parallel_loop3A_192 : vector<32xbf16>
        %parallel_loop3A_194 = arith.constant 1 : i32
        %parallel_loop3A_195 = vector.broadcast %parallel_loop3A_194 : i32 to vector<16xi32>
        %parallel_loop3A_196 = arith.addi %parallel_loop3A_104, %parallel_loop3A_195 : vector<16xi32>
        %parallel_loop3A_197 = tpu.vector_load_idx %arg7[%parallel_loop3A_196] : memref<56592xi32, #tpu.memory_space<vmem>>[vector<16xi32>], vector<16xi32>,
        %parallel_loop3A_198 = vector.bitcast %parallel_loop3A_197 : vector<16xi32> to vector<32xbf16>
        %parallel_loop3A_199 = arith.addf %parallel_loop3A_193, %parallel_loop3A_198 : vector<32xbf16>
        %parallel_loop3A_200 = vector.bitcast %parallel_loop3A_199 : vector<32xbf16> to vector<16xi32>
        %parallel_loop3A_201 = arith.constant 2 : i32
        %parallel_loop3A_202 = vector.broadcast %parallel_loop3A_201 : i32 to vector<16xi32>
        %parallel_loop3A_203 = arith.addi %parallel_loop3A_35, %parallel_loop3A_202 : vector<16xi32>
        %parallel_loop3A_204 = tpu.vector_load_idx %arg7[%parallel_loop3A_203] : memref<56592xi32, #tpu.memory_space<vmem>>[vector<16xi32>], vector<16xi32>,
        %parallel_loop3A_205 = vector.bitcast %parallel_loop3A_204 : vector<16xi32> to vector<32xbf16>
        %parallel_loop3A_206 = arith.constant 2 : i32
        %parallel_loop3A_207 = vector.broadcast %parallel_loop3A_206 : i32 to vector<16xi32>
        %parallel_loop3A_208 = arith.addi %parallel_loop3A_47, %parallel_loop3A_207 : vector<16xi32>
        %parallel_loop3A_209 = tpu.vector_load_idx %arg7[%parallel_loop3A_208] : memref<56592xi32, #tpu.memory_space<vmem>>[vector<16xi32>], vector<16xi32>,
        %parallel_loop3A_210 = vector.bitcast %parallel_loop3A_209 : vector<16xi32> to vector<32xbf16>
        %parallel_loop3A_211 = arith.addf %parallel_loop3A_205, %parallel_loop3A_210 : vector<32xbf16>
        %parallel_loop3A_212 = arith.constant 2 : i32
        %parallel_loop3A_213 = vector.broadcast %parallel_loop3A_212 : i32 to vector<16xi32>
        %parallel_loop3A_214 = arith.addi %parallel_loop3A_56, %parallel_loop3A_213 : vector<16xi32>
        %parallel_loop3A_215 = tpu.vector_load_idx %arg7[%parallel_loop3A_214] : memref<56592xi32, #tpu.memory_space<vmem>>[vector<16xi32>], vector<16xi32>,
        %parallel_loop3A_216 = vector.bitcast %parallel_loop3A_215 : vector<16xi32> to vector<32xbf16>
        %parallel_loop3A_217 = arith.addf %parallel_loop3A_211, %parallel_loop3A_216 : vector<32xbf16>
        %parallel_loop3A_218 = arith.constant 2 : i32
        %parallel_loop3A_219 = vector.broadcast %parallel_loop3A_218 : i32 to vector<16xi32>
        %parallel_loop3A_220 = arith.addi %parallel_loop3A_65, %parallel_loop3A_219 : vector<16xi32>
        %parallel_loop3A_221 = tpu.vector_load_idx %arg7[%parallel_loop3A_220] : memref<56592xi32, #tpu.memory_space<vmem>>[vector<16xi32>], vector<16xi32>,
        %parallel_loop3A_222 = vector.bitcast %parallel_loop3A_221 : vector<16xi32> to vector<32xbf16>
        %parallel_loop3A_223 = arith.addf %parallel_loop3A_217, %parallel_loop3A_222 : vector<32xbf16>
        %parallel_loop3A_224 = arith.constant 2 : i32
        %parallel_loop3A_225 = vector.broadcast %parallel_loop3A_224 : i32 to vector<16xi32>
        %parallel_loop3A_226 = arith.addi %parallel_loop3A_74, %parallel_loop3A_225 : vector<16xi32>
        %parallel_loop3A_227 = tpu.vector_load_idx %arg7[%parallel_loop3A_226] : memref<56592xi32, #tpu.memory_space<vmem>>[vector<16xi32>], vector<16xi32>,
        %parallel_loop3A_228 = vector.bitcast %parallel_loop3A_227 : vector<16xi32> to vector<32xbf16>
        %parallel_loop3A_229 = arith.addf %parallel_loop3A_223, %parallel_loop3A_228 : vector<32xbf16>
        %parallel_loop3A_230 = arith.constant 2 : i32
        %parallel_loop3A_231 = vector.broadcast %parallel_loop3A_230 : i32 to vector<16xi32>
        %parallel_loop3A_232 = arith.addi %parallel_loop3A_86, %parallel_loop3A_231 : vector<16xi32>
        %parallel_loop3A_233 = tpu.vector_load_idx %arg7[%parallel_loop3A_232] : memref<56592xi32, #tpu.memory_space<vmem>>[vector<16xi32>], vector<16xi32>,
        %parallel_loop3A_234 = vector.bitcast %parallel_loop3A_233 : vector<16xi32> to vector<32xbf16>
        %parallel_loop3A_235 = arith.addf %parallel_loop3A_229, %parallel_loop3A_234 : vector<32xbf16>
        %parallel_loop3A_236 = arith.constant 2 : i32
        %parallel_loop3A_237 = vector.broadcast %parallel_loop3A_236 : i32 to vector<16xi32>
        %parallel_loop3A_238 = arith.addi %parallel_loop3A_95, %parallel_loop3A_237 : vector<16xi32>
        %parallel_loop3A_239 = tpu.vector_load_idx %arg7[%parallel_loop3A_238] : memref<56592xi32, #tpu.memory_space<vmem>>[vector<16xi32>], vector<16xi32>,
        %parallel_loop3A_240 = vector.bitcast %parallel_loop3A_239 : vector<16xi32> to vector<32xbf16>
        %parallel_loop3A_241 = arith.addf %parallel_loop3A_235, %parallel_loop3A_240 : vector<32xbf16>
        %parallel_loop3A_242 = arith.constant 2 : i32
        %parallel_loop3A_243 = vector.broadcast %parallel_loop3A_242 : i32 to vector<16xi32>
        %parallel_loop3A_244 = arith.addi %parallel_loop3A_104, %parallel_loop3A_243 : vector<16xi32>
        %parallel_loop3A_245 = tpu.vector_load_idx %arg7[%parallel_loop3A_244] : memref<56592xi32, #tpu.memory_space<vmem>>[vector<16xi32>], vector<16xi32>,
        %parallel_loop3A_246 = vector.bitcast %parallel_loop3A_245 : vector<16xi32> to vector<32xbf16>
        %parallel_loop3A_247 = arith.addf %parallel_loop3A_241, %parallel_loop3A_246 : vector<32xbf16>
        %parallel_loop3A_248 = vector.bitcast %parallel_loop3A_247 : vector<32xbf16> to vector<16xi32>
        %parallel_loop3A_249 = arith.constant 3 : i32
        %parallel_loop3A_250 = vector.broadcast %parallel_loop3A_249 : i32 to vector<16xi32>
        %parallel_loop3A_251 = arith.addi %parallel_loop3A_35, %parallel_loop3A_250 : vector<16xi32>
        %parallel_loop3A_252 = tpu.vector_load_idx %arg7[%parallel_loop3A_251] : memref<56592xi32, #tpu.memory_space<vmem>>[vector<16xi32>], vector<16xi32>,
        %parallel_loop3A_253 = vector.bitcast %parallel_loop3A_252 : vector<16xi32> to vector<32xbf16>
        %parallel_loop3A_254 = arith.constant 3 : i32
        %parallel_loop3A_255 = vector.broadcast %parallel_loop3A_254 : i32 to vector<16xi32>
        %parallel_loop3A_256 = arith.addi %parallel_loop3A_47, %parallel_loop3A_255 : vector<16xi32>
        %parallel_loop3A_257 = tpu.vector_load_idx %arg7[%parallel_loop3A_256] : memref<56592xi32, #tpu.memory_space<vmem>>[vector<16xi32>], vector<16xi32>,
        %parallel_loop3A_258 = vector.bitcast %parallel_loop3A_257 : vector<16xi32> to vector<32xbf16>
        %parallel_loop3A_259 = arith.addf %parallel_loop3A_253, %parallel_loop3A_258 : vector<32xbf16>
        %parallel_loop3A_260 = arith.constant 3 : i32
        %parallel_loop3A_261 = vector.broadcast %parallel_loop3A_260 : i32 to vector<16xi32>
        %parallel_loop3A_262 = arith.addi %parallel_loop3A_56, %parallel_loop3A_261 : vector<16xi32>
        %parallel_loop3A_263 = tpu.vector_load_idx %arg7[%parallel_loop3A_262] : memref<56592xi32, #tpu.memory_space<vmem>>[vector<16xi32>], vector<16xi32>,
        %parallel_loop3A_264 = vector.bitcast %parallel_loop3A_263 : vector<16xi32> to vector<32xbf16>
        %parallel_loop3A_265 = arith.addf %parallel_loop3A_259, %parallel_loop3A_264 : vector<32xbf16>
        %parallel_loop3A_266 = arith.constant 3 : i32
        %parallel_loop3A_267 = vector.broadcast %parallel_loop3A_266 : i32 to vector<16xi32>
        %parallel_loop3A_268 = arith.addi %parallel_loop3A_65, %parallel_loop3A_267 : vector<16xi32>
        %parallel_loop3A_269 = tpu.vector_load_idx %arg7[%parallel_loop3A_268] : memref<56592xi32, #tpu.memory_space<vmem>>[vector<16xi32>], vector<16xi32>,
        %parallel_loop3A_270 = vector.bitcast %parallel_loop3A_269 : vector<16xi32> to vector<32xbf16>
        %parallel_loop3A_271 = arith.addf %parallel_loop3A_265, %parallel_loop3A_270 : vector<32xbf16>
        %parallel_loop3A_272 = arith.constant 3 : i32
        %parallel_loop3A_273 = vector.broadcast %parallel_loop3A_272 : i32 to vector<16xi32>
        %parallel_loop3A_274 = arith.addi %parallel_loop3A_74, %parallel_loop3A_273 : vector<16xi32>
        %parallel_loop3A_275 = tpu.vector_load_idx %arg7[%parallel_loop3A_274] : memref<56592xi32, #tpu.memory_space<vmem>>[vector<16xi32>], vector<16xi32>,
        %parallel_loop3A_276 = vector.bitcast %parallel_loop3A_275 : vector<16xi32> to vector<32xbf16>
        %parallel_loop3A_277 = arith.addf %parallel_loop3A_271, %parallel_loop3A_276 : vector<32xbf16>
        %parallel_loop3A_278 = arith.constant 3 : i32
        %parallel_loop3A_279 = vector.broadcast %parallel_loop3A_278 : i32 to vector<16xi32>
        %parallel_loop3A_280 = arith.addi %parallel_loop3A_86, %parallel_loop3A_279 : vector<16xi32>
        %parallel_loop3A_281 = tpu.vector_load_idx %arg7[%parallel_loop3A_280] : memref<56592xi32, #tpu.memory_space<vmem>>[vector<16xi32>], vector<16xi32>,
        %parallel_loop3A_282 = vector.bitcast %parallel_loop3A_281 : vector<16xi32> to vector<32xbf16>
        %parallel_loop3A_283 = arith.addf %parallel_loop3A_277, %parallel_loop3A_282 : vector<32xbf16>
        %parallel_loop3A_284 = arith.constant 3 : i32
        %parallel_loop3A_285 = vector.broadcast %parallel_loop3A_284 : i32 to vector<16xi32>
        %parallel_loop3A_286 = arith.addi %parallel_loop3A_95, %parallel_loop3A_285 : vector<16xi32>
        %parallel_loop3A_287 = tpu.vector_load_idx %arg7[%parallel_loop3A_286] : memref<56592xi32, #tpu.memory_space<vmem>>[vector<16xi32>], vector<16xi32>,
        %parallel_loop3A_288 = vector.bitcast %parallel_loop3A_287 : vector<16xi32> to vector<32xbf16>
        %parallel_loop3A_289 = arith.addf %parallel_loop3A_283, %parallel_loop3A_288 : vector<32xbf16>
        %parallel_loop3A_290 = arith.constant 3 : i32
        %parallel_loop3A_291 = vector.broadcast %parallel_loop3A_290 : i32 to vector<16xi32>
        %parallel_loop3A_292 = arith.addi %parallel_loop3A_104, %parallel_loop3A_291 : vector<16xi32>
        %parallel_loop3A_293 = tpu.vector_load_idx %arg7[%parallel_loop3A_292] : memref<56592xi32, #tpu.memory_space<vmem>>[vector<16xi32>], vector<16xi32>,
        %parallel_loop3A_294 = vector.bitcast %parallel_loop3A_293 : vector<16xi32> to vector<32xbf16>
        %parallel_loop3A_295 = arith.addf %parallel_loop3A_289, %parallel_loop3A_294 : vector<32xbf16>
        %parallel_loop3A_296 = vector.bitcast %parallel_loop3A_295 : vector<32xbf16> to vector<16xi32>
        %parallel_loop3A_297 = arith.constant 4 : i32
        %parallel_loop3A_298 = vector.broadcast %parallel_loop3A_297 : i32 to vector<16xi32>
        %parallel_loop3A_299 = arith.addi %parallel_loop3A_35, %parallel_loop3A_298 : vector<16xi32>
        %parallel_loop3A_300 = tpu.vector_load_idx %arg7[%parallel_loop3A_299] : memref<56592xi32, #tpu.memory_space<vmem>>[vector<16xi32>], vector<16xi32>,
        %parallel_loop3A_301 = vector.bitcast %parallel_loop3A_300 : vector<16xi32> to vector<32xbf16>
        %parallel_loop3A_302 = arith.constant 4 : i32
        %parallel_loop3A_303 = vector.broadcast %parallel_loop3A_302 : i32 to vector<16xi32>
        %parallel_loop3A_304 = arith.addi %parallel_loop3A_47, %parallel_loop3A_303 : vector<16xi32>
        %parallel_loop3A_305 = tpu.vector_load_idx %arg7[%parallel_loop3A_304] : memref<56592xi32, #tpu.memory_space<vmem>>[vector<16xi32>], vector<16xi32>,
        %parallel_loop3A_306 = vector.bitcast %parallel_loop3A_305 : vector<16xi32> to vector<32xbf16>
        %parallel_loop3A_307 = arith.addf %parallel_loop3A_301, %parallel_loop3A_306 : vector<32xbf16>
        %parallel_loop3A_308 = arith.constant 4 : i32
        %parallel_loop3A_309 = vector.broadcast %parallel_loop3A_308 : i32 to vector<16xi32>
        %parallel_loop3A_310 = arith.addi %parallel_loop3A_56, %parallel_loop3A_309 : vector<16xi32>
        %parallel_loop3A_311 = tpu.vector_load_idx %arg7[%parallel_loop3A_310] : memref<56592xi32, #tpu.memory_space<vmem>>[vector<16xi32>], vector<16xi32>,
        %parallel_loop3A_312 = vector.bitcast %parallel_loop3A_311 : vector<16xi32> to vector<32xbf16>
        %parallel_loop3A_313 = arith.addf %parallel_loop3A_307, %parallel_loop3A_312 : vector<32xbf16>
        %parallel_loop3A_314 = arith.constant 4 : i32
        %parallel_loop3A_315 = vector.broadcast %parallel_loop3A_314 : i32 to vector<16xi32>
        %parallel_loop3A_316 = arith.addi %parallel_loop3A_65, %parallel_loop3A_315 : vector<16xi32>
        %parallel_loop3A_317 = tpu.vector_load_idx %arg7[%parallel_loop3A_316] : memref<56592xi32, #tpu.memory_space<vmem>>[vector<16xi32>], vector<16xi32>,
        %parallel_loop3A_318 = vector.bitcast %parallel_loop3A_317 : vector<16xi32> to vector<32xbf16>
        %parallel_loop3A_319 = arith.addf %parallel_loop3A_313, %parallel_loop3A_318 : vector<32xbf16>
        %parallel_loop3A_320 = arith.constant 4 : i32
        %parallel_loop3A_321 = vector.broadcast %parallel_loop3A_320 : i32 to vector<16xi32>
        %parallel_loop3A_322 = arith.addi %parallel_loop3A_74, %parallel_loop3A_321 : vector<16xi32>
        %parallel_loop3A_323 = tpu.vector_load_idx %arg7[%parallel_loop3A_322] : memref<56592xi32, #tpu.memory_space<vmem>>[vector<16xi32>], vector<16xi32>,
        %parallel_loop3A_324 = vector.bitcast %parallel_loop3A_323 : vector<16xi32> to vector<32xbf16>
        %parallel_loop3A_325 = arith.addf %parallel_loop3A_319, %parallel_loop3A_324 : vector<32xbf16>
        %parallel_loop3A_326 = arith.constant 4 : i32
        %parallel_loop3A_327 = vector.broadcast %parallel_loop3A_326 : i32 to vector<16xi32>
        %parallel_loop3A_328 = arith.addi %parallel_loop3A_86, %parallel_loop3A_327 : vector<16xi32>
        %parallel_loop3A_329 = tpu.vector_load_idx %arg7[%parallel_loop3A_328] : memref<56592xi32, #tpu.memory_space<vmem>>[vector<16xi32>], vector<16xi32>,
        %parallel_loop3A_330 = vector.bitcast %parallel_loop3A_329 : vector<16xi32> to vector<32xbf16>
        %parallel_loop3A_331 = arith.addf %parallel_loop3A_325, %parallel_loop3A_330 : vector<32xbf16>
        %parallel_loop3A_332 = arith.constant 4 : i32
        %parallel_loop3A_333 = vector.broadcast %parallel_loop3A_332 : i32 to vector<16xi32>
        %parallel_loop3A_334 = arith.addi %parallel_loop3A_95, %parallel_loop3A_333 : vector<16xi32>
        %parallel_loop3A_335 = tpu.vector_load_idx %arg7[%parallel_loop3A_334] : memref<56592xi32, #tpu.memory_space<vmem>>[vector<16xi32>], vector<16xi32>,
        %parallel_loop3A_336 = vector.bitcast %parallel_loop3A_335 : vector<16xi32> to vector<32xbf16>
        %parallel_loop3A_337 = arith.addf %parallel_loop3A_331, %parallel_loop3A_336 : vector<32xbf16>
        %parallel_loop3A_338 = arith.constant 4 : i32
        %parallel_loop3A_339 = vector.broadcast %parallel_loop3A_338 : i32 to vector<16xi32>
        %parallel_loop3A_340 = arith.addi %parallel_loop3A_104, %parallel_loop3A_339 : vector<16xi32>
        %parallel_loop3A_341 = tpu.vector_load_idx %arg7[%parallel_loop3A_340] : memref<56592xi32, #tpu.memory_space<vmem>>[vector<16xi32>], vector<16xi32>,
        %parallel_loop3A_342 = vector.bitcast %parallel_loop3A_341 : vector<16xi32> to vector<32xbf16>
        %parallel_loop3A_343 = arith.addf %parallel_loop3A_337, %parallel_loop3A_342 : vector<32xbf16>
        %parallel_loop3A_344 = vector.bitcast %parallel_loop3A_343 : vector<32xbf16> to vector<16xi32>
        %parallel_loop3A_345 = arith.constant 5 : i32
        %parallel_loop3A_346 = vector.broadcast %parallel_loop3A_345 : i32 to vector<16xi32>
        %parallel_loop3A_347 = arith.addi %parallel_loop3A_35, %parallel_loop3A_346 : vector<16xi32>
        %parallel_loop3A_348 = tpu.vector_load_idx %arg7[%parallel_loop3A_347] : memref<56592xi32, #tpu.memory_space<vmem>>[vector<16xi32>], vector<16xi32>,
        %parallel_loop3A_349 = vector.bitcast %parallel_loop3A_348 : vector<16xi32> to vector<32xbf16>
        %parallel_loop3A_350 = arith.constant 5 : i32
        %parallel_loop3A_351 = vector.broadcast %parallel_loop3A_350 : i32 to vector<16xi32>
        %parallel_loop3A_352 = arith.addi %parallel_loop3A_47, %parallel_loop3A_351 : vector<16xi32>
        %parallel_loop3A_353 = tpu.vector_load_idx %arg7[%parallel_loop3A_352] : memref<56592xi32, #tpu.memory_space<vmem>>[vector<16xi32>], vector<16xi32>,
        %parallel_loop3A_354 = vector.bitcast %parallel_loop3A_353 : vector<16xi32> to vector<32xbf16>
        %parallel_loop3A_355 = arith.addf %parallel_loop3A_349, %parallel_loop3A_354 : vector<32xbf16>
        %parallel_loop3A_356 = arith.constant 5 : i32
        %parallel_loop3A_357 = vector.broadcast %parallel_loop3A_356 : i32 to vector<16xi32>
        %parallel_loop3A_358 = arith.addi %parallel_loop3A_56, %parallel_loop3A_357 : vector<16xi32>
        %parallel_loop3A_359 = tpu.vector_load_idx %arg7[%parallel_loop3A_358] : memref<56592xi32, #tpu.memory_space<vmem>>[vector<16xi32>], vector<16xi32>,
        %parallel_loop3A_360 = vector.bitcast %parallel_loop3A_359 : vector<16xi32> to vector<32xbf16>
        %parallel_loop3A_361 = arith.addf %parallel_loop3A_355, %parallel_loop3A_360 : vector<32xbf16>
        %parallel_loop3A_362 = arith.constant 5 : i32
        %parallel_loop3A_363 = vector.broadcast %parallel_loop3A_362 : i32 to vector<16xi32>
        %parallel_loop3A_364 = arith.addi %parallel_loop3A_65, %parallel_loop3A_363 : vector<16xi32>
        %parallel_loop3A_365 = tpu.vector_load_idx %arg7[%parallel_loop3A_364] : memref<56592xi32, #tpu.memory_space<vmem>>[vector<16xi32>], vector<16xi32>,
        %parallel_loop3A_366 = vector.bitcast %parallel_loop3A_365 : vector<16xi32> to vector<32xbf16>
        %parallel_loop3A_367 = arith.addf %parallel_loop3A_361, %parallel_loop3A_366 : vector<32xbf16>
        %parallel_loop3A_368 = arith.constant 5 : i32
        %parallel_loop3A_369 = vector.broadcast %parallel_loop3A_368 : i32 to vector<16xi32>
        %parallel_loop3A_370 = arith.addi %parallel_loop3A_74, %parallel_loop3A_369 : vector<16xi32>
        %parallel_loop3A_371 = tpu.vector_load_idx %arg7[%parallel_loop3A_370] : memref<56592xi32, #tpu.memory_space<vmem>>[vector<16xi32>], vector<16xi32>,
        %parallel_loop3A_372 = vector.bitcast %parallel_loop3A_371 : vector<16xi32> to vector<32xbf16>
        %parallel_loop3A_373 = arith.addf %parallel_loop3A_367, %parallel_loop3A_372 : vector<32xbf16>
        %parallel_loop3A_374 = arith.constant 5 : i32
        %parallel_loop3A_375 = vector.broadcast %parallel_loop3A_374 : i32 to vector<16xi32>
        %parallel_loop3A_376 = arith.addi %parallel_loop3A_86, %parallel_loop3A_375 : vector<16xi32>
        %parallel_loop3A_377 = tpu.vector_load_idx %arg7[%parallel_loop3A_376] : memref<56592xi32, #tpu.memory_space<vmem>>[vector<16xi32>], vector<16xi32>,
        %parallel_loop3A_378 = vector.bitcast %parallel_loop3A_377 : vector<16xi32> to vector<32xbf16>
        %parallel_loop3A_379 = arith.addf %parallel_loop3A_373, %parallel_loop3A_378 : vector<32xbf16>
        %parallel_loop3A_380 = arith.constant 5 : i32
        %parallel_loop3A_381 = vector.broadcast %parallel_loop3A_380 : i32 to vector<16xi32>
        %parallel_loop3A_382 = arith.addi %parallel_loop3A_95, %parallel_loop3A_381 : vector<16xi32>
        %parallel_loop3A_383 = tpu.vector_load_idx %arg7[%parallel_loop3A_382] : memref<56592xi32, #tpu.memory_space<vmem>>[vector<16xi32>], vector<16xi32>,
        %parallel_loop3A_384 = vector.bitcast %parallel_loop3A_383 : vector<16xi32> to vector<32xbf16>
        %parallel_loop3A_385 = arith.addf %parallel_loop3A_379, %parallel_loop3A_384 : vector<32xbf16>
        %parallel_loop3A_386 = arith.constant 5 : i32
        %parallel_loop3A_387 = vector.broadcast %parallel_loop3A_386 : i32 to vector<16xi32>
        %parallel_loop3A_388 = arith.addi %parallel_loop3A_104, %parallel_loop3A_387 : vector<16xi32>
        %parallel_loop3A_389 = tpu.vector_load_idx %arg7[%parallel_loop3A_388] : memref<56592xi32, #tpu.memory_space<vmem>>[vector<16xi32>], vector<16xi32>,
        %parallel_loop3A_390 = vector.bitcast %parallel_loop3A_389 : vector<16xi32> to vector<32xbf16>
        %parallel_loop3A_391 = arith.addf %parallel_loop3A_385, %parallel_loop3A_390 : vector<32xbf16>
        %parallel_loop3A_392 = vector.bitcast %parallel_loop3A_391 : vector<32xbf16> to vector<16xi32>
        %parallel_loop3A_393 = arith.constant 6 : i32
        %parallel_loop3A_394 = vector.broadcast %parallel_loop3A_393 : i32 to vector<16xi32>
        %parallel_loop3A_395 = arith.addi %parallel_loop3A_35, %parallel_loop3A_394 : vector<16xi32>
        %parallel_loop3A_396 = tpu.vector_load_idx %arg7[%parallel_loop3A_395] : memref<56592xi32, #tpu.memory_space<vmem>>[vector<16xi32>], vector<16xi32>,
        %parallel_loop3A_397 = vector.bitcast %parallel_loop3A_396 : vector<16xi32> to vector<32xbf16>
        %parallel_loop3A_398 = arith.constant 6 : i32
        %parallel_loop3A_399 = vector.broadcast %parallel_loop3A_398 : i32 to vector<16xi32>
        %parallel_loop3A_400 = arith.addi %parallel_loop3A_47, %parallel_loop3A_399 : vector<16xi32>
        %parallel_loop3A_401 = tpu.vector_load_idx %arg7[%parallel_loop3A_400] : memref<56592xi32, #tpu.memory_space<vmem>>[vector<16xi32>], vector<16xi32>,
        %parallel_loop3A_402 = vector.bitcast %parallel_loop3A_401 : vector<16xi32> to vector<32xbf16>
        %parallel_loop3A_403 = arith.addf %parallel_loop3A_397, %parallel_loop3A_402 : vector<32xbf16>
        %parallel_loop3A_404 = arith.constant 6 : i32
        %parallel_loop3A_405 = vector.broadcast %parallel_loop3A_404 : i32 to vector<16xi32>
        %parallel_loop3A_406 = arith.addi %parallel_loop3A_56, %parallel_loop3A_405 : vector<16xi32>
        %parallel_loop3A_407 = tpu.vector_load_idx %arg7[%parallel_loop3A_406] : memref<56592xi32, #tpu.memory_space<vmem>>[vector<16xi32>], vector<16xi32>,
        %parallel_loop3A_408 = vector.bitcast %parallel_loop3A_407 : vector<16xi32> to vector<32xbf16>
        %parallel_loop3A_409 = arith.addf %parallel_loop3A_403, %parallel_loop3A_408 : vector<32xbf16>
        %parallel_loop3A_410 = arith.constant 6 : i32
        %parallel_loop3A_411 = vector.broadcast %parallel_loop3A_410 : i32 to vector<16xi32>
        %parallel_loop3A_412 = arith.addi %parallel_loop3A_65, %parallel_loop3A_411 : vector<16xi32>
        %parallel_loop3A_413 = tpu.vector_load_idx %arg7[%parallel_loop3A_412] : memref<56592xi32, #tpu.memory_space<vmem>>[vector<16xi32>], vector<16xi32>,
        %parallel_loop3A_414 = vector.bitcast %parallel_loop3A_413 : vector<16xi32> to vector<32xbf16>
        %parallel_loop3A_415 = arith.addf %parallel_loop3A_409, %parallel_loop3A_414 : vector<32xbf16>
        %parallel_loop3A_416 = arith.constant 6 : i32
        %parallel_loop3A_417 = vector.broadcast %parallel_loop3A_416 : i32 to vector<16xi32>
        %parallel_loop3A_418 = arith.addi %parallel_loop3A_74, %parallel_loop3A_417 : vector<16xi32>
        %parallel_loop3A_419 = tpu.vector_load_idx %arg7[%parallel_loop3A_418] : memref<56592xi32, #tpu.memory_space<vmem>>[vector<16xi32>], vector<16xi32>,
        %parallel_loop3A_420 = vector.bitcast %parallel_loop3A_419 : vector<16xi32> to vector<32xbf16>
        %parallel_loop3A_421 = arith.addf %parallel_loop3A_415, %parallel_loop3A_420 : vector<32xbf16>
        %parallel_loop3A_422 = arith.constant 6 : i32
        %parallel_loop3A_423 = vector.broadcast %parallel_loop3A_422 : i32 to vector<16xi32>
        %parallel_loop3A_424 = arith.addi %parallel_loop3A_86, %parallel_loop3A_423 : vector<16xi32>
        %parallel_loop3A_425 = tpu.vector_load_idx %arg7[%parallel_loop3A_424] : memref<56592xi32, #tpu.memory_space<vmem>>[vector<16xi32>], vector<16xi32>,
        %parallel_loop3A_426 = vector.bitcast %parallel_loop3A_425 : vector<16xi32> to vector<32xbf16>
        %parallel_loop3A_427 = arith.addf %parallel_loop3A_421, %parallel_loop3A_426 : vector<32xbf16>
        %parallel_loop3A_428 = arith.constant 6 : i32
        %parallel_loop3A_429 = vector.broadcast %parallel_loop3A_428 : i32 to vector<16xi32>
        %parallel_loop3A_430 = arith.addi %parallel_loop3A_95, %parallel_loop3A_429 : vector<16xi32>
        %parallel_loop3A_431 = tpu.vector_load_idx %arg7[%parallel_loop3A_430] : memref<56592xi32, #tpu.memory_space<vmem>>[vector<16xi32>], vector<16xi32>,
        %parallel_loop3A_432 = vector.bitcast %parallel_loop3A_431 : vector<16xi32> to vector<32xbf16>
        %parallel_loop3A_433 = arith.addf %parallel_loop3A_427, %parallel_loop3A_432 : vector<32xbf16>
        %parallel_loop3A_434 = arith.constant 6 : i32
        %parallel_loop3A_435 = vector.broadcast %parallel_loop3A_434 : i32 to vector<16xi32>
        %parallel_loop3A_436 = arith.addi %parallel_loop3A_104, %parallel_loop3A_435 : vector<16xi32>
        %parallel_loop3A_437 = tpu.vector_load_idx %arg7[%parallel_loop3A_436] : memref<56592xi32, #tpu.memory_space<vmem>>[vector<16xi32>], vector<16xi32>,
        %parallel_loop3A_438 = vector.bitcast %parallel_loop3A_437 : vector<16xi32> to vector<32xbf16>
        %parallel_loop3A_439 = arith.addf %parallel_loop3A_433, %parallel_loop3A_438 : vector<32xbf16>
        %parallel_loop3A_440 = vector.bitcast %parallel_loop3A_439 : vector<32xbf16> to vector<16xi32>
        %parallel_loop3A_441 = arith.constant 7 : i32
        %parallel_loop3A_442 = vector.broadcast %parallel_loop3A_441 : i32 to vector<16xi32>
        %parallel_loop3A_443 = arith.addi %parallel_loop3A_35, %parallel_loop3A_442 : vector<16xi32>
        %parallel_loop3A_444 = tpu.vector_load_idx %arg7[%parallel_loop3A_443] : memref<56592xi32, #tpu.memory_space<vmem>>[vector<16xi32>], vector<16xi32>,
        %parallel_loop3A_445 = vector.bitcast %parallel_loop3A_444 : vector<16xi32> to vector<32xbf16>
        %parallel_loop3A_446 = arith.constant 7 : i32
        %parallel_loop3A_447 = vector.broadcast %parallel_loop3A_446 : i32 to vector<16xi32>
        %parallel_loop3A_448 = arith.addi %parallel_loop3A_47, %parallel_loop3A_447 : vector<16xi32>
        %parallel_loop3A_449 = tpu.vector_load_idx %arg7[%parallel_loop3A_448] : memref<56592xi32, #tpu.memory_space<vmem>>[vector<16xi32>], vector<16xi32>,
        %parallel_loop3A_450 = vector.bitcast %parallel_loop3A_449 : vector<16xi32> to vector<32xbf16>
        %parallel_loop3A_451 = arith.addf %parallel_loop3A_445, %parallel_loop3A_450 : vector<32xbf16>
        %parallel_loop3A_452 = arith.constant 7 : i32
        %parallel_loop3A_453 = vector.broadcast %parallel_loop3A_452 : i32 to vector<16xi32>
        %parallel_loop3A_454 = arith.addi %parallel_loop3A_56, %parallel_loop3A_453 : vector<16xi32>
        %parallel_loop3A_455 = tpu.vector_load_idx %arg7[%parallel_loop3A_454] : memref<56592xi32, #tpu.memory_space<vmem>>[vector<16xi32>], vector<16xi32>,
        %parallel_loop3A_456 = vector.bitcast %parallel_loop3A_455 : vector<16xi32> to vector<32xbf16>
        %parallel_loop3A_457 = arith.addf %parallel_loop3A_451, %parallel_loop3A_456 : vector<32xbf16>
        %parallel_loop3A_458 = arith.constant 7 : i32
        %parallel_loop3A_459 = vector.broadcast %parallel_loop3A_458 : i32 to vector<16xi32>
        %parallel_loop3A_460 = arith.addi %parallel_loop3A_65, %parallel_loop3A_459 : vector<16xi32>
        %parallel_loop3A_461 = tpu.vector_load_idx %arg7[%parallel_loop3A_460] : memref<56592xi32, #tpu.memory_space<vmem>>[vector<16xi32>], vector<16xi32>,
        %parallel_loop3A_462 = vector.bitcast %parallel_loop3A_461 : vector<16xi32> to vector<32xbf16>
        %parallel_loop3A_463 = arith.addf %parallel_loop3A_457, %parallel_loop3A_462 : vector<32xbf16>
        %parallel_loop3A_464 = arith.constant 7 : i32
        %parallel_loop3A_465 = vector.broadcast %parallel_loop3A_464 : i32 to vector<16xi32>
        %parallel_loop3A_466 = arith.addi %parallel_loop3A_74, %parallel_loop3A_465 : vector<16xi32>
        %parallel_loop3A_467 = tpu.vector_load_idx %arg7[%parallel_loop3A_466] : memref<56592xi32, #tpu.memory_space<vmem>>[vector<16xi32>], vector<16xi32>,
        %parallel_loop3A_468 = vector.bitcast %parallel_loop3A_467 : vector<16xi32> to vector<32xbf16>
        %parallel_loop3A_469 = arith.addf %parallel_loop3A_463, %parallel_loop3A_468 : vector<32xbf16>
        %parallel_loop3A_470 = arith.constant 7 : i32
        %parallel_loop3A_471 = vector.broadcast %parallel_loop3A_470 : i32 to vector<16xi32>
        %parallel_loop3A_472 = arith.addi %parallel_loop3A_86, %parallel_loop3A_471 : vector<16xi32>
        %parallel_loop3A_473 = tpu.vector_load_idx %arg7[%parallel_loop3A_472] : memref<56592xi32, #tpu.memory_space<vmem>>[vector<16xi32>], vector<16xi32>,
        %parallel_loop3A_474 = vector.bitcast %parallel_loop3A_473 : vector<16xi32> to vector<32xbf16>
        %parallel_loop3A_475 = arith.addf %parallel_loop3A_469, %parallel_loop3A_474 : vector<32xbf16>
        %parallel_loop3A_476 = arith.constant 7 : i32
        %parallel_loop3A_477 = vector.broadcast %parallel_loop3A_476 : i32 to vector<16xi32>
        %parallel_loop3A_478 = arith.addi %parallel_loop3A_95, %parallel_loop3A_477 : vector<16xi32>
        %parallel_loop3A_479 = tpu.vector_load_idx %arg7[%parallel_loop3A_478] : memref<56592xi32, #tpu.memory_space<vmem>>[vector<16xi32>], vector<16xi32>,
        %parallel_loop3A_480 = vector.bitcast %parallel_loop3A_479 : vector<16xi32> to vector<32xbf16>
        %parallel_loop3A_481 = arith.addf %parallel_loop3A_475, %parallel_loop3A_480 : vector<32xbf16>
        %parallel_loop3A_482 = arith.constant 7 : i32
        %parallel_loop3A_483 = vector.broadcast %parallel_loop3A_482 : i32 to vector<16xi32>
        %parallel_loop3A_484 = arith.addi %parallel_loop3A_104, %parallel_loop3A_483 : vector<16xi32>
        %parallel_loop3A_485 = tpu.vector_load_idx %arg7[%parallel_loop3A_484] : memref<56592xi32, #tpu.memory_space<vmem>>[vector<16xi32>], vector<16xi32>,
        %parallel_loop3A_486 = vector.bitcast %parallel_loop3A_485 : vector<16xi32> to vector<32xbf16>
        %parallel_loop3A_487 = arith.addf %parallel_loop3A_481, %parallel_loop3A_486 : vector<32xbf16>
        %parallel_loop3A_488 = vector.bitcast %parallel_loop3A_487 : vector<32xbf16> to vector<16xi32>
        %parallel_loop3A_489 = arith.constant 8 : i32
        %parallel_loop3A_490 = vector.broadcast %parallel_loop3A_489 : i32 to vector<16xi32>
        %parallel_loop3A_491 = arith.addi %parallel_loop3A_35, %parallel_loop3A_490 : vector<16xi32>
        %parallel_loop3A_492 = tpu.vector_load_idx %arg7[%parallel_loop3A_491] : memref<56592xi32, #tpu.memory_space<vmem>>[vector<16xi32>], vector<16xi32>,
        %parallel_loop3A_493 = vector.bitcast %parallel_loop3A_492 : vector<16xi32> to vector<32xbf16>
        %parallel_loop3A_494 = arith.constant 8 : i32
        %parallel_loop3A_495 = vector.broadcast %parallel_loop3A_494 : i32 to vector<16xi32>
        %parallel_loop3A_496 = arith.addi %parallel_loop3A_47, %parallel_loop3A_495 : vector<16xi32>
        %parallel_loop3A_497 = tpu.vector_load_idx %arg7[%parallel_loop3A_496] : memref<56592xi32, #tpu.memory_space<vmem>>[vector<16xi32>], vector<16xi32>,
        %parallel_loop3A_498 = vector.bitcast %parallel_loop3A_497 : vector<16xi32> to vector<32xbf16>
        %parallel_loop3A_499 = arith.addf %parallel_loop3A_493, %parallel_loop3A_498 : vector<32xbf16>
        %parallel_loop3A_500 = arith.constant 8 : i32
        %parallel_loop3A_501 = vector.broadcast %parallel_loop3A_500 : i32 to vector<16xi32>
        %parallel_loop3A_502 = arith.addi %parallel_loop3A_56, %parallel_loop3A_501 : vector<16xi32>
        %parallel_loop3A_503 = tpu.vector_load_idx %arg7[%parallel_loop3A_502] : memref<56592xi32, #tpu.memory_space<vmem>>[vector<16xi32>], vector<16xi32>,
        %parallel_loop3A_504 = vector.bitcast %parallel_loop3A_503 : vector<16xi32> to vector<32xbf16>
        %parallel_loop3A_505 = arith.addf %parallel_loop3A_499, %parallel_loop3A_504 : vector<32xbf16>
        %parallel_loop3A_506 = arith.constant 8 : i32
        %parallel_loop3A_507 = vector.broadcast %parallel_loop3A_506 : i32 to vector<16xi32>
        %parallel_loop3A_508 = arith.addi %parallel_loop3A_65, %parallel_loop3A_507 : vector<16xi32>
        %parallel_loop3A_509 = tpu.vector_load_idx %arg7[%parallel_loop3A_508] : memref<56592xi32, #tpu.memory_space<vmem>>[vector<16xi32>], vector<16xi32>,
        %parallel_loop3A_510 = vector.bitcast %parallel_loop3A_509 : vector<16xi32> to vector<32xbf16>
        %parallel_loop3A_511 = arith.addf %parallel_loop3A_505, %parallel_loop3A_510 : vector<32xbf16>
        %parallel_loop3A_512 = arith.constant 8 : i32
        %parallel_loop3A_513 = vector.broadcast %parallel_loop3A_512 : i32 to vector<16xi32>
        %parallel_loop3A_514 = arith.addi %parallel_loop3A_74, %parallel_loop3A_513 : vector<16xi32>
        %parallel_loop3A_515 = tpu.vector_load_idx %arg7[%parallel_loop3A_514] : memref<56592xi32, #tpu.memory_space<vmem>>[vector<16xi32>], vector<16xi32>,
        %parallel_loop3A_516 = vector.bitcast %parallel_loop3A_515 : vector<16xi32> to vector<32xbf16>
        %parallel_loop3A_517 = arith.addf %parallel_loop3A_511, %parallel_loop3A_516 : vector<32xbf16>
        %parallel_loop3A_518 = arith.constant 8 : i32
        %parallel_loop3A_519 = vector.broadcast %parallel_loop3A_518 : i32 to vector<16xi32>
        %parallel_loop3A_520 = arith.addi %parallel_loop3A_86, %parallel_loop3A_519 : vector<16xi32>
        %parallel_loop3A_521 = tpu.vector_load_idx %arg7[%parallel_loop3A_520] : memref<56592xi32, #tpu.memory_space<vmem>>[vector<16xi32>], vector<16xi32>,
        %parallel_loop3A_522 = vector.bitcast %parallel_loop3A_521 : vector<16xi32> to vector<32xbf16>
        %parallel_loop3A_523 = arith.addf %parallel_loop3A_517, %parallel_loop3A_522 : vector<32xbf16>
        %parallel_loop3A_524 = arith.constant 8 : i32
        %parallel_loop3A_525 = vector.broadcast %parallel_loop3A_524 : i32 to vector<16xi32>
        %parallel_loop3A_526 = arith.addi %parallel_loop3A_95, %parallel_loop3A_525 : vector<16xi32>
        %parallel_loop3A_527 = tpu.vector_load_idx %arg7[%parallel_loop3A_526] : memref<56592xi32, #tpu.memory_space<vmem>>[vector<16xi32>], vector<16xi32>,
        %parallel_loop3A_528 = vector.bitcast %parallel_loop3A_527 : vector<16xi32> to vector<32xbf16>
        %parallel_loop3A_529 = arith.addf %parallel_loop3A_523, %parallel_loop3A_528 : vector<32xbf16>
        %parallel_loop3A_530 = arith.constant 8 : i32
        %parallel_loop3A_531 = vector.broadcast %parallel_loop3A_530 : i32 to vector<16xi32>
        %parallel_loop3A_532 = arith.addi %parallel_loop3A_104, %parallel_loop3A_531 : vector<16xi32>
        %parallel_loop3A_533 = tpu.vector_load_idx %arg7[%parallel_loop3A_532] : memref<56592xi32, #tpu.memory_space<vmem>>[vector<16xi32>], vector<16xi32>,
        %parallel_loop3A_534 = vector.bitcast %parallel_loop3A_533 : vector<16xi32> to vector<32xbf16>
        %parallel_loop3A_535 = arith.addf %parallel_loop3A_529, %parallel_loop3A_534 : vector<32xbf16>
        %parallel_loop3A_536 = vector.bitcast %parallel_loop3A_535 : vector<32xbf16> to vector<16xi32>
        %parallel_loop3A_537 = arith.constant 9 : i32
        %parallel_loop3A_538 = vector.broadcast %parallel_loop3A_537 : i32 to vector<16xi32>
        %parallel_loop3A_539 = arith.addi %parallel_loop3A_35, %parallel_loop3A_538 : vector<16xi32>
        %parallel_loop3A_540 = tpu.vector_load_idx %arg7[%parallel_loop3A_539] : memref<56592xi32, #tpu.memory_space<vmem>>[vector<16xi32>], vector<16xi32>,
        %parallel_loop3A_541 = vector.bitcast %parallel_loop3A_540 : vector<16xi32> to vector<32xbf16>
        %parallel_loop3A_542 = arith.constant 9 : i32
        %parallel_loop3A_543 = vector.broadcast %parallel_loop3A_542 : i32 to vector<16xi32>
        %parallel_loop3A_544 = arith.addi %parallel_loop3A_47, %parallel_loop3A_543 : vector<16xi32>
        %parallel_loop3A_545 = tpu.vector_load_idx %arg7[%parallel_loop3A_544] : memref<56592xi32, #tpu.memory_space<vmem>>[vector<16xi32>], vector<16xi32>,
        %parallel_loop3A_546 = vector.bitcast %parallel_loop3A_545 : vector<16xi32> to vector<32xbf16>
        %parallel_loop3A_547 = arith.addf %parallel_loop3A_541, %parallel_loop3A_546 : vector<32xbf16>
        %parallel_loop3A_548 = arith.constant 9 : i32
        %parallel_loop3A_549 = vector.broadcast %parallel_loop3A_548 : i32 to vector<16xi32>
        %parallel_loop3A_550 = arith.addi %parallel_loop3A_56, %parallel_loop3A_549 : vector<16xi32>
        %parallel_loop3A_551 = tpu.vector_load_idx %arg7[%parallel_loop3A_550] : memref<56592xi32, #tpu.memory_space<vmem>>[vector<16xi32>], vector<16xi32>,
        %parallel_loop3A_552 = vector.bitcast %parallel_loop3A_551 : vector<16xi32> to vector<32xbf16>
        %parallel_loop3A_553 = arith.addf %parallel_loop3A_547, %parallel_loop3A_552 : vector<32xbf16>
        %parallel_loop3A_554 = arith.constant 9 : i32
        %parallel_loop3A_555 = vector.broadcast %parallel_loop3A_554 : i32 to vector<16xi32>
        %parallel_loop3A_556 = arith.addi %parallel_loop3A_65, %parallel_loop3A_555 : vector<16xi32>
        %parallel_loop3A_557 = tpu.vector_load_idx %arg7[%parallel_loop3A_556] : memref<56592xi32, #tpu.memory_space<vmem>>[vector<16xi32>], vector<16xi32>,
        %parallel_loop3A_558 = vector.bitcast %parallel_loop3A_557 : vector<16xi32> to vector<32xbf16>
        %parallel_loop3A_559 = arith.addf %parallel_loop3A_553, %parallel_loop3A_558 : vector<32xbf16>
        %parallel_loop3A_560 = arith.constant 9 : i32
        %parallel_loop3A_561 = vector.broadcast %parallel_loop3A_560 : i32 to vector<16xi32>
        %parallel_loop3A_562 = arith.addi %parallel_loop3A_74, %parallel_loop3A_561 : vector<16xi32>
        %parallel_loop3A_563 = tpu.vector_load_idx %arg7[%parallel_loop3A_562] : memref<56592xi32, #tpu.memory_space<vmem>>[vector<16xi32>], vector<16xi32>,
        %parallel_loop3A_564 = vector.bitcast %parallel_loop3A_563 : vector<16xi32> to vector<32xbf16>
        %parallel_loop3A_565 = arith.addf %parallel_loop3A_559, %parallel_loop3A_564 : vector<32xbf16>
        %parallel_loop3A_566 = arith.constant 9 : i32
        %parallel_loop3A_567 = vector.broadcast %parallel_loop3A_566 : i32 to vector<16xi32>
        %parallel_loop3A_568 = arith.addi %parallel_loop3A_86, %parallel_loop3A_567 : vector<16xi32>
        %parallel_loop3A_569 = tpu.vector_load_idx %arg7[%parallel_loop3A_568] : memref<56592xi32, #tpu.memory_space<vmem>>[vector<16xi32>], vector<16xi32>,
        %parallel_loop3A_570 = vector.bitcast %parallel_loop3A_569 : vector<16xi32> to vector<32xbf16>
        %parallel_loop3A_571 = arith.addf %parallel_loop3A_565, %parallel_loop3A_570 : vector<32xbf16>
        %parallel_loop3A_572 = arith.constant 9 : i32
        %parallel_loop3A_573 = vector.broadcast %parallel_loop3A_572 : i32 to vector<16xi32>
        %parallel_loop3A_574 = arith.addi %parallel_loop3A_95, %parallel_loop3A_573 : vector<16xi32>
        %parallel_loop3A_575 = tpu.vector_load_idx %arg7[%parallel_loop3A_574] : memref<56592xi32, #tpu.memory_space<vmem>>[vector<16xi32>], vector<16xi32>,
        %parallel_loop3A_576 = vector.bitcast %parallel_loop3A_575 : vector<16xi32> to vector<32xbf16>
        %parallel_loop3A_577 = arith.addf %parallel_loop3A_571, %parallel_loop3A_576 : vector<32xbf16>
        %parallel_loop3A_578 = arith.constant 9 : i32
        %parallel_loop3A_579 = vector.broadcast %parallel_loop3A_578 : i32 to vector<16xi32>
        %parallel_loop3A_580 = arith.addi %parallel_loop3A_104, %parallel_loop3A_579 : vector<16xi32>
        %parallel_loop3A_581 = tpu.vector_load_idx %arg7[%parallel_loop3A_580] : memref<56592xi32, #tpu.memory_space<vmem>>[vector<16xi32>], vector<16xi32>,
        %parallel_loop3A_582 = vector.bitcast %parallel_loop3A_581 : vector<16xi32> to vector<32xbf16>
        %parallel_loop3A_583 = arith.addf %parallel_loop3A_577, %parallel_loop3A_582 : vector<32xbf16>
        %parallel_loop3A_584 = vector.bitcast %parallel_loop3A_583 : vector<32xbf16> to vector<16xi32>
        %parallel_loop3A_585 = arith.constant 10 : i32
        %parallel_loop3A_586 = vector.broadcast %parallel_loop3A_585 : i32 to vector<16xi32>
        %parallel_loop3A_587 = arith.addi %parallel_loop3A_35, %parallel_loop3A_586 : vector<16xi32>
        %parallel_loop3A_588 = tpu.vector_load_idx %arg7[%parallel_loop3A_587] : memref<56592xi32, #tpu.memory_space<vmem>>[vector<16xi32>], vector<16xi32>,
        %parallel_loop3A_589 = vector.bitcast %parallel_loop3A_588 : vector<16xi32> to vector<32xbf16>
        %parallel_loop3A_590 = arith.constant 10 : i32
        %parallel_loop3A_591 = vector.broadcast %parallel_loop3A_590 : i32 to vector<16xi32>
        %parallel_loop3A_592 = arith.addi %parallel_loop3A_47, %parallel_loop3A_591 : vector<16xi32>
        %parallel_loop3A_593 = tpu.vector_load_idx %arg7[%parallel_loop3A_592] : memref<56592xi32, #tpu.memory_space<vmem>>[vector<16xi32>], vector<16xi32>,
        %parallel_loop3A_594 = vector.bitcast %parallel_loop3A_593 : vector<16xi32> to vector<32xbf16>
        %parallel_loop3A_595 = arith.addf %parallel_loop3A_589, %parallel_loop3A_594 : vector<32xbf16>
        %parallel_loop3A_596 = arith.constant 10 : i32
        %parallel_loop3A_597 = vector.broadcast %parallel_loop3A_596 : i32 to vector<16xi32>
        %parallel_loop3A_598 = arith.addi %parallel_loop3A_56, %parallel_loop3A_597 : vector<16xi32>
        %parallel_loop3A_599 = tpu.vector_load_idx %arg7[%parallel_loop3A_598] : memref<56592xi32, #tpu.memory_space<vmem>>[vector<16xi32>], vector<16xi32>,
        %parallel_loop3A_600 = vector.bitcast %parallel_loop3A_599 : vector<16xi32> to vector<32xbf16>
        %parallel_loop3A_601 = arith.addf %parallel_loop3A_595, %parallel_loop3A_600 : vector<32xbf16>
        %parallel_loop3A_602 = arith.constant 10 : i32
        %parallel_loop3A_603 = vector.broadcast %parallel_loop3A_602 : i32 to vector<16xi32>
        %parallel_loop3A_604 = arith.addi %parallel_loop3A_65, %parallel_loop3A_603 : vector<16xi32>
        %parallel_loop3A_605 = tpu.vector_load_idx %arg7[%parallel_loop3A_604] : memref<56592xi32, #tpu.memory_space<vmem>>[vector<16xi32>], vector<16xi32>,
        %parallel_loop3A_606 = vector.bitcast %parallel_loop3A_605 : vector<16xi32> to vector<32xbf16>
        %parallel_loop3A_607 = arith.addf %parallel_loop3A_601, %parallel_loop3A_606 : vector<32xbf16>
        %parallel_loop3A_608 = arith.constant 10 : i32
        %parallel_loop3A_609 = vector.broadcast %parallel_loop3A_608 : i32 to vector<16xi32>
        %parallel_loop3A_610 = arith.addi %parallel_loop3A_74, %parallel_loop3A_609 : vector<16xi32>
        %parallel_loop3A_611 = tpu.vector_load_idx %arg7[%parallel_loop3A_610] : memref<56592xi32, #tpu.memory_space<vmem>>[vector<16xi32>], vector<16xi32>,
        %parallel_loop3A_612 = vector.bitcast %parallel_loop3A_611 : vector<16xi32> to vector<32xbf16>
        %parallel_loop3A_613 = arith.addf %parallel_loop3A_607, %parallel_loop3A_612 : vector<32xbf16>
        %parallel_loop3A_614 = arith.constant 10 : i32
        %parallel_loop3A_615 = vector.broadcast %parallel_loop3A_614 : i32 to vector<16xi32>
        %parallel_loop3A_616 = arith.addi %parallel_loop3A_86, %parallel_loop3A_615 : vector<16xi32>
        %parallel_loop3A_617 = tpu.vector_load_idx %arg7[%parallel_loop3A_616] : memref<56592xi32, #tpu.memory_space<vmem>>[vector<16xi32>], vector<16xi32>,
        %parallel_loop3A_618 = vector.bitcast %parallel_loop3A_617 : vector<16xi32> to vector<32xbf16>
        %parallel_loop3A_619 = arith.addf %parallel_loop3A_613, %parallel_loop3A_618 : vector<32xbf16>
        %parallel_loop3A_620 = arith.constant 10 : i32
        %parallel_loop3A_621 = vector.broadcast %parallel_loop3A_620 : i32 to vector<16xi32>
        %parallel_loop3A_622 = arith.addi %parallel_loop3A_95, %parallel_loop3A_621 : vector<16xi32>
        %parallel_loop3A_623 = tpu.vector_load_idx %arg7[%parallel_loop3A_622] : memref<56592xi32, #tpu.memory_space<vmem>>[vector<16xi32>], vector<16xi32>,
        %parallel_loop3A_624 = vector.bitcast %parallel_loop3A_623 : vector<16xi32> to vector<32xbf16>
        %parallel_loop3A_625 = arith.addf %parallel_loop3A_619, %parallel_loop3A_624 : vector<32xbf16>
        %parallel_loop3A_626 = arith.constant 10 : i32
        %parallel_loop3A_627 = vector.broadcast %parallel_loop3A_626 : i32 to vector<16xi32>
        %parallel_loop3A_628 = arith.addi %parallel_loop3A_104, %parallel_loop3A_627 : vector<16xi32>
        %parallel_loop3A_629 = tpu.vector_load_idx %arg7[%parallel_loop3A_628] : memref<56592xi32, #tpu.memory_space<vmem>>[vector<16xi32>], vector<16xi32>,
        %parallel_loop3A_630 = vector.bitcast %parallel_loop3A_629 : vector<16xi32> to vector<32xbf16>
        %parallel_loop3A_631 = arith.addf %parallel_loop3A_625, %parallel_loop3A_630 : vector<32xbf16>
        %parallel_loop3A_632 = vector.bitcast %parallel_loop3A_631 : vector<32xbf16> to vector<16xi32>
        %parallel_loop3A_633 = arith.constant 11 : i32
        %parallel_loop3A_634 = vector.broadcast %parallel_loop3A_633 : i32 to vector<16xi32>
        %parallel_loop3A_635 = arith.addi %parallel_loop3A_35, %parallel_loop3A_634 : vector<16xi32>
        %parallel_loop3A_636 = tpu.vector_load_idx %arg7[%parallel_loop3A_635] : memref<56592xi32, #tpu.memory_space<vmem>>[vector<16xi32>], vector<16xi32>,
        %parallel_loop3A_637 = vector.bitcast %parallel_loop3A_636 : vector<16xi32> to vector<32xbf16>
        %parallel_loop3A_638 = arith.constant 11 : i32
        %parallel_loop3A_639 = vector.broadcast %parallel_loop3A_638 : i32 to vector<16xi32>
        %parallel_loop3A_640 = arith.addi %parallel_loop3A_47, %parallel_loop3A_639 : vector<16xi32>
        %parallel_loop3A_641 = tpu.vector_load_idx %arg7[%parallel_loop3A_640] : memref<56592xi32, #tpu.memory_space<vmem>>[vector<16xi32>], vector<16xi32>,
        %parallel_loop3A_642 = vector.bitcast %parallel_loop3A_641 : vector<16xi32> to vector<32xbf16>
        %parallel_loop3A_643 = arith.addf %parallel_loop3A_637, %parallel_loop3A_642 : vector<32xbf16>
        %parallel_loop3A_644 = arith.constant 11 : i32
        %parallel_loop3A_645 = vector.broadcast %parallel_loop3A_644 : i32 to vector<16xi32>
        %parallel_loop3A_646 = arith.addi %parallel_loop3A_56, %parallel_loop3A_645 : vector<16xi32>
        %parallel_loop3A_647 = tpu.vector_load_idx %arg7[%parallel_loop3A_646] : memref<56592xi32, #tpu.memory_space<vmem>>[vector<16xi32>], vector<16xi32>,
        %parallel_loop3A_648 = vector.bitcast %parallel_loop3A_647 : vector<16xi32> to vector<32xbf16>
        %parallel_loop3A_649 = arith.addf %parallel_loop3A_643, %parallel_loop3A_648 : vector<32xbf16>
        %parallel_loop3A_650 = arith.constant 11 : i32
        %parallel_loop3A_651 = vector.broadcast %parallel_loop3A_650 : i32 to vector<16xi32>
        %parallel_loop3A_652 = arith.addi %parallel_loop3A_65, %parallel_loop3A_651 : vector<16xi32>
        %parallel_loop3A_653 = tpu.vector_load_idx %arg7[%parallel_loop3A_652] : memref<56592xi32, #tpu.memory_space<vmem>>[vector<16xi32>], vector<16xi32>,
        %parallel_loop3A_654 = vector.bitcast %parallel_loop3A_653 : vector<16xi32> to vector<32xbf16>
        %parallel_loop3A_655 = arith.addf %parallel_loop3A_649, %parallel_loop3A_654 : vector<32xbf16>
        %parallel_loop3A_656 = arith.constant 11 : i32
        %parallel_loop3A_657 = vector.broadcast %parallel_loop3A_656 : i32 to vector<16xi32>
        %parallel_loop3A_658 = arith.addi %parallel_loop3A_74, %parallel_loop3A_657 : vector<16xi32>
        %parallel_loop3A_659 = tpu.vector_load_idx %arg7[%parallel_loop3A_658] : memref<56592xi32, #tpu.memory_space<vmem>>[vector<16xi32>], vector<16xi32>,
        %parallel_loop3A_660 = vector.bitcast %parallel_loop3A_659 : vector<16xi32> to vector<32xbf16>
        %parallel_loop3A_661 = arith.addf %parallel_loop3A_655, %parallel_loop3A_660 : vector<32xbf16>
        %parallel_loop3A_662 = arith.constant 11 : i32
        %parallel_loop3A_663 = vector.broadcast %parallel_loop3A_662 : i32 to vector<16xi32>
        %parallel_loop3A_664 = arith.addi %parallel_loop3A_86, %parallel_loop3A_663 : vector<16xi32>
        %parallel_loop3A_665 = tpu.vector_load_idx %arg7[%parallel_loop3A_664] : memref<56592xi32, #tpu.memory_space<vmem>>[vector<16xi32>], vector<16xi32>,
        %parallel_loop3A_666 = vector.bitcast %parallel_loop3A_665 : vector<16xi32> to vector<32xbf16>
        %parallel_loop3A_667 = arith.addf %parallel_loop3A_661, %parallel_loop3A_666 : vector<32xbf16>
        %parallel_loop3A_668 = arith.constant 11 : i32
        %parallel_loop3A_669 = vector.broadcast %parallel_loop3A_668 : i32 to vector<16xi32>
        %parallel_loop3A_670 = arith.addi %parallel_loop3A_95, %parallel_loop3A_669 : vector<16xi32>
        %parallel_loop3A_671 = tpu.vector_load_idx %arg7[%parallel_loop3A_670] : memref<56592xi32, #tpu.memory_space<vmem>>[vector<16xi32>], vector<16xi32>,
        %parallel_loop3A_672 = vector.bitcast %parallel_loop3A_671 : vector<16xi32> to vector<32xbf16>
        %parallel_loop3A_673 = arith.addf %parallel_loop3A_667, %parallel_loop3A_672 : vector<32xbf16>
        %parallel_loop3A_674 = arith.constant 11 : i32
        %parallel_loop3A_675 = vector.broadcast %parallel_loop3A_674 : i32 to vector<16xi32>
        %parallel_loop3A_676 = arith.addi %parallel_loop3A_104, %parallel_loop3A_675 : vector<16xi32>
        %parallel_loop3A_677 = tpu.vector_load_idx %arg7[%parallel_loop3A_676] : memref<56592xi32, #tpu.memory_space<vmem>>[vector<16xi32>], vector<16xi32>,
        %parallel_loop3A_678 = vector.bitcast %parallel_loop3A_677 : vector<16xi32> to vector<32xbf16>
        %parallel_loop3A_679 = arith.addf %parallel_loop3A_673, %parallel_loop3A_678 : vector<32xbf16>
        %parallel_loop3A_680 = vector.bitcast %parallel_loop3A_679 : vector<32xbf16> to vector<16xi32>
        %parallel_loop3A_681 = arith.constant 12 : i32
        %parallel_loop3A_682 = vector.broadcast %parallel_loop3A_681 : i32 to vector<16xi32>
        %parallel_loop3A_683 = arith.addi %parallel_loop3A_35, %parallel_loop3A_682 : vector<16xi32>
        %parallel_loop3A_684 = tpu.vector_load_idx %arg7[%parallel_loop3A_683] : memref<56592xi32, #tpu.memory_space<vmem>>[vector<16xi32>], vector<16xi32>,
        %parallel_loop3A_685 = vector.bitcast %parallel_loop3A_684 : vector<16xi32> to vector<32xbf16>
        %parallel_loop3A_686 = arith.constant 12 : i32
        %parallel_loop3A_687 = vector.broadcast %parallel_loop3A_686 : i32 to vector<16xi32>
        %parallel_loop3A_688 = arith.addi %parallel_loop3A_47, %parallel_loop3A_687 : vector<16xi32>
        %parallel_loop3A_689 = tpu.vector_load_idx %arg7[%parallel_loop3A_688] : memref<56592xi32, #tpu.memory_space<vmem>>[vector<16xi32>], vector<16xi32>,
        %parallel_loop3A_690 = vector.bitcast %parallel_loop3A_689 : vector<16xi32> to vector<32xbf16>
        %parallel_loop3A_691 = arith.addf %parallel_loop3A_685, %parallel_loop3A_690 : vector<32xbf16>
        %parallel_loop3A_692 = arith.constant 12 : i32
        %parallel_loop3A_693 = vector.broadcast %parallel_loop3A_692 : i32 to vector<16xi32>
        %parallel_loop3A_694 = arith.addi %parallel_loop3A_56, %parallel_loop3A_693 : vector<16xi32>
        %parallel_loop3A_695 = tpu.vector_load_idx %arg7[%parallel_loop3A_694] : memref<56592xi32, #tpu.memory_space<vmem>>[vector<16xi32>], vector<16xi32>,
        %parallel_loop3A_696 = vector.bitcast %parallel_loop3A_695 : vector<16xi32> to vector<32xbf16>
        %parallel_loop3A_697 = arith.addf %parallel_loop3A_691, %parallel_loop3A_696 : vector<32xbf16>
        %parallel_loop3A_698 = arith.constant 12 : i32
        %parallel_loop3A_699 = vector.broadcast %parallel_loop3A_698 : i32 to vector<16xi32>
        %parallel_loop3A_700 = arith.addi %parallel_loop3A_65, %parallel_loop3A_699 : vector<16xi32>
        %parallel_loop3A_701 = tpu.vector_load_idx %arg7[%parallel_loop3A_700] : memref<56592xi32, #tpu.memory_space<vmem>>[vector<16xi32>], vector<16xi32>,
        %parallel_loop3A_702 = vector.bitcast %parallel_loop3A_701 : vector<16xi32> to vector<32xbf16>
        %parallel_loop3A_703 = arith.addf %parallel_loop3A_697, %parallel_loop3A_702 : vector<32xbf16>
        %parallel_loop3A_704 = arith.constant 12 : i32
        %parallel_loop3A_705 = vector.broadcast %parallel_loop3A_704 : i32 to vector<16xi32>
        %parallel_loop3A_706 = arith.addi %parallel_loop3A_74, %parallel_loop3A_705 : vector<16xi32>
        %parallel_loop3A_707 = tpu.vector_load_idx %arg7[%parallel_loop3A_706] : memref<56592xi32, #tpu.memory_space<vmem>>[vector<16xi32>], vector<16xi32>,
        %parallel_loop3A_708 = vector.bitcast %parallel_loop3A_707 : vector<16xi32> to vector<32xbf16>
        %parallel_loop3A_709 = arith.addf %parallel_loop3A_703, %parallel_loop3A_708 : vector<32xbf16>
        %parallel_loop3A_710 = arith.constant 12 : i32
        %parallel_loop3A_711 = vector.broadcast %parallel_loop3A_710 : i32 to vector<16xi32>
        %parallel_loop3A_712 = arith.addi %parallel_loop3A_86, %parallel_loop3A_711 : vector<16xi32>
        %parallel_loop3A_713 = tpu.vector_load_idx %arg7[%parallel_loop3A_712] : memref<56592xi32, #tpu.memory_space<vmem>>[vector<16xi32>], vector<16xi32>,
        %parallel_loop3A_714 = vector.bitcast %parallel_loop3A_713 : vector<16xi32> to vector<32xbf16>
        %parallel_loop3A_715 = arith.addf %parallel_loop3A_709, %parallel_loop3A_714 : vector<32xbf16>
        %parallel_loop3A_716 = arith.constant 12 : i32
        %parallel_loop3A_717 = vector.broadcast %parallel_loop3A_716 : i32 to vector<16xi32>
        %parallel_loop3A_718 = arith.addi %parallel_loop3A_95, %parallel_loop3A_717 : vector<16xi32>
        %parallel_loop3A_719 = tpu.vector_load_idx %arg7[%parallel_loop3A_718] : memref<56592xi32, #tpu.memory_space<vmem>>[vector<16xi32>], vector<16xi32>,
        %parallel_loop3A_720 = vector.bitcast %parallel_loop3A_719 : vector<16xi32> to vector<32xbf16>
        %parallel_loop3A_721 = arith.addf %parallel_loop3A_715, %parallel_loop3A_720 : vector<32xbf16>
        %parallel_loop3A_722 = arith.constant 12 : i32
        %parallel_loop3A_723 = vector.broadcast %parallel_loop3A_722 : i32 to vector<16xi32>
        %parallel_loop3A_724 = arith.addi %parallel_loop3A_104, %parallel_loop3A_723 : vector<16xi32>
        %parallel_loop3A_725 = tpu.vector_load_idx %arg7[%parallel_loop3A_724] : memref<56592xi32, #tpu.memory_space<vmem>>[vector<16xi32>], vector<16xi32>,
        %parallel_loop3A_726 = vector.bitcast %parallel_loop3A_725 : vector<16xi32> to vector<32xbf16>
        %parallel_loop3A_727 = arith.addf %parallel_loop3A_721, %parallel_loop3A_726 : vector<32xbf16>
        %parallel_loop3A_728 = vector.bitcast %parallel_loop3A_727 : vector<32xbf16> to vector<16xi32>
        %parallel_loop3A_729 = arith.constant 13 : i32
        %parallel_loop3A_730 = vector.broadcast %parallel_loop3A_729 : i32 to vector<16xi32>
        %parallel_loop3A_731 = arith.addi %parallel_loop3A_35, %parallel_loop3A_730 : vector<16xi32>
        %parallel_loop3A_732 = tpu.vector_load_idx %arg7[%parallel_loop3A_731] : memref<56592xi32, #tpu.memory_space<vmem>>[vector<16xi32>], vector<16xi32>,
        %parallel_loop3A_733 = vector.bitcast %parallel_loop3A_732 : vector<16xi32> to vector<32xbf16>
        %parallel_loop3A_734 = arith.constant 13 : i32
        %parallel_loop3A_735 = vector.broadcast %parallel_loop3A_734 : i32 to vector<16xi32>
        %parallel_loop3A_736 = arith.addi %parallel_loop3A_47, %parallel_loop3A_735 : vector<16xi32>
        %parallel_loop3A_737 = tpu.vector_load_idx %arg7[%parallel_loop3A_736] : memref<56592xi32, #tpu.memory_space<vmem>>[vector<16xi32>], vector<16xi32>,
        %parallel_loop3A_738 = vector.bitcast %parallel_loop3A_737 : vector<16xi32> to vector<32xbf16>
        %parallel_loop3A_739 = arith.addf %parallel_loop3A_733, %parallel_loop3A_738 : vector<32xbf16>
        %parallel_loop3A_740 = arith.constant 13 : i32
        %parallel_loop3A_741 = vector.broadcast %parallel_loop3A_740 : i32 to vector<16xi32>
        %parallel_loop3A_742 = arith.addi %parallel_loop3A_56, %parallel_loop3A_741 : vector<16xi32>
        %parallel_loop3A_743 = tpu.vector_load_idx %arg7[%parallel_loop3A_742] : memref<56592xi32, #tpu.memory_space<vmem>>[vector<16xi32>], vector<16xi32>,
        %parallel_loop3A_744 = vector.bitcast %parallel_loop3A_743 : vector<16xi32> to vector<32xbf16>
        %parallel_loop3A_745 = arith.addf %parallel_loop3A_739, %parallel_loop3A_744 : vector<32xbf16>
        %parallel_loop3A_746 = arith.constant 13 : i32
        %parallel_loop3A_747 = vector.broadcast %parallel_loop3A_746 : i32 to vector<16xi32>
        %parallel_loop3A_748 = arith.addi %parallel_loop3A_65, %parallel_loop3A_747 : vector<16xi32>
        %parallel_loop3A_749 = tpu.vector_load_idx %arg7[%parallel_loop3A_748] : memref<56592xi32, #tpu.memory_space<vmem>>[vector<16xi32>], vector<16xi32>,
        %parallel_loop3A_750 = vector.bitcast %parallel_loop3A_749 : vector<16xi32> to vector<32xbf16>
        %parallel_loop3A_751 = arith.addf %parallel_loop3A_745, %parallel_loop3A_750 : vector<32xbf16>
        %parallel_loop3A_752 = arith.constant 13 : i32
        %parallel_loop3A_753 = vector.broadcast %parallel_loop3A_752 : i32 to vector<16xi32>
        %parallel_loop3A_754 = arith.addi %parallel_loop3A_74, %parallel_loop3A_753 : vector<16xi32>
        %parallel_loop3A_755 = tpu.vector_load_idx %arg7[%parallel_loop3A_754] : memref<56592xi32, #tpu.memory_space<vmem>>[vector<16xi32>], vector<16xi32>,
        %parallel_loop3A_756 = vector.bitcast %parallel_loop3A_755 : vector<16xi32> to vector<32xbf16>
        %parallel_loop3A_757 = arith.addf %parallel_loop3A_751, %parallel_loop3A_756 : vector<32xbf16>
        %parallel_loop3A_758 = arith.constant 13 : i32
        %parallel_loop3A_759 = vector.broadcast %parallel_loop3A_758 : i32 to vector<16xi32>
        %parallel_loop3A_760 = arith.addi %parallel_loop3A_86, %parallel_loop3A_759 : vector<16xi32>
        %parallel_loop3A_761 = tpu.vector_load_idx %arg7[%parallel_loop3A_760] : memref<56592xi32, #tpu.memory_space<vmem>>[vector<16xi32>], vector<16xi32>,
        %parallel_loop3A_762 = vector.bitcast %parallel_loop3A_761 : vector<16xi32> to vector<32xbf16>
        %parallel_loop3A_763 = arith.addf %parallel_loop3A_757, %parallel_loop3A_762 : vector<32xbf16>
        %parallel_loop3A_764 = arith.constant 13 : i32
        %parallel_loop3A_765 = vector.broadcast %parallel_loop3A_764 : i32 to vector<16xi32>
        %parallel_loop3A_766 = arith.addi %parallel_loop3A_95, %parallel_loop3A_765 : vector<16xi32>
        %parallel_loop3A_767 = tpu.vector_load_idx %arg7[%parallel_loop3A_766] : memref<56592xi32, #tpu.memory_space<vmem>>[vector<16xi32>], vector<16xi32>,
        %parallel_loop3A_768 = vector.bitcast %parallel_loop3A_767 : vector<16xi32> to vector<32xbf16>
        %parallel_loop3A_769 = arith.addf %parallel_loop3A_763, %parallel_loop3A_768 : vector<32xbf16>
        %parallel_loop3A_770 = arith.constant 13 : i32
        %parallel_loop3A_771 = vector.broadcast %parallel_loop3A_770 : i32 to vector<16xi32>
        %parallel_loop3A_772 = arith.addi %parallel_loop3A_104, %parallel_loop3A_771 : vector<16xi32>
        %parallel_loop3A_773 = tpu.vector_load_idx %arg7[%parallel_loop3A_772] : memref<56592xi32, #tpu.memory_space<vmem>>[vector<16xi32>], vector<16xi32>,
        %parallel_loop3A_774 = vector.bitcast %parallel_loop3A_773 : vector<16xi32> to vector<32xbf16>
        %parallel_loop3A_775 = arith.addf %parallel_loop3A_769, %parallel_loop3A_774 : vector<32xbf16>
        %parallel_loop3A_776 = vector.bitcast %parallel_loop3A_775 : vector<32xbf16> to vector<16xi32>
        %parallel_loop3A_777 = arith.constant 14 : i32
        %parallel_loop3A_778 = vector.broadcast %parallel_loop3A_777 : i32 to vector<16xi32>
        %parallel_loop3A_779 = arith.addi %parallel_loop3A_35, %parallel_loop3A_778 : vector<16xi32>
        %parallel_loop3A_780 = tpu.vector_load_idx %arg7[%parallel_loop3A_779] : memref<56592xi32, #tpu.memory_space<vmem>>[vector<16xi32>], vector<16xi32>,
        %parallel_loop3A_781 = vector.bitcast %parallel_loop3A_780 : vector<16xi32> to vector<32xbf16>
        %parallel_loop3A_782 = arith.constant 14 : i32
        %parallel_loop3A_783 = vector.broadcast %parallel_loop3A_782 : i32 to vector<16xi32>
        %parallel_loop3A_784 = arith.addi %parallel_loop3A_47, %parallel_loop3A_783 : vector<16xi32>
        %parallel_loop3A_785 = tpu.vector_load_idx %arg7[%parallel_loop3A_784] : memref<56592xi32, #tpu.memory_space<vmem>>[vector<16xi32>], vector<16xi32>,
        %parallel_loop3A_786 = vector.bitcast %parallel_loop3A_785 : vector<16xi32> to vector<32xbf16>
        %parallel_loop3A_787 = arith.addf %parallel_loop3A_781, %parallel_loop3A_786 : vector<32xbf16>
        %parallel_loop3A_788 = arith.constant 14 : i32
        %parallel_loop3A_789 = vector.broadcast %parallel_loop3A_788 : i32 to vector<16xi32>
        %parallel_loop3A_790 = arith.addi %parallel_loop3A_56, %parallel_loop3A_789 : vector<16xi32>
        %parallel_loop3A_791 = tpu.vector_load_idx %arg7[%parallel_loop3A_790] : memref<56592xi32, #tpu.memory_space<vmem>>[vector<16xi32>], vector<16xi32>,
        %parallel_loop3A_792 = vector.bitcast %parallel_loop3A_791 : vector<16xi32> to vector<32xbf16>
        %parallel_loop3A_793 = arith.addf %parallel_loop3A_787, %parallel_loop3A_792 : vector<32xbf16>
        %parallel_loop3A_794 = arith.constant 14 : i32
        %parallel_loop3A_795 = vector.broadcast %parallel_loop3A_794 : i32 to vector<16xi32>
        %parallel_loop3A_796 = arith.addi %parallel_loop3A_65, %parallel_loop3A_795 : vector<16xi32>
        %parallel_loop3A_797 = tpu.vector_load_idx %arg7[%parallel_loop3A_796] : memref<56592xi32, #tpu.memory_space<vmem>>[vector<16xi32>], vector<16xi32>,
        %parallel_loop3A_798 = vector.bitcast %parallel_loop3A_797 : vector<16xi32> to vector<32xbf16>
        %parallel_loop3A_799 = arith.addf %parallel_loop3A_793, %parallel_loop3A_798 : vector<32xbf16>
        %parallel_loop3A_800 = arith.constant 14 : i32
        %parallel_loop3A_801 = vector.broadcast %parallel_loop3A_800 : i32 to vector<16xi32>
        %parallel_loop3A_802 = arith.addi %parallel_loop3A_74, %parallel_loop3A_801 : vector<16xi32>
        %parallel_loop3A_803 = tpu.vector_load_idx %arg7[%parallel_loop3A_802] : memref<56592xi32, #tpu.memory_space<vmem>>[vector<16xi32>], vector<16xi32>,
        %parallel_loop3A_804 = vector.bitcast %parallel_loop3A_803 : vector<16xi32> to vector<32xbf16>
        %parallel_loop3A_805 = arith.addf %parallel_loop3A_799, %parallel_loop3A_804 : vector<32xbf16>
        %parallel_loop3A_806 = arith.constant 14 : i32
        %parallel_loop3A_807 = vector.broadcast %parallel_loop3A_806 : i32 to vector<16xi32>
        %parallel_loop3A_808 = arith.addi %parallel_loop3A_86, %parallel_loop3A_807 : vector<16xi32>
        %parallel_loop3A_809 = tpu.vector_load_idx %arg7[%parallel_loop3A_808] : memref<56592xi32, #tpu.memory_space<vmem>>[vector<16xi32>], vector<16xi32>,
        %parallel_loop3A_810 = vector.bitcast %parallel_loop3A_809 : vector<16xi32> to vector<32xbf16>
        %parallel_loop3A_811 = arith.addf %parallel_loop3A_805, %parallel_loop3A_810 : vector<32xbf16>
        %parallel_loop3A_812 = arith.constant 14 : i32
        %parallel_loop3A_813 = vector.broadcast %parallel_loop3A_812 : i32 to vector<16xi32>
        %parallel_loop3A_814 = arith.addi %parallel_loop3A_95, %parallel_loop3A_813 : vector<16xi32>
        %parallel_loop3A_815 = tpu.vector_load_idx %arg7[%parallel_loop3A_814] : memref<56592xi32, #tpu.memory_space<vmem>>[vector<16xi32>], vector<16xi32>,
        %parallel_loop3A_816 = vector.bitcast %parallel_loop3A_815 : vector<16xi32> to vector<32xbf16>
        %parallel_loop3A_817 = arith.addf %parallel_loop3A_811, %parallel_loop3A_816 : vector<32xbf16>
        %parallel_loop3A_818 = arith.constant 14 : i32
        %parallel_loop3A_819 = vector.broadcast %parallel_loop3A_818 : i32 to vector<16xi32>
        %parallel_loop3A_820 = arith.addi %parallel_loop3A_104, %parallel_loop3A_819 : vector<16xi32>
        %parallel_loop3A_821 = tpu.vector_load_idx %arg7[%parallel_loop3A_820] : memref<56592xi32, #tpu.memory_space<vmem>>[vector<16xi32>], vector<16xi32>,
        %parallel_loop3A_822 = vector.bitcast %parallel_loop3A_821 : vector<16xi32> to vector<32xbf16>
        %parallel_loop3A_823 = arith.addf %parallel_loop3A_817, %parallel_loop3A_822 : vector<32xbf16>
        %parallel_loop3A_824 = vector.bitcast %parallel_loop3A_823 : vector<32xbf16> to vector<16xi32>
        %parallel_loop3A_825 = arith.constant 15 : i32
        %parallel_loop3A_826 = vector.broadcast %parallel_loop3A_825 : i32 to vector<16xi32>
        %parallel_loop3A_827 = arith.addi %parallel_loop3A_35, %parallel_loop3A_826 : vector<16xi32>
        %parallel_loop3A_828 = tpu.vector_load_idx %arg7[%parallel_loop3A_827] : memref<56592xi32, #tpu.memory_space<vmem>>[vector<16xi32>], vector<16xi32>,
        %parallel_loop3A_829 = vector.bitcast %parallel_loop3A_828 : vector<16xi32> to vector<32xbf16>
        %parallel_loop3A_830 = arith.constant 15 : i32
        %parallel_loop3A_831 = vector.broadcast %parallel_loop3A_830 : i32 to vector<16xi32>
        %parallel_loop3A_832 = arith.addi %parallel_loop3A_47, %parallel_loop3A_831 : vector<16xi32>
        %parallel_loop3A_833 = tpu.vector_load_idx %arg7[%parallel_loop3A_832] : memref<56592xi32, #tpu.memory_space<vmem>>[vector<16xi32>], vector<16xi32>,
        %parallel_loop3A_834 = vector.bitcast %parallel_loop3A_833 : vector<16xi32> to vector<32xbf16>
        %parallel_loop3A_835 = arith.addf %parallel_loop3A_829, %parallel_loop3A_834 : vector<32xbf16>
        %parallel_loop3A_836 = arith.constant 15 : i32
        %parallel_loop3A_837 = vector.broadcast %parallel_loop3A_836 : i32 to vector<16xi32>
        %parallel_loop3A_838 = arith.addi %parallel_loop3A_56, %parallel_loop3A_837 : vector<16xi32>
        %parallel_loop3A_839 = tpu.vector_load_idx %arg7[%parallel_loop3A_838] : memref<56592xi32, #tpu.memory_space<vmem>>[vector<16xi32>], vector<16xi32>,
        %parallel_loop3A_840 = vector.bitcast %parallel_loop3A_839 : vector<16xi32> to vector<32xbf16>
        %parallel_loop3A_841 = arith.addf %parallel_loop3A_835, %parallel_loop3A_840 : vector<32xbf16>
        %parallel_loop3A_842 = arith.constant 15 : i32
        %parallel_loop3A_843 = vector.broadcast %parallel_loop3A_842 : i32 to vector<16xi32>
        %parallel_loop3A_844 = arith.addi %parallel_loop3A_65, %parallel_loop3A_843 : vector<16xi32>
        %parallel_loop3A_845 = tpu.vector_load_idx %arg7[%parallel_loop3A_844] : memref<56592xi32, #tpu.memory_space<vmem>>[vector<16xi32>], vector<16xi32>,
        %parallel_loop3A_846 = vector.bitcast %parallel_loop3A_845 : vector<16xi32> to vector<32xbf16>
        %parallel_loop3A_847 = arith.addf %parallel_loop3A_841, %parallel_loop3A_846 : vector<32xbf16>
        %parallel_loop3A_848 = arith.constant 15 : i32
        %parallel_loop3A_849 = vector.broadcast %parallel_loop3A_848 : i32 to vector<16xi32>
        %parallel_loop3A_850 = arith.addi %parallel_loop3A_74, %parallel_loop3A_849 : vector<16xi32>
        %parallel_loop3A_851 = tpu.vector_load_idx %arg7[%parallel_loop3A_850] : memref<56592xi32, #tpu.memory_space<vmem>>[vector<16xi32>], vector<16xi32>,
        %parallel_loop3A_852 = vector.bitcast %parallel_loop3A_851 : vector<16xi32> to vector<32xbf16>
        %parallel_loop3A_853 = arith.addf %parallel_loop3A_847, %parallel_loop3A_852 : vector<32xbf16>
        %parallel_loop3A_854 = arith.constant 15 : i32
        %parallel_loop3A_855 = vector.broadcast %parallel_loop3A_854 : i32 to vector<16xi32>
        %parallel_loop3A_856 = arith.addi %parallel_loop3A_86, %parallel_loop3A_855 : vector<16xi32>
        %parallel_loop3A_857 = tpu.vector_load_idx %arg7[%parallel_loop3A_856] : memref<56592xi32, #tpu.memory_space<vmem>>[vector<16xi32>], vector<16xi32>,
        %parallel_loop3A_858 = vector.bitcast %parallel_loop3A_857 : vector<16xi32> to vector<32xbf16>
        %parallel_loop3A_859 = arith.addf %parallel_loop3A_853, %parallel_loop3A_858 : vector<32xbf16>
        %parallel_loop3A_860 = arith.constant 15 : i32
        %parallel_loop3A_861 = vector.broadcast %parallel_loop3A_860 : i32 to vector<16xi32>
        %parallel_loop3A_862 = arith.addi %parallel_loop3A_95, %parallel_loop3A_861 : vector<16xi32>
        %parallel_loop3A_863 = tpu.vector_load_idx %arg7[%parallel_loop3A_862] : memref<56592xi32, #tpu.memory_space<vmem>>[vector<16xi32>], vector<16xi32>,
        %parallel_loop3A_864 = vector.bitcast %parallel_loop3A_863 : vector<16xi32> to vector<32xbf16>
        %parallel_loop3A_865 = arith.addf %parallel_loop3A_859, %parallel_loop3A_864 : vector<32xbf16>
        %parallel_loop3A_866 = arith.constant 15 : i32
        %parallel_loop3A_867 = vector.broadcast %parallel_loop3A_866 : i32 to vector<16xi32>
        %parallel_loop3A_868 = arith.addi %parallel_loop3A_104, %parallel_loop3A_867 : vector<16xi32>
        %parallel_loop3A_869 = tpu.vector_load_idx %arg7[%parallel_loop3A_868] : memref<56592xi32, #tpu.memory_space<vmem>>[vector<16xi32>], vector<16xi32>,
        %parallel_loop3A_870 = vector.bitcast %parallel_loop3A_869 : vector<16xi32> to vector<32xbf16>
        %parallel_loop3A_871 = arith.addf %parallel_loop3A_865, %parallel_loop3A_870 : vector<32xbf16>
        %parallel_loop3A_872 = vector.bitcast %parallel_loop3A_871 : vector<32xbf16> to vector<16xi32>
        %parallel_loop3A_873 = vector.broadcast %parallel_loop3A_19 : i32 to vector<16xi32>
        %parallel_loop3A_874 = arith.addi %parallel_loop3A_20, %parallel_loop3A_873 : vector<16xi32>
        %parallel_loop3A_875 = arith.constant 16 : i32
        %parallel_loop3A_876 = vector.broadcast %parallel_loop3A_875 : i32 to vector<16xi32>
        %parallel_loop3A_877 = arith.muli %parallel_loop3A_874, %parallel_loop3A_876 : vector<16xi32>
        %parallel_loop3A_878 = arith.constant 0 : i32
        %parallel_loop3A_879 = vector.broadcast %parallel_loop3A_878 : i32 to vector<16xi32>
        %parallel_loop3A_880 = arith.addi %parallel_loop3A_877, %parallel_loop3A_879 : vector<16xi32>
        tpu.vector_store_idx %arg11[%parallel_loop3A_880], %parallel_loop3A_152 : memref<9216xi32, #tpu.memory_space<vmem>>[vector<16xi32>], vector<16xi32>,
        %parallel_loop3A_881 = arith.constant 1 : i32
        %parallel_loop3A_882 = vector.broadcast %parallel_loop3A_881 : i32 to vector<16xi32>
        %parallel_loop3A_883 = arith.addi %parallel_loop3A_877, %parallel_loop3A_882 : vector<16xi32>
        tpu.vector_store_idx %arg11[%parallel_loop3A_883], %parallel_loop3A_200 : memref<9216xi32, #tpu.memory_space<vmem>>[vector<16xi32>], vector<16xi32>,
        %parallel_loop3A_884 = arith.constant 2 : i32
        %parallel_loop3A_885 = vector.broadcast %parallel_loop3A_884 : i32 to vector<16xi32>
        %parallel_loop3A_886 = arith.addi %parallel_loop3A_877, %parallel_loop3A_885 : vector<16xi32>
        tpu.vector_store_idx %arg11[%parallel_loop3A_886], %parallel_loop3A_248 : memref<9216xi32, #tpu.memory_space<vmem>>[vector<16xi32>], vector<16xi32>,
        %parallel_loop3A_887 = arith.constant 3 : i32
        %parallel_loop3A_888 = vector.broadcast %parallel_loop3A_887 : i32 to vector<16xi32>
        %parallel_loop3A_889 = arith.addi %parallel_loop3A_877, %parallel_loop3A_888 : vector<16xi32>
        tpu.vector_store_idx %arg11[%parallel_loop3A_889], %parallel_loop3A_296 : memref<9216xi32, #tpu.memory_space<vmem>>[vector<16xi32>], vector<16xi32>,
        %parallel_loop3A_890 = arith.constant 4 : i32
        %parallel_loop3A_891 = vector.broadcast %parallel_loop3A_890 : i32 to vector<16xi32>
        %parallel_loop3A_892 = arith.addi %parallel_loop3A_877, %parallel_loop3A_891 : vector<16xi32>
        tpu.vector_store_idx %arg11[%parallel_loop3A_892], %parallel_loop3A_344 : memref<9216xi32, #tpu.memory_space<vmem>>[vector<16xi32>], vector<16xi32>,
        %parallel_loop3A_893 = arith.constant 5 : i32
        %parallel_loop3A_894 = vector.broadcast %parallel_loop3A_893 : i32 to vector<16xi32>
        %parallel_loop3A_895 = arith.addi %parallel_loop3A_877, %parallel_loop3A_894 : vector<16xi32>
        tpu.vector_store_idx %arg11[%parallel_loop3A_895], %parallel_loop3A_392 : memref<9216xi32, #tpu.memory_space<vmem>>[vector<16xi32>], vector<16xi32>,
        %parallel_loop3A_896 = arith.constant 6 : i32
        %parallel_loop3A_897 = vector.broadcast %parallel_loop3A_896 : i32 to vector<16xi32>
        %parallel_loop3A_898 = arith.addi %parallel_loop3A_877, %parallel_loop3A_897 : vector<16xi32>
        tpu.vector_store_idx %arg11[%parallel_loop3A_898], %parallel_loop3A_440 : memref<9216xi32, #tpu.memory_space<vmem>>[vector<16xi32>], vector<16xi32>,
        %parallel_loop3A_899 = arith.constant 7 : i32
        %parallel_loop3A_900 = vector.broadcast %parallel_loop3A_899 : i32 to vector<16xi32>
        %parallel_loop3A_901 = arith.addi %parallel_loop3A_877, %parallel_loop3A_900 : vector<16xi32>
        tpu.vector_store_idx %arg11[%parallel_loop3A_901], %parallel_loop3A_488 : memref<9216xi32, #tpu.memory_space<vmem>>[vector<16xi32>], vector<16xi32>,
        %parallel_loop3A_902 = arith.constant 8 : i32
        %parallel_loop3A_903 = vector.broadcast %parallel_loop3A_902 : i32 to vector<16xi32>
        %parallel_loop3A_904 = arith.addi %parallel_loop3A_877, %parallel_loop3A_903 : vector<16xi32>
        tpu.vector_store_idx %arg11[%parallel_loop3A_904], %parallel_loop3A_536 : memref<9216xi32, #tpu.memory_space<vmem>>[vector<16xi32>], vector<16xi32>,
        %parallel_loop3A_905 = arith.constant 9 : i32
        %parallel_loop3A_906 = vector.broadcast %parallel_loop3A_905 : i32 to vector<16xi32>
        %parallel_loop3A_907 = arith.addi %parallel_loop3A_877, %parallel_loop3A_906 : vector<16xi32>
        tpu.vector_store_idx %arg11[%parallel_loop3A_907], %parallel_loop3A_584 : memref<9216xi32, #tpu.memory_space<vmem>>[vector<16xi32>], vector<16xi32>,
        %parallel_loop3A_908 = arith.constant 10 : i32
        %parallel_loop3A_909 = vector.broadcast %parallel_loop3A_908 : i32 to vector<16xi32>
        %parallel_loop3A_910 = arith.addi %parallel_loop3A_877, %parallel_loop3A_909 : vector<16xi32>
        tpu.vector_store_idx %arg11[%parallel_loop3A_910], %parallel_loop3A_632 : memref<9216xi32, #tpu.memory_space<vmem>>[vector<16xi32>], vector<16xi32>,
        %parallel_loop3A_911 = arith.constant 11 : i32
        %parallel_loop3A_912 = vector.broadcast %parallel_loop3A_911 : i32 to vector<16xi32>
        %parallel_loop3A_913 = arith.addi %parallel_loop3A_877, %parallel_loop3A_912 : vector<16xi32>
        tpu.vector_store_idx %arg11[%parallel_loop3A_913], %parallel_loop3A_680 : memref<9216xi32, #tpu.memory_space<vmem>>[vector<16xi32>], vector<16xi32>,
        %parallel_loop3A_914 = arith.constant 12 : i32
        %parallel_loop3A_915 = vector.broadcast %parallel_loop3A_914 : i32 to vector<16xi32>
        %parallel_loop3A_916 = arith.addi %parallel_loop3A_877, %parallel_loop3A_915 : vector<16xi32>
        tpu.vector_store_idx %arg11[%parallel_loop3A_916], %parallel_loop3A_728 : memref<9216xi32, #tpu.memory_space<vmem>>[vector<16xi32>], vector<16xi32>,
        %parallel_loop3A_917 = arith.constant 13 : i32
        %parallel_loop3A_918 = vector.broadcast %parallel_loop3A_917 : i32 to vector<16xi32>
        %parallel_loop3A_919 = arith.addi %parallel_loop3A_877, %parallel_loop3A_918 : vector<16xi32>
        tpu.vector_store_idx %arg11[%parallel_loop3A_919], %parallel_loop3A_776 : memref<9216xi32, #tpu.memory_space<vmem>>[vector<16xi32>], vector<16xi32>,
        %parallel_loop3A_920 = arith.constant 14 : i32
        %parallel_loop3A_921 = vector.broadcast %parallel_loop3A_920 : i32 to vector<16xi32>
        %parallel_loop3A_922 = arith.addi %parallel_loop3A_877, %parallel_loop3A_921 : vector<16xi32>
        tpu.vector_store_idx %arg11[%parallel_loop3A_922], %parallel_loop3A_824 : memref<9216xi32, #tpu.memory_space<vmem>>[vector<16xi32>], vector<16xi32>,
        %parallel_loop3A_923 = arith.constant 15 : i32
        %parallel_loop3A_924 = vector.broadcast %parallel_loop3A_923 : i32 to vector<16xi32>
        %parallel_loop3A_925 = arith.addi %parallel_loop3A_877, %parallel_loop3A_924 : vector<16xi32>
        tpu.vector_store_idx %arg11[%parallel_loop3A_925], %parallel_loop3A_872 : memref<9216xi32, #tpu.memory_space<vmem>>[vector<16xi32>], vector<16xi32>,
      } {sc.loop_unroll_factor = 2 : i64, sc.parallel_access}
      %mul3A_17 = arith.constant 16 : i32
      %mul3A_18 = arith.muli %add3A_14, %mul3A_17 : i32
      "tpu.region"() ({
        %run_scoped3A = tpu.sem_alloc : memref<!tpu.dma_semaphore, #tpu.memory_space<semaphore_mem>>
        %dma_start3A = tpu.memref_slice %arg6[%mul3A_18] : memref<2359296xi32, #tpu.memory_space<hbm>> -> memref<9216xi32, #tpu.memory_space<hbm>>
        %dma_start3A_19 = tpu.memref_slice %arg6[%mul3A_18] : memref<2359296xi32, #tpu.memory_space<hbm>> -> memref<9216xi32, #tpu.memory_space<hbm>>
        tpu.enqueue_dma source(%arg11 : memref<9216xi32, #tpu.memory_space<vmem>>) target(%dma_start3A_19 : memref<9216xi32, #tpu.memory_space<hbm>>) target_semaphore(%run_scoped3A : memref<!tpu.dma_semaphore, #tpu.memory_space<semaphore_mem>>)
        %dma_wait3A = tpu.memref_slice %arg6[%mul3A_18] : memref<2359296xi32, #tpu.memory_space<hbm>> -> memref<9216xi32, #tpu.memory_space<hbm>>
        %dma_wait3A_20 = tpu.memref_slice %arg6[%mul3A_18] : memref<2359296xi32, #tpu.memory_space<hbm>> -> memref<9216xi32, #tpu.memory_space<hbm>>
        tpu.wait_dma2 semaphore(%run_scoped3A : memref<!tpu.dma_semaphore, #tpu.memory_space<semaphore_mem>>) src(%arg11 : memref<9216xi32, #tpu.memory_space<vmem>>) dst(%dma_wait3A_20 : memref<9216xi32, #tpu.memory_space<hbm>>)
        tpu.yield
      }) : () -> ()
    }
    %scan3A_6 = arith.constant 8 : i32
    return
  }
}

#map = affine_map<(d0, d1) -> (0)>
module attributes {stable_mosaic.version = 14 : i64} {
  func.func @k(%arg0: i32, %arg1: i32, %arg2: memref<147456xi32, #tpu.memory_space<hbm>>, %arg3: memref<147456xi32, #tpu.memory_space<hbm>>, %arg4: memref<147456xi32, #tpu.memory_space<hbm>>, %arg5: memref<56592xi32, #tpu.memory_space<hbm>>, %arg6: memref<2359296xi32, #tpu.memory_space<hbm>>, %arg7: memref<56592xi32, #tpu.memory_space<vmem>>, %arg8: memref<576xi32, #tpu.memory_space<vmem>>, %arg9: memref<576xi32, #tpu.memory_space<vmem>>, %arg10: memref<576xi32, #tpu.memory_space<vmem>>, %arg11: memref<9216xi32, #tpu.memory_space<vmem>>) attributes {dimension_semantics = [#tpu.dimension_semantics<core_parallel>, #tpu.dimension_semantics<subcore_parallel>], iteration_bounds = array<i64: 2, 16>, scalar_prefetch = 0 : i64, scratch_operands = 5 : i64, tpu.core_type = #tpu.core_type<sc_vector_subcore>, window_params = [{transform_indices = #map}, {transform_indices = #map}, {transform_indices = #map}, {transform_indices = #map}, {transform_indices = #map}]} {
    %mul3A = arith.constant 2 : i32
    %mul3A_0 = arith.muli %arg1, %mul3A : i32
    %add3A = arith.addi %mul3A_0, %arg0 : i32
    "tpu.region"() ({
      %run_scoped3A = tpu.sem_alloc : memref<!tpu.dma_semaphore, #tpu.memory_space<semaphore_mem>>
      tpu.enqueue_dma source(%arg5 : memref<56592xi32, #tpu.memory_space<hbm>>) target(%arg7 : memref<56592xi32, #tpu.memory_space<vmem>>) target_semaphore(%run_scoped3A : memref<!tpu.dma_semaphore, #tpu.memory_space<semaphore_mem>>)
      tpu.wait_dma2 semaphore(%run_scoped3A : memref<!tpu.dma_semaphore, #tpu.memory_space<semaphore_mem>>) src(%arg5 : memref<56592xi32, #tpu.memory_space<hbm>>) dst(%arg7 : memref<56592xi32, #tpu.memory_space<vmem>>)
      tpu.yield
    }) : () -> ()
    %mul3A_1 = arith.constant 4608 : i32
    %mul3A_2 = arith.muli %add3A, %mul3A_1 : i32
    %scan3A = arith.constant 0 : i32
    %scan3A_3 = arith.constant 8 : i32
    %scan3A_4 = arith.addi %scan3A, %scan3A_3 : i32
    %scan3A_5 = arith.constant 1 : i32
    scf.for %scan3A_7 = %scan3A to %scan3A_4 step %scan3A_5  : i32 {
      %mul3A_8 = arith.constant 1 : i32
      %mul3A_9 = arith.muli %scan3A_7, %mul3A_8 : i32
      %add3A_10 = arith.constant 0 : i32
      %add3A_11 = arith.addi %add3A_10, %mul3A_9 : i32
      %mul3A_12 = arith.constant 576 : i32
      %mul3A_13 = arith.muli %add3A_11, %mul3A_12 : i32
      %add3A_14 = arith.addi %mul3A_2, %mul3A_13 : i32
      "tpu.region"() ({
        %run_scoped3A = tpu.sem_alloc : memref<!tpu.dma_semaphore, #tpu.memory_space<semaphore_mem>>
        %dma_start3A = tpu.memref_slice %arg2[%add3A_14] : memref<147456xi32, #tpu.memory_space<hbm>> -> memref<576xi32, #tpu.memory_space<hbm>>
        %dma_start3A_19 = tpu.memref_slice %arg2[%add3A_14] : memref<147456xi32, #tpu.memory_space<hbm>> -> memref<576xi32, #tpu.memory_space<hbm>>
        tpu.enqueue_dma source(%dma_start3A_19 : memref<576xi32, #tpu.memory_space<hbm>>) target(%arg8 : memref<576xi32, #tpu.memory_space<vmem>>) target_semaphore(%run_scoped3A : memref<!tpu.dma_semaphore, #tpu.memory_space<semaphore_mem>>)
        %dma_wait3A = tpu.memref_slice %arg2[%add3A_14] : memref<147456xi32, #tpu.memory_space<hbm>> -> memref<576xi32, #tpu.memory_space<hbm>>
        %dma_wait3A_20 = tpu.memref_slice %arg2[%add3A_14] : memref<147456xi32, #tpu.memory_space<hbm>> -> memref<576xi32, #tpu.memory_space<hbm>>
        tpu.wait_dma2 semaphore(%run_scoped3A : memref<!tpu.dma_semaphore, #tpu.memory_space<semaphore_mem>>) src(%dma_wait3A_20 : memref<576xi32, #tpu.memory_space<hbm>>) dst(%arg8 : memref<576xi32, #tpu.memory_space<vmem>>)
        tpu.yield
      }) : () -> ()
      "tpu.region"() ({
        %run_scoped3A = tpu.sem_alloc : memref<!tpu.dma_semaphore, #tpu.memory_space<semaphore_mem>>
        %dma_start3A = tpu.memref_slice %arg3[%add3A_14] : memref<147456xi32, #tpu.memory_space<hbm>> -> memref<576xi32, #tpu.memory_space<hbm>>
        %dma_start3A_19 = tpu.memref_slice %arg3[%add3A_14] : memref<147456xi32, #tpu.memory_space<hbm>> -> memref<576xi32, #tpu.memory_space<hbm>>
        tpu.enqueue_dma source(%dma_start3A_19 : memref<576xi32, #tpu.memory_space<hbm>>) target(%arg9 : memref<576xi32, #tpu.memory_space<vmem>>) target_semaphore(%run_scoped3A : memref<!tpu.dma_semaphore, #tpu.memory_space<semaphore_mem>>)
        %dma_wait3A = tpu.memref_slice %arg3[%add3A_14] : memref<147456xi32, #tpu.memory_space<hbm>> -> memref<576xi32, #tpu.memory_space<hbm>>
        %dma_wait3A_20 = tpu.memref_slice %arg3[%add3A_14] : memref<147456xi32, #tpu.memory_space<hbm>> -> memref<576xi32, #tpu.memory_space<hbm>>
        tpu.wait_dma2 semaphore(%run_scoped3A : memref<!tpu.dma_semaphore, #tpu.memory_space<semaphore_mem>>) src(%dma_wait3A_20 : memref<576xi32, #tpu.memory_space<hbm>>) dst(%arg9 : memref<576xi32, #tpu.memory_space<vmem>>)
        tpu.yield
      }) : () -> ()
      "tpu.region"() ({
        %run_scoped3A = tpu.sem_alloc : memref<!tpu.dma_semaphore, #tpu.memory_space<semaphore_mem>>
        %dma_start3A = tpu.memref_slice %arg4[%add3A_14] : memref<147456xi32, #tpu.memory_space<hbm>> -> memref<576xi32, #tpu.memory_space<hbm>>
        %dma_start3A_19 = tpu.memref_slice %arg4[%add3A_14] : memref<147456xi32, #tpu.memory_space<hbm>> -> memref<576xi32, #tpu.memory_space<hbm>>
        tpu.enqueue_dma source(%dma_start3A_19 : memref<576xi32, #tpu.memory_space<hbm>>) target(%arg10 : memref<576xi32, #tpu.memory_space<vmem>>) target_semaphore(%run_scoped3A : memref<!tpu.dma_semaphore, #tpu.memory_space<semaphore_mem>>)
        %dma_wait3A = tpu.memref_slice %arg4[%add3A_14] : memref<147456xi32, #tpu.memory_space<hbm>> -> memref<576xi32, #tpu.memory_space<hbm>>
        %dma_wait3A_20 = tpu.memref_slice %arg4[%add3A_14] : memref<147456xi32, #tpu.memory_space<hbm>> -> memref<576xi32, #tpu.memory_space<hbm>>
        tpu.wait_dma2 semaphore(%run_scoped3A : memref<!tpu.dma_semaphore, #tpu.memory_space<semaphore_mem>>) src(%dma_wait3A_20 : memref<576xi32, #tpu.memory_space<hbm>>) dst(%arg10 : memref<576xi32, #tpu.memory_space<vmem>>)
        tpu.yield
      }) : () -> ()
      %parallel_loop3A = arith.constant 0 : i32
      %parallel_loop3A_15 = arith.constant 576 : i32
      %parallel_loop3A_16 = arith.constant 16 : i32
      scf.for %parallel_loop3A_19 = %parallel_loop3A to %parallel_loop3A_15 step %parallel_loop3A_16  : i32 {
        %parallel_loop3A_20 = tpu.iota {dimensions = array<i32: 0>} : vector<16xi32>
        %parallel_loop3A_21 = arith.index_cast %parallel_loop3A_19 : i32 to index
        %parallel_loop3A_22 = tpu.vector_load %arg8[%parallel_loop3A_21] {strides = array<i32>} : memref<576xi32, #tpu.memory_space<vmem>>, vector<16xi32>,
        %parallel_loop3A_23 = arith.index_cast %parallel_loop3A_19 : i32 to index
        %parallel_loop3A_24 = tpu.vector_load %arg9[%parallel_loop3A_23] {strides = array<i32>} : memref<576xi32, #tpu.memory_space<vmem>>, vector<16xi32>,
        %parallel_loop3A_25 = arith.index_cast %parallel_loop3A_19 : i32 to index
        %parallel_loop3A_26 = tpu.vector_load %arg10[%parallel_loop3A_25] {strides = array<i32>} : memref<576xi32, #tpu.memory_space<vmem>>, vector<16xi32>,
        %parallel_loop3A_27 = arith.constant 2047 : i32
        %parallel_loop3A_28 = vector.broadcast %parallel_loop3A_27 : i32 to vector<16xi32>
        %parallel_loop3A_29 = arith.andi %parallel_loop3A_22, %parallel_loop3A_28 : vector<16xi32>
        %parallel_loop3A_30 = arith.constant 16 : i32
        %parallel_loop3A_31 = vector.broadcast %parallel_loop3A_30 : i32 to vector<16xi32>
        %parallel_loop3A_32 = arith.muli %parallel_loop3A_29, %parallel_loop3A_31 : vector<16xi32>
        %parallel_loop3A_33 = arith.constant 0 : i32
        %parallel_loop3A_34 = vector.broadcast %parallel_loop3A_33 : i32 to vector<16xi32>
        %parallel_loop3A_35 = arith.addi %parallel_loop3A_32, %parallel_loop3A_34 : vector<16xi32>
        %parallel_loop3A_36 = arith.constant 11 : i32
        %parallel_loop3A_37 = vector.broadcast %parallel_loop3A_36 : i32 to vector<16xi32>
        %parallel_loop3A_38 = arith.shrsi %parallel_loop3A_22, %parallel_loop3A_37 : vector<16xi32>
        %parallel_loop3A_39 = arith.constant 511 : i32
        %parallel_loop3A_40 = vector.broadcast %parallel_loop3A_39 : i32 to vector<16xi32>
        %parallel_loop3A_41 = arith.andi %parallel_loop3A_38, %parallel_loop3A_40 : vector<16xi32>
        %parallel_loop3A_42 = arith.constant 16 : i32
        %parallel_loop3A_43 = vector.broadcast %parallel_loop3A_42 : i32 to vector<16xi32>
        %parallel_loop3A_44 = arith.muli %parallel_loop3A_41, %parallel_loop3A_43 : vector<16xi32>
        %parallel_loop3A_45 = arith.constant 20688 : i32
        %parallel_loop3A_46 = vector.broadcast %parallel_loop3A_45 : i32 to vector<16xi32>
        %parallel_loop3A_47 = arith.addi %parallel_loop3A_44, %parallel_loop3A_46 : vector<16xi32>
        %parallel_loop3A_48 = arith.constant 20 : i32
        %parallel_loop3A_49 = vector.broadcast %parallel_loop3A_48 : i32 to vector<16xi32>
        %parallel_loop3A_50 = arith.shrsi %parallel_loop3A_22, %parallel_loop3A_49 : vector<16xi32>
        %parallel_loop3A_51 = arith.constant 16 : i32
        %parallel_loop3A_52 = vector.broadcast %parallel_loop3A_51 : i32 to vector<16xi32>
        %parallel_loop3A_53 = arith.muli %parallel_loop3A_50, %parallel_loop3A_52 : vector<16xi32>
        %parallel_loop3A_54 = arith.constant 28160 : i32
        %parallel_loop3A_55 = vector.broadcast %parallel_loop3A_54 : i32 to vector<16xi32>
        %parallel_loop3A_56 = arith.addi %parallel_loop3A_53, %parallel_loop3A_55 : vector<16xi32>
        %parallel_loop3A_57 = arith.constant 10 : i32
        %parallel_loop3A_58 = vector.broadcast %parallel_loop3A_57 : i32 to vector<16xi32>
        %parallel_loop3A_59 = arith.shrsi %parallel_loop3A_26, %parallel_loop3A_58 : vector<16xi32>
        %parallel_loop3A_60 = arith.constant 16 : i32
        %parallel_loop3A_61 = vector.broadcast %parallel_loop3A_60 : i32 to vector<16xi32>
        %parallel_loop3A_62 = arith.muli %parallel_loop3A_59, %parallel_loop3A_61 : vector<16xi32>
        %parallel_loop3A_63 = arith.constant 33136 : i32
        %parallel_loop3A_64 = vector.broadcast %parallel_loop3A_63 : i32 to vector<16xi32>
        %parallel_loop3A_65 = arith.addi %parallel_loop3A_62, %parallel_loop3A_64 : vector<16xi32>
        %parallel_loop3A_66 = arith.constant 1023 : i32
        %parallel_loop3A_67 = vector.broadcast %parallel_loop3A_66 : i32 to vector<16xi32>
        %parallel_loop3A_68 = arith.andi %parallel_loop3A_24, %parallel_loop3A_67 : vector<16xi32>
        %parallel_loop3A_69 = arith.constant 16 : i32
        %parallel_loop3A_70 = vector.broadcast %parallel_loop3A_69 : i32 to vector<16xi32>
        %parallel_loop3A_71 = arith.muli %parallel_loop3A_68, %parallel_loop3A_70 : vector<16xi32>
        %parallel_loop3A_72 = arith.constant 41840 : i32
        %parallel_loop3A_73 = vector.broadcast %parallel_loop3A_72 : i32 to vector<16xi32>
        %parallel_loop3A_74 = arith.addi %parallel_loop3A_71, %parallel_loop3A_73 : vector<16xi32>
        %parallel_loop3A_75 = arith.constant 10 : i32
        %parallel_loop3A_76 = vector.broadcast %parallel_loop3A_75 : i32 to vector<16xi32>
        %parallel_loop3A_77 = arith.shrsi %parallel_loop3A_24, %parallel_loop3A_76 : vector<16xi32>
        %parallel_loop3A_78 = arith.constant 1023 : i32
        %parallel_loop3A_79 = vector.broadcast %parallel_loop3A_78 : i32 to vector<16xi32>
        %parallel_loop3A_80 = arith.andi %parallel_loop3A_77, %parallel_loop3A_79 : vector<16xi32>
        %parallel_loop3A_81 = arith.constant 16 : i32
        %parallel_loop3A_82 = vector.broadcast %parallel_loop3A_81 : i32 to vector<16xi32>
        %parallel_loop3A_83 = arith.muli %parallel_loop3A_80, %parallel_loop3A_82 : vector<16xi32>
        %parallel_loop3A_84 = arith.constant 41840 : i32
        %parallel_loop3A_85 = vector.broadcast %parallel_loop3A_84 : i32 to vector<16xi32>
        %parallel_loop3A_86 = arith.addi %parallel_loop3A_83, %parallel_loop3A_85 : vector<16xi32>
        %parallel_loop3A_87 = arith.constant 20 : i32
        %parallel_loop3A_88 = vector.broadcast %parallel_loop3A_87 : i32 to vector<16xi32>
        %parallel_loop3A_89 = arith.shrsi %parallel_loop3A_24, %parallel_loop3A_88 : vector<16xi32>
        %parallel_loop3A_90 = arith.constant 16 : i32
        %parallel_loop3A_91 = vector.broadcast %parallel_loop3A_90 : i32 to vector<16xi32>
        %parallel_loop3A_92 = arith.muli %parallel_loop3A_89, %parallel_loop3A_91 : vector<16xi32>
        %parallel_loop3A_93 = arith.constant 41840 : i32
        %parallel_loop3A_94 = vector.broadcast %parallel_loop3A_93 : i32 to vector<16xi32>
        %parallel_loop3A_95 = arith.addi %parallel_loop3A_92, %parallel_loop3A_94 : vector<16xi32>
        %parallel_loop3A_96 = arith.constant 1023 : i32
        %parallel_loop3A_97 = vector.broadcast %parallel_loop3A_96 : i32 to vector<16xi32>
        %parallel_loop3A_98 = arith.andi %parallel_loop3A_26, %parallel_loop3A_97 : vector<16xi32>
        %parallel_loop3A_99 = arith.constant 16 : i32
        %parallel_loop3A_100 = vector.broadcast %parallel_loop3A_99 : i32 to vector<16xi32>
        %parallel_loop3A_101 = arith.muli %parallel_loop3A_98, %parallel_loop3A_100 : vector<16xi32>
        %parallel_loop3A_102 = arith.constant 41840 : i32
        %parallel_loop3A_103 = vector.broadcast %parallel_loop3A_102 : i32 to vector<16xi32>
        %parallel_loop3A_104 = arith.addi %parallel_loop3A_101, %parallel_loop3A_103 : vector<16xi32>
        %parallel_loop3A_105 = arith.constant 0 : i32
        %parallel_loop3A_106 = vector.broadcast %parallel_loop3A_105 : i32 to vector<16xi32>
        %parallel_loop3A_107 = arith.addi %parallel_loop3A_35, %parallel_loop3A_106 : vector<16xi32>
        %parallel_loop3A_108 = tpu.vector_load_idx %arg7[%parallel_loop3A_107] : memref<56592xi32, #tpu.memory_space<vmem>>[vector<16xi32>], vector<16xi32>,
        %parallel_loop3A_109 = vector.bitcast %parallel_loop3A_108 : vector<16xi32> to vector<32xbf16>
        %parallel_loop3A_110 = arith.constant 0 : i32
        %parallel_loop3A_111 = vector.broadcast %parallel_loop3A_110 : i32 to vector<16xi32>
        %parallel_loop3A_112 = arith.addi %parallel_loop3A_47, %parallel_loop3A_111 : vector<16xi32>
        %parallel_loop3A_113 = tpu.vector_load_idx %arg7[%parallel_loop3A_112] : memref<56592xi32, #tpu.memory_space<vmem>>[vector<16xi32>], vector<16xi32>,
        %parallel_loop3A_114 = vector.bitcast %parallel_loop3A_113 : vector<16xi32> to vector<32xbf16>
        %parallel_loop3A_115 = arith.addf %parallel_loop3A_109, %parallel_loop3A_114 : vector<32xbf16>
        %parallel_loop3A_116 = arith.constant 0 : i32
        %parallel_loop3A_117 = vector.broadcast %parallel_loop3A_116 : i32 to vector<16xi32>
        %parallel_loop3A_118 = arith.addi %parallel_loop3A_56, %parallel_loop3A_117 : vector<16xi32>
        %parallel_loop3A_119 = tpu.vector_load_idx %arg7[%parallel_loop3A_118] : memref<56592xi32, #tpu.memory_space<vmem>>[vector<16xi32>], vector<16xi32>,
        %parallel_loop3A_120 = vector.bitcast %parallel_loop3A_119 : vector<16xi32> to vector<32xbf16>
        %parallel_loop3A_121 = arith.addf %parallel_loop3A_115, %parallel_loop3A_120 : vector<32xbf16>
        %parallel_loop3A_122 = arith.constant 0 : i32
        %parallel_loop3A_123 = vector.broadcast %parallel_loop3A_122 : i32 to vector<16xi32>
        %parallel_loop3A_124 = arith.addi %parallel_loop3A_65, %parallel_loop3A_123 : vector<16xi32>
        %parallel_loop3A_125 = tpu.vector_load_idx %arg7[%parallel_loop3A_124] : memref<56592xi32, #tpu.memory_space<vmem>>[vector<16xi32>], vector<16xi32>,
        %parallel_loop3A_126 = vector.bitcast %parallel_loop3A_125 : vector<16xi32> to vector<32xbf16>
        %parallel_loop3A_127 = arith.addf %parallel_loop3A_121, %parallel_loop3A_126 : vector<32xbf16>
        %parallel_loop3A_128 = arith.constant 0 : i32
        %parallel_loop3A_129 = vector.broadcast %parallel_loop3A_128 : i32 to vector<16xi32>
        %parallel_loop3A_130 = arith.addi %parallel_loop3A_74, %parallel_loop3A_129 : vector<16xi32>
        %parallel_loop3A_131 = tpu.vector_load_idx %arg7[%parallel_loop3A_130] : memref<56592xi32, #tpu.memory_space<vmem>>[vector<16xi32>], vector<16xi32>,
        %parallel_loop3A_132 = vector.bitcast %parallel_loop3A_131 : vector<16xi32> to vector<32xbf16>
        %parallel_loop3A_133 = arith.addf %parallel_loop3A_127, %parallel_loop3A_132 : vector<32xbf16>
        %parallel_loop3A_134 = arith.constant 0 : i32
        %parallel_loop3A_135 = vector.broadcast %parallel_loop3A_134 : i32 to vector<16xi32>
        %parallel_loop3A_136 = arith.addi %parallel_loop3A_86, %parallel_loop3A_135 : vector<16xi32>
        %parallel_loop3A_137 = tpu.vector_load_idx %arg7[%parallel_loop3A_136] : memref<56592xi32, #tpu.memory_space<vmem>>[vector<16xi32>], vector<16xi32>,
        %parallel_loop3A_138 = vector.bitcast %parallel_loop3A_137 : vector<16xi32> to vector<32xbf16>
        %parallel_loop3A_139 = arith.addf %parallel_loop3A_133, %parallel_loop3A_138 : vector<32xbf16>
        %parallel_loop3A_140 = arith.constant 0 : i32
        %parallel_loop3A_141 = vector.broadcast %parallel_loop3A_140 : i32 to vector<16xi32>
        %parallel_loop3A_142 = arith.addi %parallel_loop3A_95, %parallel_loop3A_141 : vector<16xi32>
        %parallel_loop3A_143 = tpu.vector_load_idx %arg7[%parallel_loop3A_142] : memref<56592xi32, #tpu.memory_space<vmem>>[vector<16xi32>], vector<16xi32>,
        %parallel_loop3A_144 = vector.bitcast %parallel_loop3A_143 : vector<16xi32> to vector<32xbf16>
        %parallel_loop3A_145 = arith.addf %parallel_loop3A_139, %parallel_loop3A_144 : vector<32xbf16>
        %parallel_loop3A_146 = arith.constant 0 : i32
        %parallel_loop3A_147 = vector.broadcast %parallel_loop3A_146 : i32 to vector<16xi32>
        %parallel_loop3A_148 = arith.addi %parallel_loop3A_104, %parallel_loop3A_147 : vector<16xi32>
        %parallel_loop3A_149 = tpu.vector_load_idx %arg7[%parallel_loop3A_148] : memref<56592xi32, #tpu.memory_space<vmem>>[vector<16xi32>], vector<16xi32>,
        %parallel_loop3A_150 = vector.bitcast %parallel_loop3A_149 : vector<16xi32> to vector<32xbf16>
        %parallel_loop3A_151 = arith.addf %parallel_loop3A_145, %parallel_loop3A_150 : vector<32xbf16>
        %parallel_loop3A_152 = vector.bitcast %parallel_loop3A_151 : vector<32xbf16> to vector<16xi32>
        %parallel_loop3A_153 = arith.constant 1 : i32
        %parallel_loop3A_154 = vector.broadcast %parallel_loop3A_153 : i32 to vector<16xi32>
        %parallel_loop3A_155 = arith.addi %parallel_loop3A_35, %parallel_loop3A_154 : vector<16xi32>
        %parallel_loop3A_156 = tpu.vector_load_idx %arg7[%parallel_loop3A_155] : memref<56592xi32, #tpu.memory_space<vmem>>[vector<16xi32>], vector<16xi32>,
        %parallel_loop3A_157 = vector.bitcast %parallel_loop3A_156 : vector<16xi32> to vector<32xbf16>
        %parallel_loop3A_158 = arith.constant 1 : i32
        %parallel_loop3A_159 = vector.broadcast %parallel_loop3A_158 : i32 to vector<16xi32>
        %parallel_loop3A_160 = arith.addi %parallel_loop3A_47, %parallel_loop3A_159 : vector<16xi32>
        %parallel_loop3A_161 = tpu.vector_load_idx %arg7[%parallel_loop3A_160] : memref<56592xi32, #tpu.memory_space<vmem>>[vector<16xi32>], vector<16xi32>,
        %parallel_loop3A_162 = vector.bitcast %parallel_loop3A_161 : vector<16xi32> to vector<32xbf16>
        %parallel_loop3A_163 = arith.addf %parallel_loop3A_157, %parallel_loop3A_162 : vector<32xbf16>
        %parallel_loop3A_164 = arith.constant 1 : i32
        %parallel_loop3A_165 = vector.broadcast %parallel_loop3A_164 : i32 to vector<16xi32>
        %parallel_loop3A_166 = arith.addi %parallel_loop3A_56, %parallel_loop3A_165 : vector<16xi32>
        %parallel_loop3A_167 = tpu.vector_load_idx %arg7[%parallel_loop3A_166] : memref<56592xi32, #tpu.memory_space<vmem>>[vector<16xi32>], vector<16xi32>,
        %parallel_loop3A_168 = vector.bitcast %parallel_loop3A_167 : vector<16xi32> to vector<32xbf16>
        %parallel_loop3A_169 = arith.addf %parallel_loop3A_163, %parallel_loop3A_168 : vector<32xbf16>
        %parallel_loop3A_170 = arith.constant 1 : i32
        %parallel_loop3A_171 = vector.broadcast %parallel_loop3A_170 : i32 to vector<16xi32>
        %parallel_loop3A_172 = arith.addi %parallel_loop3A_65, %parallel_loop3A_171 : vector<16xi32>
        %parallel_loop3A_173 = tpu.vector_load_idx %arg7[%parallel_loop3A_172] : memref<56592xi32, #tpu.memory_space<vmem>>[vector<16xi32>], vector<16xi32>,
        %parallel_loop3A_174 = vector.bitcast %parallel_loop3A_173 : vector<16xi32> to vector<32xbf16>
        %parallel_loop3A_175 = arith.addf %parallel_loop3A_169, %parallel_loop3A_174 : vector<32xbf16>
        %parallel_loop3A_176 = arith.constant 1 : i32
        %parallel_loop3A_177 = vector.broadcast %parallel_loop3A_176 : i32 to vector<16xi32>
        %parallel_loop3A_178 = arith.addi %parallel_loop3A_74, %parallel_loop3A_177 : vector<16xi32>
        %parallel_loop3A_179 = tpu.vector_load_idx %arg7[%parallel_loop3A_178] : memref<56592xi32, #tpu.memory_space<vmem>>[vector<16xi32>], vector<16xi32>,
        %parallel_loop3A_180 = vector.bitcast %parallel_loop3A_179 : vector<16xi32> to vector<32xbf16>
        %parallel_loop3A_181 = arith.addf %parallel_loop3A_175, %parallel_loop3A_180 : vector<32xbf16>
        %parallel_loop3A_182 = arith.constant 1 : i32
        %parallel_loop3A_183 = vector.broadcast %parallel_loop3A_182 : i32 to vector<16xi32>
        %parallel_loop3A_184 = arith.addi %parallel_loop3A_86, %parallel_loop3A_183 : vector<16xi32>
        %parallel_loop3A_185 = tpu.vector_load_idx %arg7[%parallel_loop3A_184] : memref<56592xi32, #tpu.memory_space<vmem>>[vector<16xi32>], vector<16xi32>,
        %parallel_loop3A_186 = vector.bitcast %parallel_loop3A_185 : vector<16xi32> to vector<32xbf16>
        %parallel_loop3A_187 = arith.addf %parallel_loop3A_181, %parallel_loop3A_186 : vector<32xbf16>
        %parallel_loop3A_188 = arith.constant 1 : i32
        %parallel_loop3A_189 = vector.broadcast %parallel_loop3A_188 : i32 to vector<16xi32>
        %parallel_loop3A_190 = arith.addi %parallel_loop3A_95, %parallel_loop3A_189 : vector<16xi32>
        %parallel_loop3A_191 = tpu.vector_load_idx %arg7[%parallel_loop3A_190] : memref<56592xi32, #tpu.memory_space<vmem>>[vector<16xi32>], vector<16xi32>,
        %parallel_loop3A_192 = vector.bitcast %parallel_loop3A_191 : vector<16xi32> to vector<32xbf16>
        %parallel_loop3A_193 = arith.addf %parallel_loop3A_187, %parallel_loop3A_192 : vector<32xbf16>
        %parallel_loop3A_194 = arith.constant 1 : i32
        %parallel_loop3A_195 = vector.broadcast %parallel_loop3A_194 : i32 to vector<16xi32>
        %parallel_loop3A_196 = arith.addi %parallel_loop3A_104, %parallel_loop3A_195 : vector<16xi32>
        %parallel_loop3A_197 = tpu.vector_load_idx %arg7[%parallel_loop3A_196] : memref<56592xi32, #tpu.memory_space<vmem>>[vector<16xi32>], vector<16xi32>,
        %parallel_loop3A_198 = vector.bitcast %parallel_loop3A_197 : vector<16xi32> to vector<32xbf16>
        %parallel_loop3A_199 = arith.addf %parallel_loop3A_193, %parallel_loop3A_198 : vector<32xbf16>
        %parallel_loop3A_200 = vector.bitcast %parallel_loop3A_199 : vector<32xbf16> to vector<16xi32>
        %parallel_loop3A_201 = arith.constant 2 : i32
        %parallel_loop3A_202 = vector.broadcast %parallel_loop3A_201 : i32 to vector<16xi32>
        %parallel_loop3A_203 = arith.addi %parallel_loop3A_35, %parallel_loop3A_202 : vector<16xi32>
        %parallel_loop3A_204 = tpu.vector_load_idx %arg7[%parallel_loop3A_203] : memref<56592xi32, #tpu.memory_space<vmem>>[vector<16xi32>], vector<16xi32>,
        %parallel_loop3A_205 = vector.bitcast %parallel_loop3A_204 : vector<16xi32> to vector<32xbf16>
        %parallel_loop3A_206 = arith.constant 2 : i32
        %parallel_loop3A_207 = vector.broadcast %parallel_loop3A_206 : i32 to vector<16xi32>
        %parallel_loop3A_208 = arith.addi %parallel_loop3A_47, %parallel_loop3A_207 : vector<16xi32>
        %parallel_loop3A_209 = tpu.vector_load_idx %arg7[%parallel_loop3A_208] : memref<56592xi32, #tpu.memory_space<vmem>>[vector<16xi32>], vector<16xi32>,
        %parallel_loop3A_210 = vector.bitcast %parallel_loop3A_209 : vector<16xi32> to vector<32xbf16>
        %parallel_loop3A_211 = arith.addf %parallel_loop3A_205, %parallel_loop3A_210 : vector<32xbf16>
        %parallel_loop3A_212 = arith.constant 2 : i32
        %parallel_loop3A_213 = vector.broadcast %parallel_loop3A_212 : i32 to vector<16xi32>
        %parallel_loop3A_214 = arith.addi %parallel_loop3A_56, %parallel_loop3A_213 : vector<16xi32>
        %parallel_loop3A_215 = tpu.vector_load_idx %arg7[%parallel_loop3A_214] : memref<56592xi32, #tpu.memory_space<vmem>>[vector<16xi32>], vector<16xi32>,
        %parallel_loop3A_216 = vector.bitcast %parallel_loop3A_215 : vector<16xi32> to vector<32xbf16>
        %parallel_loop3A_217 = arith.addf %parallel_loop3A_211, %parallel_loop3A_216 : vector<32xbf16>
        %parallel_loop3A_218 = arith.constant 2 : i32
        %parallel_loop3A_219 = vector.broadcast %parallel_loop3A_218 : i32 to vector<16xi32>
        %parallel_loop3A_220 = arith.addi %parallel_loop3A_65, %parallel_loop3A_219 : vector<16xi32>
        %parallel_loop3A_221 = tpu.vector_load_idx %arg7[%parallel_loop3A_220] : memref<56592xi32, #tpu.memory_space<vmem>>[vector<16xi32>], vector<16xi32>,
        %parallel_loop3A_222 = vector.bitcast %parallel_loop3A_221 : vector<16xi32> to vector<32xbf16>
        %parallel_loop3A_223 = arith.addf %parallel_loop3A_217, %parallel_loop3A_222 : vector<32xbf16>
        %parallel_loop3A_224 = arith.constant 2 : i32
        %parallel_loop3A_225 = vector.broadcast %parallel_loop3A_224 : i32 to vector<16xi32>
        %parallel_loop3A_226 = arith.addi %parallel_loop3A_74, %parallel_loop3A_225 : vector<16xi32>
        %parallel_loop3A_227 = tpu.vector_load_idx %arg7[%parallel_loop3A_226] : memref<56592xi32, #tpu.memory_space<vmem>>[vector<16xi32>], vector<16xi32>,
        %parallel_loop3A_228 = vector.bitcast %parallel_loop3A_227 : vector<16xi32> to vector<32xbf16>
        %parallel_loop3A_229 = arith.addf %parallel_loop3A_223, %parallel_loop3A_228 : vector<32xbf16>
        %parallel_loop3A_230 = arith.constant 2 : i32
        %parallel_loop3A_231 = vector.broadcast %parallel_loop3A_230 : i32 to vector<16xi32>
        %parallel_loop3A_232 = arith.addi %parallel_loop3A_86, %parallel_loop3A_231 : vector<16xi32>
        %parallel_loop3A_233 = tpu.vector_load_idx %arg7[%parallel_loop3A_232] : memref<56592xi32, #tpu.memory_space<vmem>>[vector<16xi32>], vector<16xi32>,
        %parallel_loop3A_234 = vector.bitcast %parallel_loop3A_233 : vector<16xi32> to vector<32xbf16>
        %parallel_loop3A_235 = arith.addf %parallel_loop3A_229, %parallel_loop3A_234 : vector<32xbf16>
        %parallel_loop3A_236 = arith.constant 2 : i32
        %parallel_loop3A_237 = vector.broadcast %parallel_loop3A_236 : i32 to vector<16xi32>
        %parallel_loop3A_238 = arith.addi %parallel_loop3A_95, %parallel_loop3A_237 : vector<16xi32>
        %parallel_loop3A_239 = tpu.vector_load_idx %arg7[%parallel_loop3A_238] : memref<56592xi32, #tpu.memory_space<vmem>>[vector<16xi32>], vector<16xi32>,
        %parallel_loop3A_240 = vector.bitcast %parallel_loop3A_239 : vector<16xi32> to vector<32xbf16>
        %parallel_loop3A_241 = arith.addf %parallel_loop3A_235, %parallel_loop3A_240 : vector<32xbf16>
        %parallel_loop3A_242 = arith.constant 2 : i32
        %parallel_loop3A_243 = vector.broadcast %parallel_loop3A_242 : i32 to vector<16xi32>
        %parallel_loop3A_244 = arith.addi %parallel_loop3A_104, %parallel_loop3A_243 : vector<16xi32>
        %parallel_loop3A_245 = tpu.vector_load_idx %arg7[%parallel_loop3A_244] : memref<56592xi32, #tpu.memory_space<vmem>>[vector<16xi32>], vector<16xi32>,
        %parallel_loop3A_246 = vector.bitcast %parallel_loop3A_245 : vector<16xi32> to vector<32xbf16>
        %parallel_loop3A_247 = arith.addf %parallel_loop3A_241, %parallel_loop3A_246 : vector<32xbf16>
        %parallel_loop3A_248 = vector.bitcast %parallel_loop3A_247 : vector<32xbf16> to vector<16xi32>
        %parallel_loop3A_249 = arith.constant 3 : i32
        %parallel_loop3A_250 = vector.broadcast %parallel_loop3A_249 : i32 to vector<16xi32>
        %parallel_loop3A_251 = arith.addi %parallel_loop3A_35, %parallel_loop3A_250 : vector<16xi32>
        %parallel_loop3A_252 = tpu.vector_load_idx %arg7[%parallel_loop3A_251] : memref<56592xi32, #tpu.memory_space<vmem>>[vector<16xi32>], vector<16xi32>,
        %parallel_loop3A_253 = vector.bitcast %parallel_loop3A_252 : vector<16xi32> to vector<32xbf16>
        %parallel_loop3A_254 = arith.constant 3 : i32
        %parallel_loop3A_255 = vector.broadcast %parallel_loop3A_254 : i32 to vector<16xi32>
        %parallel_loop3A_256 = arith.addi %parallel_loop3A_47, %parallel_loop3A_255 : vector<16xi32>
        %parallel_loop3A_257 = tpu.vector_load_idx %arg7[%parallel_loop3A_256] : memref<56592xi32, #tpu.memory_space<vmem>>[vector<16xi32>], vector<16xi32>,
        %parallel_loop3A_258 = vector.bitcast %parallel_loop3A_257 : vector<16xi32> to vector<32xbf16>
        %parallel_loop3A_259 = arith.addf %parallel_loop3A_253, %parallel_loop3A_258 : vector<32xbf16>
        %parallel_loop3A_260 = arith.constant 3 : i32
        %parallel_loop3A_261 = vector.broadcast %parallel_loop3A_260 : i32 to vector<16xi32>
        %parallel_loop3A_262 = arith.addi %parallel_loop3A_56, %parallel_loop3A_261 : vector<16xi32>
        %parallel_loop3A_263 = tpu.vector_load_idx %arg7[%parallel_loop3A_262] : memref<56592xi32, #tpu.memory_space<vmem>>[vector<16xi32>], vector<16xi32>,
        %parallel_loop3A_264 = vector.bitcast %parallel_loop3A_263 : vector<16xi32> to vector<32xbf16>
        %parallel_loop3A_265 = arith.addf %parallel_loop3A_259, %parallel_loop3A_264 : vector<32xbf16>
        %parallel_loop3A_266 = arith.constant 3 : i32
        %parallel_loop3A_267 = vector.broadcast %parallel_loop3A_266 : i32 to vector<16xi32>
        %parallel_loop3A_268 = arith.addi %parallel_loop3A_65, %parallel_loop3A_267 : vector<16xi32>
        %parallel_loop3A_269 = tpu.vector_load_idx %arg7[%parallel_loop3A_268] : memref<56592xi32, #tpu.memory_space<vmem>>[vector<16xi32>], vector<16xi32>,
        %parallel_loop3A_270 = vector.bitcast %parallel_loop3A_269 : vector<16xi32> to vector<32xbf16>
        %parallel_loop3A_271 = arith.addf %parallel_loop3A_265, %parallel_loop3A_270 : vector<32xbf16>
        %parallel_loop3A_272 = arith.constant 3 : i32
        %parallel_loop3A_273 = vector.broadcast %parallel_loop3A_272 : i32 to vector<16xi32>
        %parallel_loop3A_274 = arith.addi %parallel_loop3A_74, %parallel_loop3A_273 : vector<16xi32>
        %parallel_loop3A_275 = tpu.vector_load_idx %arg7[%parallel_loop3A_274] : memref<56592xi32, #tpu.memory_space<vmem>>[vector<16xi32>], vector<16xi32>,
        %parallel_loop3A_276 = vector.bitcast %parallel_loop3A_275 : vector<16xi32> to vector<32xbf16>
        %parallel_loop3A_277 = arith.addf %parallel_loop3A_271, %parallel_loop3A_276 : vector<32xbf16>
        %parallel_loop3A_278 = arith.constant 3 : i32
        %parallel_loop3A_279 = vector.broadcast %parallel_loop3A_278 : i32 to vector<16xi32>
        %parallel_loop3A_280 = arith.addi %parallel_loop3A_86, %parallel_loop3A_279 : vector<16xi32>
        %parallel_loop3A_281 = tpu.vector_load_idx %arg7[%parallel_loop3A_280] : memref<56592xi32, #tpu.memory_space<vmem>>[vector<16xi32>], vector<16xi32>,
        %parallel_loop3A_282 = vector.bitcast %parallel_loop3A_281 : vector<16xi32> to vector<32xbf16>
        %parallel_loop3A_283 = arith.addf %parallel_loop3A_277, %parallel_loop3A_282 : vector<32xbf16>
        %parallel_loop3A_284 = arith.constant 3 : i32
        %parallel_loop3A_285 = vector.broadcast %parallel_loop3A_284 : i32 to vector<16xi32>
        %parallel_loop3A_286 = arith.addi %parallel_loop3A_95, %parallel_loop3A_285 : vector<16xi32>
        %parallel_loop3A_287 = tpu.vector_load_idx %arg7[%parallel_loop3A_286] : memref<56592xi32, #tpu.memory_space<vmem>>[vector<16xi32>], vector<16xi32>,
        %parallel_loop3A_288 = vector.bitcast %parallel_loop3A_287 : vector<16xi32> to vector<32xbf16>
        %parallel_loop3A_289 = arith.addf %parallel_loop3A_283, %parallel_loop3A_288 : vector<32xbf16>
        %parallel_loop3A_290 = arith.constant 3 : i32
        %parallel_loop3A_291 = vector.broadcast %parallel_loop3A_290 : i32 to vector<16xi32>
        %parallel_loop3A_292 = arith.addi %parallel_loop3A_104, %parallel_loop3A_291 : vector<16xi32>
        %parallel_loop3A_293 = tpu.vector_load_idx %arg7[%parallel_loop3A_292] : memref<56592xi32, #tpu.memory_space<vmem>>[vector<16xi32>], vector<16xi32>,
        %parallel_loop3A_294 = vector.bitcast %parallel_loop3A_293 : vector<16xi32> to vector<32xbf16>
        %parallel_loop3A_295 = arith.addf %parallel_loop3A_289, %parallel_loop3A_294 : vector<32xbf16>
        %parallel_loop3A_296 = vector.bitcast %parallel_loop3A_295 : vector<32xbf16> to vector<16xi32>
        %parallel_loop3A_297 = arith.constant 4 : i32
        %parallel_loop3A_298 = vector.broadcast %parallel_loop3A_297 : i32 to vector<16xi32>
        %parallel_loop3A_299 = arith.addi %parallel_loop3A_35, %parallel_loop3A_298 : vector<16xi32>
        %parallel_loop3A_300 = tpu.vector_load_idx %arg7[%parallel_loop3A_299] : memref<56592xi32, #tpu.memory_space<vmem>>[vector<16xi32>], vector<16xi32>,
        %parallel_loop3A_301 = vector.bitcast %parallel_loop3A_300 : vector<16xi32> to vector<32xbf16>
        %parallel_loop3A_302 = arith.constant 4 : i32
        %parallel_loop3A_303 = vector.broadcast %parallel_loop3A_302 : i32 to vector<16xi32>
        %parallel_loop3A_304 = arith.addi %parallel_loop3A_47, %parallel_loop3A_303 : vector<16xi32>
        %parallel_loop3A_305 = tpu.vector_load_idx %arg7[%parallel_loop3A_304] : memref<56592xi32, #tpu.memory_space<vmem>>[vector<16xi32>], vector<16xi32>,
        %parallel_loop3A_306 = vector.bitcast %parallel_loop3A_305 : vector<16xi32> to vector<32xbf16>
        %parallel_loop3A_307 = arith.addf %parallel_loop3A_301, %parallel_loop3A_306 : vector<32xbf16>
        %parallel_loop3A_308 = arith.constant 4 : i32
        %parallel_loop3A_309 = vector.broadcast %parallel_loop3A_308 : i32 to vector<16xi32>
        %parallel_loop3A_310 = arith.addi %parallel_loop3A_56, %parallel_loop3A_309 : vector<16xi32>
        %parallel_loop3A_311 = tpu.vector_load_idx %arg7[%parallel_loop3A_310] : memref<56592xi32, #tpu.memory_space<vmem>>[vector<16xi32>], vector<16xi32>,
        %parallel_loop3A_312 = vector.bitcast %parallel_loop3A_311 : vector<16xi32> to vector<32xbf16>
        %parallel_loop3A_313 = arith.addf %parallel_loop3A_307, %parallel_loop3A_312 : vector<32xbf16>
        %parallel_loop3A_314 = arith.constant 4 : i32
        %parallel_loop3A_315 = vector.broadcast %parallel_loop3A_314 : i32 to vector<16xi32>
        %parallel_loop3A_316 = arith.addi %parallel_loop3A_65, %parallel_loop3A_315 : vector<16xi32>
        %parallel_loop3A_317 = tpu.vector_load_idx %arg7[%parallel_loop3A_316] : memref<56592xi32, #tpu.memory_space<vmem>>[vector<16xi32>], vector<16xi32>,
        %parallel_loop3A_318 = vector.bitcast %parallel_loop3A_317 : vector<16xi32> to vector<32xbf16>
        %parallel_loop3A_319 = arith.addf %parallel_loop3A_313, %parallel_loop3A_318 : vector<32xbf16>
        %parallel_loop3A_320 = arith.constant 4 : i32
        %parallel_loop3A_321 = vector.broadcast %parallel_loop3A_320 : i32 to vector<16xi32>
        %parallel_loop3A_322 = arith.addi %parallel_loop3A_74, %parallel_loop3A_321 : vector<16xi32>
        %parallel_loop3A_323 = tpu.vector_load_idx %arg7[%parallel_loop3A_322] : memref<56592xi32, #tpu.memory_space<vmem>>[vector<16xi32>], vector<16xi32>,
        %parallel_loop3A_324 = vector.bitcast %parallel_loop3A_323 : vector<16xi32> to vector<32xbf16>
        %parallel_loop3A_325 = arith.addf %parallel_loop3A_319, %parallel_loop3A_324 : vector<32xbf16>
        %parallel_loop3A_326 = arith.constant 4 : i32
        %parallel_loop3A_327 = vector.broadcast %parallel_loop3A_326 : i32 to vector<16xi32>
        %parallel_loop3A_328 = arith.addi %parallel_loop3A_86, %parallel_loop3A_327 : vector<16xi32>
        %parallel_loop3A_329 = tpu.vector_load_idx %arg7[%parallel_loop3A_328] : memref<56592xi32, #tpu.memory_space<vmem>>[vector<16xi32>], vector<16xi32>,
        %parallel_loop3A_330 = vector.bitcast %parallel_loop3A_329 : vector<16xi32> to vector<32xbf16>
        %parallel_loop3A_331 = arith.addf %parallel_loop3A_325, %parallel_loop3A_330 : vector<32xbf16>
        %parallel_loop3A_332 = arith.constant 4 : i32
        %parallel_loop3A_333 = vector.broadcast %parallel_loop3A_332 : i32 to vector<16xi32>
        %parallel_loop3A_334 = arith.addi %parallel_loop3A_95, %parallel_loop3A_333 : vector<16xi32>
        %parallel_loop3A_335 = tpu.vector_load_idx %arg7[%parallel_loop3A_334] : memref<56592xi32, #tpu.memory_space<vmem>>[vector<16xi32>], vector<16xi32>,
        %parallel_loop3A_336 = vector.bitcast %parallel_loop3A_335 : vector<16xi32> to vector<32xbf16>
        %parallel_loop3A_337 = arith.addf %parallel_loop3A_331, %parallel_loop3A_336 : vector<32xbf16>
        %parallel_loop3A_338 = arith.constant 4 : i32
        %parallel_loop3A_339 = vector.broadcast %parallel_loop3A_338 : i32 to vector<16xi32>
        %parallel_loop3A_340 = arith.addi %parallel_loop3A_104, %parallel_loop3A_339 : vector<16xi32>
        %parallel_loop3A_341 = tpu.vector_load_idx %arg7[%parallel_loop3A_340] : memref<56592xi32, #tpu.memory_space<vmem>>[vector<16xi32>], vector<16xi32>,
        %parallel_loop3A_342 = vector.bitcast %parallel_loop3A_341 : vector<16xi32> to vector<32xbf16>
        %parallel_loop3A_343 = arith.addf %parallel_loop3A_337, %parallel_loop3A_342 : vector<32xbf16>
        %parallel_loop3A_344 = vector.bitcast %parallel_loop3A_343 : vector<32xbf16> to vector<16xi32>
        %parallel_loop3A_345 = arith.constant 5 : i32
        %parallel_loop3A_346 = vector.broadcast %parallel_loop3A_345 : i32 to vector<16xi32>
        %parallel_loop3A_347 = arith.addi %parallel_loop3A_35, %parallel_loop3A_346 : vector<16xi32>
        %parallel_loop3A_348 = tpu.vector_load_idx %arg7[%parallel_loop3A_347] : memref<56592xi32, #tpu.memory_space<vmem>>[vector<16xi32>], vector<16xi32>,
        %parallel_loop3A_349 = vector.bitcast %parallel_loop3A_348 : vector<16xi32> to vector<32xbf16>
        %parallel_loop3A_350 = arith.constant 5 : i32
        %parallel_loop3A_351 = vector.broadcast %parallel_loop3A_350 : i32 to vector<16xi32>
        %parallel_loop3A_352 = arith.addi %parallel_loop3A_47, %parallel_loop3A_351 : vector<16xi32>
        %parallel_loop3A_353 = tpu.vector_load_idx %arg7[%parallel_loop3A_352] : memref<56592xi32, #tpu.memory_space<vmem>>[vector<16xi32>], vector<16xi32>,
        %parallel_loop3A_354 = vector.bitcast %parallel_loop3A_353 : vector<16xi32> to vector<32xbf16>
        %parallel_loop3A_355 = arith.addf %parallel_loop3A_349, %parallel_loop3A_354 : vector<32xbf16>
        %parallel_loop3A_356 = arith.constant 5 : i32
        %parallel_loop3A_357 = vector.broadcast %parallel_loop3A_356 : i32 to vector<16xi32>
        %parallel_loop3A_358 = arith.addi %parallel_loop3A_56, %parallel_loop3A_357 : vector<16xi32>
        %parallel_loop3A_359 = tpu.vector_load_idx %arg7[%parallel_loop3A_358] : memref<56592xi32, #tpu.memory_space<vmem>>[vector<16xi32>], vector<16xi32>,
        %parallel_loop3A_360 = vector.bitcast %parallel_loop3A_359 : vector<16xi32> to vector<32xbf16>
        %parallel_loop3A_361 = arith.addf %parallel_loop3A_355, %parallel_loop3A_360 : vector<32xbf16>
        %parallel_loop3A_362 = arith.constant 5 : i32
        %parallel_loop3A_363 = vector.broadcast %parallel_loop3A_362 : i32 to vector<16xi32>
        %parallel_loop3A_364 = arith.addi %parallel_loop3A_65, %parallel_loop3A_363 : vector<16xi32>
        %parallel_loop3A_365 = tpu.vector_load_idx %arg7[%parallel_loop3A_364] : memref<56592xi32, #tpu.memory_space<vmem>>[vector<16xi32>], vector<16xi32>,
        %parallel_loop3A_366 = vector.bitcast %parallel_loop3A_365 : vector<16xi32> to vector<32xbf16>
        %parallel_loop3A_367 = arith.addf %parallel_loop3A_361, %parallel_loop3A_366 : vector<32xbf16>
        %parallel_loop3A_368 = arith.constant 5 : i32
        %parallel_loop3A_369 = vector.broadcast %parallel_loop3A_368 : i32 to vector<16xi32>
        %parallel_loop3A_370 = arith.addi %parallel_loop3A_74, %parallel_loop3A_369 : vector<16xi32>
        %parallel_loop3A_371 = tpu.vector_load_idx %arg7[%parallel_loop3A_370] : memref<56592xi32, #tpu.memory_space<vmem>>[vector<16xi32>], vector<16xi32>,
        %parallel_loop3A_372 = vector.bitcast %parallel_loop3A_371 : vector<16xi32> to vector<32xbf16>
        %parallel_loop3A_373 = arith.addf %parallel_loop3A_367, %parallel_loop3A_372 : vector<32xbf16>
        %parallel_loop3A_374 = arith.constant 5 : i32
        %parallel_loop3A_375 = vector.broadcast %parallel_loop3A_374 : i32 to vector<16xi32>
        %parallel_loop3A_376 = arith.addi %parallel_loop3A_86, %parallel_loop3A_375 : vector<16xi32>
        %parallel_loop3A_377 = tpu.vector_load_idx %arg7[%parallel_loop3A_376] : memref<56592xi32, #tpu.memory_space<vmem>>[vector<16xi32>], vector<16xi32>,
        %parallel_loop3A_378 = vector.bitcast %parallel_loop3A_377 : vector<16xi32> to vector<32xbf16>
        %parallel_loop3A_379 = arith.addf %parallel_loop3A_373, %parallel_loop3A_378 : vector<32xbf16>
        %parallel_loop3A_380 = arith.constant 5 : i32
        %parallel_loop3A_381 = vector.broadcast %parallel_loop3A_380 : i32 to vector<16xi32>
        %parallel_loop3A_382 = arith.addi %parallel_loop3A_95, %parallel_loop3A_381 : vector<16xi32>
        %parallel_loop3A_383 = tpu.vector_load_idx %arg7[%parallel_loop3A_382] : memref<56592xi32, #tpu.memory_space<vmem>>[vector<16xi32>], vector<16xi32>,
        %parallel_loop3A_384 = vector.bitcast %parallel_loop3A_383 : vector<16xi32> to vector<32xbf16>
        %parallel_loop3A_385 = arith.addf %parallel_loop3A_379, %parallel_loop3A_384 : vector<32xbf16>
        %parallel_loop3A_386 = arith.constant 5 : i32
        %parallel_loop3A_387 = vector.broadcast %parallel_loop3A_386 : i32 to vector<16xi32>
        %parallel_loop3A_388 = arith.addi %parallel_loop3A_104, %parallel_loop3A_387 : vector<16xi32>
        %parallel_loop3A_389 = tpu.vector_load_idx %arg7[%parallel_loop3A_388] : memref<56592xi32, #tpu.memory_space<vmem>>[vector<16xi32>], vector<16xi32>,
        %parallel_loop3A_390 = vector.bitcast %parallel_loop3A_389 : vector<16xi32> to vector<32xbf16>
        %parallel_loop3A_391 = arith.addf %parallel_loop3A_385, %parallel_loop3A_390 : vector<32xbf16>
        %parallel_loop3A_392 = vector.bitcast %parallel_loop3A_391 : vector<32xbf16> to vector<16xi32>
        %parallel_loop3A_393 = arith.constant 6 : i32
        %parallel_loop3A_394 = vector.broadcast %parallel_loop3A_393 : i32 to vector<16xi32>
        %parallel_loop3A_395 = arith.addi %parallel_loop3A_35, %parallel_loop3A_394 : vector<16xi32>
        %parallel_loop3A_396 = tpu.vector_load_idx %arg7[%parallel_loop3A_395] : memref<56592xi32, #tpu.memory_space<vmem>>[vector<16xi32>], vector<16xi32>,
        %parallel_loop3A_397 = vector.bitcast %parallel_loop3A_396 : vector<16xi32> to vector<32xbf16>
        %parallel_loop3A_398 = arith.constant 6 : i32
        %parallel_loop3A_399 = vector.broadcast %parallel_loop3A_398 : i32 to vector<16xi32>
        %parallel_loop3A_400 = arith.addi %parallel_loop3A_47, %parallel_loop3A_399 : vector<16xi32>
        %parallel_loop3A_401 = tpu.vector_load_idx %arg7[%parallel_loop3A_400] : memref<56592xi32, #tpu.memory_space<vmem>>[vector<16xi32>], vector<16xi32>,
        %parallel_loop3A_402 = vector.bitcast %parallel_loop3A_401 : vector<16xi32> to vector<32xbf16>
        %parallel_loop3A_403 = arith.addf %parallel_loop3A_397, %parallel_loop3A_402 : vector<32xbf16>
        %parallel_loop3A_404 = arith.constant 6 : i32
        %parallel_loop3A_405 = vector.broadcast %parallel_loop3A_404 : i32 to vector<16xi32>
        %parallel_loop3A_406 = arith.addi %parallel_loop3A_56, %parallel_loop3A_405 : vector<16xi32>
        %parallel_loop3A_407 = tpu.vector_load_idx %arg7[%parallel_loop3A_406] : memref<56592xi32, #tpu.memory_space<vmem>>[vector<16xi32>], vector<16xi32>,
        %parallel_loop3A_408 = vector.bitcast %parallel_loop3A_407 : vector<16xi32> to vector<32xbf16>
        %parallel_loop3A_409 = arith.addf %parallel_loop3A_403, %parallel_loop3A_408 : vector<32xbf16>
        %parallel_loop3A_410 = arith.constant 6 : i32
        %parallel_loop3A_411 = vector.broadcast %parallel_loop3A_410 : i32 to vector<16xi32>
        %parallel_loop3A_412 = arith.addi %parallel_loop3A_65, %parallel_loop3A_411 : vector<16xi32>
        %parallel_loop3A_413 = tpu.vector_load_idx %arg7[%parallel_loop3A_412] : memref<56592xi32, #tpu.memory_space<vmem>>[vector<16xi32>], vector<16xi32>,
        %parallel_loop3A_414 = vector.bitcast %parallel_loop3A_413 : vector<16xi32> to vector<32xbf16>
        %parallel_loop3A_415 = arith.addf %parallel_loop3A_409, %parallel_loop3A_414 : vector<32xbf16>
        %parallel_loop3A_416 = arith.constant 6 : i32
        %parallel_loop3A_417 = vector.broadcast %parallel_loop3A_416 : i32 to vector<16xi32>
        %parallel_loop3A_418 = arith.addi %parallel_loop3A_74, %parallel_loop3A_417 : vector<16xi32>
        %parallel_loop3A_419 = tpu.vector_load_idx %arg7[%parallel_loop3A_418] : memref<56592xi32, #tpu.memory_space<vmem>>[vector<16xi32>], vector<16xi32>,
        %parallel_loop3A_420 = vector.bitcast %parallel_loop3A_419 : vector<16xi32> to vector<32xbf16>
        %parallel_loop3A_421 = arith.addf %parallel_loop3A_415, %parallel_loop3A_420 : vector<32xbf16>
        %parallel_loop3A_422 = arith.constant 6 : i32
        %parallel_loop3A_423 = vector.broadcast %parallel_loop3A_422 : i32 to vector<16xi32>
        %parallel_loop3A_424 = arith.addi %parallel_loop3A_86, %parallel_loop3A_423 : vector<16xi32>
        %parallel_loop3A_425 = tpu.vector_load_idx %arg7[%parallel_loop3A_424] : memref<56592xi32, #tpu.memory_space<vmem>>[vector<16xi32>], vector<16xi32>,
        %parallel_loop3A_426 = vector.bitcast %parallel_loop3A_425 : vector<16xi32> to vector<32xbf16>
        %parallel_loop3A_427 = arith.addf %parallel_loop3A_421, %parallel_loop3A_426 : vector<32xbf16>
        %parallel_loop3A_428 = arith.constant 6 : i32
        %parallel_loop3A_429 = vector.broadcast %parallel_loop3A_428 : i32 to vector<16xi32>
        %parallel_loop3A_430 = arith.addi %parallel_loop3A_95, %parallel_loop3A_429 : vector<16xi32>
        %parallel_loop3A_431 = tpu.vector_load_idx %arg7[%parallel_loop3A_430] : memref<56592xi32, #tpu.memory_space<vmem>>[vector<16xi32>], vector<16xi32>,
        %parallel_loop3A_432 = vector.bitcast %parallel_loop3A_431 : vector<16xi32> to vector<32xbf16>
        %parallel_loop3A_433 = arith.addf %parallel_loop3A_427, %parallel_loop3A_432 : vector<32xbf16>
        %parallel_loop3A_434 = arith.constant 6 : i32
        %parallel_loop3A_435 = vector.broadcast %parallel_loop3A_434 : i32 to vector<16xi32>
        %parallel_loop3A_436 = arith.addi %parallel_loop3A_104, %parallel_loop3A_435 : vector<16xi32>
        %parallel_loop3A_437 = tpu.vector_load_idx %arg7[%parallel_loop3A_436] : memref<56592xi32, #tpu.memory_space<vmem>>[vector<16xi32>], vector<16xi32>,
        %parallel_loop3A_438 = vector.bitcast %parallel_loop3A_437 : vector<16xi32> to vector<32xbf16>
        %parallel_loop3A_439 = arith.addf %parallel_loop3A_433, %parallel_loop3A_438 : vector<32xbf16>
        %parallel_loop3A_440 = vector.bitcast %parallel_loop3A_439 : vector<32xbf16> to vector<16xi32>
        %parallel_loop3A_441 = arith.constant 7 : i32
        %parallel_loop3A_442 = vector.broadcast %parallel_loop3A_441 : i32 to vector<16xi32>
        %parallel_loop3A_443 = arith.addi %parallel_loop3A_35, %parallel_loop3A_442 : vector<16xi32>
        %parallel_loop3A_444 = tpu.vector_load_idx %arg7[%parallel_loop3A_443] : memref<56592xi32, #tpu.memory_space<vmem>>[vector<16xi32>], vector<16xi32>,
        %parallel_loop3A_445 = vector.bitcast %parallel_loop3A_444 : vector<16xi32> to vector<32xbf16>
        %parallel_loop3A_446 = arith.constant 7 : i32
        %parallel_loop3A_447 = vector.broadcast %parallel_loop3A_446 : i32 to vector<16xi32>
        %parallel_loop3A_448 = arith.addi %parallel_loop3A_47, %parallel_loop3A_447 : vector<16xi32>
        %parallel_loop3A_449 = tpu.vector_load_idx %arg7[%parallel_loop3A_448] : memref<56592xi32, #tpu.memory_space<vmem>>[vector<16xi32>], vector<16xi32>,
        %parallel_loop3A_450 = vector.bitcast %parallel_loop3A_449 : vector<16xi32> to vector<32xbf16>
        %parallel_loop3A_451 = arith.addf %parallel_loop3A_445, %parallel_loop3A_450 : vector<32xbf16>
        %parallel_loop3A_452 = arith.constant 7 : i32
        %parallel_loop3A_453 = vector.broadcast %parallel_loop3A_452 : i32 to vector<16xi32>
        %parallel_loop3A_454 = arith.addi %parallel_loop3A_56, %parallel_loop3A_453 : vector<16xi32>
        %parallel_loop3A_455 = tpu.vector_load_idx %arg7[%parallel_loop3A_454] : memref<56592xi32, #tpu.memory_space<vmem>>[vector<16xi32>], vector<16xi32>,
        %parallel_loop3A_456 = vector.bitcast %parallel_loop3A_455 : vector<16xi32> to vector<32xbf16>
        %parallel_loop3A_457 = arith.addf %parallel_loop3A_451, %parallel_loop3A_456 : vector<32xbf16>
        %parallel_loop3A_458 = arith.constant 7 : i32
        %parallel_loop3A_459 = vector.broadcast %parallel_loop3A_458 : i32 to vector<16xi32>
        %parallel_loop3A_460 = arith.addi %parallel_loop3A_65, %parallel_loop3A_459 : vector<16xi32>
        %parallel_loop3A_461 = tpu.vector_load_idx %arg7[%parallel_loop3A_460] : memref<56592xi32, #tpu.memory_space<vmem>>[vector<16xi32>], vector<16xi32>,
        %parallel_loop3A_462 = vector.bitcast %parallel_loop3A_461 : vector<16xi32> to vector<32xbf16>
        %parallel_loop3A_463 = arith.addf %parallel_loop3A_457, %parallel_loop3A_462 : vector<32xbf16>
        %parallel_loop3A_464 = arith.constant 7 : i32
        %parallel_loop3A_465 = vector.broadcast %parallel_loop3A_464 : i32 to vector<16xi32>
        %parallel_loop3A_466 = arith.addi %parallel_loop3A_74, %parallel_loop3A_465 : vector<16xi32>
        %parallel_loop3A_467 = tpu.vector_load_idx %arg7[%parallel_loop3A_466] : memref<56592xi32, #tpu.memory_space<vmem>>[vector<16xi32>], vector<16xi32>,
        %parallel_loop3A_468 = vector.bitcast %parallel_loop3A_467 : vector<16xi32> to vector<32xbf16>
        %parallel_loop3A_469 = arith.addf %parallel_loop3A_463, %parallel_loop3A_468 : vector<32xbf16>
        %parallel_loop3A_470 = arith.constant 7 : i32
        %parallel_loop3A_471 = vector.broadcast %parallel_loop3A_470 : i32 to vector<16xi32>
        %parallel_loop3A_472 = arith.addi %parallel_loop3A_86, %parallel_loop3A_471 : vector<16xi32>
        %parallel_loop3A_473 = tpu.vector_load_idx %arg7[%parallel_loop3A_472] : memref<56592xi32, #tpu.memory_space<vmem>>[vector<16xi32>], vector<16xi32>,
        %parallel_loop3A_474 = vector.bitcast %parallel_loop3A_473 : vector<16xi32> to vector<32xbf16>
        %parallel_loop3A_475 = arith.addf %parallel_loop3A_469, %parallel_loop3A_474 : vector<32xbf16>
        %parallel_loop3A_476 = arith.constant 7 : i32
        %parallel_loop3A_477 = vector.broadcast %parallel_loop3A_476 : i32 to vector<16xi32>
        %parallel_loop3A_478 = arith.addi %parallel_loop3A_95, %parallel_loop3A_477 : vector<16xi32>
        %parallel_loop3A_479 = tpu.vector_load_idx %arg7[%parallel_loop3A_478] : memref<56592xi32, #tpu.memory_space<vmem>>[vector<16xi32>], vector<16xi32>,
        %parallel_loop3A_480 = vector.bitcast %parallel_loop3A_479 : vector<16xi32> to vector<32xbf16>
        %parallel_loop3A_481 = arith.addf %parallel_loop3A_475, %parallel_loop3A_480 : vector<32xbf16>
        %parallel_loop3A_482 = arith.constant 7 : i32
        %parallel_loop3A_483 = vector.broadcast %parallel_loop3A_482 : i32 to vector<16xi32>
        %parallel_loop3A_484 = arith.addi %parallel_loop3A_104, %parallel_loop3A_483 : vector<16xi32>
        %parallel_loop3A_485 = tpu.vector_load_idx %arg7[%parallel_loop3A_484] : memref<56592xi32, #tpu.memory_space<vmem>>[vector<16xi32>], vector<16xi32>,
        %parallel_loop3A_486 = vector.bitcast %parallel_loop3A_485 : vector<16xi32> to vector<32xbf16>
        %parallel_loop3A_487 = arith.addf %parallel_loop3A_481, %parallel_loop3A_486 : vector<32xbf16>
        %parallel_loop3A_488 = vector.bitcast %parallel_loop3A_487 : vector<32xbf16> to vector<16xi32>
        %parallel_loop3A_489 = arith.constant 8 : i32
        %parallel_loop3A_490 = vector.broadcast %parallel_loop3A_489 : i32 to vector<16xi32>
        %parallel_loop3A_491 = arith.addi %parallel_loop3A_35, %parallel_loop3A_490 : vector<16xi32>
        %parallel_loop3A_492 = tpu.vector_load_idx %arg7[%parallel_loop3A_491] : memref<56592xi32, #tpu.memory_space<vmem>>[vector<16xi32>], vector<16xi32>,
        %parallel_loop3A_493 = vector.bitcast %parallel_loop3A_492 : vector<16xi32> to vector<32xbf16>
        %parallel_loop3A_494 = arith.constant 8 : i32
        %parallel_loop3A_495 = vector.broadcast %parallel_loop3A_494 : i32 to vector<16xi32>
        %parallel_loop3A_496 = arith.addi %parallel_loop3A_47, %parallel_loop3A_495 : vector<16xi32>
        %parallel_loop3A_497 = tpu.vector_load_idx %arg7[%parallel_loop3A_496] : memref<56592xi32, #tpu.memory_space<vmem>>[vector<16xi32>], vector<16xi32>,
        %parallel_loop3A_498 = vector.bitcast %parallel_loop3A_497 : vector<16xi32> to vector<32xbf16>
        %parallel_loop3A_499 = arith.addf %parallel_loop3A_493, %parallel_loop3A_498 : vector<32xbf16>
        %parallel_loop3A_500 = arith.constant 8 : i32
        %parallel_loop3A_501 = vector.broadcast %parallel_loop3A_500 : i32 to vector<16xi32>
        %parallel_loop3A_502 = arith.addi %parallel_loop3A_56, %parallel_loop3A_501 : vector<16xi32>
        %parallel_loop3A_503 = tpu.vector_load_idx %arg7[%parallel_loop3A_502] : memref<56592xi32, #tpu.memory_space<vmem>>[vector<16xi32>], vector<16xi32>,
        %parallel_loop3A_504 = vector.bitcast %parallel_loop3A_503 : vector<16xi32> to vector<32xbf16>
        %parallel_loop3A_505 = arith.addf %parallel_loop3A_499, %parallel_loop3A_504 : vector<32xbf16>
        %parallel_loop3A_506 = arith.constant 8 : i32
        %parallel_loop3A_507 = vector.broadcast %parallel_loop3A_506 : i32 to vector<16xi32>
        %parallel_loop3A_508 = arith.addi %parallel_loop3A_65, %parallel_loop3A_507 : vector<16xi32>
        %parallel_loop3A_509 = tpu.vector_load_idx %arg7[%parallel_loop3A_508] : memref<56592xi32, #tpu.memory_space<vmem>>[vector<16xi32>], vector<16xi32>,
        %parallel_loop3A_510 = vector.bitcast %parallel_loop3A_509 : vector<16xi32> to vector<32xbf16>
        %parallel_loop3A_511 = arith.addf %parallel_loop3A_505, %parallel_loop3A_510 : vector<32xbf16>
        %parallel_loop3A_512 = arith.constant 8 : i32
        %parallel_loop3A_513 = vector.broadcast %parallel_loop3A_512 : i32 to vector<16xi32>
        %parallel_loop3A_514 = arith.addi %parallel_loop3A_74, %parallel_loop3A_513 : vector<16xi32>
        %parallel_loop3A_515 = tpu.vector_load_idx %arg7[%parallel_loop3A_514] : memref<56592xi32, #tpu.memory_space<vmem>>[vector<16xi32>], vector<16xi32>,
        %parallel_loop3A_516 = vector.bitcast %parallel_loop3A_515 : vector<16xi32> to vector<32xbf16>
        %parallel_loop3A_517 = arith.addf %parallel_loop3A_511, %parallel_loop3A_516 : vector<32xbf16>
        %parallel_loop3A_518 = arith.constant 8 : i32
        %parallel_loop3A_519 = vector.broadcast %parallel_loop3A_518 : i32 to vector<16xi32>
        %parallel_loop3A_520 = arith.addi %parallel_loop3A_86, %parallel_loop3A_519 : vector<16xi32>
        %parallel_loop3A_521 = tpu.vector_load_idx %arg7[%parallel_loop3A_520] : memref<56592xi32, #tpu.memory_space<vmem>>[vector<16xi32>], vector<16xi32>,
        %parallel_loop3A_522 = vector.bitcast %parallel_loop3A_521 : vector<16xi32> to vector<32xbf16>
        %parallel_loop3A_523 = arith.addf %parallel_loop3A_517, %parallel_loop3A_522 : vector<32xbf16>
        %parallel_loop3A_524 = arith.constant 8 : i32
        %parallel_loop3A_525 = vector.broadcast %parallel_loop3A_524 : i32 to vector<16xi32>
        %parallel_loop3A_526 = arith.addi %parallel_loop3A_95, %parallel_loop3A_525 : vector<16xi32>
        %parallel_loop3A_527 = tpu.vector_load_idx %arg7[%parallel_loop3A_526] : memref<56592xi32, #tpu.memory_space<vmem>>[vector<16xi32>], vector<16xi32>,
        %parallel_loop3A_528 = vector.bitcast %parallel_loop3A_527 : vector<16xi32> to vector<32xbf16>
        %parallel_loop3A_529 = arith.addf %parallel_loop3A_523, %parallel_loop3A_528 : vector<32xbf16>
        %parallel_loop3A_530 = arith.constant 8 : i32
        %parallel_loop3A_531 = vector.broadcast %parallel_loop3A_530 : i32 to vector<16xi32>
        %parallel_loop3A_532 = arith.addi %parallel_loop3A_104, %parallel_loop3A_531 : vector<16xi32>
        %parallel_loop3A_533 = tpu.vector_load_idx %arg7[%parallel_loop3A_532] : memref<56592xi32, #tpu.memory_space<vmem>>[vector<16xi32>], vector<16xi32>,
        %parallel_loop3A_534 = vector.bitcast %parallel_loop3A_533 : vector<16xi32> to vector<32xbf16>
        %parallel_loop3A_535 = arith.addf %parallel_loop3A_529, %parallel_loop3A_534 : vector<32xbf16>
        %parallel_loop3A_536 = vector.bitcast %parallel_loop3A_535 : vector<32xbf16> to vector<16xi32>
        %parallel_loop3A_537 = arith.constant 9 : i32
        %parallel_loop3A_538 = vector.broadcast %parallel_loop3A_537 : i32 to vector<16xi32>
        %parallel_loop3A_539 = arith.addi %parallel_loop3A_35, %parallel_loop3A_538 : vector<16xi32>
        %parallel_loop3A_540 = tpu.vector_load_idx %arg7[%parallel_loop3A_539] : memref<56592xi32, #tpu.memory_space<vmem>>[vector<16xi32>], vector<16xi32>,
        %parallel_loop3A_541 = vector.bitcast %parallel_loop3A_540 : vector<16xi32> to vector<32xbf16>
        %parallel_loop3A_542 = arith.constant 9 : i32
        %parallel_loop3A_543 = vector.broadcast %parallel_loop3A_542 : i32 to vector<16xi32>
        %parallel_loop3A_544 = arith.addi %parallel_loop3A_47, %parallel_loop3A_543 : vector<16xi32>
        %parallel_loop3A_545 = tpu.vector_load_idx %arg7[%parallel_loop3A_544] : memref<56592xi32, #tpu.memory_space<vmem>>[vector<16xi32>], vector<16xi32>,
        %parallel_loop3A_546 = vector.bitcast %parallel_loop3A_545 : vector<16xi32> to vector<32xbf16>
        %parallel_loop3A_547 = arith.addf %parallel_loop3A_541, %parallel_loop3A_546 : vector<32xbf16>
        %parallel_loop3A_548 = arith.constant 9 : i32
        %parallel_loop3A_549 = vector.broadcast %parallel_loop3A_548 : i32 to vector<16xi32>
        %parallel_loop3A_550 = arith.addi %parallel_loop3A_56, %parallel_loop3A_549 : vector<16xi32>
        %parallel_loop3A_551 = tpu.vector_load_idx %arg7[%parallel_loop3A_550] : memref<56592xi32, #tpu.memory_space<vmem>>[vector<16xi32>], vector<16xi32>,
        %parallel_loop3A_552 = vector.bitcast %parallel_loop3A_551 : vector<16xi32> to vector<32xbf16>
        %parallel_loop3A_553 = arith.addf %parallel_loop3A_547, %parallel_loop3A_552 : vector<32xbf16>
        %parallel_loop3A_554 = arith.constant 9 : i32
        %parallel_loop3A_555 = vector.broadcast %parallel_loop3A_554 : i32 to vector<16xi32>
        %parallel_loop3A_556 = arith.addi %parallel_loop3A_65, %parallel_loop3A_555 : vector<16xi32>
        %parallel_loop3A_557 = tpu.vector_load_idx %arg7[%parallel_loop3A_556] : memref<56592xi32, #tpu.memory_space<vmem>>[vector<16xi32>], vector<16xi32>,
        %parallel_loop3A_558 = vector.bitcast %parallel_loop3A_557 : vector<16xi32> to vector<32xbf16>
        %parallel_loop3A_559 = arith.addf %parallel_loop3A_553, %parallel_loop3A_558 : vector<32xbf16>
        %parallel_loop3A_560 = arith.constant 9 : i32
        %parallel_loop3A_561 = vector.broadcast %parallel_loop3A_560 : i32 to vector<16xi32>
        %parallel_loop3A_562 = arith.addi %parallel_loop3A_74, %parallel_loop3A_561 : vector<16xi32>
        %parallel_loop3A_563 = tpu.vector_load_idx %arg7[%parallel_loop3A_562] : memref<56592xi32, #tpu.memory_space<vmem>>[vector<16xi32>], vector<16xi32>,
        %parallel_loop3A_564 = vector.bitcast %parallel_loop3A_563 : vector<16xi32> to vector<32xbf16>
        %parallel_loop3A_565 = arith.addf %parallel_loop3A_559, %parallel_loop3A_564 : vector<32xbf16>
        %parallel_loop3A_566 = arith.constant 9 : i32
        %parallel_loop3A_567 = vector.broadcast %parallel_loop3A_566 : i32 to vector<16xi32>
        %parallel_loop3A_568 = arith.addi %parallel_loop3A_86, %parallel_loop3A_567 : vector<16xi32>
        %parallel_loop3A_569 = tpu.vector_load_idx %arg7[%parallel_loop3A_568] : memref<56592xi32, #tpu.memory_space<vmem>>[vector<16xi32>], vector<16xi32>,
        %parallel_loop3A_570 = vector.bitcast %parallel_loop3A_569 : vector<16xi32> to vector<32xbf16>
        %parallel_loop3A_571 = arith.addf %parallel_loop3A_565, %parallel_loop3A_570 : vector<32xbf16>
        %parallel_loop3A_572 = arith.constant 9 : i32
        %parallel_loop3A_573 = vector.broadcast %parallel_loop3A_572 : i32 to vector<16xi32>
        %parallel_loop3A_574 = arith.addi %parallel_loop3A_95, %parallel_loop3A_573 : vector<16xi32>
        %parallel_loop3A_575 = tpu.vector_load_idx %arg7[%parallel_loop3A_574] : memref<56592xi32, #tpu.memory_space<vmem>>[vector<16xi32>], vector<16xi32>,
        %parallel_loop3A_576 = vector.bitcast %parallel_loop3A_575 : vector<16xi32> to vector<32xbf16>
        %parallel_loop3A_577 = arith.addf %parallel_loop3A_571, %parallel_loop3A_576 : vector<32xbf16>
        %parallel_loop3A_578 = arith.constant 9 : i32
        %parallel_loop3A_579 = vector.broadcast %parallel_loop3A_578 : i32 to vector<16xi32>
        %parallel_loop3A_580 = arith.addi %parallel_loop3A_104, %parallel_loop3A_579 : vector<16xi32>
        %parallel_loop3A_581 = tpu.vector_load_idx %arg7[%parallel_loop3A_580] : memref<56592xi32, #tpu.memory_space<vmem>>[vector<16xi32>], vector<16xi32>,
        %parallel_loop3A_582 = vector.bitcast %parallel_loop3A_581 : vector<16xi32> to vector<32xbf16>
        %parallel_loop3A_583 = arith.addf %parallel_loop3A_577, %parallel_loop3A_582 : vector<32xbf16>
        %parallel_loop3A_584 = vector.bitcast %parallel_loop3A_583 : vector<32xbf16> to vector<16xi32>
        %parallel_loop3A_585 = arith.constant 10 : i32
        %parallel_loop3A_586 = vector.broadcast %parallel_loop3A_585 : i32 to vector<16xi32>
        %parallel_loop3A_587 = arith.addi %parallel_loop3A_35, %parallel_loop3A_586 : vector<16xi32>
        %parallel_loop3A_588 = tpu.vector_load_idx %arg7[%parallel_loop3A_587] : memref<56592xi32, #tpu.memory_space<vmem>>[vector<16xi32>], vector<16xi32>,
        %parallel_loop3A_589 = vector.bitcast %parallel_loop3A_588 : vector<16xi32> to vector<32xbf16>
        %parallel_loop3A_590 = arith.constant 10 : i32
        %parallel_loop3A_591 = vector.broadcast %parallel_loop3A_590 : i32 to vector<16xi32>
        %parallel_loop3A_592 = arith.addi %parallel_loop3A_47, %parallel_loop3A_591 : vector<16xi32>
        %parallel_loop3A_593 = tpu.vector_load_idx %arg7[%parallel_loop3A_592] : memref<56592xi32, #tpu.memory_space<vmem>>[vector<16xi32>], vector<16xi32>,
        %parallel_loop3A_594 = vector.bitcast %parallel_loop3A_593 : vector<16xi32> to vector<32xbf16>
        %parallel_loop3A_595 = arith.addf %parallel_loop3A_589, %parallel_loop3A_594 : vector<32xbf16>
        %parallel_loop3A_596 = arith.constant 10 : i32
        %parallel_loop3A_597 = vector.broadcast %parallel_loop3A_596 : i32 to vector<16xi32>
        %parallel_loop3A_598 = arith.addi %parallel_loop3A_56, %parallel_loop3A_597 : vector<16xi32>
        %parallel_loop3A_599 = tpu.vector_load_idx %arg7[%parallel_loop3A_598] : memref<56592xi32, #tpu.memory_space<vmem>>[vector<16xi32>], vector<16xi32>,
        %parallel_loop3A_600 = vector.bitcast %parallel_loop3A_599 : vector<16xi32> to vector<32xbf16>
        %parallel_loop3A_601 = arith.addf %parallel_loop3A_595, %parallel_loop3A_600 : vector<32xbf16>
        %parallel_loop3A_602 = arith.constant 10 : i32
        %parallel_loop3A_603 = vector.broadcast %parallel_loop3A_602 : i32 to vector<16xi32>
        %parallel_loop3A_604 = arith.addi %parallel_loop3A_65, %parallel_loop3A_603 : vector<16xi32>
        %parallel_loop3A_605 = tpu.vector_load_idx %arg7[%parallel_loop3A_604] : memref<56592xi32, #tpu.memory_space<vmem>>[vector<16xi32>], vector<16xi32>,
        %parallel_loop3A_606 = vector.bitcast %parallel_loop3A_605 : vector<16xi32> to vector<32xbf16>
        %parallel_loop3A_607 = arith.addf %parallel_loop3A_601, %parallel_loop3A_606 : vector<32xbf16>
        %parallel_loop3A_608 = arith.constant 10 : i32
        %parallel_loop3A_609 = vector.broadcast %parallel_loop3A_608 : i32 to vector<16xi32>
        %parallel_loop3A_610 = arith.addi %parallel_loop3A_74, %parallel_loop3A_609 : vector<16xi32>
        %parallel_loop3A_611 = tpu.vector_load_idx %arg7[%parallel_loop3A_610] : memref<56592xi32, #tpu.memory_space<vmem>>[vector<16xi32>], vector<16xi32>,
        %parallel_loop3A_612 = vector.bitcast %parallel_loop3A_611 : vector<16xi32> to vector<32xbf16>
        %parallel_loop3A_613 = arith.addf %parallel_loop3A_607, %parallel_loop3A_612 : vector<32xbf16>
        %parallel_loop3A_614 = arith.constant 10 : i32
        %parallel_loop3A_615 = vector.broadcast %parallel_loop3A_614 : i32 to vector<16xi32>
        %parallel_loop3A_616 = arith.addi %parallel_loop3A_86, %parallel_loop3A_615 : vector<16xi32>
        %parallel_loop3A_617 = tpu.vector_load_idx %arg7[%parallel_loop3A_616] : memref<56592xi32, #tpu.memory_space<vmem>>[vector<16xi32>], vector<16xi32>,
        %parallel_loop3A_618 = vector.bitcast %parallel_loop3A_617 : vector<16xi32> to vector<32xbf16>
        %parallel_loop3A_619 = arith.addf %parallel_loop3A_613, %parallel_loop3A_618 : vector<32xbf16>
        %parallel_loop3A_620 = arith.constant 10 : i32
        %parallel_loop3A_621 = vector.broadcast %parallel_loop3A_620 : i32 to vector<16xi32>
        %parallel_loop3A_622 = arith.addi %parallel_loop3A_95, %parallel_loop3A_621 : vector<16xi32>
        %parallel_loop3A_623 = tpu.vector_load_idx %arg7[%parallel_loop3A_622] : memref<56592xi32, #tpu.memory_space<vmem>>[vector<16xi32>], vector<16xi32>,
        %parallel_loop3A_624 = vector.bitcast %parallel_loop3A_623 : vector<16xi32> to vector<32xbf16>
        %parallel_loop3A_625 = arith.addf %parallel_loop3A_619, %parallel_loop3A_624 : vector<32xbf16>
        %parallel_loop3A_626 = arith.constant 10 : i32
        %parallel_loop3A_627 = vector.broadcast %parallel_loop3A_626 : i32 to vector<16xi32>
        %parallel_loop3A_628 = arith.addi %parallel_loop3A_104, %parallel_loop3A_627 : vector<16xi32>
        %parallel_loop3A_629 = tpu.vector_load_idx %arg7[%parallel_loop3A_628] : memref<56592xi32, #tpu.memory_space<vmem>>[vector<16xi32>], vector<16xi32>,
        %parallel_loop3A_630 = vector.bitcast %parallel_loop3A_629 : vector<16xi32> to vector<32xbf16>
        %parallel_loop3A_631 = arith.addf %parallel_loop3A_625, %parallel_loop3A_630 : vector<32xbf16>
        %parallel_loop3A_632 = vector.bitcast %parallel_loop3A_631 : vector<32xbf16> to vector<16xi32>
        %parallel_loop3A_633 = arith.constant 11 : i32
        %parallel_loop3A_634 = vector.broadcast %parallel_loop3A_633 : i32 to vector<16xi32>
        %parallel_loop3A_635 = arith.addi %parallel_loop3A_35, %parallel_loop3A_634 : vector<16xi32>
        %parallel_loop3A_636 = tpu.vector_load_idx %arg7[%parallel_loop3A_635] : memref<56592xi32, #tpu.memory_space<vmem>>[vector<16xi32>], vector<16xi32>,
        %parallel_loop3A_637 = vector.bitcast %parallel_loop3A_636 : vector<16xi32> to vector<32xbf16>
        %parallel_loop3A_638 = arith.constant 11 : i32
        %parallel_loop3A_639 = vector.broadcast %parallel_loop3A_638 : i32 to vector<16xi32>
        %parallel_loop3A_640 = arith.addi %parallel_loop3A_47, %parallel_loop3A_639 : vector<16xi32>
        %parallel_loop3A_641 = tpu.vector_load_idx %arg7[%parallel_loop3A_640] : memref<56592xi32, #tpu.memory_space<vmem>>[vector<16xi32>], vector<16xi32>,
        %parallel_loop3A_642 = vector.bitcast %parallel_loop3A_641 : vector<16xi32> to vector<32xbf16>
        %parallel_loop3A_643 = arith.addf %parallel_loop3A_637, %parallel_loop3A_642 : vector<32xbf16>
        %parallel_loop3A_644 = arith.constant 11 : i32
        %parallel_loop3A_645 = vector.broadcast %parallel_loop3A_644 : i32 to vector<16xi32>
        %parallel_loop3A_646 = arith.addi %parallel_loop3A_56, %parallel_loop3A_645 : vector<16xi32>
        %parallel_loop3A_647 = tpu.vector_load_idx %arg7[%parallel_loop3A_646] : memref<56592xi32, #tpu.memory_space<vmem>>[vector<16xi32>], vector<16xi32>,
        %parallel_loop3A_648 = vector.bitcast %parallel_loop3A_647 : vector<16xi32> to vector<32xbf16>
        %parallel_loop3A_649 = arith.addf %parallel_loop3A_643, %parallel_loop3A_648 : vector<32xbf16>
        %parallel_loop3A_650 = arith.constant 11 : i32
        %parallel_loop3A_651 = vector.broadcast %parallel_loop3A_650 : i32 to vector<16xi32>
        %parallel_loop3A_652 = arith.addi %parallel_loop3A_65, %parallel_loop3A_651 : vector<16xi32>
        %parallel_loop3A_653 = tpu.vector_load_idx %arg7[%parallel_loop3A_652] : memref<56592xi32, #tpu.memory_space<vmem>>[vector<16xi32>], vector<16xi32>,
        %parallel_loop3A_654 = vector.bitcast %parallel_loop3A_653 : vector<16xi32> to vector<32xbf16>
        %parallel_loop3A_655 = arith.addf %parallel_loop3A_649, %parallel_loop3A_654 : vector<32xbf16>
        %parallel_loop3A_656 = arith.constant 11 : i32
        %parallel_loop3A_657 = vector.broadcast %parallel_loop3A_656 : i32 to vector<16xi32>
        %parallel_loop3A_658 = arith.addi %parallel_loop3A_74, %parallel_loop3A_657 : vector<16xi32>
        %parallel_loop3A_659 = tpu.vector_load_idx %arg7[%parallel_loop3A_658] : memref<56592xi32, #tpu.memory_space<vmem>>[vector<16xi32>], vector<16xi32>,
        %parallel_loop3A_660 = vector.bitcast %parallel_loop3A_659 : vector<16xi32> to vector<32xbf16>
        %parallel_loop3A_661 = arith.addf %parallel_loop3A_655, %parallel_loop3A_660 : vector<32xbf16>
        %parallel_loop3A_662 = arith.constant 11 : i32
        %parallel_loop3A_663 = vector.broadcast %parallel_loop3A_662 : i32 to vector<16xi32>
        %parallel_loop3A_664 = arith.addi %parallel_loop3A_86, %parallel_loop3A_663 : vector<16xi32>
        %parallel_loop3A_665 = tpu.vector_load_idx %arg7[%parallel_loop3A_664] : memref<56592xi32, #tpu.memory_space<vmem>>[vector<16xi32>], vector<16xi32>,
        %parallel_loop3A_666 = vector.bitcast %parallel_loop3A_665 : vector<16xi32> to vector<32xbf16>
        %parallel_loop3A_667 = arith.addf %parallel_loop3A_661, %parallel_loop3A_666 : vector<32xbf16>
        %parallel_loop3A_668 = arith.constant 11 : i32
        %parallel_loop3A_669 = vector.broadcast %parallel_loop3A_668 : i32 to vector<16xi32>
        %parallel_loop3A_670 = arith.addi %parallel_loop3A_95, %parallel_loop3A_669 : vector<16xi32>
        %parallel_loop3A_671 = tpu.vector_load_idx %arg7[%parallel_loop3A_670] : memref<56592xi32, #tpu.memory_space<vmem>>[vector<16xi32>], vector<16xi32>,
        %parallel_loop3A_672 = vector.bitcast %parallel_loop3A_671 : vector<16xi32> to vector<32xbf16>
        %parallel_loop3A_673 = arith.addf %parallel_loop3A_667, %parallel_loop3A_672 : vector<32xbf16>
        %parallel_loop3A_674 = arith.constant 11 : i32
        %parallel_loop3A_675 = vector.broadcast %parallel_loop3A_674 : i32 to vector<16xi32>
        %parallel_loop3A_676 = arith.addi %parallel_loop3A_104, %parallel_loop3A_675 : vector<16xi32>
        %parallel_loop3A_677 = tpu.vector_load_idx %arg7[%parallel_loop3A_676] : memref<56592xi32, #tpu.memory_space<vmem>>[vector<16xi32>], vector<16xi32>,
        %parallel_loop3A_678 = vector.bitcast %parallel_loop3A_677 : vector<16xi32> to vector<32xbf16>
        %parallel_loop3A_679 = arith.addf %parallel_loop3A_673, %parallel_loop3A_678 : vector<32xbf16>
        %parallel_loop3A_680 = vector.bitcast %parallel_loop3A_679 : vector<32xbf16> to vector<16xi32>
        %parallel_loop3A_681 = arith.constant 12 : i32
        %parallel_loop3A_682 = vector.broadcast %parallel_loop3A_681 : i32 to vector<16xi32>
        %parallel_loop3A_683 = arith.addi %parallel_loop3A_35, %parallel_loop3A_682 : vector<16xi32>
        %parallel_loop3A_684 = tpu.vector_load_idx %arg7[%parallel_loop3A_683] : memref<56592xi32, #tpu.memory_space<vmem>>[vector<16xi32>], vector<16xi32>,
        %parallel_loop3A_685 = vector.bitcast %parallel_loop3A_684 : vector<16xi32> to vector<32xbf16>
        %parallel_loop3A_686 = arith.constant 12 : i32
        %parallel_loop3A_687 = vector.broadcast %parallel_loop3A_686 : i32 to vector<16xi32>
        %parallel_loop3A_688 = arith.addi %parallel_loop3A_47, %parallel_loop3A_687 : vector<16xi32>
        %parallel_loop3A_689 = tpu.vector_load_idx %arg7[%parallel_loop3A_688] : memref<56592xi32, #tpu.memory_space<vmem>>[vector<16xi32>], vector<16xi32>,
        %parallel_loop3A_690 = vector.bitcast %parallel_loop3A_689 : vector<16xi32> to vector<32xbf16>
        %parallel_loop3A_691 = arith.addf %parallel_loop3A_685, %parallel_loop3A_690 : vector<32xbf16>
        %parallel_loop3A_692 = arith.constant 12 : i32
        %parallel_loop3A_693 = vector.broadcast %parallel_loop3A_692 : i32 to vector<16xi32>
        %parallel_loop3A_694 = arith.addi %parallel_loop3A_56, %parallel_loop3A_693 : vector<16xi32>
        %parallel_loop3A_695 = tpu.vector_load_idx %arg7[%parallel_loop3A_694] : memref<56592xi32, #tpu.memory_space<vmem>>[vector<16xi32>], vector<16xi32>,
        %parallel_loop3A_696 = vector.bitcast %parallel_loop3A_695 : vector<16xi32> to vector<32xbf16>
        %parallel_loop3A_697 = arith.addf %parallel_loop3A_691, %parallel_loop3A_696 : vector<32xbf16>
        %parallel_loop3A_698 = arith.constant 12 : i32
        %parallel_loop3A_699 = vector.broadcast %parallel_loop3A_698 : i32 to vector<16xi32>
        %parallel_loop3A_700 = arith.addi %parallel_loop3A_65, %parallel_loop3A_699 : vector<16xi32>
        %parallel_loop3A_701 = tpu.vector_load_idx %arg7[%parallel_loop3A_700] : memref<56592xi32, #tpu.memory_space<vmem>>[vector<16xi32>], vector<16xi32>,
        %parallel_loop3A_702 = vector.bitcast %parallel_loop3A_701 : vector<16xi32> to vector<32xbf16>
        %parallel_loop3A_703 = arith.addf %parallel_loop3A_697, %parallel_loop3A_702 : vector<32xbf16>
        %parallel_loop3A_704 = arith.constant 12 : i32
        %parallel_loop3A_705 = vector.broadcast %parallel_loop3A_704 : i32 to vector<16xi32>
        %parallel_loop3A_706 = arith.addi %parallel_loop3A_74, %parallel_loop3A_705 : vector<16xi32>
        %parallel_loop3A_707 = tpu.vector_load_idx %arg7[%parallel_loop3A_706] : memref<56592xi32, #tpu.memory_space<vmem>>[vector<16xi32>], vector<16xi32>,
        %parallel_loop3A_708 = vector.bitcast %parallel_loop3A_707 : vector<16xi32> to vector<32xbf16>
        %parallel_loop3A_709 = arith.addf %parallel_loop3A_703, %parallel_loop3A_708 : vector<32xbf16>
        %parallel_loop3A_710 = arith.constant 12 : i32
        %parallel_loop3A_711 = vector.broadcast %parallel_loop3A_710 : i32 to vector<16xi32>
        %parallel_loop3A_712 = arith.addi %parallel_loop3A_86, %parallel_loop3A_711 : vector<16xi32>
        %parallel_loop3A_713 = tpu.vector_load_idx %arg7[%parallel_loop3A_712] : memref<56592xi32, #tpu.memory_space<vmem>>[vector<16xi32>], vector<16xi32>,
        %parallel_loop3A_714 = vector.bitcast %parallel_loop3A_713 : vector<16xi32> to vector<32xbf16>
        %parallel_loop3A_715 = arith.addf %parallel_loop3A_709, %parallel_loop3A_714 : vector<32xbf16>
        %parallel_loop3A_716 = arith.constant 12 : i32
        %parallel_loop3A_717 = vector.broadcast %parallel_loop3A_716 : i32 to vector<16xi32>
        %parallel_loop3A_718 = arith.addi %parallel_loop3A_95, %parallel_loop3A_717 : vector<16xi32>
        %parallel_loop3A_719 = tpu.vector_load_idx %arg7[%parallel_loop3A_718] : memref<56592xi32, #tpu.memory_space<vmem>>[vector<16xi32>], vector<16xi32>,
        %parallel_loop3A_720 = vector.bitcast %parallel_loop3A_719 : vector<16xi32> to vector<32xbf16>
        %parallel_loop3A_721 = arith.addf %parallel_loop3A_715, %parallel_loop3A_720 : vector<32xbf16>
        %parallel_loop3A_722 = arith.constant 12 : i32
        %parallel_loop3A_723 = vector.broadcast %parallel_loop3A_722 : i32 to vector<16xi32>
        %parallel_loop3A_724 = arith.addi %parallel_loop3A_104, %parallel_loop3A_723 : vector<16xi32>
        %parallel_loop3A_725 = tpu.vector_load_idx %arg7[%parallel_loop3A_724] : memref<56592xi32, #tpu.memory_space<vmem>>[vector<16xi32>], vector<16xi32>,
        %parallel_loop3A_726 = vector.bitcast %parallel_loop3A_725 : vector<16xi32> to vector<32xbf16>
        %parallel_loop3A_727 = arith.addf %parallel_loop3A_721, %parallel_loop3A_726 : vector<32xbf16>
        %parallel_loop3A_728 = vector.bitcast %parallel_loop3A_727 : vector<32xbf16> to vector<16xi32>
        %parallel_loop3A_729 = arith.constant 13 : i32
        %parallel_loop3A_730 = vector.broadcast %parallel_loop3A_729 : i32 to vector<16xi32>
        %parallel_loop3A_731 = arith.addi %parallel_loop3A_35, %parallel_loop3A_730 : vector<16xi32>
        %parallel_loop3A_732 = tpu.vector_load_idx %arg7[%parallel_loop3A_731] : memref<56592xi32, #tpu.memory_space<vmem>>[vector<16xi32>], vector<16xi32>,
        %parallel_loop3A_733 = vector.bitcast %parallel_loop3A_732 : vector<16xi32> to vector<32xbf16>
        %parallel_loop3A_734 = arith.constant 13 : i32
        %parallel_loop3A_735 = vector.broadcast %parallel_loop3A_734 : i32 to vector<16xi32>
        %parallel_loop3A_736 = arith.addi %parallel_loop3A_47, %parallel_loop3A_735 : vector<16xi32>
        %parallel_loop3A_737 = tpu.vector_load_idx %arg7[%parallel_loop3A_736] : memref<56592xi32, #tpu.memory_space<vmem>>[vector<16xi32>], vector<16xi32>,
        %parallel_loop3A_738 = vector.bitcast %parallel_loop3A_737 : vector<16xi32> to vector<32xbf16>
        %parallel_loop3A_739 = arith.addf %parallel_loop3A_733, %parallel_loop3A_738 : vector<32xbf16>
        %parallel_loop3A_740 = arith.constant 13 : i32
        %parallel_loop3A_741 = vector.broadcast %parallel_loop3A_740 : i32 to vector<16xi32>
        %parallel_loop3A_742 = arith.addi %parallel_loop3A_56, %parallel_loop3A_741 : vector<16xi32>
        %parallel_loop3A_743 = tpu.vector_load_idx %arg7[%parallel_loop3A_742] : memref<56592xi32, #tpu.memory_space<vmem>>[vector<16xi32>], vector<16xi32>,
        %parallel_loop3A_744 = vector.bitcast %parallel_loop3A_743 : vector<16xi32> to vector<32xbf16>
        %parallel_loop3A_745 = arith.addf %parallel_loop3A_739, %parallel_loop3A_744 : vector<32xbf16>
        %parallel_loop3A_746 = arith.constant 13 : i32
        %parallel_loop3A_747 = vector.broadcast %parallel_loop3A_746 : i32 to vector<16xi32>
        %parallel_loop3A_748 = arith.addi %parallel_loop3A_65, %parallel_loop3A_747 : vector<16xi32>
        %parallel_loop3A_749 = tpu.vector_load_idx %arg7[%parallel_loop3A_748] : memref<56592xi32, #tpu.memory_space<vmem>>[vector<16xi32>], vector<16xi32>,
        %parallel_loop3A_750 = vector.bitcast %parallel_loop3A_749 : vector<16xi32> to vector<32xbf16>
        %parallel_loop3A_751 = arith.addf %parallel_loop3A_745, %parallel_loop3A_750 : vector<32xbf16>
        %parallel_loop3A_752 = arith.constant 13 : i32
        %parallel_loop3A_753 = vector.broadcast %parallel_loop3A_752 : i32 to vector<16xi32>
        %parallel_loop3A_754 = arith.addi %parallel_loop3A_74, %parallel_loop3A_753 : vector<16xi32>
        %parallel_loop3A_755 = tpu.vector_load_idx %arg7[%parallel_loop3A_754] : memref<56592xi32, #tpu.memory_space<vmem>>[vector<16xi32>], vector<16xi32>,
        %parallel_loop3A_756 = vector.bitcast %parallel_loop3A_755 : vector<16xi32> to vector<32xbf16>
        %parallel_loop3A_757 = arith.addf %parallel_loop3A_751, %parallel_loop3A_756 : vector<32xbf16>
        %parallel_loop3A_758 = arith.constant 13 : i32
        %parallel_loop3A_759 = vector.broadcast %parallel_loop3A_758 : i32 to vector<16xi32>
        %parallel_loop3A_760 = arith.addi %parallel_loop3A_86, %parallel_loop3A_759 : vector<16xi32>
        %parallel_loop3A_761 = tpu.vector_load_idx %arg7[%parallel_loop3A_760] : memref<56592xi32, #tpu.memory_space<vmem>>[vector<16xi32>], vector<16xi32>,
        %parallel_loop3A_762 = vector.bitcast %parallel_loop3A_761 : vector<16xi32> to vector<32xbf16>
        %parallel_loop3A_763 = arith.addf %parallel_loop3A_757, %parallel_loop3A_762 : vector<32xbf16>
        %parallel_loop3A_764 = arith.constant 13 : i32
        %parallel_loop3A_765 = vector.broadcast %parallel_loop3A_764 : i32 to vector<16xi32>
        %parallel_loop3A_766 = arith.addi %parallel_loop3A_95, %parallel_loop3A_765 : vector<16xi32>
        %parallel_loop3A_767 = tpu.vector_load_idx %arg7[%parallel_loop3A_766] : memref<56592xi32, #tpu.memory_space<vmem>>[vector<16xi32>], vector<16xi32>,
        %parallel_loop3A_768 = vector.bitcast %parallel_loop3A_767 : vector<16xi32> to vector<32xbf16>
        %parallel_loop3A_769 = arith.addf %parallel_loop3A_763, %parallel_loop3A_768 : vector<32xbf16>
        %parallel_loop3A_770 = arith.constant 13 : i32
        %parallel_loop3A_771 = vector.broadcast %parallel_loop3A_770 : i32 to vector<16xi32>
        %parallel_loop3A_772 = arith.addi %parallel_loop3A_104, %parallel_loop3A_771 : vector<16xi32>
        %parallel_loop3A_773 = tpu.vector_load_idx %arg7[%parallel_loop3A_772] : memref<56592xi32, #tpu.memory_space<vmem>>[vector<16xi32>], vector<16xi32>,
        %parallel_loop3A_774 = vector.bitcast %parallel_loop3A_773 : vector<16xi32> to vector<32xbf16>
        %parallel_loop3A_775 = arith.addf %parallel_loop3A_769, %parallel_loop3A_774 : vector<32xbf16>
        %parallel_loop3A_776 = vector.bitcast %parallel_loop3A_775 : vector<32xbf16> to vector<16xi32>
        %parallel_loop3A_777 = arith.constant 14 : i32
        %parallel_loop3A_778 = vector.broadcast %parallel_loop3A_777 : i32 to vector<16xi32>
        %parallel_loop3A_779 = arith.addi %parallel_loop3A_35, %parallel_loop3A_778 : vector<16xi32>
        %parallel_loop3A_780 = tpu.vector_load_idx %arg7[%parallel_loop3A_779] : memref<56592xi32, #tpu.memory_space<vmem>>[vector<16xi32>], vector<16xi32>,
        %parallel_loop3A_781 = vector.bitcast %parallel_loop3A_780 : vector<16xi32> to vector<32xbf16>
        %parallel_loop3A_782 = arith.constant 14 : i32
        %parallel_loop3A_783 = vector.broadcast %parallel_loop3A_782 : i32 to vector<16xi32>
        %parallel_loop3A_784 = arith.addi %parallel_loop3A_47, %parallel_loop3A_783 : vector<16xi32>
        %parallel_loop3A_785 = tpu.vector_load_idx %arg7[%parallel_loop3A_784] : memref<56592xi32, #tpu.memory_space<vmem>>[vector<16xi32>], vector<16xi32>,
        %parallel_loop3A_786 = vector.bitcast %parallel_loop3A_785 : vector<16xi32> to vector<32xbf16>
        %parallel_loop3A_787 = arith.addf %parallel_loop3A_781, %parallel_loop3A_786 : vector<32xbf16>
        %parallel_loop3A_788 = arith.constant 14 : i32
        %parallel_loop3A_789 = vector.broadcast %parallel_loop3A_788 : i32 to vector<16xi32>
        %parallel_loop3A_790 = arith.addi %parallel_loop3A_56, %parallel_loop3A_789 : vector<16xi32>
        %parallel_loop3A_791 = tpu.vector_load_idx %arg7[%parallel_loop3A_790] : memref<56592xi32, #tpu.memory_space<vmem>>[vector<16xi32>], vector<16xi32>,
        %parallel_loop3A_792 = vector.bitcast %parallel_loop3A_791 : vector<16xi32> to vector<32xbf16>
        %parallel_loop3A_793 = arith.addf %parallel_loop3A_787, %parallel_loop3A_792 : vector<32xbf16>
        %parallel_loop3A_794 = arith.constant 14 : i32
        %parallel_loop3A_795 = vector.broadcast %parallel_loop3A_794 : i32 to vector<16xi32>
        %parallel_loop3A_796 = arith.addi %parallel_loop3A_65, %parallel_loop3A_795 : vector<16xi32>
        %parallel_loop3A_797 = tpu.vector_load_idx %arg7[%parallel_loop3A_796] : memref<56592xi32, #tpu.memory_space<vmem>>[vector<16xi32>], vector<16xi32>,
        %parallel_loop3A_798 = vector.bitcast %parallel_loop3A_797 : vector<16xi32> to vector<32xbf16>
        %parallel_loop3A_799 = arith.addf %parallel_loop3A_793, %parallel_loop3A_798 : vector<32xbf16>
        %parallel_loop3A_800 = arith.constant 14 : i32
        %parallel_loop3A_801 = vector.broadcast %parallel_loop3A_800 : i32 to vector<16xi32>
        %parallel_loop3A_802 = arith.addi %parallel_loop3A_74, %parallel_loop3A_801 : vector<16xi32>
        %parallel_loop3A_803 = tpu.vector_load_idx %arg7[%parallel_loop3A_802] : memref<56592xi32, #tpu.memory_space<vmem>>[vector<16xi32>], vector<16xi32>,
        %parallel_loop3A_804 = vector.bitcast %parallel_loop3A_803 : vector<16xi32> to vector<32xbf16>
        %parallel_loop3A_805 = arith.addf %parallel_loop3A_799, %parallel_loop3A_804 : vector<32xbf16>
        %parallel_loop3A_806 = arith.constant 14 : i32
        %parallel_loop3A_807 = vector.broadcast %parallel_loop3A_806 : i32 to vector<16xi32>
        %parallel_loop3A_808 = arith.addi %parallel_loop3A_86, %parallel_loop3A_807 : vector<16xi32>
        %parallel_loop3A_809 = tpu.vector_load_idx %arg7[%parallel_loop3A_808] : memref<56592xi32, #tpu.memory_space<vmem>>[vector<16xi32>], vector<16xi32>,
        %parallel_loop3A_810 = vector.bitcast %parallel_loop3A_809 : vector<16xi32> to vector<32xbf16>
        %parallel_loop3A_811 = arith.addf %parallel_loop3A_805, %parallel_loop3A_810 : vector<32xbf16>
        %parallel_loop3A_812 = arith.constant 14 : i32
        %parallel_loop3A_813 = vector.broadcast %parallel_loop3A_812 : i32 to vector<16xi32>
        %parallel_loop3A_814 = arith.addi %parallel_loop3A_95, %parallel_loop3A_813 : vector<16xi32>
        %parallel_loop3A_815 = tpu.vector_load_idx %arg7[%parallel_loop3A_814] : memref<56592xi32, #tpu.memory_space<vmem>>[vector<16xi32>], vector<16xi32>,
        %parallel_loop3A_816 = vector.bitcast %parallel_loop3A_815 : vector<16xi32> to vector<32xbf16>
        %parallel_loop3A_817 = arith.addf %parallel_loop3A_811, %parallel_loop3A_816 : vector<32xbf16>
        %parallel_loop3A_818 = arith.constant 14 : i32
        %parallel_loop3A_819 = vector.broadcast %parallel_loop3A_818 : i32 to vector<16xi32>
        %parallel_loop3A_820 = arith.addi %parallel_loop3A_104, %parallel_loop3A_819 : vector<16xi32>
        %parallel_loop3A_821 = tpu.vector_load_idx %arg7[%parallel_loop3A_820] : memref<56592xi32, #tpu.memory_space<vmem>>[vector<16xi32>], vector<16xi32>,
        %parallel_loop3A_822 = vector.bitcast %parallel_loop3A_821 : vector<16xi32> to vector<32xbf16>
        %parallel_loop3A_823 = arith.addf %parallel_loop3A_817, %parallel_loop3A_822 : vector<32xbf16>
        %parallel_loop3A_824 = vector.bitcast %parallel_loop3A_823 : vector<32xbf16> to vector<16xi32>
        %parallel_loop3A_825 = arith.constant 15 : i32
        %parallel_loop3A_826 = vector.broadcast %parallel_loop3A_825 : i32 to vector<16xi32>
        %parallel_loop3A_827 = arith.addi %parallel_loop3A_35, %parallel_loop3A_826 : vector<16xi32>
        %parallel_loop3A_828 = tpu.vector_load_idx %arg7[%parallel_loop3A_827] : memref<56592xi32, #tpu.memory_space<vmem>>[vector<16xi32>], vector<16xi32>,
        %parallel_loop3A_829 = vector.bitcast %parallel_loop3A_828 : vector<16xi32> to vector<32xbf16>
        %parallel_loop3A_830 = arith.constant 15 : i32
        %parallel_loop3A_831 = vector.broadcast %parallel_loop3A_830 : i32 to vector<16xi32>
        %parallel_loop3A_832 = arith.addi %parallel_loop3A_47, %parallel_loop3A_831 : vector<16xi32>
        %parallel_loop3A_833 = tpu.vector_load_idx %arg7[%parallel_loop3A_832] : memref<56592xi32, #tpu.memory_space<vmem>>[vector<16xi32>], vector<16xi32>,
        %parallel_loop3A_834 = vector.bitcast %parallel_loop3A_833 : vector<16xi32> to vector<32xbf16>
        %parallel_loop3A_835 = arith.addf %parallel_loop3A_829, %parallel_loop3A_834 : vector<32xbf16>
        %parallel_loop3A_836 = arith.constant 15 : i32
        %parallel_loop3A_837 = vector.broadcast %parallel_loop3A_836 : i32 to vector<16xi32>
        %parallel_loop3A_838 = arith.addi %parallel_loop3A_56, %parallel_loop3A_837 : vector<16xi32>
        %parallel_loop3A_839 = tpu.vector_load_idx %arg7[%parallel_loop3A_838] : memref<56592xi32, #tpu.memory_space<vmem>>[vector<16xi32>], vector<16xi32>,
        %parallel_loop3A_840 = vector.bitcast %parallel_loop3A_839 : vector<16xi32> to vector<32xbf16>
        %parallel_loop3A_841 = arith.addf %parallel_loop3A_835, %parallel_loop3A_840 : vector<32xbf16>
        %parallel_loop3A_842 = arith.constant 15 : i32
        %parallel_loop3A_843 = vector.broadcast %parallel_loop3A_842 : i32 to vector<16xi32>
        %parallel_loop3A_844 = arith.addi %parallel_loop3A_65, %parallel_loop3A_843 : vector<16xi32>
        %parallel_loop3A_845 = tpu.vector_load_idx %arg7[%parallel_loop3A_844] : memref<56592xi32, #tpu.memory_space<vmem>>[vector<16xi32>], vector<16xi32>,
        %parallel_loop3A_846 = vector.bitcast %parallel_loop3A_845 : vector<16xi32> to vector<32xbf16>
        %parallel_loop3A_847 = arith.addf %parallel_loop3A_841, %parallel_loop3A_846 : vector<32xbf16>
        %parallel_loop3A_848 = arith.constant 15 : i32
        %parallel_loop3A_849 = vector.broadcast %parallel_loop3A_848 : i32 to vector<16xi32>
        %parallel_loop3A_850 = arith.addi %parallel_loop3A_74, %parallel_loop3A_849 : vector<16xi32>
        %parallel_loop3A_851 = tpu.vector_load_idx %arg7[%parallel_loop3A_850] : memref<56592xi32, #tpu.memory_space<vmem>>[vector<16xi32>], vector<16xi32>,
        %parallel_loop3A_852 = vector.bitcast %parallel_loop3A_851 : vector<16xi32> to vector<32xbf16>
        %parallel_loop3A_853 = arith.addf %parallel_loop3A_847, %parallel_loop3A_852 : vector<32xbf16>
        %parallel_loop3A_854 = arith.constant 15 : i32
        %parallel_loop3A_855 = vector.broadcast %parallel_loop3A_854 : i32 to vector<16xi32>
        %parallel_loop3A_856 = arith.addi %parallel_loop3A_86, %parallel_loop3A_855 : vector<16xi32>
        %parallel_loop3A_857 = tpu.vector_load_idx %arg7[%parallel_loop3A_856] : memref<56592xi32, #tpu.memory_space<vmem>>[vector<16xi32>], vector<16xi32>,
        %parallel_loop3A_858 = vector.bitcast %parallel_loop3A_857 : vector<16xi32> to vector<32xbf16>
        %parallel_loop3A_859 = arith.addf %parallel_loop3A_853, %parallel_loop3A_858 : vector<32xbf16>
        %parallel_loop3A_860 = arith.constant 15 : i32
        %parallel_loop3A_861 = vector.broadcast %parallel_loop3A_860 : i32 to vector<16xi32>
        %parallel_loop3A_862 = arith.addi %parallel_loop3A_95, %parallel_loop3A_861 : vector<16xi32>
        %parallel_loop3A_863 = tpu.vector_load_idx %arg7[%parallel_loop3A_862] : memref<56592xi32, #tpu.memory_space<vmem>>[vector<16xi32>], vector<16xi32>,
        %parallel_loop3A_864 = vector.bitcast %parallel_loop3A_863 : vector<16xi32> to vector<32xbf16>
        %parallel_loop3A_865 = arith.addf %parallel_loop3A_859, %parallel_loop3A_864 : vector<32xbf16>
        %parallel_loop3A_866 = arith.constant 15 : i32
        %parallel_loop3A_867 = vector.broadcast %parallel_loop3A_866 : i32 to vector<16xi32>
        %parallel_loop3A_868 = arith.addi %parallel_loop3A_104, %parallel_loop3A_867 : vector<16xi32>
        %parallel_loop3A_869 = tpu.vector_load_idx %arg7[%parallel_loop3A_868] : memref<56592xi32, #tpu.memory_space<vmem>>[vector<16xi32>], vector<16xi32>,
        %parallel_loop3A_870 = vector.bitcast %parallel_loop3A_869 : vector<16xi32> to vector<32xbf16>
        %parallel_loop3A_871 = arith.addf %parallel_loop3A_865, %parallel_loop3A_870 : vector<32xbf16>
        %parallel_loop3A_872 = vector.bitcast %parallel_loop3A_871 : vector<32xbf16> to vector<16xi32>
        %parallel_loop3A_873 = vector.broadcast %parallel_loop3A_19 : i32 to vector<16xi32>
        %parallel_loop3A_874 = arith.addi %parallel_loop3A_20, %parallel_loop3A_873 : vector<16xi32>
        %parallel_loop3A_875 = arith.constant 16 : i32
        %parallel_loop3A_876 = vector.broadcast %parallel_loop3A_875 : i32 to vector<16xi32>
        %parallel_loop3A_877 = arith.muli %parallel_loop3A_874, %parallel_loop3A_876 : vector<16xi32>
        %parallel_loop3A_878 = arith.constant 0 : i32
        %parallel_loop3A_879 = vector.broadcast %parallel_loop3A_878 : i32 to vector<16xi32>
        %parallel_loop3A_880 = arith.addi %parallel_loop3A_877, %parallel_loop3A_879 : vector<16xi32>
        tpu.vector_store_idx %arg11[%parallel_loop3A_880], %parallel_loop3A_152 : memref<9216xi32, #tpu.memory_space<vmem>>[vector<16xi32>], vector<16xi32>,
        %parallel_loop3A_881 = arith.constant 1 : i32
        %parallel_loop3A_882 = vector.broadcast %parallel_loop3A_881 : i32 to vector<16xi32>
        %parallel_loop3A_883 = arith.addi %parallel_loop3A_877, %parallel_loop3A_882 : vector<16xi32>
        tpu.vector_store_idx %arg11[%parallel_loop3A_883], %parallel_loop3A_200 : memref<9216xi32, #tpu.memory_space<vmem>>[vector<16xi32>], vector<16xi32>,
        %parallel_loop3A_884 = arith.constant 2 : i32
        %parallel_loop3A_885 = vector.broadcast %parallel_loop3A_884 : i32 to vector<16xi32>
        %parallel_loop3A_886 = arith.addi %parallel_loop3A_877, %parallel_loop3A_885 : vector<16xi32>
        tpu.vector_store_idx %arg11[%parallel_loop3A_886], %parallel_loop3A_248 : memref<9216xi32, #tpu.memory_space<vmem>>[vector<16xi32>], vector<16xi32>,
        %parallel_loop3A_887 = arith.constant 3 : i32
        %parallel_loop3A_888 = vector.broadcast %parallel_loop3A_887 : i32 to vector<16xi32>
        %parallel_loop3A_889 = arith.addi %parallel_loop3A_877, %parallel_loop3A_888 : vector<16xi32>
        tpu.vector_store_idx %arg11[%parallel_loop3A_889], %parallel_loop3A_296 : memref<9216xi32, #tpu.memory_space<vmem>>[vector<16xi32>], vector<16xi32>,
        %parallel_loop3A_890 = arith.constant 4 : i32
        %parallel_loop3A_891 = vector.broadcast %parallel_loop3A_890 : i32 to vector<16xi32>
        %parallel_loop3A_892 = arith.addi %parallel_loop3A_877, %parallel_loop3A_891 : vector<16xi32>
        tpu.vector_store_idx %arg11[%parallel_loop3A_892], %parallel_loop3A_344 : memref<9216xi32, #tpu.memory_space<vmem>>[vector<16xi32>], vector<16xi32>,
        %parallel_loop3A_893 = arith.constant 5 : i32
        %parallel_loop3A_894 = vector.broadcast %parallel_loop3A_893 : i32 to vector<16xi32>
        %parallel_loop3A_895 = arith.addi %parallel_loop3A_877, %parallel_loop3A_894 : vector<16xi32>
        tpu.vector_store_idx %arg11[%parallel_loop3A_895], %parallel_loop3A_392 : memref<9216xi32, #tpu.memory_space<vmem>>[vector<16xi32>], vector<16xi32>,
        %parallel_loop3A_896 = arith.constant 6 : i32
        %parallel_loop3A_897 = vector.broadcast %parallel_loop3A_896 : i32 to vector<16xi32>
        %parallel_loop3A_898 = arith.addi %parallel_loop3A_877, %parallel_loop3A_897 : vector<16xi32>
        tpu.vector_store_idx %arg11[%parallel_loop3A_898], %parallel_loop3A_440 : memref<9216xi32, #tpu.memory_space<vmem>>[vector<16xi32>], vector<16xi32>,
        %parallel_loop3A_899 = arith.constant 7 : i32
        %parallel_loop3A_900 = vector.broadcast %parallel_loop3A_899 : i32 to vector<16xi32>
        %parallel_loop3A_901 = arith.addi %parallel_loop3A_877, %parallel_loop3A_900 : vector<16xi32>
        tpu.vector_store_idx %arg11[%parallel_loop3A_901], %parallel_loop3A_488 : memref<9216xi32, #tpu.memory_space<vmem>>[vector<16xi32>], vector<16xi32>,
        %parallel_loop3A_902 = arith.constant 8 : i32
        %parallel_loop3A_903 = vector.broadcast %parallel_loop3A_902 : i32 to vector<16xi32>
        %parallel_loop3A_904 = arith.addi %parallel_loop3A_877, %parallel_loop3A_903 : vector<16xi32>
        tpu.vector_store_idx %arg11[%parallel_loop3A_904], %parallel_loop3A_536 : memref<9216xi32, #tpu.memory_space<vmem>>[vector<16xi32>], vector<16xi32>,
        %parallel_loop3A_905 = arith.constant 9 : i32
        %parallel_loop3A_906 = vector.broadcast %parallel_loop3A_905 : i32 to vector<16xi32>
        %parallel_loop3A_907 = arith.addi %parallel_loop3A_877, %parallel_loop3A_906 : vector<16xi32>
        tpu.vector_store_idx %arg11[%parallel_loop3A_907], %parallel_loop3A_584 : memref<9216xi32, #tpu.memory_space<vmem>>[vector<16xi32>], vector<16xi32>,
        %parallel_loop3A_908 = arith.constant 10 : i32
        %parallel_loop3A_909 = vector.broadcast %parallel_loop3A_908 : i32 to vector<16xi32>
        %parallel_loop3A_910 = arith.addi %parallel_loop3A_877, %parallel_loop3A_909 : vector<16xi32>
        tpu.vector_store_idx %arg11[%parallel_loop3A_910], %parallel_loop3A_632 : memref<9216xi32, #tpu.memory_space<vmem>>[vector<16xi32>], vector<16xi32>,
        %parallel_loop3A_911 = arith.constant 11 : i32
        %parallel_loop3A_912 = vector.broadcast %parallel_loop3A_911 : i32 to vector<16xi32>
        %parallel_loop3A_913 = arith.addi %parallel_loop3A_877, %parallel_loop3A_912 : vector<16xi32>
        tpu.vector_store_idx %arg11[%parallel_loop3A_913], %parallel_loop3A_680 : memref<9216xi32, #tpu.memory_space<vmem>>[vector<16xi32>], vector<16xi32>,
        %parallel_loop3A_914 = arith.constant 12 : i32
        %parallel_loop3A_915 = vector.broadcast %parallel_loop3A_914 : i32 to vector<16xi32>
        %parallel_loop3A_916 = arith.addi %parallel_loop3A_877, %parallel_loop3A_915 : vector<16xi32>
        tpu.vector_store_idx %arg11[%parallel_loop3A_916], %parallel_loop3A_728 : memref<9216xi32, #tpu.memory_space<vmem>>[vector<16xi32>], vector<16xi32>,
        %parallel_loop3A_917 = arith.constant 13 : i32
        %parallel_loop3A_918 = vector.broadcast %parallel_loop3A_917 : i32 to vector<16xi32>
        %parallel_loop3A_919 = arith.addi %parallel_loop3A_877, %parallel_loop3A_918 : vector<16xi32>
        tpu.vector_store_idx %arg11[%parallel_loop3A_919], %parallel_loop3A_776 : memref<9216xi32, #tpu.memory_space<vmem>>[vector<16xi32>], vector<16xi32>,
        %parallel_loop3A_920 = arith.constant 14 : i32
        %parallel_loop3A_921 = vector.broadcast %parallel_loop3A_920 : i32 to vector<16xi32>
        %parallel_loop3A_922 = arith.addi %parallel_loop3A_877, %parallel_loop3A_921 : vector<16xi32>
        tpu.vector_store_idx %arg11[%parallel_loop3A_922], %parallel_loop3A_824 : memref<9216xi32, #tpu.memory_space<vmem>>[vector<16xi32>], vector<16xi32>,
        %parallel_loop3A_923 = arith.constant 15 : i32
        %parallel_loop3A_924 = vector.broadcast %parallel_loop3A_923 : i32 to vector<16xi32>
        %parallel_loop3A_925 = arith.addi %parallel_loop3A_877, %parallel_loop3A_924 : vector<16xi32>
        tpu.vector_store_idx %arg11[%parallel_loop3A_925], %parallel_loop3A_872 : memref<9216xi32, #tpu.memory_space<vmem>>[vector<16xi32>], vector<16xi32>,
      } {sc.loop_unroll_factor = 2 : i64, sc.parallel_access}
      %mul3A_17 = arith.constant 16 : i32
      %mul3A_18 = arith.muli %add3A_14, %mul3A_17 : i32
      "tpu.region"() ({
        %run_scoped3A = tpu.sem_alloc : memref<!tpu.dma_semaphore, #tpu.memory_space<semaphore_mem>>
        %dma_start3A = tpu.memref_slice %arg6[%mul3A_18] : memref<2359296xi32, #tpu.memory_space<hbm>> -> memref<9216xi32, #tpu.memory_space<hbm>>
        %dma_start3A_19 = tpu.memref_slice %arg6[%mul3A_18] : memref<2359296xi32, #tpu.memory_space<hbm>> -> memref<9216xi32, #tpu.memory_space<hbm>>
        tpu.enqueue_dma source(%arg11 : memref<9216xi32, #tpu.memory_space<vmem>>) target(%dma_start3A_19 : memref<9216xi32, #tpu.memory_space<hbm>>) target_semaphore(%run_scoped3A : memref<!tpu.dma_semaphore, #tpu.memory_space<semaphore_mem>>)
        %dma_wait3A = tpu.memref_slice %arg6[%mul3A_18] : memref<2359296xi32, #tpu.memory_space<hbm>> -> memref<9216xi32, #tpu.memory_space<hbm>>
        %dma_wait3A_20 = tpu.memref_slice %arg6[%mul3A_18] : memref<2359296xi32, #tpu.memory_space<hbm>> -> memref<9216xi32, #tpu.memory_space<hbm>>
        tpu.wait_dma2 semaphore(%run_scoped3A : memref<!tpu.dma_semaphore, #tpu.memory_space<semaphore_mem>>) src(%arg11 : memref<9216xi32, #tpu.memory_space<vmem>>) dst(%dma_wait3A_20 : memref<9216xi32, #tpu.memory_space<hbm>>)
        tpu.yield
      }) : () -> ()
    }
    %scan3A_6 = arith.constant 8 : i32
    return
  }
}

module attributes {stable_mosaic.version = 14 : i64} {
  func.func @_tc_body(%arg0: i32, %arg1: memref<1152x16xi32, #tpu.memory_space<vmem>>, %arg2: memref<1152x32xf32, #tpu.memory_space<vmem>>, %arg3: memref<1152x1xf32, #tpu.memory_space<vmem>>, %arg4: memref<1x32xf32, #tpu.memory_space<vmem>>, %arg5: memref<32x32xf32, #tpu.memory_space<vmem>>, %arg6: memref<1x32xf32, #tpu.memory_space<vmem>>, %arg7: memref<32x128xf32, #tpu.memory_space<vmem>>, %arg8: memref<1x128xf32, #tpu.memory_space<vmem>>, %arg9: memref<128x128xf32, #tpu.memory_space<vmem>>, %arg10: memref<1x128xf32, #tpu.memory_space<vmem>>, %arg11: memref<64x128xf32, #tpu.memory_space<vmem>>) attributes {dimension_semantics = [#tpu.dimension_semantics<arbitrary>], iteration_bounds = array<i64: 128>, scalar_prefetch = 0 : i64, scratch_operands = 0 : i64, tpu.core_type = #tpu.core_type<tc>, window_params = [{transform_indices = @transform_0, window_bounds = array<i64: 1152, 16>}, {pipeline_mode = #tpu.pipeline_mode<synchronous>, transform_indices = @transform_1, window_bounds = array<i64: 1152, 32>}, {transform_indices = @transform_2, window_bounds = array<i64: 1152, 1>}, {pipeline_mode = #tpu.pipeline_mode<synchronous>, transform_indices = @transform_3, window_bounds = array<i64: 1, 32>}, {pipeline_mode = #tpu.pipeline_mode<synchronous>, transform_indices = @transform_4, window_bounds = array<i64: 32, 32>}, {pipeline_mode = #tpu.pipeline_mode<synchronous>, transform_indices = @transform_5, window_bounds = array<i64: 1, 32>}, {pipeline_mode = #tpu.pipeline_mode<synchronous>, transform_indices = @transform_6, window_bounds = array<i64: 32, 128>}, {pipeline_mode = #tpu.pipeline_mode<synchronous>, transform_indices = @transform_7, window_bounds = array<i64: 1, 128>}, {pipeline_mode = #tpu.pipeline_mode<synchronous>, transform_indices = @transform_8, window_bounds = array<i64: 128, 128>}, {pipeline_mode = #tpu.pipeline_mode<synchronous>, transform_indices = @transform_9, window_bounds = array<i64: 1, 128>}, {transform_indices = @transform_10, window_bounds = array<i64: 64, 128>}]} {
    %get3A = arith.constant 0 : index
    %get3A_0 = arith.constant 0 : index
    %get3A_1 = vector.load %arg1[%get3A, %get3A_0] : memref<1152x16xi32, #tpu.memory_space<vmem>>, vector<1152x16xi32>
    %shift_left3A = arith.constant 16 : i32
    %shift_left3A_2 = vector.broadcast %shift_left3A : i32 to vector<1152x16xi32>
    %shift_left3A_3 = arith.shli %get3A_1, %shift_left3A_2 : vector<1152x16xi32>
    %bitcast_convert_type3A = tpu.bitcast %shift_left3A_3 : vector<1152x16xi32> -> vector<1152x16xf32>
    %and3A = arith.constant -65536 : i32
    %and3A_4 = vector.broadcast %and3A : i32 to vector<1152x16xi32>
    %and3A_5 = arith.andi %get3A_1, %and3A_4 : vector<1152x16xi32>
    %bitcast_convert_type3A_6 = tpu.bitcast %and3A_5 : vector<1152x16xi32> -> vector<1152x16xf32>
    %concatenate3A = tpu.concatenate %bitcast_convert_type3A, %bitcast_convert_type3A_6 in 1 : vector<1152x16xf32>, vector<1152x16xf32> -> vector<1152x32xf32>
    %get3A_7 = arith.constant 0 : index
    %get3A_8 = arith.constant 0 : index
    %get3A_9 = vector.load %arg2[%get3A_7, %get3A_8] : memref<1152x32xf32, #tpu.memory_space<vmem>>, vector<1152x32xf32>
    %add3A = arith.addf %concatenate3A, %get3A_9 : vector<1152x32xf32>
    %get3A_10 = arith.constant 0 : index
    %get3A_11 = arith.constant 0 : index
    %get3A_12 = vector.load %arg3[%get3A_10, %get3A_11] : memref<1152x1xf32, #tpu.memory_space<vmem>>, vector<1152x1xf32>
    %get3A_13 = arith.constant 0 : index
    %get3A_14 = arith.constant 0 : index
    %get3A_15 = vector.load %arg4[%get3A_13, %get3A_14] : memref<1x32xf32, #tpu.memory_space<vmem>>, vector<1x32xf32>
    %mul3A = vector.broadcast %get3A_12 : vector<1152x1xf32> to vector<1152x32xf32>
    %mul3A_16 = vector.broadcast %get3A_15 : vector<1x32xf32> to vector<1152x32xf32>
    %mul3A_17 = arith.mulf %mul3A, %mul3A_16 : vector<1152x32xf32>
    %add3A_18 = arith.addf %add3A, %mul3A_17 : vector<1152x32xf32>
    %max3A = arith.constant 0.000000e+00 : f32
    %max3A_19 = vector.broadcast %max3A : f32 to vector<1152x32xf32>
    %max3A_20 = arith.maximumf %add3A_18, %max3A_19 : vector<1152x32xf32>
    %get3A_21 = arith.constant 0 : index
    %get3A_22 = arith.constant 0 : index
    %get3A_23 = vector.load %arg5[%get3A_21, %get3A_22] : memref<32x32xf32, #tpu.memory_space<vmem>>, vector<32x32xf32>
    %dot_general3A = arith.constant dense<0.000000e+00> : vector<1152x32xf32>
    %dot_general3A_24 = tpu.matmul %max3A_20, %get3A_23, %dot_general3A {dimension_numbers = #tpu.dot_dimension_numbers<[1], [0], [0], [1], [0, 0, 1, 1], [], []>, transpose_lhs_hint = false} : vector<1152x32xf32>, vector<32x32xf32>, vector<1152x32xf32> -> vector<1152x32xf32>
    %get3A_25 = arith.constant 0 : index
    %get3A_26 = arith.constant 0 : index
    %get3A_27 = vector.load %arg6[%get3A_25, %get3A_26] : memref<1x32xf32, #tpu.memory_space<vmem>>, vector<1x32xf32>
    %add3A_28 = vector.broadcast %get3A_27 : vector<1x32xf32> to vector<1152x32xf32>
    %add3A_29 = arith.addf %dot_general3A_24, %add3A_28 : vector<1152x32xf32>
    %max3A_30 = arith.constant 0.000000e+00 : f32
    %max3A_31 = vector.broadcast %max3A_30 : f32 to vector<1152x32xf32>
    %max3A_32 = arith.maximumf %add3A_29, %max3A_31 : vector<1152x32xf32>
    %iota3A = tpu.iota {dimensions = array<i32: 0>} : vector<64x1152xi32>
    %iota3A_33 = tpu.iota {dimensions = array<i32: 1>} : vector<64x1152xi32>
    %jit3A = arith.constant 18 : i32
    %div3A = vector.broadcast %jit3A : i32 to vector<64x1152xi32>
    %div3A_34 = arith.divsi %iota3A_33, %div3A : vector<64x1152xi32>
    %sign3A = arith.constant 0 : i32
    %sign3A_35 = vector.broadcast %sign3A : i32 to vector<64x1152xi32>
    %sign3A_36 = arith.cmpi sgt, %iota3A_33, %sign3A_35 : vector<64x1152xi32>
    %sign3A_37 = arith.extui %sign3A_36 : vector<64x1152xi1> to vector<64x1152xi32>
    %sign3A_38 = arith.constant 0 : i32
    %sign3A_39 = vector.broadcast %sign3A_38 : i32 to vector<64x1152xi32>
    %sign3A_40 = arith.cmpi slt, %iota3A_33, %sign3A_39 : vector<64x1152xi32>
    %sign3A_41 = arith.extui %sign3A_40 : vector<64x1152xi1> to vector<64x1152xi32>
    %sign3A_42 = arith.subi %sign3A_37, %sign3A_41 : vector<64x1152xi32>
    %sign3A_43 = arith.constant 0 : i32
    %sign3A_44 = arith.cmpi sgt, %jit3A, %sign3A_43 : i32
    %sign3A_45 = arith.extui %sign3A_44 : i1 to i32
    %sign3A_46 = arith.constant 0 : i32
    %sign3A_47 = arith.cmpi slt, %jit3A, %sign3A_46 : i32
    %sign3A_48 = arith.extui %sign3A_47 : i1 to i32
    %sign3A_49 = arith.subi %sign3A_45, %sign3A_48 : i32
    %ne3A = vector.broadcast %sign3A_49 : i32 to vector<64x1152xi32>
    %ne3A_50 = arith.cmpi ne, %sign3A_42, %ne3A : vector<64x1152xi32>
    %rem3A = vector.broadcast %jit3A : i32 to vector<64x1152xi32>
    %rem3A_51 = arith.remsi %iota3A_33, %rem3A : vector<64x1152xi32>
    %ne3A_52 = arith.constant 0 : i32
    %ne3A_53 = vector.broadcast %ne3A_52 : i32 to vector<64x1152xi32>
    %ne3A_54 = arith.cmpi ne, %rem3A_51, %ne3A_53 : vector<64x1152xi32>
    %and3A_55 = arith.andi %ne3A_50, %ne3A_54 : vector<64x1152xi1>
    %sub3A = arith.constant 1 : i32
    %sub3A_56 = vector.broadcast %sub3A : i32 to vector<64x1152xi32>
    %sub3A_57 = arith.subi %div3A_34, %sub3A_56 : vector<64x1152xi32>
    %select_n3A = arith.select %and3A_55, %sub3A_57, %div3A_34 : vector<64x1152xi1>, vector<64x1152xi32>
    %eq3A = arith.cmpi eq, %select_n3A, %iota3A : vector<64x1152xi32>
    %convert_element_type3A = arith.extui %eq3A : vector<64x1152xi1> to vector<64x1152xi32>
    %convert_element_type3A_58 = arith.sitofp %convert_element_type3A : vector<64x1152xi32> to vector<64x1152xf32>
    %dot_general3A_59 = arith.constant dense<0.000000e+00> : vector<64x32xf32>
    %dot_general3A_60 = tpu.matmul %convert_element_type3A_58, %max3A_32, %dot_general3A_59 {dimension_numbers = #tpu.dot_dimension_numbers<[1], [0], [0], [1], [0, 0, 1, 1], [], []>, transpose_lhs_hint = false} : vector<64x1152xf32>, vector<1152x32xf32>, vector<64x32xf32> -> vector<64x32xf32>
    %mul3A_61 = arith.constant 0.055555556 : f32
    %mul3A_62 = vector.broadcast %mul3A_61 : f32 to vector<64x32xf32>
    %mul3A_63 = arith.mulf %dot_general3A_60, %mul3A_62 : vector<64x32xf32>
    %get3A_64 = arith.constant 0 : index
    %get3A_65 = arith.constant 0 : index
    %get3A_66 = vector.load %arg7[%get3A_64, %get3A_65] : memref<32x128xf32, #tpu.memory_space<vmem>>, vector<32x128xf32>
    %dot_general3A_67 = arith.constant dense<0.000000e+00> : vector<64x128xf32>
    %dot_general3A_68 = tpu.matmul %mul3A_63, %get3A_66, %dot_general3A_67 {dimension_numbers = #tpu.dot_dimension_numbers<[1], [0], [0], [1], [0, 0, 1, 1], [], []>, transpose_lhs_hint = false} : vector<64x32xf32>, vector<32x128xf32>, vector<64x128xf32> -> vector<64x128xf32>
    %get3A_69 = arith.constant 0 : index
    %get3A_70 = arith.constant 0 : index
    %get3A_71 = vector.load %arg8[%get3A_69, %get3A_70] : memref<1x128xf32, #tpu.memory_space<vmem>>, vector<1x128xf32>
    %add3A_72 = vector.broadcast %get3A_71 : vector<1x128xf32> to vector<64x128xf32>
    %add3A_73 = arith.addf %dot_general3A_68, %add3A_72 : vector<64x128xf32>
    %max3A_74 = arith.constant 0.000000e+00 : f32
    %max3A_75 = vector.broadcast %max3A_74 : f32 to vector<64x128xf32>
    %max3A_76 = arith.maximumf %add3A_73, %max3A_75 : vector<64x128xf32>
    %get3A_77 = arith.constant 0 : index
    %get3A_78 = arith.constant 0 : index
    %get3A_79 = vector.load %arg9[%get3A_77, %get3A_78] : memref<128x128xf32, #tpu.memory_space<vmem>>, vector<128x128xf32>
    %dot_general3A_80 = arith.constant dense<0.000000e+00> : vector<64x128xf32>
    %dot_general3A_81 = tpu.matmul %max3A_76, %get3A_79, %dot_general3A_80 {dimension_numbers = #tpu.dot_dimension_numbers<[1], [0], [0], [1], [0, 0, 1, 1], [], []>, transpose_lhs_hint = false} : vector<64x128xf32>, vector<128x128xf32>, vector<64x128xf32> -> vector<64x128xf32>
    %get3A_82 = arith.constant 0 : index
    %get3A_83 = arith.constant 0 : index
    %get3A_84 = vector.load %arg10[%get3A_82, %get3A_83] : memref<1x128xf32, #tpu.memory_space<vmem>>, vector<1x128xf32>
    %add3A_85 = vector.broadcast %get3A_84 : vector<1x128xf32> to vector<64x128xf32>
    %add3A_86 = arith.addf %dot_general3A_81, %add3A_85 : vector<64x128xf32>
    %swap3A = arith.constant 0 : index
    %swap3A_87 = arith.constant 0 : index
    %swap3A_88 = vector.load %arg11[%swap3A, %swap3A_87] : memref<64x128xf32, #tpu.memory_space<vmem>>, vector<64x128xf32>
    tpu.vector_store %arg11[%swap3A, %swap3A_87], %add3A_86 {strides = array<i32>} : memref<64x128xf32, #tpu.memory_space<vmem>>, vector<64x128xf32>,
    return
  }
  func.func @transform_0(%arg0: i32) -> (i32, i32) {
    %c0_i32 = arith.constant 0 : i32
    %c0_i32_0 = arith.constant 0 : i32
    return %arg0, %c0_i32 : i32, i32
  }
  func.func @transform_1(%arg0: i32) -> (i32, i32) {
    %c0_i32 = arith.constant 0 : i32
    %c0_i32_0 = arith.constant 0 : i32
    %c0_i32_1 = arith.constant 0 : i32
    return %c0_i32, %c0_i32_0 : i32, i32
  }
  func.func @transform_2(%arg0: i32) -> (i32, i32) {
    %c0_i32 = arith.constant 0 : i32
    %c0_i32_0 = arith.constant 0 : i32
    return %arg0, %c0_i32 : i32, i32
  }
  func.func @transform_3(%arg0: i32) -> (i32, i32) {
    %c0_i32 = arith.constant 0 : i32
    %c0_i32_0 = arith.constant 0 : i32
    %c0_i32_1 = arith.constant 0 : i32
    return %c0_i32, %c0_i32_0 : i32, i32
  }
  func.func @transform_4(%arg0: i32) -> (i32, i32) {
    %c0_i32 = arith.constant 0 : i32
    %c0_i32_0 = arith.constant 0 : i32
    %c0_i32_1 = arith.constant 0 : i32
    return %c0_i32, %c0_i32_0 : i32, i32
  }
  func.func @transform_5(%arg0: i32) -> (i32, i32) {
    %c0_i32 = arith.constant 0 : i32
    %c0_i32_0 = arith.constant 0 : i32
    %c0_i32_1 = arith.constant 0 : i32
    return %c0_i32, %c0_i32_0 : i32, i32
  }
  func.func @transform_6(%arg0: i32) -> (i32, i32) {
    %c0_i32 = arith.constant 0 : i32
    %c0_i32_0 = arith.constant 0 : i32
    %c0_i32_1 = arith.constant 0 : i32
    return %c0_i32, %c0_i32_0 : i32, i32
  }
  func.func @transform_7(%arg0: i32) -> (i32, i32) {
    %c0_i32 = arith.constant 0 : i32
    %c0_i32_0 = arith.constant 0 : i32
    %c0_i32_1 = arith.constant 0 : i32
    return %c0_i32, %c0_i32_0 : i32, i32
  }
  func.func @transform_8(%arg0: i32) -> (i32, i32) {
    %c0_i32 = arith.constant 0 : i32
    %c0_i32_0 = arith.constant 0 : i32
    %c0_i32_1 = arith.constant 0 : i32
    return %c0_i32, %c0_i32_0 : i32, i32
  }
  func.func @transform_9(%arg0: i32) -> (i32, i32) {
    %c0_i32 = arith.constant 0 : i32
    %c0_i32_0 = arith.constant 0 : i32
    %c0_i32_1 = arith.constant 0 : i32
    return %c0_i32, %c0_i32_0 : i32, i32
  }
  func.func @transform_10(%arg0: i32) -> (i32, i32) {
    %c0_i32 = arith.constant 0 : i32
    %c0_i32_0 = arith.constant 0 : i32
    return %arg0, %c0_i32 : i32, i32
  }
}

</mosaic_0001>

<sc_bundles>
// kernel: kernel.6.cloned.1.call-start
scs
__scs_entry_jumppad:
0x0: {  	(pc) =	sbr.rel $0x88, $3  }
0x1: {  	(tag) =	ssettag $0x0;
	lr =	simm.s32 $0x1  }
0x2: {  	[smem:$0x3F86] =	sst lr;
	_ =	strace $0xD0000000  }
0x3: {  	_ = 	snop  }
0x4: {  	_ = 	snop  }
0x5: {  	_ = 	snop  }
0x6: {  	_ = 	snop  }
0x7: {  	_ = 	snop  }
__scs_overlays_trampoline_lowered:
0x8: {  	[smem:$0x3F95] =	sst s0  }
0x9: {  	[smem:$0x3F96] =	sst s1  }
0xa: {  	[smem:$0x3F97] =	sst s2  }
0xb: {  	[smem:$0x3F98] =	sst s3  }
0xc: {  	[smem:$0x3F99] =	sst s4  }
0xd: {  	[smem:$0x3F9A] =	sst s5  }
0xe: {  	[smem:$0x3F9B] =	sst s6  }
0xf: {  	[smem:$0x3F9C] =	sst s7  }
0x10: {  	[smem:$0x3F9D] =	sst s8  }
0x11: {  	[smem:$0x3F9E] =	sst s9;
	s0 =	simm.s32 @!p0 $0x0  }
0x12: {  	s1 =	sld [smem:$0x3F84];
	s0 =	simm.s32 @p0 $0x1  }
0x13: {  	[smem:$0x3F9F] =	sst s0;
	s0 =	simm.s32 @!p1 $0x0  }
0x14: {  	s2 =	sld [smem:$0x3F83];
	s0 =	simm.s32 @p1 $0x1  }
0x15: {  	[smem:$0x3FA0] =	sst s0;
	s0 =	simm.s32 @!p2 $0x0  }
0x16: {  	s3 =	sld [smem:$0x3FDB];
	s0 =	simm.s32 @p2 $0x1  }
0x17: {  	s4 =	simm.s32 $0x1BF5;
	[smem:$0x3FA2] =	sst s0  }
0x18: {  	s0 =	sld [smem:$0x3F85];
	_ =	swait.ge [sflag:s4], $0x0  }
0x19: {  	s7 =	sld [smem:$0x3F86]  }
0x1a: {  	s8 =	sadd.s32 $0xFFFFE003, lr  }
0x1b: {  	s9 =	sadd.s32 $0xFFFFFEF7, lr;
	s5 =	simm.s32 $0xFFFFFFFF;
	p2 =	slt.u32 s8, $0xFFFFF086  }
0x1c: {  	p1 =	slt.u32 s9, $0xF7A;
	s5 =	simm.s32 @!p2 $0x0  }
0x1d: {  	s5 =	simm.s32 @p1 $0x1;
	p0 =	seq.s32 s7, s2  }
0x1e: {  	s7 =	smul.u32 @!p0 $0xF7A, s2;
	p2 =	seq.s32 @!p0 s5, $0x0  }
0x1f: {  	s9 =	smul.u32 $0xF7A, s1;
	s8 =	simm.s32 @!p0 $0x1BF5;
	p2 =	por !p2, p0  }
0x20: {  	[sflag:s8] =	ssyncset.s32 @!p0 $0xFFFFF086;
	s6 =	sadd.s32 @!p0 s3, s7;
	s7 =	simm.s32 @!p0 $0x108  }
0x21: {  	s3 =	sadd.s32 s3, s9;
	s6 =	sadd.s32 @!p0 $0x88, s6;
	s7 =	simm.s32 @p2 $0x1082  }
0x22: {  	[simem:s7], [sflag:s8] =	dma.local @!p0 [hbm:s6], $0xF7A  }
0x23: {  	s9 =	sor.u32 $0xD0000000, s2;
	s6 =	simm.s32 $0x108;
	_ =	swait.ge @!p0 [sflag:s8], $0x0  }
0x24: {  	s3 =	sadd.s32 $0x88, s3;
	s6 =	simm.s32 @!p1 $0x1082;
	[sflag:s4] =	ssyncset.s32 $0xFFFFF086  }
0x25: {  	[simem:s6], [sflag:s4] =	dma.local [hbm:s3], $0xF7A  }
0x26: {  	[smem:$0x3F86] =	sst s1;
	(tag) =	ssettag s2;
	_ =	strace s9  }
0x27: {  	s1 =	sld [smem:$0x3F96]  }
0x28: {  	s2 =	sld [smem:$0x3F97]  }
0x29: {  	s4 =	sld [smem:$0x3F99]  }
0x2a: {  	p0 =	seq.s32 s5, $0x0;
	s5 =	sld [smem:$0x3F9A]  }
0x2b: {  	s6 =	sld [smem:$0x3F9B]  }
0x2c: {  	s7 =	sld [smem:$0x3F9C]  }
0x2d: {  	s3 =	simm.s32 $0x108;
	s8 =	sld [smem:$0x3F9D]  }
0x2e: {  	s3 =	simm.s32 @!p0 $0x1082;
	s9 =	sld [smem:$0x3F9E]  }
0x2f: {  	lr =	sadd.s32 s0, s3;
	s0 =	sld [smem:$0x3F95]  }
0x30: {  	s3 =	sld [smem:$0x3F98]  }
0x31: {  	[smem:$0x3FA1] =	sst s10  }
0x32: {  	s10 =	sld [smem:$0x3F9F];
	_ =	sdelay $0x3  }
0x33: {  	p0 =	seq.s32 s10, $0x1;
	s10 =	sld [smem:$0x3FA1];
	_ =	sdelay $0x3  }
0x34: {  	[smem:$0x3FA1] =	sst s10  }
0x35: {  	s10 =	sld [smem:$0x3FA0];
	_ =	sdelay $0x3  }
0x36: {  	p1 =	seq.s32 s10, $0x1;
	s10 =	sld [smem:$0x3FA1];
	_ =	sdelay $0x3  }
0x37: {  	[smem:$0x3FA1] =	sst s10  }
0x38: {  	s10 =	sld [smem:$0x3FA2]  }
0x39: {  	_ = 	snop;
	(pc) =	sbr.ind lr, $3  }
0x3a: {  	_ = 	snop  }
0x3b: {  	_ = 	snop  }
0x3c: {  	p2 =	seq.s32 s10, $0x1;
	s10 =	sld [smem:$0x3FA1]  }
0x3d: {  	_ =	shalt  }
0x3e: {  	_ =	shalt  }
0x3f: {  	_ =	shalt  }
0x40: {  	_ =	shalt  }
0x41: {  	_ =	shalt  }
0x42: {  	_ =	shalt  }
0x43: {  	_ =	shalt  }
0x44: {  	_ =	shalt  }
0x45: {  	_ =	shalt  }
0x46: {  	_ =	shalt  }
0x47: {  	_ =	shalt  }
0x48: {  	_ =	shalt  }
0x49: {  	_ =	shalt  }
0x4a: {  	_ =	shalt  }
0x4b: {  	_ =	shalt  }
0x4c: {  	_ =	shalt  }
0x4d: {  	_ =	shalt  }
0x4e: {  	_ =	shalt  }
0x4f: {  	_ =	shalt  }
0x50: {  	_ =	shalt  }
0x51: {  	_ =	shalt  }
0x52: {  	_ =	shalt  }
0x53: {  	_ =	shalt  }
0x54: {  	_ =	shalt  }
0x55: {  	_ =	shalt  }
0x56: {  	_ =	shalt  }
0x57: {  	_ =	shalt  }
0x58: {  	_ =	shalt  }
0x59: {  	_ =	shalt  }
0x5a: {  	_ =	shalt  }
0x5b: {  	_ =	shalt  }
0x5c: {  	_ =	shalt  }
0x5d: {  	_ =	shalt  }
0x5e: {  	_ =	shalt  }
0x5f: {  	_ =	shalt  }
0x60: {  	_ =	shalt  }
0x61: {  	_ =	shalt  }
0x62: {  	_ =	shalt  }
0x63: {  	_ =	shalt  }
0x64: {  	_ =	shalt  }
0x65: {  	_ =	shalt  }
0x66: {  	_ =	shalt  }
0x67: {  	_ =	shalt  }
0x68: {  	_ =	shalt  }
0x69: {  	_ =	shalt  }
0x6a: {  	_ =	shalt  }
0x6b: {  	_ =	shalt  }
0x6c: {  	_ =	shalt  }
0x6d: {  	_ =	shalt  }
0x6e: {  	_ =	shalt  }
0x6f: {  	_ =	shalt  }
0x70: {  	_ =	shalt  }
0x71: {  	_ =	shalt  }
0x72: {  	_ =	shalt  }
0x73: {  	_ =	shalt  }
0x74: {  	_ =	shalt  }
0x75: {  	_ =	shalt  }
0x76: {  	_ =	shalt  }
0x77: {  	_ =	shalt  }
0x78: {  	_ =	shalt  }
0x79: {  	_ =	shalt  }
0x7a: {  	_ =	shalt  }
0x7b: {  	_ =	shalt  }
0x7c: {  	_ =	shalt  }
0x7d: {  	_ =	shalt  }
0x7e: {  	_ =	shalt  }
0x7f: {  	_ =	shalt  }
0x80: {  	_ =	shalt  }
0x81: {  	_ =	shalt  }
0x82: {  	_ =	shalt  }
0x83: {  	_ =	shalt  }
0x84: {  	_ =	shalt  }
0x85: {  	_ =	shalt  }
0x86: {  	_ =	shalt  }
0x87: {  	_ =	shalt  }
.Lfunc_end0:
.L_simem_size_0:
called_computation_lowered:
.L_overlay_start_0:
0x88: {  	s2 =	sld [smem:$0x3FD9]  }
0x89: {  	s3 =	sld [smem:$0x3FFE];
	_ =	sdelay $0x1  }
0x8a: {  	s1 =	srdreg.scid  }
0x8b: {  	s0 =	sand.u32 $0x1, s1  }
0x8c: {  	s17 =	sshll.u32 s0, $0xA;
	s2 =	sadd.s32 s3, s2  }
0x8d: {  	s2 =	sadd.s32 s2, s17  }
0x8e: {  	[smem:$0x3FAD] =	sst s2  }
0x8f: {  	_ = 	snop  }
0x90: {  	s18 =	sld [smem:$0x3FD0];
	(tm) =	ssettm $0x1  }
0x91: {  	s19 =	sld [smem:$0x3FFB];
	_ =	sdelay $0x3  }
0x92: {  	_ =	strace s19  }
0x93: {  	s2 =	sld [smem:$0x3FFC];
	_ =	sdelay $0x3  }
0x94: {  	_ =	strace s2  }
0x95: {  	s2 =	sld [smem:$0x3FFD];
	_ =	sdelay $0x3  }
0x96: {  	_ =	strace s2  }
0x97: {  	_ =	strace $0x8FFFFFFF  }
0x98: {  	s20 =	sld [smem:$0x3FDB];
	_ =	sdelay $0x1  }
0x99: {  	s4 =	simm.s32 $_scs_section_size  }
0x9a: {  	s5 =	simm.s32 $_size__tile_overlayer_lowered;
	s6 =	simm.s32 $_tile_overlayer_lowered  }
0x9b: {  	s7 =	simm.s32 $0x1BFF;
	s21 =	sshll.u32 s6, $0x1;
	s4 =	sadd.s32 s4, s20  }
0x9c: {  	s22 =	simm.s32 $0x0;
	s5 =	sshll.u32 s5, $0x1;
	s6 =	sadd.s32 s21, s4  }
0x9d: {  	[timem:s22], [sflag:s7] =	dma.local [hbm:s6], s5  }
0x9e: {  	_ =	swait.ge [sflag:s7], s5  }
0x9f: {  	s5 =	ssub.s32 $0x0, s5;
	[sflag:s7] =	ssyncset.done $0x0  }
0xa0: {  	[sflag:s7] =	ssyncadd.s32 s5;
	_ =	sdelay $0x1  }
0xa1: {  	s23 =	simm.s32 $0x1B8B  }
0xa2: {  	_ =	swait.ge [sflag:s23], $0x1  }
0xa3: {  	[sflag:s23] =	ssyncset.done $0x0  }
0xa4: {  	[sflag:s23] =	ssyncadd.s32 $0xFFFFFFFF  }
0xa5: {  	s5 =	sld [smem:$0x0]  }
0xa6: {  	s6 =	sand.u32 $0xFFFFFFFE, s1  }
0xa7: {  	p0 =	sne.s32 s1, s6  }
0xa8: {  	s6 =	sshll.u32 @p0 s6, $0xE  }
0xa9: {  	s6 =	sadd.s32 @p0 $0x11B8D, s6;
	s7 =	sshll.u32 @p0 s5, $0x11  }
0xaa: {  	s6 =	sor.u32 @p0 s7, s6  }
0xab: {  	[sflag:s6] =	ssyncadd.remote.s32 @p0 $0x1;
	_ =	sdelay $0x1  }
0xac: {  	s6 =	simm.s32 @p0 $0x1B8D  }
0xad: {  	_ =	swait.eq @p0 [sflag:s6], $0x1  }
0xae: {  	[sflag:s6] =	ssyncadd.s32 @p0 $0xFFFFFFFF  }
0xaf: {  	s7 =	sshll.u32 @!p0 s1, $0xE  }
0xb0: {  	s7 =	sor.u32 @!p0 $0x4000, s7;
	s6 =	simm.s32 @!p0 $0x1B8D  }
0xb1: {  	s5 =	sshll.u32 @!p0 s5, $0x11;
	s7 =	sadd.s32 @!p0 $0x11B8D, s7;
	_ =	swait.eq @!p0 [sflag:s6], $0x1  }
0xb2: {  	s5 =	sor.u32 @!p0 s5, s7;
	[sflag:s6] =	ssyncadd.s32 @!p0 $0xFFFFFFFF  }
0xb3: {  	s25 =	simm.s32 $0x1B8E;
	s24 =	sld [smem:$0x3FFE];
	[sflag:s5] =	ssyncadd.remote.s32 @!p0 $0x1  }
0xb4: {  	s26 =	simm.s32 $execute0_lowered;
	[smem:$0x3FD2] =	sst s25  }
0xb5: {  	s6 =	sshll.u32 s26, $0x1;
	_ =	strace $0x80000049;
	[dreg:$0x1] =	wrdreg $0xFFFFFFFF  }
0xb6: {  	s28 =	simm.s32 $_size_execute0_lowered;
	s4 =	sadd.s32 s4, s6;
	[dreg:$0x0] =	wrdreg $0x0  }
0xb7: {  	s6 =	sshll.u32 s28, $0x1;
	[dreg:$0x2] =	wrdreg s4  }
0xb8: {  	[dreg:$0x3] =	wrdreg s6  }
0xb9: {  	[dreg:$0x4] =	wrdreg $0xC0  }
0xba: {  	_ =	task [dreg:s22], $0x5FFFF  }
0xbb: {  	[dreg:$0x1] =	wrdreg $0xFFFFFFFF  }
0xbc: {  	[dreg:$0x0] =	wrdreg $0x60  }
0xbd: {  	[dreg:$0x2] =	wrdreg s18  }
0xbe: {  	[dreg:$0x3] =	wrdreg s24  }
0xbf: {  	[dreg:$0x4] =	wrdreg $0x9  }
0xc0: {  	_ =	task.clear_ibuf [dreg:s22], $0x5FFFF;
	_ =	strace $0x90000049  }
0xc1: {  	s29 =	simm.s32 $0x9;
	_ =	strace $0x8000004B  }
0xc2: {  	_ =	swait.ge [sflag:s29], $0x1  }
0xc3: {  	[sflag:s29] =	ssyncadd.s32 $0xFFFFFFFF  }
0xc4: {  	_ =	strace $0x9000004B  }
0xc5: {  	_ =	sfence  }
0xc6: {  	s30 =	sld [smem:$0x0];
	_ =	sdelay $0x2  }
0xc7: {  	s31 =	sshll.u32 s1, $0xD;
	s1 =	sshrl.u32 s1, $0x2  }
0xc8: {  	s4 =	sand.u32 $0x4000, s31;
	s1 =	sadd.s32 s1, s30  }
0xc9: {  	s0 =	sor.u32 s4, s0;
	s1 =	sshll.u32 s1, $0x11  }
0xca: {  	s0 =	sor.u32 s1, s0  }
0xcb: {  	s0 =	sadd.s32 $0x8F2B, s0  }
0xcc: {  	[sflag:s0] =	ssyncadd.remote.s32 $0x1  }
0xcd: {  	_ =	sfence.sel $0xFFFF  }
0xce: {  	[dreg:$0x0] =	wrdreg $0xFFFFFFFF;
	(pc) =	sbr.abs _section_cstart, $3  }
0xcf: {  	[dreg:$0x1] =	wrdreg $0xFFFFFFFF  }
0xd0: {  	_ =	task.clear_ibuf [dreg:s22], $0x2FFFF;
	_ =	strace $0x9FFFFFFF  }
0xd1: {  	(tm) =	ssettm $0x7FFFFFFF  }
tec
execute0_lowered:
.L_overlay_start_1:
0x0: {  	(tag) =	ssettag $0x1  }
0x1: {  	s1 =	rddreg [dreg:$0x0]  }
0x2: {  	s7 =	rddreg [dreg:$0x1]  }
0x3: {  	s0 =	rddreg [dreg:$0x2];
	s2 =	simm.s32 $0x0;
	s3 =	srdreg.scid  }
0x4: {  	s12 =	simm.s32 $0xE000;
	s13 =	simm.s32 $0xE280;
	s14 =	simm.s32 $0xE500  }
0x5: {  	s15 =	simm.s32 $0x0;
	[smem:$0x7FF] =	sst s2;
	s8 =	sand.u32 $0x1, s3  }
0x6: {  	s4 =	sadd.s32 $0x5F200, s7;
	s3 =	stileid.u32;
	s5 =	sadd.s32 $0xC600, s7  }
0x7: {  	v0 =	vlaneseq.u32;
	s6 =	sadd.s32 $0x15600, s7;
	s7 =	sadd.s32 $0x63A00, s7;
	s9 =	ssub.s32 $0x2, s8  }
0x8: {  	v62 =	vmul.u32 $0x10, v0;
	_ =	strace $0x8000004A;
	s11 =	sshll.u32 s3, $0x1;
	s10 =	sshrl.u32 s9, $0x1  }
0x9: {  	s8 =	sor.u32 s8, s11;
	s11 =	simm.s32 $0xDD80;
	s9 =	ssub.s32 s9, s10  }
0xa: {  	[tilespmem:$0x1FFF0] =	vst v62;
	s8 =	smul.u32 $0x1200, s8;
	s10 =	simm.s32 $0x1;
	s9 =	smax.u32 s9, $0x1  }
.LBB2_1:
0xb: {  	[tilespmem:s2], [sflag:$0x1] =	stream.linear.gather [hbm4b:s6+s2], $0xDD80, $0x38;
	[tilespmem:$0x10900] =	vst v63  }
0xc: {  	_ =	swait.ge [sflag:s10], $0xDD80  }
0xd: {  	[sflag:s10] =	ssyncset.done $0x0  }
0xe: {  	s16 =	simm.s32 $0x0;
	[sflag:s10] =	ssyncadd.s32 $0xFFFF2280  }
.LBB2_2:
0xf: {  	s17 =	smul.u32 $0x240, s16;
	_ =	sdelay $0x1  }
0x10: {  	s17 =	sadd.s32 s8, s17  }
0x11: {  	s19 =	sshrl.u32 s17, $0x3  }
0x12: {  	s18 =	simm.s32 $0x0;
	s20 =	sadd.s32 s1, s19  }
0x13: {  	[tilespmem:s11], [sflag:$0x1] =	stream.linear.gather [hbm4b:s20+s18], $0x240, $0x38;
	[tilespmem:$0x10900] =	vst v63  }
0x14: {  	_ =	swait.ge [sflag:s10], $0x240  }
0x15: {  	[sflag:s10] =	ssyncset.done $0x0  }
0x16: {  	s31 =	sadd.s32 s4, s19;
	[sflag:s10] =	ssyncadd.s32 $0xFFFFFDC0  }
0x17: {  	[tilespmem:s12], [sflag:$0x1] =	stream.linear.gather [hbm4b:s31+s18], $0x240, $0x38;
	[tilespmem:$0x10900] =	vst v63  }
0x18: {  	_ =	swait.ge [sflag:s10], $0x240  }
0x19: {  	[sflag:s10] =	ssyncset.done $0x0  }
0x1a: {  	s19 =	sadd.s32 s5, s19;
	[sflag:s10] =	ssyncadd.s32 $0xFFFFFDC0  }
0x1b: {  	[tilespmem:s13], [sflag:$0x1] =	stream.linear.gather [hbm4b:s19+s18], $0x240, $0x38;
	[tilespmem:$0x10900] =	vst v63  }
0x1c: {  	_ =	swait.ge [sflag:s10], $0x240  }
0x1d: {  	[sflag:s10] =	ssyncset.done $0x0  }
0x1e: {  	s20 =	simm.s32 $0xE290;
	[sflag:s10] =	ssyncadd.s32 $0xFFFFFDC0  }
0x1f: {  	v2 =	vld [tilespmem:s20+$0x0];
	_ =	sdelay $0x4  }
0x20: {  	s21 =	simm.s32 $0xDD90;
	v1 =	vshll.u32 v2, $0x4  }
0x21: {  	v5 =	vld [tilespmem:s21+$0x0];
	v7 =	vand.u32 $0x3FF0, v1  }
0x22: {  	v3 =	vadd.s32 $0xA370, v7;
	_ =	sdelay $0x3  }
0x23: {  	v0 =	vshll.u32 v5, $0x4  }
0x24: {  	v12 =	vand.u32 $0x7FF0, v0;
	v3 =	vld.idx.msk [tilespmem:v3+s2+$0x0], $0xffff  }
0x25: {  	v4 =	vadd.s32 $0xA371, v7  }
0x26: {  	s19 =	simm.s32 $0xE010;
	v8 =	vld [tilespmem:s21+$0xFFFFFFF0]  }
0x27: {  	v1 =	vld [tilespmem:s19+$0x0]  }
0x28: {  	v0 =	vld [tilespmem:s20+$0xFFFFFFF0]  }
0x29: {  	v13 =	vld.idx.msk [tilespmem:v12+s2+$0x0], $0xffff;
	[tilespmem:$0x1FA00] =	vst v3  }
0x2a: {  	v4 =	vld.idx.msk [tilespmem:v4+s2+$0x0], $0xffff  }
0x2b: {  	v6 =	vadd.s32 $0xA372, v7;
	_ =	sdelay $0x3  }
0x2c: {  	[tilespmem:$0x1FA10] =	vst v4  }
0x2d: {  	v6 =	vld.idx.msk [tilespmem:v6+s2+$0x0], $0xffff  }
0x2e: {  	v9 =	vadd.s32 $0xA373, v7;
	_ =	sdelay $0x3  }
0x2f: {  	[tilespmem:$0x1FA20] =	vst v6  }
0x30: {  	v6 =	vld.idx.msk [tilespmem:v9+s2+$0x0], $0xffff  }
0x31: {  	v10 =	vadd.s32 $0xA374, v7;
	_ =	sdelay $0x3  }
0x32: {  	[tilespmem:$0x1FA30] =	vst v6  }
0x33: {  	v9 =	vld.idx.msk [tilespmem:v10+s2+$0x0], $0xffff  }
0x34: {  	v3 =	vadd.s32 $0xA375, v7;
	_ =	sdelay $0x3  }
0x35: {  	v11 =	vshll.u32 v1, $0x4;
	[tilespmem:$0x1FA40] =	vst v9  }
0x36: {  	v2 =	vshra.s32 v2, $0x6;
	v19 =	vand.u32 $0x3FF0, v11;
	v3 =	vld.idx.msk [tilespmem:v3+s2+$0x0], $0xffff  }
0x37: {  	v2 =	vand.u32 $0xFFFFFFF0, v2;
	v4 =	vadd.s32 $0xA370, v19  }
0x38: {  	v11 =	vadd.s32 $0x8170, v2  }
0x39: {  	v6 =	vshra.s32 v5, $0x10;
	v10 =	vadd.s32 $0x8172, v2  }
0x3a: {  	v14 =	vadd.s32 $0x8171, v2;
	v6 =	vand.u32 $0xFFFFFFF0, v6  }
0x3b: {  	v15 =	vadd.s32 $0x6E00, v6;
	[tilespmem:$0x1FA50] =	vst v3  }
0x3c: {  	v16 =	vadd.s32 $0x6E01, v6;
	v9 =	vld.idx.msk [tilespmem:v4+s2+$0x0], $0xffff  }
0x3d: {  	v17 =	vshrl.u32 v5, $0x7;
	v4 =	vld.idx.msk [tilespmem:v11+s2+$0x0], $0xffff;
	v11 =	vadd.s32 $0x6E02, v6  }
0x3e: {  	v18 =	vand.u32 $0x1FF0, v17;
	v5 =	vld.idx.msk [tilespmem:v10+s2+$0x0], $0xffff;
	v10 =	vadd.s32 $0x6E04, v6  }
0x3f: {  	v17 =	vadd.s32 $0x50D0, v18;
	v3 =	vld.idx.msk [tilespmem:v14+s2+$0x0], $0xffff  }
0x40: {  	v20 =	vor.u32 $0x1, v12;
	v15 =	vld.idx.msk [tilespmem:v15+s2+$0x0], $0xffff  }
0x41: {  	v22 =	vor.u32 $0x2, v12;
	v16 =	vld.idx.msk [tilespmem:v16+s2+$0x0], $0xffff  }
0x42: {  	v21 =	vld.idx.msk [tilespmem:v11+s2+$0x0], $0xffff;
	v11 =	vadd.s32 $0x50D1, v18  }
0x43: {  	v23 =	vld.idx.msk [tilespmem:v10+s2+$0x0], $0xffff;
	v10 =	vadd.s32 $0x50D2, v18  }
0x44: {  	v24 =	vld.idx.msk [tilespmem:v17+s2+$0x0], $0xffff;
	v17 =	vor.u32 $0x3, v12  }
0x45: {  	v25 =	vadd.s32 $0x50D3, v18;
	v20 =	vld.idx.msk [tilespmem:v20+s2+$0x0], $0xffff  }
0x46: {  	v27 =	vadd.s32 $0x50D4, v18;
	v22 =	vld.idx.msk [tilespmem:v22+s2+$0x0], $0xffff  }
0x47: {  	v52 =	vld.idx.msk [tilespmem:v11+s2+$0x0], $0xffff;
	v11 =	vor.u32 $0x4, v12  }
0x48: {  	v28 =	vld.idx.msk [tilespmem:v10+s2+$0x0], $0xffff;
	v10 =	vor.u32 $0x5, v12  }
0x49: {  	v29 =	vld.idx.msk [tilespmem:v17+s2+$0x0], $0xffff;
	v17 =	vadd.s32 $0x50D5, v18  }
0x4a: {  	v30 =	vor.u32 $0x6, v12;
	v25 =	vld.idx.msk [tilespmem:v25+s2+$0x0], $0xffff  }
0x4b: {  	v32 =	vor.u32 $0x7, v12;
	v27 =	vld.idx.msk [tilespmem:v27+s2+$0x0], $0xffff  }
0x4c: {  	v31 =	vld.idx.msk [tilespmem:v11+s2+$0x0], $0xffff;
	v11 =	vadd.s32 $0x50D6, v18  }
0x4d: {  	v33 =	vld.idx.msk [tilespmem:v10+s2+$0x0], $0xffff;
	v10 =	vadd.s32 $0x50D7, v18  }
0x4e: {  	v34 =	vld.idx.msk [tilespmem:v17+s2+$0x0], $0xffff;
	v17 =	vor.u32 $0x8, v12  }
0x4f: {  	v35 =	vadd.s32 $0x50D8, v18;
	v30 =	vld.idx.msk [tilespmem:v30+s2+$0x0], $0xffff  }
0x50: {  	v37 =	vadd.s32 $0x50D9, v18;
	v32 =	vld.idx.msk [tilespmem:v32+s2+$0x0], $0xffff  }
0x51: {  	v36 =	vld.idx.msk [tilespmem:v11+s2+$0x0], $0xffff;
	v11 =	vor.u32 $0x9, v12  }
0x52: {  	v38 =	vld.idx.msk [tilespmem:v10+s2+$0x0], $0xffff;
	v10 =	vor.u32 $0xA, v12  }
0x53: {  	v39 =	vld.idx.msk [tilespmem:v17+s2+$0x0], $0xffff;
	v17 =	vadd.s32 $0x50DA, v18  }
0x54: {  	v14 =	vadd.s32 $0x6E03, v6;
	v35 =	vld.idx.msk [tilespmem:v35+s2+$0x0], $0xffff  }
0x55: {  	v40 =	vor.u32 $0xB, v12;
	v37 =	vld.idx.msk [tilespmem:v37+s2+$0x0], $0xffff  }
0x56: {  	v43 =	vshrl.u32 v8, $0x7;
	v41 =	vld.idx.msk [tilespmem:v11+s2+$0x0], $0xffff  }
0x57: {  	v11 =	vadd.s32 $0x50DB, v18;
	v44 =	vld.idx.msk [tilespmem:v10+s2+$0x0], $0xffff;
	v10 =	vand.u32 $0x1FF0, v43  }
0x58: {  	v60 =	vld.idx.msk [tilespmem:v17+s2+$0x0], $0xffff;
	v17 =	vadd.s32 $0x50D0, v10  }
0x59: {  	v14 =	vld.idx.msk [tilespmem:v14+s2+$0x0], $0xffff;
	[tilespmem:$0x1FA60] =	vst v17;
	v17 =	vadd.s32 $0x50D1, v10  }
0x5a: {  	v42 =	vor.u32 $0xC, v12;
	v40 =	vld.idx.msk [tilespmem:v40+s2+$0x0], $0xffff;
	[tilespmem:$0x1FA70] =	vst v17;
	v17 =	vadd.s32 $0x50D2, v10  }
0x5b: {  	v45 =	vadd.s32 $0x50DC, v18;
	[tilespmem:$0x1FA80] =	vst v17  }
0x5c: {  	v47 =	vor.u32 $0xD, v12;
	v48 =	vld.idx.msk [tilespmem:v11+s2+$0x0], $0xffff;
	v11 =	vadd.s32 $0x50D3, v10  }
0x5d: {  	v61 =	vadd.s32 $0x50DD, v18;
	[tilespmem:$0x1FA90] =	vst v11;
	v11 =	vadd.s32 $0x50D4, v10  }
0x5e: {  	v49 =	vor.u32 $0xE, v12;
	[tilespmem:$0x1FAA0] =	vst v11;
	v11 =	vadd.s32 $0x50D5, v10  }
0x5f: {  	v50 =	vadd.s32 $0x50DE, v18;
	v51 =	vor.u32 $0xF, v12;
	v12 =	vadd.s32 $0x50D6, v10;
	v42 =	vld.idx.msk [tilespmem:v42+s2+$0x0], $0xffff;
	[tilespmem:$0x1FAB0] =	vst v11  }
0x60: {  	v45 =	vld.idx.msk [tilespmem:v45+s2+$0x0], $0xffff;
	[tilespmem:$0x1FAC0] =	vst v12  }
0x61: {  	v46 =	vshll.u32 v8, $0x4;
	v13 =	vadd.bf16 v24, v13;
	v18 =	vadd.s32 $0x50DF, v18;
	v47 =	vld.idx.msk [tilespmem:v47+s2+$0x0], $0xffff  }
0x62: {  	v24 =	vadd.s32 $0x6E05, v6;
	v25 =	vadd.bf16 v25, v29;
	v29 =	vadd.s32 $0x50D7, v10;
	v17 =	vld.idx.msk [tilespmem:v61+s2+$0x0], $0xffff  }
0x63: {  	v26 =	vand.u32 $0x7FF0, v46;
	v22 =	vadd.bf16 v28, v22;
	v28 =	vadd.s32 $0x6E06, v6;
	v63 =	vld.idx.msk [tilespmem:v49+s2+$0x0], $0xffff;
	[tilespmem:$0x1FAD0] =	vst v29  }
0x64: {  	v20 =	vadd.bf16 v52, v20;
	v52 =	vadd.s32 $0x6E08, v6;
	v27 =	vadd.bf16 v27, v31;
	v31 =	vld.idx.msk [tilespmem:v50+s2+$0x0], $0xffff  }
0x65: {  	v54 =	vadd.s32 $0x6E09, v6;
	v55 =	vadd.s32 $0x6E0A, v6;
	v13 =	vadd.bf16 v15, v13;
	v53 =	vld.idx.msk [tilespmem:v51+s2+$0x0], $0xffff  }
0x66: {  	v58 =	vadd.s32 $0x6E0B, v6;
	v56 =	vadd.s32 $0x50D8, v10;
	v29 =	vadd.s32 $0x6E07, v6;
	v18 =	vld.idx.msk [tilespmem:v18+s2+$0x0], $0xffff  }
0x67: {  	v59 =	vadd.s32 $0x6E0C, v6;
	v13 =	vadd.bf16 v4, v13;
	v14 =	vadd.bf16 v14, v25;
	v24 =	vld.idx.msk [tilespmem:v24+s2+$0x0], $0xffff;
	[tilespmem:$0x1FAE0] =	vst v56  }
0x68: {  	v15 =	vadd.s32 $0xA37A, v7;
	v16 =	vadd.bf16 v16, v20;
	v33 =	vadd.bf16 v34, v33;
	v28 =	vld.idx.msk [tilespmem:v28+s2+$0x0], $0xffff  }
0x69: {  	v4 =	vadd.s32 $0x817D, v2;
	v32 =	vadd.bf16 v38, v32;
	v57 =	vadd.bf16 v60, v44;
	v34 =	vld.idx.msk [tilespmem:v52+s2+$0x0], $0xffff  }
0x6a: {  	v60 =	vadd.s32 $0x6E0D, v6;
	v38 =	vld.idx.msk [tilespmem:v54+s2+$0x0], $0xffff;
	v31 =	vadd.bf16 v31, v63;
	v63 =	vadd.s32 $0x50D9, v10  }
0x6b: {  	v20 =	vadd.s32 $0x8173, v2;
	v61 =	vadd.s32 $0x6E0E, v6;
	v6 =	vadd.s32 $0x6E0F, v6;
	v29 =	vld.idx.msk [tilespmem:v29+s2+$0x0], $0xffff;
	[tilespmem:$0x1FAF0] =	vst v63  }
0x6c: {  	v21 =	vadd.bf16 v21, v22;
	v22 =	vadd.s32 $0x8174, v2;
	v35 =	vadd.bf16 v35, v39;
	v39 =	vld.idx.msk [tilespmem:v55+s2+$0x0], $0xffff  }
0x6d: {  	v16 =	vadd.bf16 v3, v16;
	v23 =	vadd.bf16 v23, v27;
	v25 =	vadd.s32 $0x50DA, v10;
	v43 =	vld.idx.msk [tilespmem:v58+s2+$0x0], $0xffff  }
0x6e: {  	v30 =	vadd.bf16 v36, v30;
	v36 =	vadd.s32 $0xA378, v7;
	v37 =	vadd.bf16 v37, v41;
	v44 =	vld.idx.msk [tilespmem:v59+s2+$0x0], $0xffff;
	[tilespmem:$0x1FB00] =	vst v25  }
0x6f: {  	v11 =	vadd.s32 $0xA376, v7;
	v12 =	vadd.s32 $0xA377, v7;
	v51 =	vadd.s32 $0x8176, v2;
	v27 =	vld.idx.msk [tilespmem:v60+s2+$0x0], $0xffff  }
0x70: {  	v40 =	vadd.bf16 v48, v40;
	v56 =	vadd.s32 $0x8179, v2;
	v52 =	vadd.s32 $0x8177, v2;
	v6 =	vld.idx.msk [tilespmem:v6+s2+$0x0], $0xffff  }
0x71: {  	v54 =	vadd.s32 $0x50DB, v10;
	v42 =	vadd.bf16 v45, v42;
	v25 =	vadd.s32 $0x8175, v2;
	v46 =	vld.idx.msk [tilespmem:v61+s2+$0x0], $0xffff  }
0x72: {  	v17 =	vadd.bf16 v17, v47;
	v18 =	vadd.bf16 v18, v53;
	v53 =	vadd.s32 $0x8178, v2;
	v20 =	vld.idx.msk [tilespmem:v20+s2+$0x0], $0xffff;
	[tilespmem:$0x1FB10] =	vst v54  }
0x73: {  	v45 =	vadd.s32 $0xA379, v7;
	v22 =	vld.idx.msk [tilespmem:v22+s2+$0x0], $0xffff;
	v55 =	vadd.bf16 v39, v57;
	v57 =	vadd.s32 $0x817A, v2  }
0x74: {  	v24 =	vadd.bf16 v24, v33;
	v33 =	vld.idx.msk [tilespmem:v51+s2+$0x0], $0xffff;
	v17 =	vadd.bf16 v27, v17;
	v27 =	vadd.s32 $0x817B, v2  }
0x75: {  	v29 =	vadd.bf16 v29, v32;
	v32 =	vld.idx.msk [tilespmem:v52+s2+$0x0], $0xffff;
	v18 =	vadd.bf16 v6, v18;
	v6 =	vadd.s32 $0x50DC, v10  }
0x76: {  	v47 =	vadd.s32 $0xA37D, v7;
	v28 =	vadd.bf16 v28, v30;
	v58 =	vadd.s32 $0x817C, v2;
	v25 =	vld.idx.msk [tilespmem:v25+s2+$0x0], $0xffff;
	[tilespmem:$0x1FB20] =	vst v6  }
0x77: {  	v30 =	vadd.s32 $0xA37B, v7;
	v34 =	vadd.bf16 v34, v35;
	v60 =	vadd.s32 $0x817E, v2;
	v6 =	vld.idx.msk [tilespmem:v53+s2+$0x0], $0xffff  }
0x78: {  	v61 =	vadd.s32 $0x817F, v2;
	v40 =	vadd.bf16 v43, v40;
	v42 =	vadd.bf16 v44, v42;
	v41 =	vld.idx.msk [tilespmem:v57+s2+$0x0], $0xffff  }
0x79: {  	v43 =	vadd.s32 $0xA37C, v7;
	v14 =	vadd.bf16 v20, v14;
	v20 =	vshra.s32 v1, $0x10;
	v27 =	vld.idx.msk [tilespmem:v27+s2+$0x0], $0xffff  }
0x7a: {  	v22 =	vadd.bf16 v22, v23;
	v23 =	vadd.s32 $0xA371, v19;
	v2 =	vadd.bf16 v33, v28;
	v59 =	vld.idx.msk [tilespmem:v56+s2+$0x0], $0xffff  }
0x7b: {  	v28 =	vadd.s32 $0xA37E, v7;
	v44 =	vld.idx.msk [tilespmem:v58+s2+$0x0], $0xffff;
	v24 =	vadd.bf16 v25, v24;
	v25 =	vadd.s32 $0xA372, v19  }
0x7c: {  	v3 =	vadd.bf16 v32, v29;
	v63 =	vld.idx.msk [tilespmem:v4+s2+$0x0], $0xffff;
	v4 =	vadd.bf16 v6, v34;
	v6 =	vadd.s32 $0x50DD, v10  }
0x7d: {  	v29 =	vadd.s32 $0xA373, v19;
	v49 =	vld.idx.msk [tilespmem:v60+s2+$0x0], $0xffff;
	[tilespmem:$0x1FB30] =	vst v6;
	v6 =	vadd.bf16 v41, v55;
	v41 =	vand.u32 $0xFFFFFFF0, v20  }
0x7e: {  	v51 =	vld.idx.msk [tilespmem:v61+s2+$0x0], $0xffff;
	v20 =	vadd.s32 $0xA37F, v7;
	v7 =	vadd.bf16 v27, v40;
	v27 =	vadd.s32 $0x50DE, v10  }
0x7f: {  	v48 =	vadd.s32 $0xA374, v19;
	v23 =	vld.idx.msk [tilespmem:v23+s2+$0x0], $0xffff;
	v10 =	vadd.s32 $0x50DF, v10;
	[tilespmem:$0x1FB40] =	vst v27  }
0x80: {  	v50 =	vadd.s32 $0xA375, v19;
	v25 =	vld.idx.msk [tilespmem:v25+s2+$0x0], $0xffff;
	[tilespmem:$0x1FB50] =	vst v10  }
0x81: {  	v11 =	vld.idx.msk [tilespmem:v11+s2+$0x0], $0xffff  }
0x82: {  	v8 =	vshra.s32 v8, $0x10;
	v31 =	vadd.bf16 v46, v31  }
0x83: {  	v53 =	vand.u32 $0xFFFFFFF0, v8;
	v55 =	vadd.bf16 v63, v17;
	v17 =	vld.idx.msk [tilespmem:v29+s2+$0x0], $0xffff  }
0x84: {  	v58 =	vadd.bf16 v9, v13;
	v9 =	vadd.s32 $0x6E00, v53;
	v56 =	vadd.bf16 v49, v31;
	v31 =	vld.idx.msk [tilespmem:v48+s2+$0x0], $0xffff  }
0x85: {  	v8 =	vld.idx.msk [tilespmem:v50+s2+$0x0], $0xffff;
	[tilespmem:$0x1FB70] =	vst v9  }
0x86: {  	[tilespmem:$0x1FB60] =	vst v11  }
0x87: {  	v9 =	vld.idx.msk [tilespmem:v12+s2+$0x0], $0xffff;
	_ =	sdelay $0x4  }
0x88: {  	[tilespmem:$0x1FB80] =	vst v9;
	v9 =	vadd.s32 $0x6E01, v53  }
0x89: {  	[tilespmem:$0x1FB90] =	vst v9  }
0x8a: {  	v9 =	vld.idx.msk [tilespmem:v36+s2+$0x0], $0xffff;
	_ =	sdelay $0x4  }
0x8b: {  	[tilespmem:$0x1FBA0] =	vst v9;
	v9 =	vadd.s32 $0x6E02, v53  }
0x8c: {  	[tilespmem:$0x1FBB0] =	vst v9  }
0x8d: {  	v9 =	vld.idx.msk [tilespmem:v45+s2+$0x0], $0xffff;
	_ =	sdelay $0x4  }
0x8e: {  	[tilespmem:$0x1FBC0] =	vst v9;
	v9 =	vadd.s32 $0x6E03, v53  }
0x8f: {  	[tilespmem:$0x1FBD0] =	vst v9  }
0x90: {  	v9 =	vld.idx.msk [tilespmem:v15+s2+$0x0], $0xffff;
	_ =	sdelay $0x4  }
0x91: {  	[tilespmem:$0x1FBE0] =	vst v9;
	v9 =	vadd.s32 $0x6E04, v53  }
0x92: {  	[tilespmem:$0x1FBF0] =	vst v9;
	v9 =	vadd.s32 $0x6E05, v53  }
0x93: {  	[tilespmem:$0x1FC00] =	vst v9  }
0x94: {  	v9 =	vld.idx.msk [tilespmem:v30+s2+$0x0], $0xffff;
	_ =	sdelay $0x4  }
0x95: {  	[tilespmem:$0x1FC10] =	vst v9;
	v9 =	vadd.s32 $0x6E06, v53  }
0x96: {  	[tilespmem:$0x1FC20] =	vst v9;
	v9 =	vadd.s32 $0x6E07, v53  }
0x97: {  	[tilespmem:$0x1FC30] =	vst v9;
	v9 =	vadd.s32 $0x6E08, v53  }
0x98: {  	[tilespmem:$0x1FC40] =	vst v9  }
0x99: {  	v9 =	vld.idx.msk [tilespmem:v43+s2+$0x0], $0xffff;
	_ =	sdelay $0x4  }
0x9a: {  	[tilespmem:$0x1FC50] =	vst v9;
	v9 =	vadd.s32 $0x6E09, v53  }
0x9b: {  	[tilespmem:$0x1FC60] =	vst v9;
	v9 =	vadd.s32 $0x6E0A, v53  }
0x9c: {  	[tilespmem:$0x1FC70] =	vst v9;
	v9 =	vadd.s32 $0x6E0B, v53  }
0x9d: {  	[tilespmem:$0x1FC80] =	vst v9;
	v9 =	vadd.s32 $0x6E0C, v53  }
0x9e: {  	v34 =	vld.idx.msk [tilespmem:v47+s2+$0x0], $0xffff;
	[tilespmem:$0x1FC90] =	vst v9;
	v9 =	vadd.s32 $0x6E0D, v53  }
0x9f: {  	[tilespmem:$0x1FCA0] =	vst v9;
	v9 =	vadd.s32 $0x6E0E, v53  }
0xa0: {  	[tilespmem:$0x1FCB0] =	vst v9  }
0xa1: {  	v9 =	vld.idx.msk [tilespmem:v28+s2+$0x0], $0xffff;
	_ =	sdelay $0x4  }
0xa2: {  	[tilespmem:$0x1FCC0] =	vst v9;
	v9 =	vadd.s32 $0x6E0F, v53  }
0xa3: {  	[tilespmem:$0x1FCD0] =	vst v9  }
0xa4: {  	v13 =	vld.idx.msk [tilespmem:v20+s2+$0x0], $0xffff  }
0xa5: {  	v27 =	vadd.s32 $0xA370, v41;
	_ =	sdelay $0x2  }
0xa6: {  	v37 =	vadd.bf16 v38, v37  }
0xa7: {  	v21 =	vadd.bf16 v5, v21;
	[tilespmem:$0x1FCE0] =	vst v13  }
0xa8: {  	v5 =	vadd.bf16 v59, v37;
	v59 =	vadd.bf16 v23, v16;
	v16 =	vld.idx.msk [tilespmem:v27+s2+$0x0], $0xffff  }
0xa9: {  	v10 =	vadd.s32 $0xA371, v41;
	_ =	sdelay $0x3  }
0xaa: {  	[tilespmem:$0x1FCF0] =	vst v16  }
0xab: {  	v10 =	vld.idx.msk [tilespmem:v10+s2+$0x0], $0xffff;
	_ =	sdelay $0x2  }
0xac: {  	v29 =	vshra.s32 v0, $0x6  }
0xad: {  	v57 =	vadd.bf16 v51, v18;
	v18 =	vadd.s32 $0xA372, v41;
	v11 =	vand.u32 $0xFFFFFFF0, v29  }
0xae: {  	[tilespmem:$0x1FD00] =	vst v10;
	v10 =	vadd.s32 $0x8170, v11  }
0xaf: {  	[tilespmem:$0x1FD10] =	vst v10;
	v10 =	vadd.s32 $0x8171, v11  }
0xb0: {  	[tilespmem:$0x1FD20] =	vst v10;
	v10 =	vadd.s32 $0x8172, v11  }
0xb1: {  	[tilespmem:$0x1FD30] =	vst v10  }
0xb2: {  	v10 =	vld.idx.msk [tilespmem:v18+s2+$0x0], $0xffff;
	_ =	sdelay $0x3  }
0xb3: {  	v9 =	vadd.s32 $0xA373, v41  }
0xb4: {  	[tilespmem:$0x1FD40] =	vst v10;
	v10 =	vadd.s32 $0x8173, v11  }
0xb5: {  	[tilespmem:$0x1FD50] =	vst v10;
	v10 =	vadd.s32 $0x8174, v11  }
0xb6: {  	[tilespmem:$0x1FD60] =	vst v10;
	v10 =	vadd.s32 $0x8175, v11  }
0xb7: {  	[tilespmem:$0x1FD70] =	vst v10  }
0xb8: {  	v9 =	vld.idx.msk [tilespmem:v9+s2+$0x0], $0xffff;
	_ =	sdelay $0x3  }
0xb9: {  	v12 =	vadd.s32 $0xA374, v41  }
0xba: {  	[tilespmem:$0x1FD80] =	vst v9;
	v9 =	vadd.s32 $0x8176, v11  }
0xbb: {  	[tilespmem:$0x1FD90] =	vst v9;
	v9 =	vadd.s32 $0x8177, v11  }
0xbc: {  	[tilespmem:$0x1FDA0] =	vst v9;
	v9 =	vadd.s32 $0x8178, v11  }
0xbd: {  	[tilespmem:$0x1FDB0] =	vst v9  }
0xbe: {  	v9 =	vld.idx.msk [tilespmem:v12+s2+$0x0], $0xffff;
	_ =	sdelay $0x3  }
0xbf: {  	v13 =	vadd.s32 $0xA375, v41  }
0xc0: {  	[tilespmem:$0x1FDC0] =	vst v9;
	v9 =	vadd.s32 $0x8179, v11  }
0xc1: {  	[tilespmem:$0x1FDD0] =	vst v9;
	v9 =	vadd.s32 $0x817A, v11  }
0xc2: {  	[tilespmem:$0x1FDE0] =	vst v9;
	v9 =	vadd.s32 $0x817B, v11  }
0xc3: {  	[tilespmem:$0x1FDF0] =	vst v9  }
0xc4: {  	v9 =	vld.idx.msk [tilespmem:v13+s2+$0x0], $0xffff;
	_ =	sdelay $0x3  }
0xc5: {  	v61 =	vadd.bf16 v17, v14;
	v14 =	vadd.s32 $0xA376, v41  }
0xc6: {  	[tilespmem:$0x1FE00] =	vst v9;
	v9 =	vadd.s32 $0x817C, v11  }
0xc7: {  	[tilespmem:$0x1FE10] =	vst v9;
	v9 =	vadd.s32 $0x817D, v11  }
0xc8: {  	[tilespmem:$0x1FE20] =	vst v9;
	v9 =	vadd.s32 $0x817E, v11  }
0xc9: {  	[tilespmem:$0x1FE30] =	vst v9  }
0xca: {  	v1 =	vshrl.u32 v1, $0x6;
	v9 =	vld.idx.msk [tilespmem:v14+s2+$0x0], $0xffff  }
0xcb: {  	v46 =	vand.u32 $0x3FF0, v1  }
0xcc: {  	v15 =	vadd.s32 $0xA370, v46  }
0xcd: {  	v16 =	vadd.s32 $0xA371, v46  }
0xce: {  	v20 =	vadd.s32 $0xA372, v46  }
0xcf: {  	[tilespmem:$0x1FE40] =	vst v9;
	v9 =	vadd.s32 $0x817F, v11  }
0xd0: {  	v0 =	vshll.u32 v0, $0x4;
	v60 =	vadd.bf16 v25, v21;
	v21 =	vadd.s32 $0xA373, v46;
	[tilespmem:$0x1FE50] =	vst v9  }
0xd1: {  	v0 =	vand.u32 $0x3FF0, v0;
	v45 =	vld.idx.msk [tilespmem:v15+s2+$0x0], $0xffff  }
0xd2: {  	v47 =	vld.idx.msk [tilespmem:v16+s2+$0x0], $0xffff;
	v15 =	vadd.s32 $0xA370, v0  }
0xd3: {  	v9 =	vadd.s32 $0xA374, v46;
	v48 =	vld.idx.msk [tilespmem:v20+s2+$0x0], $0xffff;
	[tilespmem:$0x1FE60] =	vst v15;
	v15 =	vadd.s32 $0xA371, v0  }
0xd4: {  	[tilespmem:$0x1FE70] =	vst v15;
	v15 =	vadd.s32 $0xA372, v0  }
0xd5: {  	v49 =	vld.idx.msk [tilespmem:v21+s2+$0x0], $0xffff;
	[tilespmem:$0x1FE80] =	vst v15;
	v15 =	vadd.s32 $0xA373, v0  }
0xd6: {  	v10 =	vadd.s32 $0xA375, v46;
	[tilespmem:$0x1FE90] =	vst v15;
	v15 =	vadd.s32 $0xA374, v0  }
0xd7: {  	[tilespmem:$0x1FEA0] =	vst v15  }
0xd8: {  	v50 =	vld.idx.msk [tilespmem:v9+s2+$0x0], $0xffff;
	v9 =	vadd.s32 $0xA375, v0  }
0xd9: {  	v12 =	vadd.s32 $0xA376, v46;
	[tilespmem:$0x1FEB0] =	vst v9;
	v9 =	vadd.s32 $0xA376, v0  }
0xda: {  	[tilespmem:$0x1FEC0] =	vst v9  }
0xdb: {  	v51 =	vld.idx.msk [tilespmem:v10+s2+$0x0], $0xffff;
	v10 =	vadd.s32 $0xA377, v0  }
0xdc: {  	[tilespmem:$0x1FED0] =	vst v10;
	v10 =	vadd.s32 $0xA378, v0  }
0xdd: {  	[tilespmem:$0x1FEE0] =	vst v10  }
0xde: {  	v10 =	vld.idx.msk [tilespmem:v12+s2+$0x0], $0xffff;
	_ =	sdelay $0x2  }
0xdf: {  	v13 =	vadd.s32 $0xA376, v19;
	_ =	sdelay $0x1  }
0xe0: {  	v14 =	vadd.s32 $0xA377, v19;
	[tilespmem:$0x1FEF0] =	vst v10;
	v10 =	vadd.s32 $0xA379, v0  }
0xe1: {  	[tilespmem:$0x1FF00] =	vst v10;
	v10 =	vadd.s32 $0xA37A, v0  }
0xe2: {  	[tilespmem:$0x1FF10] =	vst v10;
	v10 =	vadd.s32 $0xA37B, v0  }
0xe3: {  	v9 =	vadd.s32 $0xA378, v19;
	v52 =	vld.idx.msk [tilespmem:v13+s2+$0x0], $0xffff;
	[tilespmem:$0x1FF20] =	vst v10;
	v10 =	vadd.s32 $0xA37C, v0  }
0xe4: {  	v15 =	vadd.s32 $0xA379, v19;
	[tilespmem:$0x1FF30] =	vst v10;
	v10 =	vadd.s32 $0xA37D, v0  }
0xe5: {  	v16 =	vadd.s32 $0xA37A, v19;
	v53 =	vld.idx.msk [tilespmem:v14+s2+$0x0], $0xffff;
	[tilespmem:$0x1FF40] =	vst v10;
	v10 =	vadd.s32 $0xA37E, v0  }
0xe6: {  	v14 =	vadd.s32 $0xA37C, v19;
	v0 =	vadd.s32 $0xA37F, v0;
	[tilespmem:$0x1FF50] =	vst v10  }
0xe7: {  	v13 =	vadd.s32 $0xA37B, v19;
	[tilespmem:$0x1FF60] =	vst v0  }
0xe8: {  	v10 =	vld.idx.msk [tilespmem:v9+s2+$0x0], $0xffff  }
0xe9: {  	v0 =	vadd.s32 $0xA37D, v19;
	v12 =	vld.idx.msk [tilespmem:v15+s2+$0x0], $0xffff  }
0xea: {  	v20 =	vld.idx.msk [tilespmem:v16+s2+$0x0], $0xffff  }
0xeb: {  	v21 =	vld.idx.msk [tilespmem:v14+s2+$0x0], $0xffff;
	v14 =	vor.u32 $0x8, v26  }
0xec: {  	v16 =	vld.idx.msk [tilespmem:v13+s2+$0x0], $0xffff;
	[tilespmem:$0x1FF70] =	vst v14;
	v14 =	vor.u32 $0x9, v26  }
0xed: {  	s22 =	simm.s32 $0x10;
	v9 =	vadd.s32 $0xA37E, v19;
	[tilespmem:$0x1FF80] =	vst v14  }
0xee: {  	v33 =	vor.u32 $0x1, v26;
	v11 =	vmov s22;
	v15 =	vld.idx.msk [tilespmem:v0+s2+$0x0], $0xffff;
	v0 =	vor.u32 $0xA, v26  }
0xef: {  	v54 =	vadd.bf16 v44, v42;
	v11 =	vshll.u32 v11, $0x4;
	[tilespmem:$0x1FF90] =	vst v0;
	v0 =	vor.u32 $0xB, v26  }
0xf0: {  	v42 =	vor.u32 v62, v11;
	v11 =	vadd.s32 $0xA37F, v19;
	[tilespmem:$0x1FFA0] =	vst v0;
	v0 =	vor.u32 $0xC, v26  }
0xf1: {  	v32 =	vor.u32 $0x2, v26;
	v13 =	vadd.s32 $0xA377, v46;
	[tilespmem:$0x1FFB0] =	vst v0;
	v0 =	vor.u32 $0xD, v26  }
0xf2: {  	v1 =	vadd.bf16 v31, v22;
	v8 =	vadd.bf16 v8, v24;
	v18 =	vld.idx.msk [tilespmem:v9+s2+$0x0], $0xffff;
	[tilespmem:$0x1FFC0] =	vst v0;
	v0 =	vor.u32 $0xE, v26  }
0xf3: {  	v31 =	vor.u32 $0x3, v26;
	v29 =	vor.u32 $0x5, v26;
	[tilespmem:$0x1FFD0] =	vst v0;
	v0 =	vor.u32 $0xF, v26  }
0xf4: {  	v30 =	vor.u32 $0x4, v26;
	v28 =	vor.u32 $0x6, v26;
	v27 =	vor.u32 $0x7, v26;
	[tilespmem:$0x1FFE0] =	vst v0  }
0xf5: {  	v63 =	vor.u32 $0x1, v42;
	v14 =	vadd.s32 $0xA37A, v46;
	v9 =	vadd.s32 $0xA379, v46;
	v23 =	vld.idx.msk [tilespmem:v11+s2+$0x0], $0xffff  }
0xf6: {  	s22 =	simm.s32 $0x20;
	v0 =	vadd.s32 $0xA37B, v46;
	v11 =	vadd.s32 $0xA378, v46;
	v62 =	vld.idx.msk [tilespmem:v13+s2+$0x0], $0xffff;
	v13 =	vadd.s32 $0xA37C, v46  }
.LBB2_3:
0xf7: {  	v17 =	vld [tilespmem:$0x1FEF0];
	_ =	sdelay $0x2  }
0xf8: {  	v2 =	vadd.bf16 v52, v2  }
0xf9: {  	v13 =	vld.idx.msk [tilespmem:v13+s2+$0x0], $0xffff  }
0xfa: {  	v2 =	vadd.bf16 v17, v2;
	v17 =	vld [tilespmem:$0x1FCF0];
	_ =	sdelay $0x1  }
0xfb: {  	v6 =	vadd.bf16 v20, v6;
	v20 =	vadd.bf16 v21, v54  }
0xfc: {  	v22 =	vadd.bf16 v23, v57;
	v23 =	vadd.bf16 v45, v58;
	_ =	sdelay $0x1  }
0xfd: {  	v13 =	vadd.bf16 v13, v20;
	v20 =	vadd.bf16 v17, v23;
	v17 =	vld [tilespmem:$0x1FD00];
	_ =	sdelay $0x2  }
0xfe: {  	v43 =	vadd.bf16 v47, v59;
	_ =	sdelay $0x1  }
0xff: {  	v38 =	vadd.bf16 v17, v43;
	v17 =	vld [tilespmem:$0x1FA00];
	_ =	sdelay $0x3  }
0x100: {  	v11 =	vld.idx.msk [tilespmem:v11+s2+$0x0], $0xffff;
	v19 =	vadd.s32 $0xA37D, v46  }
0x101: {  	v20 =	vadd.bf16 v17, v20;
	v17 =	vld [tilespmem:$0x1FD40]  }
0x102: {  	v5 =	vadd.bf16 v12, v5;
	v12 =	vld.idx.msk [tilespmem:v14+s2+$0x0], $0xffff;
	v14 =	vadd.s32 $0xA37F, v46  }
0x103: {  	v9 =	vld.idx.msk [tilespmem:v9+s2+$0x0], $0xffff;
	v4 =	vadd.bf16 v10, v4;
	v10 =	vadd.s32 $0xA37E, v46  }
0x104: {  	v0 =	vld.idx.msk [tilespmem:v0+s2+$0x0], $0xffff;
	v52 =	vadd.bf16 v48, v60;
	v7 =	vadd.bf16 v16, v7;
	v16 =	vadd.s32 $0xA377, v41  }
0x105: {  	v21 =	vadd.s32 $0xA378, v41;
	v19 =	vld.idx.msk [tilespmem:v19+s2+$0x0], $0xffff  }
0x106: {  	v35 =	vadd.bf16 v17, v52;
	v17 =	vld [tilespmem:$0x1FA10]  }
0x107: {  	v44 =	vadd.s32 $0xA379, v41;
	v14 =	vld.idx.msk [tilespmem:v14+s2+$0x0], $0xffff  }
0x108: {  	v54 =	vadd.s32 $0xA37A, v41;
	v10 =	vld.idx.msk [tilespmem:v10+s2+$0x0], $0xffff  }
0x109: {  	v18 =	vadd.bf16 v18, v56;
	v56 =	vadd.s32 $0xA37C, v41;
	v16 =	vld.idx.msk [tilespmem:v16+s2+$0x0], $0xffff  }
0x10a: {  	v15 =	vadd.bf16 v15, v55;
	v55 =	vadd.s32 $0xA37B, v41;
	v4 =	vadd.bf16 v11, v4;
	v11 =	vld.idx.msk [tilespmem:v21+s2+$0x0], $0xffff  }
0x10b: {  	v38 =	vadd.bf16 v17, v38;
	v17 =	vld [tilespmem:$0x1FD80]  }
0x10c: {  	v5 =	vadd.bf16 v9, v5;
	v9 =	vadd.s32 $0xA37D, v41;
	v21 =	vld.idx.msk [tilespmem:v44+s2+$0x0], $0xffff  }
0x10d: {  	v6 =	vadd.bf16 v12, v6;
	v7 =	vadd.bf16 v0, v7;
	v0 =	vadd.s32 $0xA37E, v41;
	v12 =	vld.idx.msk [tilespmem:v54+s2+$0x0], $0xffff  }
0x10e: {  	v3 =	vadd.bf16 v53, v3;
	v53 =	vadd.bf16 v49, v61;
	v39 =	vld.idx.msk [tilespmem:v56+s2+$0x0], $0xffff  }
0x10f: {  	v15 =	vadd.bf16 v19, v15;
	v19 =	vadd.s32 $0xA37F, v41;
	v23 =	vld.idx.msk [tilespmem:v55+s2+$0x0], $0xffff  }
0x110: {  	v36 =	vadd.bf16 v17, v53;
	v17 =	vld [tilespmem:$0x1FA30]  }
0x111: {  	v9 =	vld.idx.msk [tilespmem:v9+s2+$0x0], $0xffff  }
0x112: {  	v58 =	vld.idx.msk [tilespmem:v0+s2+$0x0], $0xffff  }
0x113: {  	v0 =	vld [tilespmem:$0x1FA20]  }
0x114: {  	v19 =	vld.idx.msk [tilespmem:v19+s2+$0x0], $0xffff  }
0x115: {  	[tilespmem:v42+s14+$0x0] =	vst.idx.msk $0xffff, v20;
	v20 =	vadd.bf16 v17, v36;
	v17 =	vld [tilespmem:$0x1FE00];
	_ =	sdelay $0x2  }
0x116: {  	v8 =	vadd.bf16 v51, v8;
	v35 =	vadd.bf16 v0, v35;
	v0 =	vld [tilespmem:$0x1FDC0];
	_ =	sdelay $0x1  }
0x117: {  	v10 =	vadd.bf16 v10, v18;
	v18 =	vor.u32 $0x2, v42;
	v8 =	vadd.bf16 v17, v8;
	v17 =	vld [tilespmem:$0x1FA40]  }
0x118: {  	v1 =	vadd.bf16 v50, v1;
	_ =	sdelay $0x1  }
0x119: {  	v1 =	vadd.bf16 v0, v1  }
0x11a: {  	v0 =	vld [tilespmem:s19+$0xFFFFFFF0];
	[tilespmem:v63+s14+$0x0] =	vst.idx.msk $0xffff, v38  }
0x11b: {  	v1 =	vadd.bf16 v17, v1;
	v17 =	vld [tilespmem:$0x1FE40];
	[tilespmem:v18+s14+$0x0] =	vst.idx.msk $0xffff, v35  }
0x11c: {  	v4 =	vadd.bf16 v11, v4;
	v11 =	vld [tilespmem:$0x1FB80]  }
0x11d: {  	v3 =	vadd.bf16 v62, v3;
	_ =	sdelay $0x1  }
0x11e: {  	v3 =	vadd.bf16 v16, v3;
	_ =	sdelay $0x1  }
0x11f: {  	v3 =	vadd.bf16 v11, v3;
	v11 =	vld [tilespmem:$0x1FBA0]  }
0x120: {  	v2 =	vadd.bf16 v17, v2;
	v17 =	vld [tilespmem:$0x1FA50];
	_ =	sdelay $0x3  }
0x121: {  	v14 =	vadd.bf16 v14, v22;
	v22 =	vor.u32 $0x3, v42;
	v4 =	vadd.bf16 v11, v4;
	v11 =	vld [tilespmem:$0x1FBC0]  }
0x122: {  	v57 =	vor.u32 $0x4, v42;
	v8 =	vadd.bf16 v17, v8;
	v17 =	vld [tilespmem:$0x1FB60]  }
0x123: {  	v59 =	vor.u32 $0x5, v42  }
0x124: {  	v60 =	vor.u32 $0x6, v42;
	v5 =	vadd.bf16 v21, v5  }
0x125: {  	v18 =	vor.u32 $0x7, v42  }
0x126: {  	v16 =	vor.u32 $0x8, v42;
	[tilespmem:v22+s14+$0x0] =	vst.idx.msk $0xffff, v20;
	v5 =	vadd.bf16 v11, v5;
	v11 =	vld [tilespmem:$0x1FBE0]  }
0x127: {  	[tilespmem:v57+s14+$0x0] =	vst.idx.msk $0xffff, v1;
	v1 =	vor.u32 $0x9, v42;
	v2 =	vadd.bf16 v17, v2  }
0x128: {  	[tilespmem:v59+s14+$0x0] =	vst.idx.msk $0xffff, v8;
	v8 =	vor.u32 $0xA, v42  }
0x129: {  	v6 =	vadd.bf16 v12, v6;
	[tilespmem:v60+s14+$0x0] =	vst.idx.msk $0xffff, v2  }
0x12a: {  	[tilespmem:v18+s14+$0x0] =	vst.idx.msk $0xffff, v3  }
0x12b: {  	[tilespmem:v16+s14+$0x0] =	vst.idx.msk $0xffff, v4;
	v6 =	vadd.bf16 v11, v6  }
0x12c: {  	v12 =	vld [tilespmem:$0x1FC10];
	[tilespmem:v1+s14+$0x0] =	vst.idx.msk $0xffff, v5  }
0x12d: {  	[tilespmem:v8+s14+$0x0] =	vst.idx.msk $0xffff, v6;
	v8 =	vld [tilespmem:$0x1FA60];
	_ =	sdelay $0x1  }
0x12e: {  	v7 =	vadd.bf16 v23, v7;
	v5 =	vld [tilespmem:$0x1FC50]  }
0x12f: {  	v2 =	vor.u32 $0xB, v42  }
0x130: {  	v7 =	vadd.bf16 v12, v7;
	v12 =	vld [tilespmem:$0x1FCC0];
	v3 =	vor.u32 $0xC, v42  }
0x131: {  	v4 =	vor.u32 $0xD, v42;
	v11 =	vadd.bf16 v39, v13  }
0x132: {  	v9 =	vadd.bf16 v9, v15;
	v1 =	vor.u32 $0xE, v42  }
0x133: {  	v10 =	vadd.bf16 v58, v10;
	v5 =	vadd.bf16 v5, v11  }
0x134: {  	[tilespmem:v2+s14+$0x0] =	vst.idx.msk $0xffff, v7;
	v23 =	vld.idx.msk [tilespmem:v8+s2+$0x0], $0xffff;
	v8 =	vadd.bf16 v34, v9  }
0x135: {  	v10 =	vadd.bf16 v12, v10;
	[tilespmem:v3+s14+$0x0] =	vst.idx.msk $0xffff, v5  }
0x136: {  	[tilespmem:v4+s14+$0x0] =	vst.idx.msk $0xffff, v8  }
0x137: {  	[tilespmem:v1+s14+$0x0] =	vst.idx.msk $0xffff, v10;
	v1 =	vld [tilespmem:$0x1FA80];
	_ =	sdelay $0x6  }
0x138: {  	v4 =	vld.idx.msk [tilespmem:v32+s2+$0x0], $0xffff  }
0x139: {  	v1 =	vld.idx.msk [tilespmem:v1+s2+$0x0], $0xffff;
	_ =	sdelay $0x4  }
0x13a: {  	v2 =	vshll.u32 v0, $0x4;
	v53 =	vadd.bf16 v1, v4;
	v1 =	vld [tilespmem:$0x1FAB0]  }
0x13b: {  	v2 =	vand.u32 $0x3FF0, v2  }
0x13c: {  	v6 =	vor.u32 $0xF, v42;
	v51 =	vadd.s32 $0xA370, v2;
	v49 =	vadd.s32 $0xA371, v2  }
0x13d: {  	v48 =	vadd.s32 $0xA372, v2;
	v50 =	vadd.s32 $0xA373, v2;
	v47 =	vadd.s32 $0xA374, v2  }
0x13e: {  	v45 =	vadd.s32 $0xA375, v2;
	v46 =	vadd.s32 $0xA376, v2;
	v22 =	vadd.s32 $0xA377, v2  }
0x13f: {  	v21 =	vadd.s32 $0xA378, v2;
	v44 =	vadd.s32 $0xA379, v2;
	v20 =	vadd.s32 $0xA37A, v2  }
0x140: {  	v42 =	vadd.s32 $0xA37B, v2;
	v43 =	vadd.s32 $0xA37C, v2;
	v40 =	vadd.s32 $0xA37E, v2  }
0x141: {  	v41 =	vadd.s32 $0xA37F, v2;
	v9 =	vadd.bf16 v19, v14;
	v19 =	vadd.s32 $0xA37D, v2;
	v2 =	vld.idx.msk [tilespmem:v29+s2+$0x0], $0xffff  }
0x142: {  	v1 =	vld.idx.msk [tilespmem:v1+s2+$0x0], $0xffff;
	_ =	sdelay $0x4  }
0x143: {  	v58 =	vadd.bf16 v1, v2;
	v1 =	vld [tilespmem:$0x1FF80];
	_ =	sdelay $0x5  }
0x144: {  	v7 =	vshrl.u32 v0, $0x6  }
0x145: {  	v3 =	vand.u32 $0x3FF0, v7;
	v7 =	vld [tilespmem:$0x1FCE0]  }
0x146: {  	v25 =	vld.idx.msk [tilespmem:v1+s2+$0x0], $0xffff  }
0x147: {  	v1 =	vld [tilespmem:$0x1FAF0];
	_ =	sdelay $0x3  }
0x148: {  	v55 =	vld.idx.msk [tilespmem:v27+s2+$0x0], $0xffff  }
0x149: {  	v0 =	vshra.s32 v0, $0x10;
	v11 =	vld.idx.msk [tilespmem:v33+s2+$0x0], $0xffff;
	v7 =	vadd.bf16 v7, v9  }
0x14a: {  	v57 =	vand.u32 $0xFFFFFFF0, v0;
	v0 =	vld [tilespmem:$0x1FAE0]  }
0x14b: {  	v37 =	vadd.s32 $0xA370, v3;
	v39 =	vadd.s32 $0xA371, v3;
	[tilespmem:v6+s14+$0x0] =	vst.idx.msk $0xffff, v7;
	v6 =	vld.idx.msk [tilespmem:v31+s2+$0x0], $0xffff  }
0x14c: {  	v38 =	vadd.s32 $0xA372, v3;
	v36 =	vadd.s32 $0xA374, v3;
	v60 =	vld.idx.msk [tilespmem:v1+s2+$0x0], $0xffff;
	v1 =	vadd.s32 $0xA377, v57  }
0x14d: {  	v35 =	vadd.s32 $0xA375, v3;
	v33 =	vadd.s32 $0xA376, v3;
	v27 =	vadd.s32 $0xA37B, v3;
	[tilespmem:$0x1F880] =	vst v1;
	v1 =	vld [tilespmem:$0x1FF90]  }
0x14e: {  	v18 =	vadd.s32 $0xA37C, v3;
	v12 =	vadd.s32 $0xA37D, v3;
	v34 =	vadd.s32 $0xA373, v3;
	v7 =	vld [tilespmem:$0x1FA90]  }
0x14f: {  	v29 =	vadd.s32 $0xA378, v3;
	v14 =	vadd.s32 $0xA37E, v3;
	v32 =	vadd.s32 $0xA377, v3;
	v4 =	vld.idx.msk [tilespmem:v28+s2+$0x0], $0xffff  }
0x150: {  	v10 =	vadd.s32 $0xA37F, v3;
	v31 =	vadd.s32 $0xA379, v3;
	v28 =	vadd.s32 $0xA37A, v3;
	v3 =	vld [tilespmem:$0x1FF70];
	_ =	sdelay $0x3  }
0x151: {  	v0 =	vld.idx.msk [tilespmem:v0+s2+$0x0], $0xffff  }
0x152: {  	v24 =	vld.idx.msk [tilespmem:v1+s2+$0x0], $0xffff;
	v1 =	vadd.s32 $0xA379, v57  }
0x153: {  	[tilespmem:$0x1F890] =	vst v1;
	v1 =	vld [tilespmem:$0x1FB00]  }
0x154: {  	v7 =	vld.idx.msk [tilespmem:v7+s2+$0x0], $0xffff  }
0x155: {  	v3 =	vld.idx.msk [tilespmem:v3+s2+$0x0], $0xffff;
	_ =	sdelay $0x2  }
0x156: {  	v5 =	vld [tilespmem:$0x1FA70]  }
0x157: {  	v54 =	vadd.bf16 v7, v6;
	v6 =	vld [tilespmem:$0x1FAC0]  }
0x158: {  	v63 =	vadd.bf16 v0, v3;
	v0 =	vld [tilespmem:$0x1FB10]  }
0x159: {  	v61 =	vld.idx.msk [tilespmem:v1+s2+$0x0], $0xffff;
	v1 =	vadd.s32 $0xA37A, v57  }
0x15a: {  	[tilespmem:$0x1F8A0] =	vst v1;
	v1 =	vld [tilespmem:$0x1FFA0];
	_ =	sdelay $0x4  }
0x15b: {  	v5 =	vld.idx.msk [tilespmem:v5+s2+$0x0], $0xffff  }
0x15c: {  	v6 =	vld.idx.msk [tilespmem:v6+s2+$0x0], $0xffff  }
0x15d: {  	v0 =	vld.idx.msk [tilespmem:v0+s2+$0x0], $0xffff  }
0x15e: {  	v62 =	vld.idx.msk [tilespmem:v1+s2+$0x0], $0xffff;
	_ =	sdelay $0x2  }
0x15f: {  	v52 =	vadd.bf16 v5, v11;
	v5 =	vld [tilespmem:$0x1FAA0];
	_ =	sdelay $0x1  }
0x160: {  	v59 =	vadd.bf16 v6, v4;
	v6 =	vadd.bf16 v0, v62;
	v0 =	vld [tilespmem:$0x1FB40];
	_ =	sdelay $0x4  }
0x161: {  	v8 =	vld.idx.msk [tilespmem:v30+s2+$0x0], $0xffff  }
0x162: {  	v5 =	vld.idx.msk [tilespmem:v5+s2+$0x0], $0xffff;
	_ =	sdelay $0x1  }
0x163: {  	v62 =	vld.idx.msk [tilespmem:v0+s2+$0x0], $0xffff  }
0x164: {  	v1 =	vadd.s32 $0xA37B, v57;
	v0 =	vld [tilespmem:$0x1FFE0]  }
0x165: {  	[tilespmem:$0x1F8B0] =	vst v1;
	v1 =	vadd.s32 $0xA37C, v57  }
0x166: {  	v56 =	vadd.bf16 v5, v8;
	v5 =	vld [tilespmem:$0x1FAD0];
	[tilespmem:$0x1F8C0] =	vst v1;
	v1 =	vadd.s32 $0xA37D, v57  }
0x167: {  	v2 =	vld [tilespmem:$0x1FB20];
	[tilespmem:$0x1F8D0] =	vst v1;
	v1 =	vadd.s32 $0xA37E, v57  }
0x168: {  	[tilespmem:$0x1F8E0] =	vst v1;
	v1 =	vld [tilespmem:$0x1FFB0];
	_ =	sdelay $0x3  }
0x169: {  	v17 =	vld.idx.msk [tilespmem:v0+s2+$0x0], $0xffff  }
0x16a: {  	v0 =	vld [tilespmem:$0x1FB50]  }
0x16b: {  	v5 =	vld.idx.msk [tilespmem:v5+s2+$0x0], $0xffff  }
0x16c: {  	v25 =	vadd.bf16 v60, v25;
	v60 =	vld.idx.msk [tilespmem:v2+s2+$0x0], $0xffff  }
0x16d: {  	v1 =	vld.idx.msk [tilespmem:v1+s2+$0x0], $0xffff;
	_ =	sdelay $0x1  }
0x16e: {  	v2 =	vld [tilespmem:$0x1FFC0]  }
0x16f: {  	v3 =	vld [tilespmem:$0x1FB30]  }
0x170: {  	v26 =	vld.idx.msk [tilespmem:v26+s2+$0x0], $0xffff  }
0x171: {  	v55 =	vadd.bf16 v5, v55;
	v5 =	vadd.bf16 v60, v1;
	v60 =	vld.idx.msk [tilespmem:v0+s2+$0x0], $0xffff  }
0x172: {  	v0 =	vld [tilespmem:$0x1FB70]  }
0x173: {  	v51 =	vld.idx.msk [tilespmem:v51+s2+$0x0], $0xffff  }
0x174: {  	v49 =	vld.idx.msk [tilespmem:v49+s2+$0x0], $0xffff  }
0x175: {  	v48 =	vld.idx.msk [tilespmem:v48+s2+$0x0], $0xffff  }
0x176: {  	v2 =	vld.idx.msk [tilespmem:v2+s2+$0x0], $0xffff  }
0x177: {  	v24 =	vadd.bf16 v61, v24;
	v61 =	vld.idx.msk [tilespmem:v3+s2+$0x0], $0xffff  }
0x178: {  	v3 =	vld [tilespmem:$0x1FFD0]  }
0x179: {  	v50 =	vld.idx.msk [tilespmem:v50+s2+$0x0], $0xffff  }
0x17a: {  	v1 =	vld.idx.msk [tilespmem:v0+s2+$0x0], $0xffff  }
0x17b: {  	v0 =	vld [tilespmem:$0x1FB90]  }
0x17c: {  	v47 =	vld.idx.msk [tilespmem:v47+s2+$0x0], $0xffff  }
0x17d: {  	v4 =	vadd.bf16 v61, v2;
	v2 =	vld [tilespmem:$0x1FBD0]  }
0x17e: {  	v45 =	vld.idx.msk [tilespmem:v45+s2+$0x0], $0xffff  }
0x17f: {  	v46 =	vld.idx.msk [tilespmem:v46+s2+$0x0], $0xffff  }
0x180: {  	v3 =	vld.idx.msk [tilespmem:v3+s2+$0x0], $0xffff  }
0x181: {  	v22 =	vld.idx.msk [tilespmem:v22+s2+$0x0], $0xffff  }
0x182: {  	v21 =	vld.idx.msk [tilespmem:v21+s2+$0x0], $0xffff  }
0x183: {  	v61 =	vld.idx.msk [tilespmem:v0+s2+$0x0], $0xffff  }
0x184: {  	v44 =	vld.idx.msk [tilespmem:v44+s2+$0x0], $0xffff  }
0x185: {  	v3 =	vadd.bf16 v62, v3;
	v62 =	vld.idx.msk [tilespmem:v2+s2+$0x0], $0xffff  }
0x186: {  	v23 =	vadd.bf16 v23, v26;
	v2 =	vld [tilespmem:$0x1FBF0]  }
0x187: {  	v20 =	vld.idx.msk [tilespmem:v20+s2+$0x0], $0xffff  }
0x188: {  	v1 =	vadd.bf16 v1, v23;
	v23 =	vadd.bf16 v61, v52;
	v61 =	vld [tilespmem:$0x1FC30]  }
0x189: {  	v42 =	vld.idx.msk [tilespmem:v42+s2+$0x0], $0xffff  }
0x18a: {  	v43 =	vld.idx.msk [tilespmem:v43+s2+$0x0], $0xffff  }
0x18b: {  	v40 =	vld.idx.msk [tilespmem:v40+s2+$0x0], $0xffff  }
0x18c: {  	v0 =	vld [tilespmem:$0x1FBB0]  }
0x18d: {  	v54 =	vadd.bf16 v62, v54;
	v62 =	vld [tilespmem:$0x1FC70]  }
0x18e: {  	v2 =	vld.idx.msk [tilespmem:v2+s2+$0x0], $0xffff  }
0x18f: {  	v17 =	vadd.bf16 v60, v17;
	v60 =	vld [tilespmem:$0x1FC20]  }
0x190: {  	v15 =	vadd.s32 $0xA372, v57;
	v52 =	vld.idx.msk [tilespmem:v61+s2+$0x0], $0xffff  }
0x191: {  	v61 =	vld [tilespmem:$0x1FC40]  }
0x192: {  	v41 =	vld.idx.msk [tilespmem:v41+s2+$0x0], $0xffff  }
0x193: {  	v26 =	vld [tilespmem:$0x1FC00]  }
0x194: {  	v0 =	vld.idx.msk [tilespmem:v0+s2+$0x0], $0xffff  }
0x195: {  	v16 =	vadd.s32 $0xA373, v57;
	v15 =	vld.idx.msk [tilespmem:v15+s2+$0x0], $0xffff  }
0x196: {  	v2 =	vadd.bf16 v2, v56;
	v56 =	vld.idx.msk [tilespmem:v62+s2+$0x0], $0xffff  }
0x197: {  	v60 =	vld.idx.msk [tilespmem:v60+s2+$0x0], $0xffff  }
0x198: {  	v62 =	vld [tilespmem:$0x1FC80]  }
0x199: {  	v0 =	vadd.bf16 v0, v53;
	v53 =	vld.idx.msk [tilespmem:v61+s2+$0x0], $0xffff  }
0x19a: {  	v16 =	vld.idx.msk [tilespmem:v16+s2+$0x0], $0xffff  }
0x19b: {  	v26 =	vld.idx.msk [tilespmem:v26+s2+$0x0], $0xffff  }
0x19c: {  	v59 =	vadd.bf16 v60, v59;
	v60 =	vld [tilespmem:$0x1FC90]  }
0x19d: {  	v37 =	vld.idx.msk [tilespmem:v37+s2+$0x0], $0xffff  }
0x19e: {  	v53 =	vadd.bf16 v53, v63;
	v63 =	vld [tilespmem:$0x1FD10]  }
0x19f: {  	v38 =	vld.idx.msk [tilespmem:v38+s2+$0x0], $0xffff  }
0x1a0: {  	v35 =	vld.idx.msk [tilespmem:v35+s2+$0x0], $0xffff  }
0x1a1: {  	v26 =	vadd.bf16 v26, v58;
	v58 =	vld.idx.msk [tilespmem:v62+s2+$0x0], $0xffff  }
0x1a2: {  	v62 =	vld [tilespmem:$0x1FCA0]  }
0x1a3: {  	v24 =	vadd.bf16 v56, v24;
	v56 =	vld [tilespmem:$0x1FD20]  }
0x1a4: {  	v60 =	vld.idx.msk [tilespmem:v60+s2+$0x0], $0xffff  }
0x1a5: {  	v61 =	vld [tilespmem:$0x1FC60]  }
0x1a6: {  	v63 =	vld.idx.msk [tilespmem:v63+s2+$0x0], $0xffff  }
0x1a7: {  	v33 =	vld.idx.msk [tilespmem:v33+s2+$0x0], $0xffff  }
0x1a8: {  	v6 =	vadd.bf16 v58, v6;
	v58 =	vld [tilespmem:$0x1FD30]  }
0x1a9: {  	v5 =	vadd.bf16 v60, v5;
	v60 =	vld [tilespmem:$0x1FD50]  }
0x1aa: {  	v52 =	vadd.bf16 v52, v55;
	v55 =	vld.idx.msk [tilespmem:v62+s2+$0x0], $0xffff  }
0x1ab: {  	v1 =	vadd.bf16 v63, v1;
	v63 =	vld [tilespmem:$0x1FDA0]  }
0x1ac: {  	v62 =	vld [tilespmem:$0x1FCB0]  }
0x1ad: {  	v61 =	vld.idx.msk [tilespmem:v61+s2+$0x0], $0xffff  }
0x1ae: {  	v56 =	vld.idx.msk [tilespmem:v56+s2+$0x0], $0xffff  }
0x1af: {  	v27 =	vld.idx.msk [tilespmem:v27+s2+$0x0], $0xffff  }
0x1b0: {  	v58 =	vld.idx.msk [tilespmem:v58+s2+$0x0], $0xffff  }
0x1b1: {  	v60 =	vld.idx.msk [tilespmem:v60+s2+$0x0], $0xffff  }
0x1b2: {  	v25 =	vadd.bf16 v61, v25;
	v61 =	vld [tilespmem:$0x1FCD0]  }
0x1b3: {  	v23 =	vadd.bf16 v56, v23;
	v56 =	vld.idx.msk [tilespmem:v63+s2+$0x0], $0xffff  }
0x1b4: {  	v63 =	vld [tilespmem:$0x1FDB0]  }
0x1b5: {  	v62 =	vld.idx.msk [tilespmem:v62+s2+$0x0], $0xffff  }
0x1b6: {  	v4 =	vadd.bf16 v55, v4;
	v55 =	vld [tilespmem:$0x1FD60]  }
0x1b7: {  	v54 =	vadd.bf16 v60, v54;
	v60 =	vld [tilespmem:$0x1FDD0]  }
0x1b8: {  	v18 =	vld.idx.msk [tilespmem:v18+s2+$0x0], $0xffff  }
0x1b9: {  	v12 =	vld.idx.msk [tilespmem:v12+s2+$0x0], $0xffff  }
0x1ba: {  	v3 =	vadd.bf16 v62, v3;
	v62 =	vld [tilespmem:$0x1FD70]  }
0x1bb: {  	v61 =	vld.idx.msk [tilespmem:v61+s2+$0x0], $0xffff  }
0x1bc: {  	v0 =	vadd.bf16 v58, v0;
	v58 =	vld.idx.msk [tilespmem:v63+s2+$0x0], $0xffff  }
0x1bd: {  	v63 =	vld [tilespmem:$0x1FDE0]  }
0x1be: {  	v55 =	vld.idx.msk [tilespmem:v55+s2+$0x0], $0xffff  }
0x1bf: {  	v60 =	vld.idx.msk [tilespmem:v60+s2+$0x0], $0xffff  }
0x1c0: {  	v17 =	vadd.bf16 v61, v17;
	v61 =	vld [tilespmem:$0x1FD90]  }
0x1c1: {  	v19 =	vld.idx.msk [tilespmem:v19+s2+$0x0], $0xffff  }
0x1c2: {  	v34 =	vld.idx.msk [tilespmem:v34+s2+$0x0], $0xffff  }
0x1c3: {  	v62 =	vld.idx.msk [tilespmem:v62+s2+$0x0], $0xffff  }
0x1c4: {  	v25 =	vadd.bf16 v60, v25;
	v60 =	vld [tilespmem:$0x1FE50]  }
0x1c5: {  	v2 =	vadd.bf16 v55, v2;
	v55 =	vld.idx.msk [tilespmem:v63+s2+$0x0], $0xffff  }
0x1c6: {  	v9 =	vadd.s32 $0xA376, v57;
	v63 =	vld [tilespmem:$0x1FE20]  }
0x1c7: {  	v29 =	vld.idx.msk [tilespmem:v29+s2+$0x0], $0xffff  }
0x1c8: {  	v61 =	vld.idx.msk [tilespmem:v61+s2+$0x0], $0xffff  }
0x1c9: {  	v14 =	vld.idx.msk [tilespmem:v14+s2+$0x0], $0xffff  }
0x1ca: {  	v26 =	vadd.bf16 v62, v26;
	v62 =	vld [tilespmem:$0x1FDF0]  }
0x1cb: {  	v9 =	vld.idx.msk [tilespmem:v9+s2+$0x0], $0xffff  }
0x1cc: {  	v60 =	vld.idx.msk [tilespmem:v60+s2+$0x0], $0xffff  }
0x1cd: {  	v59 =	vadd.bf16 v61, v59;
	v61 =	vld [tilespmem:$0x1FE10]  }
0x1ce: {  	v11 =	vadd.s32 $0xA374, v57;
	v52 =	vadd.bf16 v56, v52;
	v56 =	vld.idx.msk [tilespmem:v63+s2+$0x0], $0xffff  }
0x1cf: {  	v8 =	vadd.s32 $0xA378, v57;
	v63 =	vld [tilespmem:$0x1FE30]  }
0x1d0: {  	v10 =	vld.idx.msk [tilespmem:v10+s2+$0x0], $0xffff  }
0x1d1: {  	v31 =	vld.idx.msk [tilespmem:v31+s2+$0x0], $0xffff  }
0x1d2: {  	v0 =	vadd.bf16 v48, v0;
	v62 =	vld.idx.msk [tilespmem:v62+s2+$0x0], $0xffff  }
0x1d3: {  	v11 =	vld.idx.msk [tilespmem:v11+s2+$0x0], $0xffff;
	v23 =	vadd.bf16 v49, v23;
	v17 =	vadd.bf16 v60, v17  }
0x1d4: {  	v8 =	vld.idx.msk [tilespmem:v8+s2+$0x0], $0xffff;
	v0 =	vadd.bf16 v38, v0;
	v4 =	vadd.bf16 v56, v4  }
0x1d5: {  	v7 =	vadd.s32 $0xA371, v57;
	v17 =	vadd.bf16 v41, v17;
	v53 =	vadd.bf16 v58, v53;
	v61 =	vld.idx.msk [tilespmem:v61+s2+$0x0], $0xffff  }
0x1d6: {  	v24 =	vadd.bf16 v55, v24;
	v4 =	vadd.bf16 v19, v4;
	v19 =	vld.idx.msk [tilespmem:v36+s2+$0x0], $0xffff  }
0x1d7: {  	v6 =	vadd.bf16 v62, v6;
	v21 =	vadd.bf16 v21, v53;
	v58 =	vld.idx.msk [tilespmem:v63+s2+$0x0], $0xffff  }
0x1d8: {  	v62 =	vadd.bf16 v50, v54;
	v20 =	vadd.bf16 v20, v24;
	v24 =	vld.idx.msk [tilespmem:v39+s2+$0x0], $0xffff  }
0x1d9: {  	v10 =	vadd.bf16 v10, v17;
	v17 =	vld [tilespmem:$0x1F8C0];
	v21 =	vadd.bf16 v29, v21  }
0x1da: {  	v7 =	vld.idx.msk [tilespmem:v7+s2+$0x0], $0xffff;
	v0 =	vadd.bf16 v15, v0;
	v2 =	vadd.bf16 v47, v2  }
0x1db: {  	v48 =	vadd.bf16 v34, v62;
	v8 =	vadd.bf16 v8, v21;
	v21 =	vld [tilespmem:$0x1FE60]  }
0x1dc: {  	v15 =	vld [tilespmem:$0x1F890];
	v2 =	vadd.bf16 v19, v2;
	v3 =	vadd.bf16 v58, v3  }
0x1dd: {  	v5 =	vadd.bf16 v61, v5;
	v23 =	vadd.bf16 v24, v23;
	v24 =	vld.idx.msk [tilespmem:v32+s2+$0x0], $0xffff  }
0x1de: {  	v11 =	vadd.bf16 v11, v2;
	v2 =	vld [tilespmem:$0x1F8A0];
	v3 =	vadd.bf16 v40, v3  }
0x1df: {  	v5 =	vadd.bf16 v43, v5;
	v19 =	vld.idx.msk [tilespmem:v28+s2+$0x0], $0xffff  }
0x1e0: {  	v30 =	vadd.s32 $0xA370, v57;
	v3 =	vadd.bf16 v14, v3;
	v14 =	vadd.bf16 v16, v48;
	v16 =	vld [tilespmem:$0x1F8B0]  }
0x1e1: {  	v17 =	vld.idx.msk [tilespmem:v17+s2+$0x0], $0xffff  }
0x1e2: {  	v13 =	vadd.s32 $0xA375, v57;
	v5 =	vadd.bf16 v18, v5;
	v18 =	vld [tilespmem:$0x1F8D0]  }
0x1e3: {  	v25 =	vadd.bf16 v44, v25;
	v22 =	vadd.bf16 v22, v52;
	v21 =	vld.idx.msk [tilespmem:v21+s2+$0x0], $0xffff  }
0x1e4: {  	v19 =	vadd.bf16 v19, v20;
	v20 =	vld [tilespmem:$0x1F8E0]  }
0x1e5: {  	v22 =	vadd.bf16 v24, v22;
	v24 =	vadd.bf16 v31, v25;
	v25 =	vld.idx.msk [tilespmem:v30+s2+$0x0], $0xffff  }
0x1e6: {  	v2 =	vld.idx.msk [tilespmem:v2+s2+$0x0], $0xffff  }
0x1e7: {  	v4 =	vadd.bf16 v12, v4;
	v12 =	vld.idx.msk [tilespmem:v13+s2+$0x0], $0xffff  }
0x1e8: {  	v16 =	vld.idx.msk [tilespmem:v16+s2+$0x0], $0xffff  }
0x1e9: {  	v6 =	vadd.bf16 v42, v6;
	v13 =	vld [tilespmem:$0x1F880]  }
0x1ea: {  	v18 =	vld.idx.msk [tilespmem:v18+s2+$0x0], $0xffff  }
0x1eb: {  	v6 =	vadd.bf16 v27, v6;
	v52 =	vadd.bf16 v2, v19;
	v2 =	vld [tilespmem:$0x1FE70]  }
0x1ec: {  	v1 =	vadd.bf16 v51, v1;
	v20 =	vld.idx.msk [tilespmem:v20+s2+$0x0], $0xffff  }
0x1ed: {  	v51 =	vadd.bf16 v16, v6;
	v6 =	vld [tilespmem:$0x1FE80]  }
0x1ee: {  	v15 =	vld.idx.msk [tilespmem:v15+s2+$0x0], $0xffff;
	v1 =	vadd.bf16 v37, v1  }
0x1ef: {  	v56 =	vadd.bf16 v18, v4;
	v4 =	vld [tilespmem:$0x1FEA0]  }
0x1f0: {  	v50 =	vld [tilespmem:$0x1FFF0];
	v1 =	vadd.bf16 v25, v1  }
0x1f1: {  	v57 =	vadd.s32 $0xA37F, v57;
	v63 =	vadd.bf16 v46, v59;
	v59 =	vadd.bf16 v20, v3;
	v3 =	vld [tilespmem:$0x1FEB0]  }
0x1f2: {  	v58 =	vadd.bf16 v17, v5;
	v17 =	vadd.bf16 v21, v1;
	v1 =	vld [tilespmem:$0x1FEC0]  }
0x1f3: {  	v2 =	vld.idx.msk [tilespmem:v2+s2+$0x0], $0xffff  }
0x1f4: {  	v13 =	vld.idx.msk [tilespmem:v13+s2+$0x0], $0xffff  }
0x1f5: {  	v6 =	vld.idx.msk [tilespmem:v6+s2+$0x0], $0xffff  }
0x1f6: {  	v7 =	vadd.bf16 v7, v23;
	v53 =	vadd.bf16 v15, v24;
	v15 =	vld.idx.msk [tilespmem:v57+s2+$0x0], $0xffff  }
0x1f7: {  	v26 =	vadd.bf16 v45, v26;
	v4 =	vld.idx.msk [tilespmem:v4+s2+$0x0], $0xffff  }
0x1f8: {  	v20 =	vadd.bf16 v2, v7;
	v2 =	vld [tilespmem:$0x1FED0]  }
0x1f9: {  	v26 =	vadd.bf16 v35, v26;
	v3 =	vld.idx.msk [tilespmem:v3+s2+$0x0], $0xffff  }
0x1fa: {  	s21 =	sadd.s32 $0x20, s21;
	v13 =	vadd.bf16 v13, v22;
	v22 =	vadd.bf16 v6, v0;
	v0 =	vld [tilespmem:$0x1FEE0]  }
0x1fb: {  	v19 =	vld [tilespmem:s21+$0xFFFFFFF0]  }
0x1fc: {  	v5 =	vld [tilespmem:$0x1FE90];
	v12 =	vadd.bf16 v12, v26  }
0x1fd: {  	v57 =	vadd.bf16 v15, v10;
	v15 =	vld.idx.msk [tilespmem:v1+s2+$0x0], $0xffff  }
0x1fe: {  	v49 =	vadd.bf16 v3, v12;
	v3 =	vld [tilespmem:$0x1FF00]  }
0x1ff: {  	v34 =	vadd.bf16 v4, v11;
	v4 =	vld [tilespmem:$0x1FF20]  }
0x200: {  	v11 =	vshll.u32 v19, $0x4;
	v7 =	vld.idx.msk [tilespmem:v2+s2+$0x0], $0xffff  }
0x201: {  	v26 =	vand.u32 $0x7FF0, v11;
	v12 =	vshrl.u32 v19, $0x7;
	v2 =	vld [tilespmem:s21+$0x0]  }
0x202: {  	s20 =	sadd.s32 $0x20, s20;
	v28 =	vadd.bf16 v33, v63;
	v11 =	vor.u32 $0x1, v26;
	v63 =	vand.u32 $0x1FF0, v12;
	v6 =	vld.idx.msk [tilespmem:v0+s2+$0x0], $0xffff  }
0x203: {  	[tilespmem:$0x1F940] =	vst v11;
	v12 =	vadd.s32 $0x50D0, v63;
	v0 =	vld [tilespmem:s20+$0x0]  }
0x204: {  	v11 =	vld [tilespmem:$0x1FF50];
	[tilespmem:$0x1FA60] =	vst v12;
	v12 =	vadd.s32 $0x50D1, v63  }
0x205: {  	v9 =	vadd.bf16 v9, v28;
	[tilespmem:$0x1FA70] =	vst v12;
	v12 =	vld [tilespmem:$0x1FF60]  }
0x206: {  	v16 =	vld.idx.msk [tilespmem:v3+s2+$0x0], $0xffff  }
0x207: {  	v10 =	vmov s18;
	v40 =	vadd.bf16 v15, v9;
	v3 =	vld [tilespmem:$0x1FF10];
	v9 =	vshll.u32 v2, $0x4  }
0x208: {  	v1 =	vshll.u32 v10, $0x4;
	v42 =	vand.u32 $0x7FF0, v9;
	v9 =	vld [tilespmem:$0x1FF30];
	v10 =	vshll.u32 v0, $0x4  }
0x209: {  	v62 =	vand.u32 $0x3FF0, v10;
	v10 =	vld [tilespmem:$0x1FF40]  }
0x20a: {  	v5 =	vld.idx.msk [tilespmem:v5+s2+$0x0], $0xffff  }
0x20b: {  	v21 =	vor.u32 v50, v1;
	v1 =	vld [tilespmem:s20+$0xFFFFFFF0]  }
0x20c: {  	v11 =	vld.idx.msk [tilespmem:v11+s2+$0x0], $0xffff  }
0x20d: {  	v12 =	vld.idx.msk [tilespmem:v12+s2+$0x0], $0xffff  }
0x20e: {  	v61 =	vadd.bf16 v6, v8;
	v8 =	vld.idx.msk [tilespmem:v4+s2+$0x0], $0xffff  }
0x20f: {  	v18 =	vld.idx.msk [tilespmem:v3+s2+$0x0], $0xffff  }
0x210: {  	v9 =	vld.idx.msk [tilespmem:v9+s2+$0x0], $0xffff  }
0x211: {  	v10 =	vld.idx.msk [tilespmem:v10+s2+$0x0], $0xffff;
	[tilespmem:v21+s14+$0x0] =	vst.idx.msk $0xffff, v17;
	v17 =	vadd.s32 $0xA373, v62  }
0x212: {  	v23 =	vor.u32 $0x1, v21  }
0x213: {  	v24 =	vor.u32 $0x2, v21;
	v25 =	vadd.bf16 v5, v14  }
0x214: {  	v27 =	vor.u32 $0x3, v21;
	v28 =	vor.u32 $0x4, v21;
	v35 =	vor.u32 $0x5, v21  }
0x215: {  	v36 =	vor.u32 $0x6, v21;
	v38 =	vor.u32 $0x7, v21;
	v29 =	vadd.s32 $0xA370, v62  }
0x216: {  	v39 =	vor.u32 $0x8, v21;
	v30 =	vor.u32 $0xA, v21;
	v5 =	vor.u32 $0xC, v21;
	v17 =	vld.idx.msk [tilespmem:v17+s2+$0x0], $0xffff  }
0x217: {  	v15 =	vor.u32 $0x9, v21;
	v60 =	vadd.bf16 v7, v13;
	[tilespmem:v23+s14+$0x0] =	vst.idx.msk $0xffff, v20;
	v20 =	vadd.s32 $0x50D3, v63  }
0x218: {  	v7 =	vor.u32 $0xB, v21;
	v6 =	vor.u32 $0xD, v21;
	[tilespmem:$0x1FA90] =	vst v20;
	v20 =	vadd.s32 $0xA374, v62  }
0x219: {  	v4 =	vor.u32 $0xF, v21;
	v3 =	vor.u32 $0xE, v21;
	v21 =	vadd.s32 $0x50D4, v63  }
0x21a: {  	[tilespmem:$0x1FAA0] =	vst v21;
	v21 =	vld.idx.msk [tilespmem:v29+s2+$0x0], $0xffff  }
0x21b: {  	[tilespmem:$0x1FA30] =	vst v17;
	v17 =	vor.u32 $0x8, v26  }
0x21c: {  	v33 =	vadd.s32 $0xA371, v62;
	[tilespmem:$0x1FF70] =	vst v17;
	v17 =	vadd.s32 $0x50D8, v63  }
0x21d: {  	[tilespmem:$0x1FAE0] =	vst v17;
	v17 =	vld.idx.msk [tilespmem:v20+s2+$0x0], $0xffff;
	_ =	sdelay $0x1  }
0x21e: {  	[tilespmem:$0x1FA00] =	vst v21;
	v21 =	vadd.s32 $0xA375, v62  }
0x21f: {  	[tilespmem:v24+s14+$0x0] =	vst.idx.msk $0xffff, v22;
	v22 =	vadd.s32 $0x50D5, v63  }
0x220: {  	[tilespmem:$0x1FAB0] =	vst v22;
	v22 =	vld.idx.msk [tilespmem:v33+s2+$0x0], $0xffff  }
0x221: {  	[tilespmem:$0x1FA40] =	vst v17;
	v17 =	vor.u32 $0x9, v26  }
0x222: {  	v48 =	vadd.s32 $0xA372, v62;
	[tilespmem:$0x1FF80] =	vst v17;
	v17 =	vadd.s32 $0x50D9, v63  }
0x223: {  	[tilespmem:$0x1FAF0] =	vst v17;
	v17 =	vld.idx.msk [tilespmem:v21+s2+$0x0], $0xffff;
	_ =	sdelay $0x1  }
0x224: {  	[tilespmem:$0x1FA10] =	vst v22;
	v22 =	vadd.s32 $0xA376, v62  }
0x225: {  	v23 =	vadd.s32 $0x50D6, v63  }
0x226: {  	[tilespmem:$0x1FAC0] =	vst v23;
	v23 =	vld.idx.msk [tilespmem:v48+s2+$0x0], $0xffff  }
0x227: {  	[tilespmem:$0x1FA50] =	vst v17;
	v17 =	vor.u32 $0xA, v26  }
0x228: {  	[tilespmem:$0x1FF90] =	vst v17;
	v17 =	vadd.s32 $0x50DA, v63  }
0x229: {  	[tilespmem:$0x1FB00] =	vst v17;
	v17 =	vld.idx.msk [tilespmem:v22+s2+$0x0], $0xffff;
	_ =	sdelay $0x1  }
0x22a: {  	[tilespmem:$0x1FA20] =	vst v23;
	v23 =	vadd.s32 $0xA377, v62;
	_ =	sdelay $0x1  }
0x22b: {  	[tilespmem:v27+s14+$0x0] =	vst.idx.msk $0xffff, v25  }
0x22c: {  	[tilespmem:$0x1FB60] =	vst v17;
	v17 =	vor.u32 $0xB, v26  }
0x22d: {  	[tilespmem:$0x1FFA0] =	vst v17;
	v17 =	vadd.s32 $0x50DB, v63  }
0x22e: {  	[tilespmem:$0x1FB10] =	vst v17;
	v17 =	vld.idx.msk [tilespmem:v23+s2+$0x0], $0xffff  }
0x22f: {  	[tilespmem:v28+s14+$0x0] =	vst.idx.msk $0xffff, v34  }
0x230: {  	[tilespmem:v35+s14+$0x0] =	vst.idx.msk $0xffff, v49;
	v49 =	vadd.s32 $0xA378, v62;
	_ =	sdelay $0x2  }
0x231: {  	[tilespmem:$0x1FB80] =	vst v17;
	v17 =	vor.u32 $0xC, v26  }
0x232: {  	[tilespmem:$0x1FFB0] =	vst v17;
	v17 =	vadd.s32 $0x50DC, v63  }
0x233: {  	[tilespmem:$0x1FB20] =	vst v17;
	v17 =	vld.idx.msk [tilespmem:v49+s2+$0x0], $0xffff  }
0x234: {  	v20 =	vadd.s32 $0xA379, v62;
	_ =	sdelay $0x3  }
0x235: {  	[tilespmem:$0x1FBA0] =	vst v17;
	v17 =	vor.u32 $0xD, v26  }
0x236: {  	[tilespmem:$0x1FFC0] =	vst v17;
	v17 =	vld.idx.msk [tilespmem:v20+s2+$0x0], $0xffff  }
0x237: {  	v21 =	vadd.s32 $0xA37A, v62;
	_ =	sdelay $0x3  }
0x238: {  	[tilespmem:$0x1FBC0] =	vst v17;
	v17 =	vadd.s32 $0x50DD, v63  }
0x239: {  	[tilespmem:$0x1FB30] =	vst v17;
	v17 =	vld.idx.msk [tilespmem:v21+s2+$0x0], $0xffff;
	_ =	sdelay $0x1  }
0x23a: {  	v22 =	vadd.s32 $0xA37B, v62;
	_ =	sdelay $0x2  }
0x23b: {  	[tilespmem:$0x1FBE0] =	vst v17;
	v17 =	vor.u32 $0xE, v26  }
0x23c: {  	[tilespmem:$0x1FFD0] =	vst v17;
	v17 =	vadd.s32 $0x50DE, v63  }
0x23d: {  	[tilespmem:$0x1FB40] =	vst v17;
	v17 =	vld.idx.msk [tilespmem:v22+s2+$0x0], $0xffff;
	_ =	sdelay $0x1  }
0x23e: {  	v23 =	vadd.s32 $0xA37C, v62;
	_ =	sdelay $0x2  }
0x23f: {  	[tilespmem:$0x1FC10] =	vst v17;
	v17 =	vor.u32 $0xF, v26  }
0x240: {  	[tilespmem:$0x1FFE0] =	vst v17;
	v17 =	vadd.s32 $0x50DF, v63  }
0x241: {  	v20 =	vadd.s32 $0xA37E, v62;
	[tilespmem:$0x1FB50] =	vst v17;
	v17 =	vld.idx.msk [tilespmem:v23+s2+$0x0], $0xffff;
	_ =	sdelay $0x2  }
0x242: {  	v13 =	vor.u32 $0x2, v26  }
0x243: {  	[tilespmem:$0x1F930] =	vst v13  }
0x244: {  	s19 =	sadd.s32 $0x20, s19;
	v13 =	vadd.s32 $0x50D2, v63;
	[tilespmem:$0x1FC50] =	vst v17;
	v17 =	vld.idx.msk [tilespmem:v20+s2+$0x0], $0xffff  }
0x245: {  	[tilespmem:$0x1FA80] =	vst v13;
	v13 =	vld [tilespmem:s19+$0x0]  }
0x246: {  	v21 =	vadd.s32 $0xA37F, v62  }
0x247: {  	v19 =	vshra.s32 v19, $0x10;
	[tilespmem:v36+s14+$0x0] =	vst.idx.msk $0xffff, v40  }
0x248: {  	v19 =	vand.u32 $0xFFFFFFF0, v19;
	[tilespmem:v38+s14+$0x0] =	vst.idx.msk $0xffff, v60  }
0x249: {  	[tilespmem:$0x1FCC0] =	vst v17;
	v17 =	vadd.s32 $0x6E00, v19  }
0x24a: {  	v60 =	vshra.s32 v13, $0x10;
	[tilespmem:$0x1FB70] =	vst v17;
	v17 =	vadd.s32 $0x6E01, v19  }
0x24b: {  	v41 =	vand.u32 $0xFFFFFFF0, v60;
	[tilespmem:$0x1FB90] =	vst v17;
	v17 =	vld.idx.msk [tilespmem:v21+s2+$0x0], $0xffff  }
0x24c: {  	v35 =	vadd.s32 $0xA370, v41;
	_ =	sdelay $0x3  }
0x24d: {  	[tilespmem:$0x1FCE0] =	vst v17;
	v17 =	vadd.s32 $0x6E02, v19  }
0x24e: {  	[tilespmem:$0x1FBB0] =	vst v17;
	v17 =	vld.idx.msk [tilespmem:v35+s2+$0x0], $0xffff  }
0x24f: {  	v22 =	vadd.s32 $0xA371, v41;
	_ =	sdelay $0x3  }
0x250: {  	[tilespmem:$0x1FCF0] =	vst v17;
	v17 =	vadd.s32 $0x6E03, v19  }
0x251: {  	[tilespmem:$0x1FBD0] =	vst v17;
	v17 =	vld.idx.msk [tilespmem:v22+s2+$0x0], $0xffff;
	_ =	sdelay $0x1  }
0x252: {  	[tilespmem:v39+s14+$0x0] =	vst.idx.msk $0xffff, v61;
	v61 =	vadd.s32 $0xA372, v41;
	_ =	sdelay $0x2  }
0x253: {  	[tilespmem:$0x1FD00] =	vst v17;
	v17 =	vadd.s32 $0x6E04, v19  }
0x254: {  	[tilespmem:$0x1FBF0] =	vst v17;
	v17 =	vadd.s32 $0x6E05, v19  }
0x255: {  	[tilespmem:$0x1FC00] =	vst v17;
	v17 =	vld.idx.msk [tilespmem:v61+s2+$0x0], $0xffff;
	_ =	sdelay $0x1  }
0x256: {  	v55 =	vadd.s32 $0xA37D, v62;
	v62 =	vadd.s32 $0xA373, v41;
	_ =	sdelay $0x2  }
0x257: {  	[tilespmem:$0x1FD40] =	vst v17;
	v17 =	vadd.s32 $0x6E06, v19  }
0x258: {  	[tilespmem:$0x1FC20] =	vst v17;
	v17 =	vadd.s32 $0x6E07, v19  }
0x259: {  	[tilespmem:$0x1FC30] =	vst v17;
	v17 =	vld.idx.msk [tilespmem:v62+s2+$0x0], $0xffff;
	_ =	sdelay $0x1  }
0x25a: {  	v20 =	vadd.s32 $0xA374, v41  }
0x25b: {  	v14 =	vor.u32 $0x3, v26  }
0x25c: {  	[tilespmem:$0x1F9B0] =	vst v14  }
0x25d: {  	[tilespmem:$0x1FD80] =	vst v17;
	v17 =	vadd.s32 $0x6E08, v19  }
0x25e: {  	v21 =	vshrl.u32 v13, $0x6;
	[tilespmem:$0x1FC40] =	vst v17;
	v17 =	vadd.s32 $0x6E09, v19  }
0x25f: {  	v14 =	vor.u32 $0x4, v26;
	v46 =	vand.u32 $0x3FF0, v21;
	[tilespmem:$0x1FC60] =	vst v17;
	v17 =	vld.idx.msk [tilespmem:v20+s2+$0x0], $0xffff  }
0x260: {  	[tilespmem:$0x1F920] =	vst v14;
	v14 =	vor.u32 $0x5, v26;
	v32 =	vadd.s32 $0xA371, v46  }
0x261: {  	[tilespmem:$0x1F9F0] =	vst v14;
	v14 =	vor.u32 $0x6, v26;
	v24 =	vadd.s32 $0x50D7, v63;
	v63 =	vadd.s32 $0xA375, v41  }
0x262: {  	[tilespmem:$0x1F970] =	vst v14;
	v14 =	vor.u32 $0x7, v26  }
0x263: {  	[tilespmem:$0x1F960] =	vst v14  }
0x264: {  	v14 =	vld.idx.msk [tilespmem:v55+s2+$0x0], $0xffff;
	v13 =	vshll.u32 v13, $0x4;
	[tilespmem:$0x1FDC0] =	vst v17;
	v17 =	vadd.s32 $0x6E0A, v19  }
0x265: {  	v55 =	vand.u32 $0x3FF0, v13;
	v13 =	vld.idx.msk [tilespmem:v32+s2+$0x0], $0xffff;
	[tilespmem:$0x1FC70] =	vst v17;
	v17 =	vadd.s32 $0x6E0B, v19  }
0x266: {  	[tilespmem:$0x1FC80] =	vst v17;
	v17 =	vld.idx.msk [tilespmem:v63+s2+$0x0], $0xffff;
	_ =	sdelay $0x1  }
0x267: {  	v21 =	vadd.s32 $0xA376, v41;
	_ =	sdelay $0x1  }
0x268: {  	[tilespmem:$0x1F900] =	vst v13  }
0x269: {  	[tilespmem:$0x1FE00] =	vst v17;
	v17 =	vadd.s32 $0x6E0C, v19  }
0x26a: {  	v13 =	vadd.s32 $0xA376, v46;
	[tilespmem:$0x1FC90] =	vst v17;
	v17 =	vadd.s32 $0x6E0D, v19  }
0x26b: {  	[tilespmem:$0x1FCA0] =	vst v17;
	v17 =	vld.idx.msk [tilespmem:v21+s2+$0x0], $0xffff;
	_ =	sdelay $0x3  }
0x26c: {  	v13 =	vld.idx.msk [tilespmem:v13+s2+$0x0], $0xffff  }
0x26d: {  	v22 =	vadd.s32 $0xA370, v46;
	[tilespmem:$0x1FE40] =	vst v17;
	v17 =	vadd.s32 $0x6E0E, v19  }
0x26e: {  	[tilespmem:$0x1FCB0] =	vst v17;
	v17 =	vadd.s32 $0x6E0F, v19;
	v19 =	vadd.s32 $0xA370, v55  }
0x26f: {  	v23 =	vshra.s32 v1, $0x6  }
0x270: {  	[tilespmem:$0x1F950] =	vst v14;
	v23 =	vand.u32 $0xFFFFFFF0, v23  }
0x271: {  	[tilespmem:$0x1FEF0] =	vst v13;
	v13 =	vadd.s32 $0x817A, v23  }
0x272: {  	v14 =	vld.idx.msk [tilespmem:v22+s2+$0x0], $0xffff;
	[tilespmem:$0x1FDE0] =	vst v13;
	v13 =	vadd.s32 $0x817B, v23;
	v20 =	vadd.s32 $0xA373, v46  }
0x273: {  	[tilespmem:$0x1FDF0] =	vst v13;
	v13 =	vld.idx.msk [tilespmem:v19+s2+$0x0], $0xffff  }
0x274: {  	v22 =	vadd.s32 $0xA371, v55;
	_ =	sdelay $0x2  }
0x275: {  	[tilespmem:$0x1F8F0] =	vst v14;
	v14 =	vld.idx.msk [tilespmem:v20+s2+$0x0], $0xffff  }
0x276: {  	[tilespmem:$0x1F980] =	vst v13;
	v13 =	vadd.s32 $0x817C, v23  }
0x277: {  	[tilespmem:$0x1FE10] =	vst v13;
	v13 =	vld.idx.msk [tilespmem:v22+s2+$0x0], $0xffff  }
0x278: {  	v20 =	vadd.s32 $0xA372, v55  }
0x279: {  	[tilespmem:$0x1FAD0] =	vst v24  }
0x27a: {  	[tilespmem:$0x1F910] =	vst v14  }
0x27b: {  	[tilespmem:$0x1FCD0] =	vst v17  }
0x27c: {  	v0 =	vshra.s32 v0, $0x6;
	[tilespmem:$0x1F990] =	vst v13;
	v13 =	vadd.s32 $0x817D, v23  }
0x27d: {  	v43 =	vor.u32 $0x6, v42;
	v17 =	vadd.s32 $0x8170, v23;
	[tilespmem:$0x1FE20] =	vst v13;
	v13 =	vand.u32 $0xFFFFFFF0, v0;
	v0 =	vld.idx.msk [tilespmem:v20+s2+$0x0], $0xffff  }
0x27e: {  	v21 =	vadd.s32 $0xA375, v46;
	[tilespmem:$0x1FD10] =	vst v17;
	v17 =	vadd.s32 $0x8171, v23  }
0x27f: {  	v35 =	vadd.s32 $0xA373, v55;
	[tilespmem:$0x1FD20] =	vst v17;
	v17 =	vadd.s32 $0x8172, v23  }
0x280: {  	v39 =	vor.u32 $0x5, v42;
	[tilespmem:$0x1FD30] =	vst v17;
	v17 =	vadd.s32 $0x8173, v23  }
0x281: {  	v54 =	vld.idx.msk [tilespmem:v42+s2+$0x0], $0xffff;
	v36 =	vshll.u32 v1, $0x4;
	v1 =	vor.u32 $0xD, v42;
	[tilespmem:$0x1FD50] =	vst v17  }
0x282: {  	v47 =	vor.u32 $0x8, v42;
	v9 =	vadd.bf16 v9, v58;
	v58 =	vld.idx.msk [tilespmem:v43+s2+$0x0], $0xffff;
	[tilespmem:$0x1F9A0] =	vst v0;
	v0 =	vadd.s32 $0x817E, v23  }
0x283: {  	v33 =	vadd.s32 $0xA372, v46;
	v61 =	vld.idx.msk [tilespmem:v21+s2+$0x0], $0xffff;
	[tilespmem:$0x1FE30] =	vst v0;
	v0 =	vadd.s32 $0x817F, v23  }
0x284: {  	v21 =	vadd.s32 $0xA374, v55;
	v17 =	vadd.s32 $0x8174, v23;
	[tilespmem:$0x1FE50] =	vst v0;
	v0 =	vld.idx.msk [tilespmem:v35+s2+$0x0], $0xffff  }
0x285: {  	v10 =	vadd.bf16 v10, v56;
	v56 =	vld.idx.msk [tilespmem:v39+s2+$0x0], $0xffff;
	v34 =	vadd.s32 $0xA374, v46;
	[tilespmem:$0x1FD60] =	vst v17;
	v17 =	vadd.s32 $0x8175, v23  }
0x286: {  	v1 =	vld.idx.msk [tilespmem:v1+s2+$0x0], $0xffff;
	[tilespmem:$0x1FD70] =	vst v17;
	v17 =	vadd.s32 $0x8176, v23;
	v22 =	vadd.s32 $0xA376, v55  }
0x287: {  	v32 =	vld.idx.msk [tilespmem:v47+s2+$0x0], $0xffff;
	[tilespmem:$0x1FD90] =	vst v17;
	v17 =	vadd.s32 $0x8177, v23;
	v20 =	vadd.s32 $0xA377, v55  }
0x288: {  	v62 =	vld.idx.msk [tilespmem:v33+s2+$0x0], $0xffff;
	[tilespmem:$0x1FDA0] =	vst v17;
	v24 =	vadd.s32 $0x8171, v13  }
0x289: {  	v19 =	vadd.s32 $0xA375, v55;
	v17 =	vadd.s32 $0x8178, v23;
	[tilespmem:$0x1F9C0] =	vst v0;
	v0 =	vld.idx.msk [tilespmem:v21+s2+$0x0], $0xffff  }
0x28a: {  	v14 =	vld.idx.msk [tilespmem:v34+s2+$0x0], $0xffff;
	[tilespmem:$0x1FDB0] =	vst v17;
	v17 =	vadd.s32 $0x8179, v23;
	v23 =	vadd.s32 $0x8170, v13  }
0x28b: {  	v16 =	vadd.bf16 v16, v53;
	v18 =	vadd.bf16 v18, v52;
	v52 =	vld.idx.msk [tilespmem:v22+s2+$0x0], $0xffff;
	v25 =	vadd.s32 $0x8172, v13  }
0x28c: {  	v45 =	vor.u32 $0x7, v42;
	v53 =	vld.idx.msk [tilespmem:v20+s2+$0x0], $0xffff  }
0x28d: {  	[tilespmem:v15+s14+$0x0] =	vst.idx.msk $0xffff, v16;
	v20 =	vadd.s32 $0x8175, v13;
	v15 =	vld.idx.msk [tilespmem:v24+s2+$0x0], $0xffff  }
0x28e: {  	[tilespmem:$0x1F9D0] =	vst v0;
	v0 =	vld.idx.msk [tilespmem:v19+s2+$0x0], $0xffff;
	v19 =	vadd.s32 $0x8173, v13  }
0x28f: {  	v16 =	vshra.s32 v2, $0x10;
	v22 =	vadd.s32 $0x8174, v13;
	v60 =	vld.idx.msk [tilespmem:v23+s2+$0x0], $0xffff  }
0x290: {  	v23 =	vand.u32 $0xFFFFFFF0, v16;
	v16 =	vld.idx.msk [tilespmem:v25+s2+$0x0], $0xffff;
	v25 =	vadd.s32 $0x8177, v13  }
0x291: {  	[tilespmem:$0x1FDD0] =	vst v17;
	v35 =	vld.idx.msk [tilespmem:v45+s2+$0x0], $0xffff;
	v17 =	vadd.s32 $0x6E00, v23  }
0x292: {  	v20 =	vld.idx.msk [tilespmem:v20+s2+$0x0], $0xffff;
	v27 =	vadd.s32 $0x6E01, v23  }
0x293: {  	[tilespmem:v30+s14+$0x0] =	vst.idx.msk $0xffff, v18;
	v28 =	vadd.s32 $0x6E02, v23;
	v18 =	vld.idx.msk [tilespmem:v19+s2+$0x0], $0xffff  }
0x294: {  	v29 =	vadd.s32 $0x6E03, v23;
	v19 =	vld.idx.msk [tilespmem:v22+s2+$0x0], $0xffff  }
0x295: {  	v21 =	vand.u32 $0x3FF0, v36;
	v36 =	vor.u32 $0xA, v42;
	v22 =	vld.idx.msk [tilespmem:v25+s2+$0x0], $0xffff  }
0x296: {  	v25 =	vadd.bf16 v8, v51;
	v8 =	vld.idx.msk [tilespmem:v17+s2+$0x0], $0xffff;
	v17 =	vadd.s32 $0x6E05, v23  }
0x297: {  	v37 =	vshrl.u32 v2, $0x7;
	v2 =	vld.idx.msk [tilespmem:v27+s2+$0x0], $0xffff;
	v27 =	vadd.s32 $0x6E06, v23  }
0x298: {  	[tilespmem:v7+s14+$0x0] =	vst.idx.msk $0xffff, v25;
	v7 =	vld.idx.msk [tilespmem:v28+s2+$0x0], $0xffff;
	v28 =	vadd.s32 $0x6E07, v23  }
0x299: {  	v11 =	vadd.bf16 v11, v59;
	v25 =	vand.u32 $0x1FF0, v37;
	[tilespmem:v5+s14+$0x0] =	vst.idx.msk $0xffff, v9;
	v5 =	vld.idx.msk [tilespmem:v29+s2+$0x0], $0xffff;
	v29 =	vor.u32 $0x4, v42  }
0x29a: {  	v12 =	vadd.bf16 v12, v57;
	v36 =	vld.idx.msk [tilespmem:v36+s2+$0x0], $0xffff;
	v38 =	vadd.s32 $0x50D4, v25;
	[tilespmem:v6+s14+$0x0] =	vst.idx.msk $0xffff, v10  }
0x29b: {  	v40 =	vadd.s32 $0x50D5, v25;
	[tilespmem:v3+s14+$0x0] =	vst.idx.msk $0xffff, v11;
	v3 =	vld.idx.msk [tilespmem:v17+s2+$0x0], $0xffff  }
0x29c: {  	v44 =	vadd.s32 $0x50D6, v25;
	[tilespmem:v4+s14+$0x0] =	vst.idx.msk $0xffff, v12;
	v4 =	vld.idx.msk [tilespmem:v27+s2+$0x0], $0xffff  }
0x29d: {  	v31 =	vadd.s32 $0x50D7, v25;
	v9 =	vld.idx.msk [tilespmem:v28+s2+$0x0], $0xffff  }
0x29e: {  	v63 =	vadd.s32 $0x50D8, v25;
	v29 =	vld.idx.msk [tilespmem:v29+s2+$0x0], $0xffff  }
0x29f: {  	v45 =	vor.u32 $0xB, v42;
	v30 =	vld.idx.msk [tilespmem:v38+s2+$0x0], $0xffff  }
0x2a0: {  	v47 =	vadd.s32 $0x50DB, v25;
	v57 =	vld.idx.msk [tilespmem:v40+s2+$0x0], $0xffff  }
0x2a1: {  	v10 =	vor.u32 $0x1, v42;
	v59 =	vld.idx.msk [tilespmem:v44+s2+$0x0], $0xffff  }
0x2a2: {  	v11 =	vadd.s32 $0x50D1, v25;
	v31 =	vld.idx.msk [tilespmem:v31+s2+$0x0], $0xffff  }
0x2a3: {  	[tilespmem:$0x1F9E0] =	vst v0;
	v0 =	vadd.s32 $0xA370, v21;
	v17 =	vadd.s32 $0x50D2, v25;
	v33 =	vld.idx.msk [tilespmem:v63+s2+$0x0], $0xffff  }
0x2a4: {  	[tilespmem:$0x1FE60] =	vst v0;
	v0 =	vadd.s32 $0xA371, v21;
	v12 =	vor.u32 $0x2, v42;
	v38 =	vld.idx.msk [tilespmem:v45+s2+$0x0], $0xffff  }
0x2a5: {  	[tilespmem:$0x1FE70] =	vst v0;
	v0 =	vadd.s32 $0xA372, v21;
	v27 =	vor.u32 $0x3, v42;
	v39 =	vld.idx.msk [tilespmem:v47+s2+$0x0], $0xffff  }
0x2a6: {  	[tilespmem:$0x1FE80] =	vst v0;
	v0 =	vadd.s32 $0xA373, v21;
	v28 =	vadd.s32 $0x50D3, v25;
	v10 =	vld.idx.msk [tilespmem:v10+s2+$0x0], $0xffff  }
0x2a7: {  	[tilespmem:$0x1FE90] =	vst v0;
	v0 =	vadd.s32 $0xA374, v21;
	v40 =	vor.u32 $0x9, v42;
	v11 =	vld.idx.msk [tilespmem:v11+s2+$0x0], $0xffff  }
0x2a8: {  	v43 =	vadd.s32 $0x50D9, v25;
	[tilespmem:$0x1FEA0] =	vst v0;
	v0 =	vadd.s32 $0xA375, v21;
	v17 =	vld.idx.msk [tilespmem:v17+s2+$0x0], $0xffff  }
0x2a9: {  	[tilespmem:$0x1FEB0] =	vst v0;
	v0 =	vadd.s32 $0xA376, v21;
	v44 =	vadd.s32 $0x50DA, v25;
	v12 =	vld.idx.msk [tilespmem:v12+s2+$0x0], $0xffff  }
0x2aa: {  	[tilespmem:$0x1FEC0] =	vst v0;
	v0 =	vadd.s32 $0xA377, v21;
	v63 =	vor.u32 $0xC, v42;
	v27 =	vld.idx.msk [tilespmem:v27+s2+$0x0], $0xffff  }
0x2ab: {  	[tilespmem:$0x1FED0] =	vst v0;
	v0 =	vadd.s32 $0xA378, v21;
	v47 =	vor.u32 $0xF, v42;
	v28 =	vld.idx.msk [tilespmem:v28+s2+$0x0], $0xffff  }
0x2ac: {  	v49 =	vadd.s32 $0x6E09, v23;
	[tilespmem:$0x1FEE0] =	vst v0;
	v0 =	vadd.s32 $0xA379, v21;
	v34 =	vld.idx.msk [tilespmem:v40+s2+$0x0], $0xffff  }
0x2ad: {  	v24 =	vadd.s32 $0x8176, v13;
	[tilespmem:$0x1FF00] =	vst v0;
	v0 =	vadd.s32 $0xA37A, v21;
	v40 =	vld.idx.msk [tilespmem:v43+s2+$0x0], $0xffff  }
0x2ae: {  	[tilespmem:$0x1FF10] =	vst v0;
	v0 =	vadd.s32 $0xA37B, v21;
	v37 =	vld.idx.msk [tilespmem:v44+s2+$0x0], $0xffff  }
0x2af: {  	v48 =	vadd.s32 $0x6E08, v23;
	v51 =	vadd.s32 $0x50D0, v25;
	[tilespmem:$0x1FF20] =	vst v0;
	v0 =	vadd.s32 $0xA37C, v21;
	v45 =	vld.idx.msk [tilespmem:v63+s2+$0x0], $0xffff  }
0x2b0: {  	s23 =	sadd.s32 $0x10, s22;
	[tilespmem:$0x1FF30] =	vst v0;
	v0 =	vadd.s32 $0xA37D, v21;
	v43 =	vadd.s32 $0x50DD, v25;
	v44 =	vor.u32 $0xE, v42;
	v47 =	vld.idx.msk [tilespmem:v47+s2+$0x0], $0xffff  }
0x2b1: {  	v63 =	vmov s23;
	v31 =	vadd.bf16 v31, v35;
	v35 =	vld.idx.msk [tilespmem:v49+s2+$0x0], $0xffff;
	[tilespmem:$0x1FF40] =	vst v0;
	v0 =	vadd.s32 $0xA37E, v21  }
0x2b2: {  	v42 =	vshll.u32 v63, $0x4;
	[tilespmem:$0x1FF50] =	vst v0;
	v0 =	vadd.s32 $0xA37F, v21;
	v21 =	vld.idx.msk [tilespmem:v24+s2+$0x0], $0xffff;
	v24 =	vadd.s32 $0x6E04, v23  }
0x2b3: {  	v32 =	vadd.bf16 v33, v32;
	v33 =	vld [tilespmem:$0x1F940];
	v42 =	vor.u32 v50, v42;
	v12 =	vadd.bf16 v17, v12  }
0x2b4: {  	v50 =	vadd.s32 $0x6E0A, v23;
	v17 =	vadd.bf16 v28, v27;
	v28 =	vadd.bf16 v30, v29;
	v30 =	vld.idx.msk [tilespmem:v48+s2+$0x0], $0xffff  }
0x2b5: {  	v10 =	vadd.bf16 v11, v10;
	v11 =	vadd.s32 $0x6E0B, v23;
	v43 =	vld.idx.msk [tilespmem:v43+s2+$0x0], $0xffff  }
0x2b6: {  	[tilespmem:$0x1FF60] =	vst v0;
	v0 =	vadd.s32 $0x50DC, v25;
	v44 =	vld.idx.msk [tilespmem:v44+s2+$0x0], $0xffff  }
0x2b7: {  	v27 =	vadd.s32 $0x6E0C, v23;
	v6 =	vld.idx.msk [tilespmem:v24+s2+$0x0], $0xffff  }
0x2b8: {  	v49 =	vadd.s32 $0x6E0E, v23;
	v48 =	vadd.s32 $0x6E0D, v23;
	v23 =	vadd.s32 $0x6E0F, v23;
	v24 =	vld.idx.msk [tilespmem:v51+s2+$0x0], $0xffff  }
0x2b9: {  	v29 =	vadd.bf16 v57, v56;
	v57 =	vadd.s32 $0x8178, v13;
	v56 =	vadd.bf16 v40, v34;
	v34 =	vld.idx.msk [tilespmem:v50+s2+$0x0], $0xffff  }
0x2ba: {  	v11 =	vld.idx.msk [tilespmem:v11+s2+$0x0], $0xffff  }
0x2bb: {  	v0 =	vld.idx.msk [tilespmem:v0+s2+$0x0], $0xffff  }
0x2bc: {  	v51 =	vadd.s32 $0x50DE, v25;
	v27 =	vld.idx.msk [tilespmem:v27+s2+$0x0], $0xffff  }
0x2bd: {  	v5 =	vadd.bf16 v5, v17;
	v25 =	vadd.s32 $0x50DF, v25;
	v17 =	vld.idx.msk [tilespmem:v23+s2+$0x0], $0xffff  }
0x2be: {  	v23 =	vld.idx.msk [tilespmem:v57+s2+$0x0], $0xffff  }
0x2bf: {  	v30 =	vadd.bf16 v30, v32;
	v32 =	vld [tilespmem:$0x1F930]  }
0x2c0: {  	v36 =	vadd.bf16 v37, v36;
	v1 =	vadd.bf16 v43, v1;
	v43 =	vld.idx.msk [tilespmem:v48+s2+$0x0], $0xffff  }
0x2c1: {  	v37 =	vadd.bf16 v39, v38;
	v7 =	vadd.bf16 v7, v12;
	v12 =	vadd.s32 $0x817C, v13;
	v51 =	vld.idx.msk [tilespmem:v51+s2+$0x0], $0xffff  }
0x2c2: {  	v39 =	vadd.bf16 v18, v5;
	v24 =	vadd.bf16 v24, v54;
	v25 =	vld.idx.msk [tilespmem:v25+s2+$0x0], $0xffff  }
0x2c3: {  	v18 =	vadd.s32 $0xA37C, v55;
	v54 =	vadd.bf16 v59, v58;
	v0 =	vadd.bf16 v0, v45;
	v45 =	vld [tilespmem:$0x1F8F0]  }
0x2c4: {  	v2 =	vadd.bf16 v2, v10;
	v58 =	vadd.s32 $0x8179, v13;
	v8 =	vadd.bf16 v8, v24;
	v24 =	vld.idx.msk [tilespmem:v49+s2+$0x0], $0xffff  }
0x2c5: {  	v49 =	vld [tilespmem:$0x1F910];
	v4 =	vadd.bf16 v4, v54  }
0x2c6: {  	v50 =	vmovc v14;
	v14 =	vadd.bf16 v15, v2;
	v59 =	vadd.s32 $0x817A, v13;
	v0 =	vadd.bf16 v27, v0;
	v27 =	vld.idx.msk [tilespmem:v12+s2+$0x0], $0xffff  }
0x2c7: {  	v10 =	vadd.s32 $0x817B, v13;
	v2 =	vadd.bf16 v21, v4;
	v4 =	vadd.bf16 v23, v30;
	v30 =	vld [tilespmem:$0x1F920]  }
0x2c8: {  	v6 =	vadd.bf16 v6, v28;
	v28 =	vadd.s32 $0x817D, v13;
	v21 =	vld.idx.msk [tilespmem:v18+s2+$0x0], $0xffff  }
0x2c9: {  	v9 =	vadd.bf16 v9, v31;
	v3 =	vadd.bf16 v3, v29;
	v29 =	vld.idx.msk [tilespmem:v58+s2+$0x0], $0xffff  }
0x2ca: {  	v31 =	vadd.s32 $0x817E, v13;
	v13 =	vadd.s32 $0x817F, v13;
	v25 =	vadd.bf16 v25, v47;
	v47 =	vld [tilespmem:$0x1F900]  }
0x2cb: {  	v57 =	vadd.s32 $0xA378, v55;
	v54 =	vadd.bf16 v35, v56;
	v56 =	vld.idx.msk [tilespmem:v59+s2+$0x0], $0xffff  }
0x2cc: {  	v58 =	vld.idx.msk [tilespmem:v10+s2+$0x0], $0xffff  }
0x2cd: {  	v15 =	vadd.s32 $0xA37B, v55;
	v28 =	vld.idx.msk [tilespmem:v28+s2+$0x0], $0xffff  }
0x2ce: {  	v5 =	vadd.bf16 v29, v54;
	v54 =	vadd.bf16 v27, v0;
	v0 =	vld [tilespmem:$0x1F980]  }
0x2cf: {  	v48 =	vmov v62;
	v62 =	vadd.s32 $0xA37D, v55;
	v13 =	vld.idx.msk [tilespmem:v13+s2+$0x0], $0xffff  }
0x2d0: {  	v11 =	vadd.bf16 v11, v37;
	v23 =	vadd.s32 $0xA37F, v55;
	v10 =	vld.idx.msk [tilespmem:v57+s2+$0x0], $0xffff  }
0x2d1: {  	v8 =	vadd.bf16 v60, v8;
	v59 =	vadd.s32 $0xA379, v55;
	v17 =	vadd.bf16 v17, v25;
	v25 =	vld.idx.msk [tilespmem:v31+s2+$0x0], $0xffff  }
0x2d2: {  	v44 =	vadd.bf16 v51, v44;
	v51 =	vmovc v61;
	v61 =	vadd.s32 $0xA37A, v55;
	v31 =	vadd.bf16 v16, v7;
	v16 =	vld.idx.msk [tilespmem:v15+s2+$0x0], $0xffff  }
0x2d3: {  	v7 =	vadd.bf16 v58, v11;
	v58 =	vadd.bf16 v0, v8;
	v0 =	vld [tilespmem:$0x1F990]  }
0x2d4: {  	v15 =	vld.idx.msk [tilespmem:v62+s2+$0x0], $0xffff  }
0x2d5: {  	v23 =	vld.idx.msk [tilespmem:v23+s2+$0x0], $0xffff  }
0x2d6: {  	v34 =	vadd.bf16 v34, v36;
	v12 =	vld.idx.msk [tilespmem:v59+s2+$0x0], $0xffff  }
0x2d7: {  	v24 =	vadd.bf16 v24, v44;
	v44 =	vadd.bf16 v20, v3;
	v20 =	vld.idx.msk [tilespmem:v61+s2+$0x0], $0xffff  }
0x2d8: {  	v19 =	vadd.bf16 v19, v6;
	v59 =	vadd.bf16 v0, v14;
	v0 =	vld [tilespmem:$0x1F9A0]  }
0x2d9: {  	v1 =	vadd.bf16 v43, v1;
	v6 =	vadd.bf16 v56, v34;
	v34 =	vld [tilespmem:$0x1F950]  }
0x2da: {  	v3 =	vadd.bf16 v22, v9;
	v22 =	vadd.s32 $0xA37E, v55;
	v27 =	vld [tilespmem:$0x1F960]  }
0x2db: {  	v29 =	vadd.s32 $0xA377, v46;
	v55 =	vadd.bf16 v28, v1;
	v1 =	vld [tilespmem:$0x1F9D0]  }
0x2dc: {  	v8 =	vld [tilespmem:$0x1F9E0]  }
0x2dd: {  	p0 =	slt.u32 s22, $0x220;
	v60 =	vadd.bf16 v0, v31;
	v0 =	vld [tilespmem:$0x1F9C0]  }
.Ltmp0:
0x2de: {  	v28 =	vld [tilespmem:$0x1F970];
	(pc) =	sbr.rel @p0 .LBB2_3-.Ltmp0, $4  }
0x2df: {  	v63 =	vor.u32 $0x1, v42;
	v9 =	vadd.s32 $0xA379, v46;
	v18 =	vld.idx.msk [tilespmem:v22+s2+$0x0], $0xffff  }
0x2e0: {  	v11 =	vadd.s32 $0xA378, v46;
	v57 =	vadd.bf16 v13, v17;
	v13 =	vadd.s32 $0xA37C, v46;
	v62 =	vld.idx.msk [tilespmem:v29+s2+$0x0], $0xffff  }
0x2e1: {  	v56 =	vadd.bf16 v25, v24;
	v1 =	vadd.bf16 v1, v19;
	v29 =	vld [tilespmem:$0x1F9F0];
	v14 =	vadd.s32 $0xA37A, v46  }
0x2e2: {  	s18 =	smov.u32 s22;
	s22 =	sadd.s32 $0x20, s22;
	v8 =	vadd.bf16 v8, v44;
	v31 =	vld [tilespmem:$0x1F9B0];
	v61 =	vadd.bf16 v0, v39;
	v0 =	vadd.s32 $0xA37B, v46  }
0x2e3: {  	_ =	sdelay $0x2  }
0x2e4: {  	v43 =	vadd.s32 $0xA37D, v46  }
0x2e5: {  	v35 =	vld.idx.msk [tilespmem:v11+s2+$0x0], $0xffff;
	v44 =	vadd.s32 $0xA37E, v46  }
0x2e6: {  	v36 =	vld.idx.msk [tilespmem:v9+s2+$0x0], $0xffff;
	v22 =	vadd.s32 $0xA37F, v46  }
0x2e7: {  	v37 =	vld.idx.msk [tilespmem:v14+s2+$0x0], $0xffff;
	v24 =	vadd.s32 $0xA377, v41  }
0x2e8: {  	v39 =	vld.idx.msk [tilespmem:v13+s2+$0x0], $0xffff;
	v25 =	vadd.s32 $0xA378, v41  }
0x2e9: {  	v17 =	vadd.s32 $0xA379, v41;
	v40 =	vld.idx.msk [tilespmem:v43+s2+$0x0], $0xffff  }
0x2ea: {  	v19 =	vadd.s32 $0xA37A, v41;
	v43 =	vld.idx.msk [tilespmem:v44+s2+$0x0], $0xffff  }
0x2eb: {  	v44 =	vld.idx.msk [tilespmem:v22+s2+$0x0], $0xffff  }
0x2ec: {  	v22 =	vadd.s32 $0xA37B, v41;
	v11 =	vld.idx.msk [tilespmem:v24+s2+$0x0], $0xffff  }
0x2ed: {  	v46 =	vadd.s32 $0xA37C, v41;
	v9 =	vld.idx.msk [tilespmem:v25+s2+$0x0], $0xffff  }
0x2ee: {  	v24 =	vadd.s32 $0xA37D, v41;
	v13 =	vld.idx.msk [tilespmem:v17+s2+$0x0], $0xffff  }
0x2ef: {  	v14 =	vld.idx.msk [tilespmem:v19+s2+$0x0], $0xffff;
	v25 =	vadd.s32 $0xA37F, v41  }
0x2f0: {  	v17 =	vadd.s32 $0xA37E, v41;
	v41 =	vld [tilespmem:$0x1FA60]  }
0x2f1: {  	v19 =	vld.idx.msk [tilespmem:v22+s2+$0x0], $0xffff  }
0x2f2: {  	v22 =	vld.idx.msk [tilespmem:v46+s2+$0x0], $0xffff  }
0x2f3: {  	v46 =	vld.idx.msk [tilespmem:v24+s2+$0x0], $0xffff  }
0x2f4: {  	v24 =	vld.idx.msk [tilespmem:v25+s2+$0x0], $0xffff  }
0x2f5: {  	v25 =	vld.idx.msk [tilespmem:v33+s2+$0x0], $0xffff;
	_ =	sdelay $0x1  }
0x2f6: {  	v38 =	vld.idx.msk [tilespmem:v0+s2+$0x0], $0xffff  }
0x2f7: {  	v33 =	vld [tilespmem:$0x1FA70]  }
0x2f8: {  	v0 =	vld.idx.msk [tilespmem:v17+s2+$0x0], $0xffff  }
0x2f9: {  	v41 =	vld.idx.msk [tilespmem:v41+s2+$0x0], $0xffff;
	[tilespmem:$0x1F410] =	vst v25  }
0x2fa: {  	v25 =	vld.idx.msk [tilespmem:v32+s2+$0x0], $0xffff;
	_ =	sdelay $0x2  }
0x2fb: {  	v32 =	vld [tilespmem:$0x1FA80];
	_ =	sdelay $0x1  }
0x2fc: {  	v33 =	vld.idx.msk [tilespmem:v33+s2+$0x0], $0xffff;
	[tilespmem:$0x1F420] =	vst v25  }
0x2fd: {  	v25 =	vld.idx.msk [tilespmem:v31+s2+$0x0], $0xffff;
	_ =	sdelay $0x2  }
0x2fe: {  	v31 =	vld [tilespmem:$0x1FA90];
	_ =	sdelay $0x1  }
0x2ff: {  	v32 =	vld.idx.msk [tilespmem:v32+s2+$0x0], $0xffff;
	[tilespmem:$0x1F430] =	vst v25  }
0x300: {  	v25 =	vld.idx.msk [tilespmem:v30+s2+$0x0], $0xffff;
	_ =	sdelay $0x2  }
0x301: {  	v30 =	vld [tilespmem:$0x1FAA0];
	_ =	sdelay $0x1  }
0x302: {  	v31 =	vld.idx.msk [tilespmem:v31+s2+$0x0], $0xffff;
	[tilespmem:$0x1F440] =	vst v25  }
0x303: {  	v25 =	vld.idx.msk [tilespmem:v29+s2+$0x0], $0xffff;
	_ =	sdelay $0x2  }
0x304: {  	v29 =	vld [tilespmem:$0x1FAB0];
	_ =	sdelay $0x1  }
0x305: {  	v30 =	vld.idx.msk [tilespmem:v30+s2+$0x0], $0xffff;
	[tilespmem:$0x1F450] =	vst v25  }
0x306: {  	v25 =	vld.idx.msk [tilespmem:v28+s2+$0x0], $0xffff;
	_ =	sdelay $0x1  }
0x307: {  	v28 =	vld [tilespmem:$0x1FAC0];
	_ =	sdelay $0x2  }
0x308: {  	v29 =	vld.idx.msk [tilespmem:v29+s2+$0x0], $0xffff;
	[tilespmem:$0x1F460] =	vst v25  }
0x309: {  	v25 =	vld.idx.msk [tilespmem:v27+s2+$0x0], $0xffff;
	_ =	sdelay $0x3  }
0x30a: {  	v28 =	vld.idx.msk [tilespmem:v28+s2+$0x0], $0xffff  }
0x30b: {  	[tilespmem:$0x1F470] =	vst v25;
	v25 =	vld [tilespmem:$0x1FF70];
	_ =	sdelay $0x6  }
0x30c: {  	v27 =	vld [tilespmem:$0x1FAD0]  }
0x30d: {  	v17 =	vld.idx.msk [tilespmem:v25+s2+$0x0], $0xffff  }
0x30e: {  	v25 =	vld [tilespmem:$0x1FAE0];
	_ =	sdelay $0x6  }
0x30f: {  	v27 =	vld.idx.msk [tilespmem:v27+s2+$0x0], $0xffff;
	[tilespmem:$0x1F480] =	vst v17  }
0x310: {  	v17 =	vld.idx.msk [tilespmem:v25+s2+$0x0], $0xffff  }
0x311: {  	v25 =	vld [tilespmem:$0x1FF80];
	_ =	sdelay $0x6  }
0x312: {  	[tilespmem:$0x1F490] =	vst v17  }
0x313: {  	v17 =	vld.idx.msk [tilespmem:v25+s2+$0x0], $0xffff;
	_ =	sdelay $0x4  }
0x314: {  	[tilespmem:$0x1F4A0] =	vst v17;
	v17 =	vld [tilespmem:$0x1FF90];
	_ =	sdelay $0x3  }
0x315: {  	v25 =	vld [tilespmem:$0x1FAF0];
	_ =	sdelay $0x3  }
0x316: {  	v17 =	vld.idx.msk [tilespmem:v17+s2+$0x0], $0xffff;
	_ =	sdelay $0x3  }
0x317: {  	v25 =	vld.idx.msk [tilespmem:v25+s2+$0x0], $0xffff  }
0x318: {  	[tilespmem:$0x1F4B0] =	vst v17;
	v17 =	vld [tilespmem:$0x1FB00];
	_ =	sdelay $0x7  }
0x319: {  	v17 =	vld.idx.msk [tilespmem:v17+s2+$0x0], $0xffff;
	_ =	sdelay $0x4  }
0x31a: {  	[tilespmem:$0x1F4C0] =	vst v17;
	v17 =	vld [tilespmem:$0x1FFA0];
	_ =	sdelay $0x7  }
0x31b: {  	v17 =	vld.idx.msk [tilespmem:v17+s2+$0x0], $0xffff;
	_ =	sdelay $0x4  }
0x31c: {  	[tilespmem:$0x1F4D0] =	vst v17;
	v17 =	vld [tilespmem:$0x1FB10];
	_ =	sdelay $0x7  }
0x31d: {  	v17 =	vld.idx.msk [tilespmem:v17+s2+$0x0], $0xffff;
	_ =	sdelay $0x4  }
0x31e: {  	[tilespmem:$0x1F4E0] =	vst v17;
	v17 =	vld [tilespmem:$0x1FFB0];
	_ =	sdelay $0x7  }
0x31f: {  	v17 =	vld.idx.msk [tilespmem:v17+s2+$0x0], $0xffff;
	_ =	sdelay $0x4  }
0x320: {  	[tilespmem:$0x1F4F0] =	vst v17;
	v17 =	vld [tilespmem:$0x1FB20];
	_ =	sdelay $0x7  }
0x321: {  	v17 =	vld.idx.msk [tilespmem:v17+s2+$0x0], $0xffff;
	_ =	sdelay $0x4  }
0x322: {  	[tilespmem:$0x1F500] =	vst v17;
	v17 =	vld [tilespmem:$0x1FFC0];
	_ =	sdelay $0x7  }
0x323: {  	v17 =	vld.idx.msk [tilespmem:v17+s2+$0x0], $0xffff;
	_ =	sdelay $0x4  }
0x324: {  	[tilespmem:$0x1F510] =	vst v17;
	v17 =	vld [tilespmem:$0x1FB30];
	_ =	sdelay $0x7  }
0x325: {  	v17 =	vld.idx.msk [tilespmem:v17+s2+$0x0], $0xffff;
	_ =	sdelay $0x4  }
0x326: {  	[tilespmem:$0x1F520] =	vst v17;
	v17 =	vld [tilespmem:$0x1FFD0];
	_ =	sdelay $0x7  }
0x327: {  	v17 =	vld.idx.msk [tilespmem:v17+s2+$0x0], $0xffff;
	_ =	sdelay $0x4  }
0x328: {  	[tilespmem:$0x1F530] =	vst v17;
	v17 =	vld [tilespmem:$0x1FB40];
	_ =	sdelay $0x7  }
0x329: {  	v17 =	vld.idx.msk [tilespmem:v17+s2+$0x0], $0xffff;
	_ =	sdelay $0x4  }
0x32a: {  	[tilespmem:$0x1F540] =	vst v17;
	v17 =	vld [tilespmem:$0x1FFE0];
	_ =	sdelay $0x7  }
0x32b: {  	v17 =	vld.idx.msk [tilespmem:v17+s2+$0x0], $0xffff;
	_ =	sdelay $0x4  }
0x32c: {  	[tilespmem:$0x1F550] =	vst v17;
	v17 =	vld [tilespmem:$0x1FB50];
	_ =	sdelay $0x7  }
0x32d: {  	v17 =	vld.idx.msk [tilespmem:v17+s2+$0x0], $0xffff;
	_ =	sdelay $0x4  }
0x32e: {  	[tilespmem:$0x1F560] =	vst v17  }
0x32f: {  	v17 =	vld.idx.msk [tilespmem:v26+s2+$0x0], $0xffff  }
0x330: {  	v26 =	vld [tilespmem:$0x1FB70];
	_ =	sdelay $0x7  }
0x331: {  	v26 =	vld.idx.msk [tilespmem:v26+s2+$0x0], $0xffff;
	_ =	sdelay $0x4  }
0x332: {  	[tilespmem:$0x1F570] =	vst v26;
	v26 =	vld [tilespmem:$0x1FB90];
	_ =	sdelay $0x7  }
0x333: {  	v26 =	vld.idx.msk [tilespmem:v26+s2+$0x0], $0xffff;
	_ =	sdelay $0x4  }
0x334: {  	[tilespmem:$0x1F580] =	vst v26;
	v26 =	vld [tilespmem:$0x1FBB0];
	_ =	sdelay $0x7  }
0x335: {  	v26 =	vld.idx.msk [tilespmem:v26+s2+$0x0], $0xffff;
	_ =	sdelay $0x4  }
0x336: {  	[tilespmem:$0x1F590] =	vst v26;
	v26 =	vld [tilespmem:$0x1FBD0];
	_ =	sdelay $0x7  }
0x337: {  	v26 =	vld.idx.msk [tilespmem:v26+s2+$0x0], $0xffff;
	_ =	sdelay $0x4  }
0x338: {  	[tilespmem:$0x1F5A0] =	vst v26;
	v26 =	vld [tilespmem:$0x1FBF0];
	_ =	sdelay $0x7  }
0x339: {  	v26 =	vld.idx.msk [tilespmem:v26+s2+$0x0], $0xffff;
	_ =	sdelay $0x4  }
0x33a: {  	[tilespmem:$0x1F5B0] =	vst v26;
	v26 =	vld [tilespmem:$0x1FC00];
	_ =	sdelay $0x7  }
0x33b: {  	v26 =	vld.idx.msk [tilespmem:v26+s2+$0x0], $0xffff;
	_ =	sdelay $0x4  }
0x33c: {  	[tilespmem:$0x1F5C0] =	vst v26;
	v26 =	vld [tilespmem:$0x1FC20];
	_ =	sdelay $0x7  }
0x33d: {  	v26 =	vld.idx.msk [tilespmem:v26+s2+$0x0], $0xffff;
	_ =	sdelay $0x4  }
0x33e: {  	[tilespmem:$0x1F5D0] =	vst v26;
	v26 =	vld [tilespmem:$0x1FC30];
	_ =	sdelay $0x7  }
0x33f: {  	v26 =	vld.idx.msk [tilespmem:v26+s2+$0x0], $0xffff;
	_ =	sdelay $0x4  }
0x340: {  	[tilespmem:$0x1F5E0] =	vst v26;
	v26 =	vld [tilespmem:$0x1FC40];
	_ =	sdelay $0x7  }
0x341: {  	v26 =	vld.idx.msk [tilespmem:v26+s2+$0x0], $0xffff;
	_ =	sdelay $0x4  }
0x342: {  	[tilespmem:$0x1F5F0] =	vst v26;
	v26 =	vld [tilespmem:$0x1FC60];
	_ =	sdelay $0x7  }
0x343: {  	v26 =	vld.idx.msk [tilespmem:v26+s2+$0x0], $0xffff;
	_ =	sdelay $0x4  }
0x344: {  	[tilespmem:$0x1F600] =	vst v26;
	v26 =	vld [tilespmem:$0x1FC70];
	_ =	sdelay $0x7  }
0x345: {  	v26 =	vld.idx.msk [tilespmem:v26+s2+$0x0], $0xffff;
	_ =	sdelay $0x4  }
0x346: {  	[tilespmem:$0x1F610] =	vst v26;
	v26 =	vld [tilespmem:$0x1FC80];
	_ =	sdelay $0x7  }
0x347: {  	v26 =	vld.idx.msk [tilespmem:v26+s2+$0x0], $0xffff;
	_ =	sdelay $0x4  }
0x348: {  	[tilespmem:$0x1F620] =	vst v26;
	v26 =	vld [tilespmem:$0x1FC90];
	_ =	sdelay $0x7  }
0x349: {  	v26 =	vld.idx.msk [tilespmem:v26+s2+$0x0], $0xffff;
	_ =	sdelay $0x4  }
0x34a: {  	[tilespmem:$0x1F630] =	vst v26;
	v26 =	vld [tilespmem:$0x1FCA0];
	_ =	sdelay $0x7  }
0x34b: {  	v26 =	vld.idx.msk [tilespmem:v26+s2+$0x0], $0xffff;
	_ =	sdelay $0x4  }
0x34c: {  	[tilespmem:$0x1F640] =	vst v26;
	v26 =	vld [tilespmem:$0x1FCB0];
	_ =	sdelay $0x7  }
0x34d: {  	v26 =	vld.idx.msk [tilespmem:v26+s2+$0x0], $0xffff;
	_ =	sdelay $0x4  }
0x34e: {  	[tilespmem:$0x1F650] =	vst v26;
	v26 =	vld [tilespmem:$0x1FCD0];
	_ =	sdelay $0x7  }
0x34f: {  	v26 =	vld.idx.msk [tilespmem:v26+s2+$0x0], $0xffff;
	_ =	sdelay $0x4  }
0x350: {  	[tilespmem:$0x1F660] =	vst v26;
	v26 =	vld [tilespmem:$0x1FD10];
	_ =	sdelay $0x7  }
0x351: {  	v26 =	vld.idx.msk [tilespmem:v26+s2+$0x0], $0xffff;
	_ =	sdelay $0x4  }
0x352: {  	[tilespmem:$0x1F670] =	vst v26;
	v26 =	vld [tilespmem:$0x1FD20];
	_ =	sdelay $0x5  }
0x353: {  	v2 =	vadd.bf16 v52, v2;
	v52 =	vld [tilespmem:$0x1FD30];
	_ =	sdelay $0x1  }
0x354: {  	v26 =	vld.idx.msk [tilespmem:v26+s2+$0x0], $0xffff;
	_ =	sdelay $0x4  }
0x355: {  	[tilespmem:$0x1F680] =	vst v26  }
0x356: {  	v26 =	vld.idx.msk [tilespmem:v52+s2+$0x0], $0xffff;
	_ =	sdelay $0x4  }
0x357: {  	[tilespmem:$0x1F690] =	vst v26;
	v26 =	vld [tilespmem:$0x1FD50];
	_ =	sdelay $0x5  }
0x358: {  	v52 =	vld [tilespmem:$0x1FD60];
	_ =	sdelay $0x1  }
0x359: {  	v4 =	vadd.bf16 v10, v4;
	v10 =	vld.idx.msk [tilespmem:v26+s2+$0x0], $0xffff;
	_ =	sdelay $0x3  }
0x35a: {  	v3 =	vadd.bf16 v53, v3;
	v53 =	vld [tilespmem:$0x1FD70]  }
0x35b: {  	[tilespmem:$0x1F6A0] =	vst v10  }
0x35c: {  	v10 =	vadd.bf16 v12, v5;
	v5 =	vld.idx.msk [tilespmem:v52+s2+$0x0], $0xffff;
	_ =	sdelay $0x3  }
0x35d: {  	v21 =	vadd.bf16 v21, v54;
	v54 =	vld [tilespmem:$0x1FD90]  }
0x35e: {  	[tilespmem:$0x1F6B0] =	vst v5  }
0x35f: {  	v5 =	vld.idx.msk [tilespmem:v53+s2+$0x0], $0xffff;
	_ =	sdelay $0x2  }
0x360: {  	v15 =	vadd.bf16 v15, v55  }
0x361: {  	v55 =	vadd.bf16 v47, v59;
	v47 =	vadd.bf16 v48, v60;
	v60 =	vld [tilespmem:$0x1FDA0]  }
0x362: {  	v12 =	vld [tilespmem:s19+$0xFFFFFFF0];
	[tilespmem:$0x1F6C0] =	vst v5  }
0x363: {  	v5 =	vld.idx.msk [tilespmem:v54+s2+$0x0], $0xffff;
	_ =	sdelay $0x3  }
0x364: {  	v48 =	vadd.bf16 v49, v61;
	v61 =	vld [tilespmem:$0x1FDB0]  }
0x365: {  	[tilespmem:$0x1F6D0] =	vst v5  }
0x366: {  	v5 =	vld.idx.msk [tilespmem:v60+s2+$0x0], $0xffff;
	_ =	sdelay $0x3  }
0x367: {  	v20 =	vadd.bf16 v20, v6;
	v6 =	vld [tilespmem:$0x1FDD0]  }
0x368: {  	[tilespmem:$0x1F6E0] =	vst v5  }
0x369: {  	v49 =	vadd.bf16 v50, v1;
	v1 =	vld.idx.msk [tilespmem:v61+s2+$0x0], $0xffff;
	_ =	sdelay $0x3  }
0x36a: {  	v50 =	vadd.bf16 v51, v8;
	v8 =	vld [tilespmem:$0x1FDE0]  }
0x36b: {  	[tilespmem:$0x1F6F0] =	vst v1  }
0x36c: {  	v1 =	vld.idx.msk [tilespmem:v6+s2+$0x0], $0xffff;
	_ =	sdelay $0x3  }
0x36d: {  	v37 =	vadd.bf16 v37, v20;
	v20 =	vld [tilespmem:$0x1FDF0]  }
0x36e: {  	[tilespmem:$0x1F700] =	vst v1  }
0x36f: {  	v1 =	vld.idx.msk [tilespmem:v8+s2+$0x0], $0xffff;
	_ =	sdelay $0x1  }
0x370: {  	v16 =	vadd.bf16 v16, v7;
	_ =	sdelay $0x1  }
0x371: {  	v61 =	vadd.bf16 v38, v16;
	v38 =	vld [tilespmem:$0x1FE10]  }
0x372: {  	[tilespmem:$0x1F710] =	vst v1  }
0x373: {  	v1 =	vld.idx.msk [tilespmem:v20+s2+$0x0], $0xffff;
	_ =	sdelay $0x4  }
0x374: {  	[tilespmem:$0x1F720] =	vst v1  }
0x375: {  	v1 =	vld.idx.msk [tilespmem:v38+s2+$0x0], $0xffff  }
0x376: {  	v38 =	vadd.bf16 v40, v15;
	v40 =	vld [tilespmem:$0x1FE20];
	_ =	sdelay $0x2  }
0x377: {  	v5 =	vld [tilespmem:$0x1FEF0];
	_ =	sdelay $0x2  }
0x378: {  	v54 =	vld [tilespmem:$0x1FE30]  }
0x379: {  	[tilespmem:$0x1F730] =	vst v1  }
0x37a: {  	v2 =	vadd.bf16 v5, v2;
	v5 =	vld.idx.msk [tilespmem:v40+s2+$0x0], $0xffff;
	_ =	sdelay $0x1  }
0x37b: {  	v52 =	vld [tilespmem:$0x1FD00];
	_ =	sdelay $0x1  }
0x37c: {  	v18 =	vadd.bf16 v18, v56;
	v56 =	vld [tilespmem:$0x1FE50]  }
0x37d: {  	v51 =	vadd.bf16 v62, v3;
	v62 =	vadd.bf16 v39, v21;
	v39 =	vld [tilespmem:$0x1FCF0];
	[tilespmem:$0x1F740] =	vst v5  }
0x37e: {  	v5 =	vld.idx.msk [tilespmem:v54+s2+$0x0], $0xffff  }
0x37f: {  	v53 =	vadd.bf16 v52, v55;
	v55 =	vld [tilespmem:$0x1FA00]  }
0x380: {  	v26 =	vadd.bf16 v45, v58;
	_ =	sdelay $0x1  }
0x381: {  	v1 =	vadd.bf16 v39, v26  }
0x382: {  	v7 =	vshll.u32 v12, $0x4;
	[tilespmem:$0x1F750] =	vst v5  }
0x383: {  	v23 =	vadd.bf16 v23, v57;
	v57 =	vand.u32 $0x3FF0, v7;
	v58 =	vadd.bf16 v55, v1;
	v1 =	vld.idx.msk [tilespmem:v56+s2+$0x0], $0xffff  }
0x384: {  	v3 =	vadd.s32 $0xA370, v57;
	_ =	sdelay $0x3  }
0x385: {  	[tilespmem:$0x1F760] =	vst v1  }
0x386: {  	v7 =	vld.idx.msk [tilespmem:v3+s2+$0x0], $0xffff  }
0x387: {  	v35 =	vadd.bf16 v35, v4;
	v4 =	vadd.s32 $0xA371, v57;
	_ =	sdelay $0x3  }
0x388: {  	v59 =	vld [tilespmem:$0x1FD40];
	[tilespmem:$0x1F770] =	vst v7  }
0x389: {  	v54 =	vld.idx.msk [tilespmem:v4+s2+$0x0], $0xffff  }
0x38a: {  	v15 =	vadd.s32 $0xA372, v57;
	v55 =	vld [tilespmem:$0x1FA20];
	_ =	sdelay $0x2  }
0x38b: {  	v60 =	vadd.bf16 v59, v47  }
0x38c: {  	[tilespmem:$0x1F780] =	vst v54  }
0x38d: {  	v47 =	vadd.bf16 v55, v60;
	v60 =	vld.idx.msk [tilespmem:v15+s2+$0x0], $0xffff  }
0x38e: {  	v16 =	vadd.s32 $0xA373, v57;
	v6 =	vld [tilespmem:$0x1FA10];
	_ =	sdelay $0x3  }
0x38f: {  	[tilespmem:$0x1F790] =	vst v60  }
0x390: {  	v52 =	vadd.bf16 v6, v53;
	v6 =	vld.idx.msk [tilespmem:v16+s2+$0x0], $0xffff  }
0x391: {  	v21 =	vadd.s32 $0xA374, v57;
	_ =	sdelay $0x3  }
0x392: {  	v8 =	vld [tilespmem:$0x1FD80];
	[tilespmem:$0x1F7A0] =	vst v6  }
0x393: {  	v45 =	vld.idx.msk [tilespmem:v21+s2+$0x0], $0xffff  }
0x394: {  	v26 =	vadd.s32 $0xA375, v57;
	_ =	sdelay $0x3  }
0x395: {  	v36 =	vadd.bf16 v36, v10;
	v10 =	vadd.bf16 v8, v48;
	v48 =	vld [tilespmem:$0x1FDC0];
	[tilespmem:$0x1F7B0] =	vst v45  }
0x396: {  	v1 =	vld.idx.msk [tilespmem:v26+s2+$0x0], $0xffff  }
0x397: {  	v40 =	vadd.s32 $0xA376, v57;
	v4 =	vld [tilespmem:$0x1FA30];
	_ =	sdelay $0x3  }
0x398: {  	[tilespmem:$0x1F7C0] =	vst v1  }
0x399: {  	v53 =	vadd.bf16 v48, v49;
	v49 =	vadd.bf16 v4, v10;
	v4 =	vld.idx.msk [tilespmem:v40+s2+$0x0], $0xffff  }
0x39a: {  	v48 =	vadd.s32 $0xA377, v57;
	_ =	sdelay $0x3  }
0x39b: {  	[tilespmem:$0x1F7D0] =	vst v4  }
0x39c: {  	v21 =	vld.idx.msk [tilespmem:v48+s2+$0x0], $0xffff  }
0x39d: {  	v18 =	vadd.bf16 v43, v18;
	v43 =	vld [tilespmem:$0x1FE40];
	v7 =	vadd.s32 $0xA378, v57  }
0x39e: {  	v56 =	vld [tilespmem:$0x1FE00];
	_ =	sdelay $0x2  }
0x39f: {  	[tilespmem:$0x1F7E0] =	vst v21  }
0x3a0: {  	v2 =	vadd.bf16 v43, v2;
	v43 =	vld.idx.msk [tilespmem:v7+s2+$0x0], $0xffff  }
0x3a1: {  	v59 =	vadd.bf16 v56, v50;
	v50 =	vadd.s32 $0xA379, v57;
	_ =	sdelay $0x2  }
0x3a2: {  	v40 =	vld [tilespmem:$0x1FBC0]  }
0x3a3: {  	v23 =	vadd.bf16 v44, v23;
	v44 =	vld [tilespmem:$0x1FA50];
	[tilespmem:$0x1F7F0] =	vst v43  }
0x3a4: {  	v1 =	vld.idx.msk [tilespmem:v50+s2+$0x0], $0xffff  }
0x3a5: {  	v20 =	vld [tilespmem:$0x1FBA0];
	v60 =	vadd.bf16 v13, v36;
	v26 =	vadd.s32 $0xA37A, v57  }
0x3a6: {  	v5 =	vld [tilespmem:$0x1FA40]  }
0x3a7: {  	v60 =	vadd.bf16 v40, v60;
	v40 =	vld [tilespmem:$0x1FC10]  }
0x3a8: {  	v56 =	vadd.bf16 v44, v59;
	v59 =	vld [tilespmem:$0x1FB60]  }
0x3a9: {  	v9 =	vadd.bf16 v9, v35;
	v35 =	vadd.bf16 v14, v37;
	v14 =	vld [tilespmem:$0x1F4A0];
	[tilespmem:$0x1F800] =	vst v1  }
0x3aa: {  	v19 =	vadd.bf16 v19, v61;
	v39 =	vld.idx.msk [tilespmem:v26+s2+$0x0], $0xffff  }
0x3ab: {  	v37 =	vld [tilespmem:$0x1F530];
	v55 =	vadd.bf16 v5, v53;
	v5 =	vadd.s32 $0xA37B, v57  }
0x3ac: {  	v8 =	vld [tilespmem:$0x1F450];
	v1 =	vadd.bf16 v40, v19  }
0x3ad: {  	v54 =	vadd.bf16 v59, v2;
	v59 =	vadd.bf16 v20, v9;
	v20 =	vld [tilespmem:$0x1F4E0]  }
0x3ae: {  	v16 =	vld [tilespmem:$0x1FB80];
	[tilespmem:$0x1F830] =	vst v1  }
0x3af: {  	v6 =	vld [tilespmem:$0x1FBE0];
	[tilespmem:$0x1F810] =	vst v39  }
0x3b0: {  	v1 =	vld.idx.msk [tilespmem:v5+s2+$0x0], $0xffff  }
0x3b1: {  	v11 =	vadd.bf16 v11, v51;
	v9 =	vadd.s32 $0xA37C, v57;
	v10 =	vadd.bf16 v24, v23;
	v24 =	vld [tilespmem:$0x1F500]  }
0x3b2: {  	v13 =	vld [tilespmem:$0x1F490]  }
0x3b3: {  	v53 =	vadd.bf16 v16, v11;
	v11 =	vld [tilespmem:$0x1F480]  }
0x3b4: {  	v16 =	vld [tilespmem:$0x1F4C0]  }
0x3b5: {  	v51 =	vadd.bf16 v6, v35;
	v35 =	vld [tilespmem:$0x1FCE0];
	[tilespmem:$0x1F820] =	vst v1  }
0x3b6: {  	v44 =	vadd.s32 $0xA37D, v57;
	v4 =	vadd.s32 $0xA37E, v57;
	v7 =	vadd.s32 $0xA37F, v57;
	v57 =	vld.idx.msk [tilespmem:v9+s2+$0x0], $0xffff  }
0x3b7: {  	v29 =	vadd.bf16 v29, v8;
	v9 =	vld [tilespmem:$0x1FC50]  }
0x3b8: {  	v8 =	vadd.bf16 v13, v11;
	v13 =	vadd.bf16 v25, v14;
	v14 =	vld [tilespmem:$0x1F560]  }
0x3b9: {  	v39 =	vld [tilespmem:$0x1FCC0]  }
0x3ba: {  	v22 =	vadd.bf16 v22, v62;
	v21 =	vld [tilespmem:$0x1F4F0];
	v5 =	vadd.bf16 v46, v38  }
0x3bb: {  	v18 =	vadd.bf16 v0, v18;
	v50 =	vld [tilespmem:$0x1F420]  }
0x3bc: {  	v38 =	vadd.bf16 v34, v5;
	v34 =	vld [tilespmem:$0x1F510];
	v0 =	vadd.bf16 v9, v22  }
0x3bd: {  	v9 =	vld [tilespmem:$0x1F460]  }
0x3be: {  	v61 =	vshrl.u32 v12, $0x6;
	[tilespmem:$0x1F840] =	vst v0;
	v0 =	vadd.bf16 v39, v18;
	v18 =	vld [tilespmem:$0x1F4D0]  }
0x3bf: {  	v36 =	vand.u32 $0x3FF0, v61;
	v61 =	vld.idx.msk [tilespmem:v44+s2+$0x0], $0xffff  }
0x3c0: {  	[tilespmem:$0x1F850] =	vst v38;
	v38 =	vld [tilespmem:$0x1F410]  }
0x3c1: {  	[tilespmem:$0x1F860] =	vst v0;
	v0 =	vadd.bf16 v35, v10;
	v10 =	vld [tilespmem:$0x1F470]  }
0x3c2: {  	v35 =	vld [tilespmem:$0x1F520]  }
0x3c3: {  	v62 =	vld.idx.msk [tilespmem:v4+s2+$0x0], $0xffff  }
0x3c4: {  	v6 =	vadd.s32 $0xA371, v36;
	v4 =	vld [tilespmem:$0x1F430]  }
0x3c5: {  	v15 =	vadd.s32 $0xA372, v36;
	v28 =	vadd.bf16 v28, v9;
	v9 =	vadd.bf16 v24, v21;
	v21 =	vld [tilespmem:$0x1F5A0]  }
0x3c6: {  	v24 =	vld [tilespmem:$0x1F5C0];
	[tilespmem:$0x1F870] =	vst v0  }
0x3c7: {  	v39 =	vadd.s32 $0xA374, v36;
	v48 =	vld.idx.msk [tilespmem:v7+s2+$0x0], $0xffff  }
0x3c8: {  	v7 =	vld [tilespmem:$0x1F440]  }
0x3c9: {  	v45 =	vld.idx.msk [tilespmem:v6+s2+$0x0], $0xffff  }
0x3ca: {  	v44 =	vld.idx.msk [tilespmem:v15+s2+$0x0], $0xffff  }
0x3cb: {  	v19 =	vadd.s32 $0xA37A, v36;
	v15 =	vld [tilespmem:$0x1F4B0]  }
0x3cc: {  	v46 =	vld.idx.msk [tilespmem:v39+s2+$0x0], $0xffff  }
0x3cd: {  	v39 =	vld [tilespmem:$0x1F550]  }
0x3ce: {  	v5 =	vadd.s32 $0xA375, v36;
	v11 =	vadd.bf16 v20, v18;
	v20 =	vld [tilespmem:$0x1F650]  }
0x3cf: {  	v33 =	vadd.bf16 v33, v38;
	v38 =	vld [tilespmem:$0x1F540]  }
0x3d0: {  	v23 =	vadd.s32 $0xA377, v36;
	v6 =	vadd.bf16 v35, v34;
	v35 =	vld.idx.msk [tilespmem:v19+s2+$0x0], $0xffff  }
0x3d1: {  	v19 =	vld [tilespmem:$0x1F640]  }
0x3d2: {  	v25 =	vadd.s32 $0xA378, v36;
	v29 =	vadd.bf16 v24, v29;
	v24 =	vld [tilespmem:$0x1F680]  }
0x3d3: {  	v22 =	vadd.bf16 v30, v7;
	v30 =	vadd.bf16 v41, v17;
	v41 =	vld.idx.msk [tilespmem:v5+s2+$0x0], $0xffff  }
0x3d4: {  	v27 =	vadd.bf16 v27, v10;
	v10 =	vadd.bf16 v16, v15;
	v15 =	vld [tilespmem:$0x1F570]  }
0x3d5: {  	v31 =	vadd.bf16 v31, v4;
	v4 =	vadd.bf16 v14, v39;
	v39 =	vld.idx.msk [tilespmem:v23+s2+$0x0], $0xffff  }
0x3d6: {  	v16 =	vld [tilespmem:$0x1F580]  }
0x3d7: {  	v1 =	vadd.s32 $0xA379, v36;
	v7 =	vadd.bf16 v38, v37;
	v38 =	vld.idx.msk [tilespmem:v25+s2+$0x0], $0xffff  }
0x3d8: {  	v25 =	vld [tilespmem:$0x1F5D0]  }
0x3d9: {  	v17 =	vld [tilespmem:$0x1F590]  }
0x3da: {  	v23 =	vld [tilespmem:$0x1F5B0]  }
0x3db: {  	v31 =	vadd.bf16 v21, v31;
	v21 =	vld [tilespmem:$0x1F660]  }
0x3dc: {  	v37 =	vld.idx.msk [tilespmem:v1+s2+$0x0], $0xffff  }
0x3dd: {  	v18 =	vadd.s32 $0xA37D, v36;
	v14 =	vadd.bf16 v25, v28;
	v28 =	vld [tilespmem:$0x1F5E0]  }
0x3de: {  	v5 =	vadd.bf16 v15, v30;
	v30 =	vld [tilespmem:$0x1F5F0]  }
0x3df: {  	v32 =	vadd.bf16 v32, v50;
	v15 =	vld [tilespmem:$0x1F600]  }
0x3e0: {  	v1 =	vadd.s32 $0xA37E, v36;
	v33 =	vadd.bf16 v16, v33;
	v16 =	vld [tilespmem:$0x1F610]  }
0x3e1: {  	v32 =	vadd.bf16 v17, v32;
	v17 =	vld [tilespmem:$0x1F620]  }
0x3e2: {  	v0 =	vadd.s32 $0xA37C, v36;
	v27 =	vadd.bf16 v28, v27;
	v28 =	vld.idx.msk [tilespmem:v18+s2+$0x0], $0xffff  }
0x3e3: {  	v18 =	vld [tilespmem:$0x1F630]  }
0x3e4: {  	v22 =	vadd.bf16 v23, v22;
	v23 =	vld [tilespmem:$0x1F670]  }
0x3e5: {  	v25 =	vld.idx.msk [tilespmem:v1+s2+$0x0], $0xffff  }
0x3e6: {  	v12 =	vshra.s32 v12, $0x10;
	v33 =	vadd.bf16 v24, v33;
	v24 =	vld [tilespmem:$0x1F6C0]  }
0x3e7: {  	v12 =	vand.u32 $0xFFFFFFF0, v12;
	v8 =	vadd.bf16 v30, v8;
	v30 =	vld.idx.msk [tilespmem:v0+s2+$0x0], $0xffff;
	v11 =	vadd.bf16 v17, v11  }
0x3e8: {  	v0 =	vadd.s32 $0xA372, v12;
	v17 =	vadd.bf16 v18, v9;
	v18 =	vadd.bf16 v20, v7;
	v20 =	vld [tilespmem:$0x1F6A0]  }
0x3e9: {  	v13 =	vadd.bf16 v15, v13;
	v15 =	vadd.bf16 v21, v4;
	v21 =	vld [tilespmem:$0x1F6B0]  }
0x3ea: {  	v1 =	vadd.s32 $0xA373, v12;
	v9 =	vadd.bf16 v19, v6;
	v19 =	vld [tilespmem:$0x1F690];
	[tilespmem:v42+s14+$0x0] =	vst.idx.msk $0xffff, v58  }
0x3eb: {  	v2 =	vadd.s32 $0xA374, v12;
	v58 =	vld [tilespmem:$0x1F6D0];
	[tilespmem:v63+s14+$0x0] =	vst.idx.msk $0xffff, v52  }
0x3ec: {  	v43 =	vadd.s32 $0xA370, v36;
	v52 =	vld [tilespmem:$0x1F6E0]  }
0x3ed: {  	v40 =	vadd.s32 $0xA373, v36;
	v31 =	vadd.bf16 v20, v31;
	v20 =	vld.idx.msk [tilespmem:v0+s2+$0x0], $0xffff;
	v0 =	vor.u32 $0x2, v42;
	_ =	sdelay $0x1  }
0x3ee: {  	v26 =	vadd.s32 $0xA376, v36;
	v32 =	vadd.bf16 v19, v32;
	v19 =	vld.idx.msk [tilespmem:v1+s2+$0x0], $0xffff;
	v1 =	vor.u32 $0x3, v42  }
0x3ef: {  	v22 =	vadd.bf16 v21, v22;
	v21 =	vld.idx.msk [tilespmem:v2+s2+$0x0], $0xffff;
	v2 =	vor.u32 $0x4, v42  }
0x3f0: {  	v50 =	vld.idx.msk [tilespmem:v43+s2+$0x0], $0xffff;
	v14 =	vadd.bf16 v58, v14;
	v58 =	vor.u32 $0x5, v42  }
0x3f1: {  	v43 =	vld.idx.msk [tilespmem:v40+s2+$0x0], $0xffff;
	v27 =	vadd.bf16 v52, v27;
	v52 =	vor.u32 $0x6, v42;
	[tilespmem:v0+s14+$0x0] =	vst.idx.msk $0xffff, v47  }
0x3f2: {  	v0 =	vld [tilespmem:$0x1F6F0]  }
0x3f3: {  	v40 =	vld.idx.msk [tilespmem:v26+s2+$0x0], $0xffff;
	[tilespmem:v1+s14+$0x0] =	vst.idx.msk $0xffff, v49  }
0x3f4: {  	v1 =	vld [tilespmem:$0x1F700];
	[tilespmem:v2+s14+$0x0] =	vst.idx.msk $0xffff, v55  }
0x3f5: {  	v2 =	vld [tilespmem:$0x1F710];
	[tilespmem:v58+s14+$0x0] =	vst.idx.msk $0xffff, v56  }
0x3f6: {  	v26 =	vadd.s32 $0xA37B, v36;
	v56 =	vld [tilespmem:$0x1F720];
	[tilespmem:v52+s14+$0x0] =	vst.idx.msk $0xffff, v54  }
0x3f7: {  	v63 =	vadd.s32 $0xA37B, v12;
	v52 =	vld [tilespmem:$0x1F730];
	v0 =	vadd.bf16 v0, v8;
	v8 =	vor.u32 $0x7, v42;
	_ =	sdelay $0x1  }
0x3f8: {  	v10 =	vadd.bf16 v16, v10;
	v58 =	vld [tilespmem:$0x1F740];
	v1 =	vadd.bf16 v1, v13;
	v13 =	vor.u32 $0x8, v42;
	_ =	sdelay $0x1  }
0x3f9: {  	v34 =	vld.idx.msk [tilespmem:v26+s2+$0x0], $0xffff;
	v2 =	vadd.bf16 v2, v10;
	v10 =	vor.u32 $0x9, v42  }
0x3fa: {  	v17 =	vadd.bf16 v52, v17;
	v52 =	vld.idx.msk [tilespmem:v63+s2+$0x0], $0xffff;
	[tilespmem:v8+s14+$0x0] =	vst.idx.msk $0xffff, v53  }
0x3fb: {  	v47 =	vadd.s32 $0xA37C, v12;
	v8 =	vld [tilespmem:$0x1F750]  }
0x3fc: {  	v11 =	vadd.bf16 v56, v11;
	v56 =	vor.u32 $0xA, v42;
	v9 =	vadd.bf16 v58, v9;
	v58 =	vld [tilespmem:$0x1F760];
	[tilespmem:v13+s14+$0x0] =	vst.idx.msk $0xffff, v59  }
0x3fd: {  	v13 =	vld [tilespmem:$0x1F770]  }
0x3fe: {  	v49 =	vadd.s32 $0xA37D, v12;
	v63 =	vld [tilespmem:$0x1F780];
	[tilespmem:v10+s14+$0x0] =	vst.idx.msk $0xffff, v60  }
0x3ff: {  	v10 =	vld [tilespmem:$0x1F790]  }
0x400: {  	v8 =	vadd.bf16 v8, v18;
	v18 =	vld.idx.msk [tilespmem:v47+s2+$0x0], $0xffff  }
0x401: {  	v16 =	vadd.bf16 v23, v5;
	v47 =	vld [tilespmem:$0x1F7A0];
	[tilespmem:v56+s14+$0x0] =	vst.idx.msk $0xffff, v51  }
0x402: {  	v51 =	vld [tilespmem:$0x1F7C0]  }
0x403: {  	v13 =	vadd.bf16 v13, v16;
	v16 =	vadd.bf16 v63, v33;
	v33 =	vld.idx.msk [tilespmem:v49+s2+$0x0], $0xffff  }
0x404: {  	v15 =	vadd.bf16 v58, v15;
	v58 =	vld [tilespmem:$0x1FE70]  }
0x405: {  	v29 =	vadd.bf16 v24, v29;
	v49 =	vld [tilespmem:$0x1F7B0]  }
0x406: {  	v55 =	vadd.s32 $0xA37E, v12;
	v53 =	vld [tilespmem:$0x1F7D0]  }
0x407: {  	v29 =	vadd.bf16 v51, v29;
	v51 =	vld [tilespmem:$0x1F7F0]  }
0x408: {  	v54 =	vld [tilespmem:$0x1F7E0]  }
0x409: {  	v56 =	vld [tilespmem:$0x1F800]  }
0x40a: {  	v59 =	vld [tilespmem:$0x1F820]  }
0x40b: {  	v10 =	vadd.bf16 v10, v32;
	v32 =	vld.idx.msk [tilespmem:v55+s2+$0x0], $0xffff  }
0x40c: {  	v0 =	vadd.bf16 v51, v0;
	v51 =	vld.idx.msk [tilespmem:v58+s2+$0x0], $0xffff  }
0x40d: {  	v22 =	vadd.bf16 v49, v22;
	v49 =	vor.u32 $0xB, v42;
	v58 =	vld [tilespmem:$0x1F830]  }
0x40e: {  	v55 =	vld [tilespmem:$0x1FE60]  }
0x40f: {  	v26 =	vadd.s32 $0xA370, v12;
	v60 =	vld [tilespmem:$0x1FE80]  }
0x410: {  	v3 =	vadd.s32 $0xA371, v12;
	v63 =	vld [tilespmem:$0x1FEA0]  }
0x411: {  	v27 =	vadd.bf16 v54, v27;
	v54 =	vld [tilespmem:$0x1F810]  }
0x412: {  	v1 =	vadd.bf16 v56, v1;
	v56 =	vld [tilespmem:$0x1FE90];
	[tilespmem:v49+s14+$0x0] =	vst.idx.msk $0xffff, v58  }
0x413: {  	v14 =	vadd.bf16 v53, v14;
	v53 =	vor.u32 $0xC, v42;
	v49 =	vld [tilespmem:$0x1F840]  }
0x414: {  	v26 =	vld.idx.msk [tilespmem:v26+s2+$0x0], $0xffff  }
0x415: {  	v36 =	vadd.s32 $0xA37F, v36;
	v23 =	vld.idx.msk [tilespmem:v3+s2+$0x0], $0xffff  }
0x416: {  	v4 =	vadd.s32 $0xA375, v12;
	v31 =	vadd.bf16 v47, v31;
	v47 =	vld.idx.msk [tilespmem:v55+s2+$0x0], $0xffff  }
0x417: {  	v3 =	vadd.s32 $0xA376, v12;
	v2 =	vadd.bf16 v54, v2;
	v54 =	vld.idx.msk [tilespmem:v60+s2+$0x0], $0xffff  }
0x418: {  	v5 =	vadd.s32 $0xA377, v12;
	v58 =	vld [tilespmem:$0x1FEB0];
	[tilespmem:v53+s14+$0x0] =	vst.idx.msk $0xffff, v49  }
0x419: {  	v55 =	vor.u32 $0xD, v42;
	v60 =	vld [tilespmem:$0x1F850]  }
0x41a: {  	v36 =	vld.idx.msk [tilespmem:v36+s2+$0x0], $0xffff  }
0x41b: {  	v24 =	vld.idx.msk [tilespmem:v4+s2+$0x0], $0xffff;
	v4 =	vadd.s32 $0xA37A, v12  }
0x41c: {  	v3 =	vld.idx.msk [tilespmem:v3+s2+$0x0], $0xffff;
	v6 =	vadd.s32 $0xA378, v12  }
0x41d: {  	v5 =	vld.idx.msk [tilespmem:v5+s2+$0x0], $0xffff;
	v7 =	vadd.s32 $0xA379, v12  }
0x41e: {  	v11 =	vadd.bf16 v59, v11;
	v59 =	vld [tilespmem:$0x1FEC0];
	[tilespmem:v55+s14+$0x0] =	vst.idx.msk $0xffff, v60  }
0x41f: {  	v17 =	vadd.bf16 v57, v17;
	v57 =	vor.u32 $0xE, v42;
	v10 =	vadd.bf16 v44, v10;
	v44 =	vld [tilespmem:$0x1F860]  }
0x420: {  	v4 =	vld.idx.msk [tilespmem:v4+s2+$0x0], $0xffff  }
0x421: {  	v6 =	vld.idx.msk [tilespmem:v6+s2+$0x0], $0xffff;
	v12 =	vadd.s32 $0xA37F, v12  }
0x422: {  	v7 =	vld.idx.msk [tilespmem:v7+s2+$0x0], $0xffff  }
0x423: {  	v15 =	vadd.bf16 v48, v15;
	v48 =	vld.idx.msk [tilespmem:v63+s2+$0x0], $0xffff  }
0x424: {  	v9 =	vadd.bf16 v61, v9;
	v61 =	vld [tilespmem:$0x1FED0];
	[tilespmem:v57+s14+$0x0] =	vst.idx.msk $0xffff, v44  }
0x425: {  	v42 =	vor.u32 $0xF, v42;
	v63 =	vld [tilespmem:$0x1F870]  }
0x426: {  	v12 =	vld.idx.msk [tilespmem:v12+s2+$0x0], $0xffff  }
0x427: {  	v56 =	vld.idx.msk [tilespmem:v56+s2+$0x0], $0xffff  }
0x428: {  	v8 =	vadd.bf16 v62, v8;
	v62 =	vld [tilespmem:$0x1FEE0]  }
0x429: {  	v16 =	vadd.bf16 v45, v16;
	v45 =	vld.idx.msk [tilespmem:v58+s2+$0x0], $0xffff  }
0x42a: {  	v31 =	vadd.bf16 v43, v31;
	v43 =	vld.idx.msk [tilespmem:v59+s2+$0x0], $0xffff;
	[tilespmem:v42+s14+$0x0] =	vst.idx.msk $0xffff, v63  }
0x42b: {  	v44 =	vld [tilespmem:$0x1FF00]  }
0x42c: {  	v49 =	vld [tilespmem:$0x1FF10]  }
0x42d: {  	v13 =	vadd.bf16 v50, v13;
	v50 =	vld [tilespmem:$0x1FF20]  }
0x42e: {  	v55 =	vld [tilespmem:$0x1FF30]  }
0x42f: {  	v58 =	vld [tilespmem:$0x1FF40]  }
0x430: {  	v27 =	vadd.bf16 v39, v27;
	v39 =	vld.idx.msk [tilespmem:v62+s2+$0x0], $0xffff  }
0x431: {  	v62 =	vld [tilespmem:$0x1FFF0]  }
0x432: {  	v17 =	vadd.bf16 v30, v17;
	v9 =	vadd.bf16 v28, v9;
	v60 =	vld [tilespmem:$0x1FF50]  }
0x433: {  	v8 =	vadd.bf16 v25, v8;
	v15 =	vadd.bf16 v36, v15;
	v63 =	vld [tilespmem:$0x1FF60]  }
0x434: {  	v13 =	vadd.bf16 v26, v13;
	v29 =	vadd.bf16 v41, v29;
	v41 =	vld.idx.msk [tilespmem:v61+s2+$0x0], $0xffff;
	v42 =	vmov s18  }
0x435: {  	v22 =	vadd.bf16 v46, v22;
	v0 =	vadd.bf16 v38, v0;
	v46 =	vshll.u32 v42, $0x4;
	v38 =	vld.idx.msk [tilespmem:v44+s2+$0x0], $0xffff  }
0x436: {  	v16 =	vadd.bf16 v23, v16;
	v2 =	vadd.bf16 v35, v2;
	v28 =	vor.u32 v62, v46;
	v35 =	vld.idx.msk [tilespmem:v49+s2+$0x0], $0xffff  }
0x437: {  	v10 =	vadd.bf16 v20, v10;
	v14 =	vadd.bf16 v40, v14;
	v30 =	vld.idx.msk [tilespmem:v50+s2+$0x0], $0xffff;
	v53 =	vor.u32 $0x1, v28  }
0x438: {  	v1 =	vadd.bf16 v37, v1;
	v11 =	vadd.bf16 v34, v11;
	v26 =	vld.idx.msk [tilespmem:v55+s2+$0x0], $0xffff;
	v57 =	vor.u32 $0x2, v28  }
0x439: {  	v19 =	vadd.bf16 v19, v31;
	v13 =	vadd.bf16 v47, v13;
	v34 =	vld.idx.msk [tilespmem:v58+s2+$0x0], $0xffff;
	v59 =	vor.u32 $0x3, v28  }
0x43a: {  	v21 =	vadd.bf16 v21, v22;
	v16 =	vadd.bf16 v51, v16;
	v36 =	vld.idx.msk [tilespmem:v60+s2+$0x0], $0xffff;
	v61 =	vor.u32 $0x4, v28  }
0x43b: {  	v10 =	vadd.bf16 v54, v10;
	v37 =	vld.idx.msk [tilespmem:v63+s2+$0x0], $0xffff;
	v40 =	vor.u32 $0x5, v28;
	[tilespmem:v28+s14+$0x0] =	vst.idx.msk $0xffff, v13  }
0x43c: {  	v19 =	vadd.bf16 v56, v19;
	v42 =	vadd.bf16 v24, v29;
	v44 =	vor.u32 $0x6, v28;
	[tilespmem:v53+s14+$0x0] =	vst.idx.msk $0xffff, v16  }
0x43d: {  	v3 =	vadd.bf16 v3, v14;
	v46 =	vadd.bf16 v48, v21;
	v47 =	vor.u32 $0x7, v28;
	[tilespmem:v57+s14+$0x0] =	vst.idx.msk $0xffff, v10  }
0x43e: {  	v5 =	vadd.bf16 v5, v27;
	v48 =	vor.u32 $0x8, v28;
	v16 =	vadd.bf16 v45, v42;
	[tilespmem:v59+s14+$0x0] =	vst.idx.msk $0xffff, v19  }
0x43f: {  	v0 =	vadd.bf16 v6, v0;
	v3 =	vadd.bf16 v43, v3;
	v49 =	vor.u32 $0x9, v28;
	[tilespmem:v61+s14+$0x0] =	vst.idx.msk $0xffff, v46  }
0x440: {  	v1 =	vadd.bf16 v7, v1;
	v5 =	vadd.bf16 v41, v5;
	v50 =	vor.u32 $0xA, v28;
	[tilespmem:v40+s14+$0x0] =	vst.idx.msk $0xffff, v16  }
0x441: {  	v2 =	vadd.bf16 v4, v2;
	v0 =	vadd.bf16 v39, v0;
	v51 =	vor.u32 $0xB, v28;
	[tilespmem:v44+s14+$0x0] =	vst.idx.msk $0xffff, v3  }
0x442: {  	v52 =	vadd.bf16 v52, v11;
	v1 =	vadd.bf16 v38, v1;
	v53 =	vor.u32 $0xC, v28;
	[tilespmem:v47+s14+$0x0] =	vst.idx.msk $0xffff, v5  }
0x443: {  	v54 =	vadd.bf16 v18, v17;
	v55 =	vor.u32 $0xD, v28;
	v2 =	vadd.bf16 v35, v2;
	[tilespmem:v48+s14+$0x0] =	vst.idx.msk $0xffff, v0  }
0x444: {  	v56 =	vadd.bf16 v33, v9;
	v4 =	vadd.bf16 v30, v52;
	v57 =	vor.u32 $0xE, v28;
	[tilespmem:v49+s14+$0x0] =	vst.idx.msk $0xffff, v1  }
0x445: {  	v58 =	vadd.bf16 v32, v8;
	v59 =	vor.u32 $0xF, v28;
	v0 =	vadd.bf16 v26, v54;
	[tilespmem:v50+s14+$0x0] =	vst.idx.msk $0xffff, v2  }
0x446: {  	v60 =	vadd.bf16 v12, v15;
	v1 =	vadd.bf16 v34, v56;
	[tilespmem:v51+s14+$0x0] =	vst.idx.msk $0xffff, v4  }
0x447: {  	v61 =	vadd.bf16 v36, v58;
	[tilespmem:v53+s14+$0x0] =	vst.idx.msk $0xffff, v0  }
0x448: {  	s16 =	sadd.s32 $0x1, s16;
	v63 =	vadd.bf16 v37, v60;
	[tilespmem:v55+s14+$0x0] =	vst.idx.msk $0xffff, v1  }
0x449: {  	s17 =	sshll.u32 s17, $0x1;
	p0 =	sne.s32 s16, $0x8;
	[tilespmem:v57+s14+$0x0] =	vst.idx.msk $0xffff, v61  }
.Ltmp1:
0x44a: {  	s17 =	sadd.s32 s7, s17;
	[tilespmem:v59+s14+$0x0] =	vst.idx.msk $0xffff, v63;
	(pc) =	sbr.rel @p0 .LBB2_2-.Ltmp1, $4  }
0x44b: {  	[hbm4b:s17+s2] =	stream.linear.scatter [tilespmem:s14], [sflag:$0x1], $0x2400, $0x38;
	[tilespmem:$0x10900] =	vst v63  }
0x44c: {  	_ =	swait.ge [sflag:s10], $0x2400  }
0x44d: {  	[sflag:s10] =	ssyncset.done $0x0  }
0x44e: {  	[sflag:s10] =	ssyncadd.s32 $0xFFFFDC00  }
0x44f: {  	s15 =	sadd.s32 $0x1, s15  }
0x450: {  	p0 =	sne.s32 s15, s9  }
.Ltmp2:
0x451: {  	_ = 	snop;
	(pc) =	sbr.rel @p0 .LBB2_1-.Ltmp2, $1  }
0x452: {  	_ =	sdelay $0x3  }
0x453: {  	_ =	sfence.sel $0x180000  }
0x454: {  	[bflag:$0x0] =	sbarrier.arrive $0xFFFF  }
0x455: {  	p0 =	sne.s32 s3, $0x0;
	_ =	strace $0x9000004A  }
0x456: {  	s0 =	sadd.s32 @!p0 $0x100000, s0;
	[bflag:$0x2] =	sbarrier.arrive $0xFFFF  }
0x457: {  	[sflag:s0] =	ssyncadd.tile.s32 @!p0 $0x1;
	_ =	shalt  }
.Lfunc_end2:
_tile_overlayer_lowered:
.L_overlay_start_2:
0x458: {  	(tag) =	ssettag $0x2  }
0x459: {  	s0 =	rddreg [dreg:$0x0];
	s2 =	stileid.u32  }
0x45a: {  	s1 =	rddreg [dreg:$0x1];
	p0 =	sne.s32 s2, $0x0  }
0x45b: {  	s3 =	rddreg [dreg:$0x2];
	[bflag:$0x3] =	sbarrier.arrive $0xFFFF;
	s2 =	simm.s32 @!p0 $0x1C01  }
0x45c: {  	[timem:s3], [sflag:s2] =	dma.local @!p0 [hbm:s0], s1  }
0x45d: {  	s0 =	simm.s32 @!p0 $0x1  }
0x45e: {  	_ =	swait.ge @!p0 [sflag:s0], s1  }
0x45f: {  	s1 =	ssub.s32 @!p0 $0x0, s1;
	[sflag:s0] =	ssyncset.done @!p0 $0x0  }
0x460: {  	[sflag:s0] =	ssyncadd.s32 @!p0 s1  }
0x461: {  	[bflag:$0x3] =	sbarrier.arrive $0xFFFF  }
0x462: {  	_ =	shalt  }

// kernel: kernel.9.cloned.1.call-start
scs
__scs_entry_jumppad:
0x0: {  	(pc) =	sbr.rel $0x88, $3  }
0x1: {  	(tag) =	ssettag $0x0;
	lr =	simm.s32 $0x1  }
0x2: {  	[smem:$0x3F86] =	sst lr;
	_ =	strace $0xD0000000  }
0x3: {  	_ = 	snop  }
0x4: {  	_ = 	snop  }
0x5: {  	_ = 	snop  }
0x6: {  	_ = 	snop  }
0x7: {  	_ = 	snop  }
__scs_overlays_trampoline_lowered:
0x8: {  	[smem:$0x3F95] =	sst s0  }
0x9: {  	[smem:$0x3F96] =	sst s1  }
0xa: {  	[smem:$0x3F97] =	sst s2  }
0xb: {  	[smem:$0x3F98] =	sst s3  }
0xc: {  	[smem:$0x3F99] =	sst s4  }
0xd: {  	[smem:$0x3F9A] =	sst s5  }
0xe: {  	[smem:$0x3F9B] =	sst s6  }
0xf: {  	[smem:$0x3F9C] =	sst s7  }
0x10: {  	[smem:$0x3F9D] =	sst s8  }
0x11: {  	[smem:$0x3F9E] =	sst s9;
	s0 =	simm.s32 @!p0 $0x0  }
0x12: {  	s1 =	sld [smem:$0x3F84];
	s0 =	simm.s32 @p0 $0x1  }
0x13: {  	[smem:$0x3F9F] =	sst s0;
	s0 =	simm.s32 @!p1 $0x0  }
0x14: {  	s2 =	sld [smem:$0x3F83];
	s0 =	simm.s32 @p1 $0x1  }
0x15: {  	[smem:$0x3FA0] =	sst s0;
	s0 =	simm.s32 @!p2 $0x0  }
0x16: {  	s3 =	sld [smem:$0x3FDB];
	s0 =	simm.s32 @p2 $0x1  }
0x17: {  	s4 =	simm.s32 $0x1BF5;
	[smem:$0x3FA2] =	sst s0  }
0x18: {  	s0 =	sld [smem:$0x3F85];
	_ =	swait.ge [sflag:s4], $0x0  }
0x19: {  	s7 =	sld [smem:$0x3F86]  }
0x1a: {  	s8 =	sadd.s32 $0xFFFFE003, lr  }
0x1b: {  	s9 =	sadd.s32 $0xFFFFFEF7, lr;
	s5 =	simm.s32 $0xFFFFFFFF;
	p2 =	slt.u32 s8, $0xFFFFF086  }
0x1c: {  	p1 =	slt.u32 s9, $0xF7A;
	s5 =	simm.s32 @!p2 $0x0  }
0x1d: {  	s5 =	simm.s32 @p1 $0x1;
	p0 =	seq.s32 s7, s2  }
0x1e: {  	s7 =	smul.u32 @!p0 $0xF7A, s2;
	p2 =	seq.s32 @!p0 s5, $0x0  }
0x1f: {  	s9 =	smul.u32 $0xF7A, s1;
	s8 =	simm.s32 @!p0 $0x1BF5;
	p2 =	por !p2, p0  }
0x20: {  	[sflag:s8] =	ssyncset.s32 @!p0 $0xFFFFF086;
	s6 =	sadd.s32 @!p0 s3, s7;
	s7 =	simm.s32 @!p0 $0x108  }
0x21: {  	s3 =	sadd.s32 s3, s9;
	s6 =	sadd.s32 @!p0 $0x88, s6;
	s7 =	simm.s32 @p2 $0x1082  }
0x22: {  	[simem:s7], [sflag:s8] =	dma.local @!p0 [hbm:s6], $0xF7A  }
0x23: {  	s9 =	sor.u32 $0xD0000000, s2;
	s6 =	simm.s32 $0x108;
	_ =	swait.ge @!p0 [sflag:s8], $0x0  }
0x24: {  	s3 =	sadd.s32 $0x88, s3;
	s6 =	simm.s32 @!p1 $0x1082;
	[sflag:s4] =	ssyncset.s32 $0xFFFFF086  }
0x25: {  	[simem:s6], [sflag:s4] =	dma.local [hbm:s3], $0xF7A  }
0x26: {  	[smem:$0x3F86] =	sst s1;
	(tag) =	ssettag s2;
	_ =	strace s9  }
0x27: {  	s1 =	sld [smem:$0x3F96]  }
0x28: {  	s2 =	sld [smem:$0x3F97]  }
0x29: {  	s4 =	sld [smem:$0x3F99]  }
0x2a: {  	p0 =	seq.s32 s5, $0x0;
	s5 =	sld [smem:$0x3F9A]  }
0x2b: {  	s6 =	sld [smem:$0x3F9B]  }
0x2c: {  	s7 =	sld [smem:$0x3F9C]  }
0x2d: {  	s3 =	simm.s32 $0x108;
	s8 =	sld [smem:$0x3F9D]  }
0x2e: {  	s3 =	simm.s32 @!p0 $0x1082;
	s9 =	sld [smem:$0x3F9E]  }
0x2f: {  	lr =	sadd.s32 s0, s3;
	s0 =	sld [smem:$0x3F95]  }
0x30: {  	s3 =	sld [smem:$0x3F98]  }
0x31: {  	[smem:$0x3FA1] =	sst s10  }
0x32: {  	s10 =	sld [smem:$0x3F9F];
	_ =	sdelay $0x3  }
0x33: {  	p0 =	seq.s32 s10, $0x1;
	s10 =	sld [smem:$0x3FA1];
	_ =	sdelay $0x3  }
0x34: {  	[smem:$0x3FA1] =	sst s10  }
0x35: {  	s10 =	sld [smem:$0x3FA0];
	_ =	sdelay $0x3  }
0x36: {  	p1 =	seq.s32 s10, $0x1;
	s10 =	sld [smem:$0x3FA1];
	_ =	sdelay $0x3  }
0x37: {  	[smem:$0x3FA1] =	sst s10  }
0x38: {  	s10 =	sld [smem:$0x3FA2]  }
0x39: {  	_ = 	snop;
	(pc) =	sbr.ind lr, $3  }
0x3a: {  	_ = 	snop  }
0x3b: {  	_ = 	snop  }
0x3c: {  	p2 =	seq.s32 s10, $0x1;
	s10 =	sld [smem:$0x3FA1]  }
0x3d: {  	_ =	shalt  }
0x3e: {  	_ =	shalt  }
0x3f: {  	_ =	shalt  }
0x40: {  	_ =	shalt  }
0x41: {  	_ =	shalt  }
0x42: {  	_ =	shalt  }
0x43: {  	_ =	shalt  }
0x44: {  	_ =	shalt  }
0x45: {  	_ =	shalt  }
0x46: {  	_ =	shalt  }
0x47: {  	_ =	shalt  }
0x48: {  	_ =	shalt  }
0x49: {  	_ =	shalt  }
0x4a: {  	_ =	shalt  }
0x4b: {  	_ =	shalt  }
0x4c: {  	_ =	shalt  }
0x4d: {  	_ =	shalt  }
0x4e: {  	_ =	shalt  }
0x4f: {  	_ =	shalt  }
0x50: {  	_ =	shalt  }
0x51: {  	_ =	shalt  }
0x52: {  	_ =	shalt  }
0x53: {  	_ =	shalt  }
0x54: {  	_ =	shalt  }
0x55: {  	_ =	shalt  }
0x56: {  	_ =	shalt  }
0x57: {  	_ =	shalt  }
0x58: {  	_ =	shalt  }
0x59: {  	_ =	shalt  }
0x5a: {  	_ =	shalt  }
0x5b: {  	_ =	shalt  }
0x5c: {  	_ =	shalt  }
0x5d: {  	_ =	shalt  }
0x5e: {  	_ =	shalt  }
0x5f: {  	_ =	shalt  }
0x60: {  	_ =	shalt  }
0x61: {  	_ =	shalt  }
0x62: {  	_ =	shalt  }
0x63: {  	_ =	shalt  }
0x64: {  	_ =	shalt  }
0x65: {  	_ =	shalt  }
0x66: {  	_ =	shalt  }
0x67: {  	_ =	shalt  }
0x68: {  	_ =	shalt  }
0x69: {  	_ =	shalt  }
0x6a: {  	_ =	shalt  }
0x6b: {  	_ =	shalt  }
0x6c: {  	_ =	shalt  }
0x6d: {  	_ =	shalt  }
0x6e: {  	_ =	shalt  }
0x6f: {  	_ =	shalt  }
0x70: {  	_ =	shalt  }
0x71: {  	_ =	shalt  }
0x72: {  	_ =	shalt  }
0x73: {  	_ =	shalt  }
0x74: {  	_ =	shalt  }
0x75: {  	_ =	shalt  }
0x76: {  	_ =	shalt  }
0x77: {  	_ =	shalt  }
0x78: {  	_ =	shalt  }
0x79: {  	_ =	shalt  }
0x7a: {  	_ =	shalt  }
0x7b: {  	_ =	shalt  }
0x7c: {  	_ =	shalt  }
0x7d: {  	_ =	shalt  }
0x7e: {  	_ =	shalt  }
0x7f: {  	_ =	shalt  }
0x80: {  	_ =	shalt  }
0x81: {  	_ =	shalt  }
0x82: {  	_ =	shalt  }
0x83: {  	_ =	shalt  }
0x84: {  	_ =	shalt  }
0x85: {  	_ =	shalt  }
0x86: {  	_ =	shalt  }
0x87: {  	_ =	shalt  }
.Lfunc_end0:
.L_simem_size_0:
called_computation.1_lowered:
.L_overlay_start_0:
0x88: {  	s2 =	sld [smem:$0x3FD9]  }
0x89: {  	s3 =	sld [smem:$0x3FFE];
	_ =	sdelay $0x1  }
0x8a: {  	s1 =	srdreg.scid  }
0x8b: {  	s0 =	sand.u32 $0x1, s1  }
0x8c: {  	s16 =	sshll.u32 s0, $0xA;
	s2 =	sadd.s32 s3, s2  }
0x8d: {  	s2 =	sadd.s32 s2, s16  }
0x8e: {  	[smem:$0x3FAD] =	sst s2  }
0x8f: {  	_ = 	snop  }
0x90: {  	(tm) =	ssettm $0x1  }
0x91: {  	s17 =	sld [smem:$0x3FFB];
	_ =	sdelay $0x3  }
0x92: {  	_ =	strace s17  }
0x93: {  	s2 =	sld [smem:$0x3FFC];
	_ =	sdelay $0x3  }
0x94: {  	_ =	strace s2  }
0x95: {  	s2 =	sld [smem:$0x3FFD];
	_ =	sdelay $0x3  }
0x96: {  	_ =	strace s2  }
0x97: {  	_ =	strace $0x8FFFFFFF  }
0x98: {  	s18 =	sld [smem:$0x3FDB];
	_ =	sdelay $0x1  }
0x99: {  	s19 =	simm.s32 $_scs_section_size  }
0x9a: {  	s4 =	simm.s32 $_size__tile_overlayer_lowered;
	s5 =	simm.s32 $_tile_overlayer_lowered  }
0x9b: {  	s22 =	simm.s32 $0x1BFF;
	s21 =	sshll.u32 s5, $0x1;
	s2 =	sadd.s32 s19, s18  }
0x9c: {  	s6 =	simm.s32 $0x0;
	s20 =	sshll.u32 s4, $0x1;
	s4 =	sadd.s32 s21, s2  }
0x9d: {  	[timem:s6], [sflag:s22] =	dma.local [hbm:s4], s20  }
0x9e: {  	_ =	swait.ge [sflag:s22], s20  }
0x9f: {  	s3 =	ssub.s32 $0x0, s20;
	[sflag:s22] =	ssyncset.done $0x0  }
0xa0: {  	[sflag:s22] =	ssyncadd.s32 s3;
	_ =	sdelay $0x1  }
0xa1: {  	s23 =	simm.s32 $0x1B8B  }
0xa2: {  	_ =	swait.ge [sflag:s23], $0x1  }
0xa3: {  	[sflag:s23] =	ssyncset.done $0x0  }
0xa4: {  	s25 =	simm.s32 $0x1B8E;
	s24 =	sld [smem:$0x3FFE];
	[sflag:s23] =	ssyncadd.s32 $0xFFFFFFFF  }
0xa5: {  	s26 =	simm.s32 $execute0_lowered;
	[smem:$0x3FD2] =	sst s25  }
0xa6: {  	s4 =	sshll.u32 s26, $0x1;
	_ =	strace $0x80000046;
	[dreg:$0x1] =	wrdreg $0xFFFFFFFF  }
0xa7: {  	s28 =	simm.s32 $_size_execute0_lowered;
	s2 =	sadd.s32 s2, s4;
	[dreg:$0x0] =	wrdreg $0x0  }
0xa8: {  	s4 =	sshll.u32 s28, $0x1;
	[dreg:$0x2] =	wrdreg s2  }
0xa9: {  	[dreg:$0x3] =	wrdreg s4  }
0xaa: {  	[dreg:$0x4] =	wrdreg $0xC0  }
0xab: {  	_ =	task [dreg:s6], $0x5FFFF  }
0xac: {  	[dreg:$0x1] =	wrdreg $0xFFFFFFFF  }
0xad: {  	[dreg:$0x0] =	wrdreg $0x60  }
0xae: {  	[dreg:$0x2] =	wrdreg s24  }
0xaf: {  	[dreg:$0x3] =	wrdreg $0xA  }
0xb0: {  	_ =	task.clear_ibuf [dreg:s6], $0x4FFFF;
	_ =	strace $0x90000046  }
0xb1: {  	s29 =	simm.s32 $0xA;
	_ =	strace $0x80000048  }
0xb2: {  	_ =	swait.ge [sflag:s29], $0x1  }
0xb3: {  	[sflag:s29] =	ssyncadd.s32 $0xFFFFFFFF  }
0xb4: {  	_ =	strace $0x90000048  }
0xb5: {  	_ =	sfence  }
0xb6: {  	s30 =	sld [smem:$0x0];
	_ =	sdelay $0x2  }
0xb7: {  	s31 =	sshll.u32 s1, $0xD;
	s1 =	sshrl.u32 s1, $0x2  }
0xb8: {  	s3 =	sand.u32 $0x4000, s31;
	s1 =	sadd.s32 s1, s30  }
0xb9: {  	s0 =	sor.u32 s3, s0;
	s1 =	sshll.u32 s1, $0x11  }
0xba: {  	s0 =	sor.u32 s1, s0  }
0xbb: {  	s0 =	sadd.s32 $0x8F2B, s0  }
0xbc: {  	[sflag:s0] =	ssyncadd.remote.s32 $0x1  }
0xbd: {  	_ =	sfence.sel $0xFFFF  }
0xbe: {  	[dreg:$0x0] =	wrdreg $0xFFFFFFFF;
	(pc) =	sbr.abs _section_cstart, $3  }
0xbf: {  	[dreg:$0x1] =	wrdreg $0xFFFFFFFF  }
0xc0: {  	_ =	task.clear_ibuf [dreg:s6], $0x2FFFF;
	_ =	strace $0x9FFFFFFF  }
0xc1: {  	(tm) =	ssettm $0x7FFFFFFF  }
tec
execute0_lowered:
.L_overlay_start_1:
0x0: {  	(tag) =	ssettag $0x1  }
0x1: {  	s7 =	rddreg [dreg:$0x0]  }
0x2: {  	s0 =	rddreg [dreg:$0x1]  }
0x3: {  	s1 =	simm.s32 $0x0;
	s2 =	srdreg.scid;
	s12 =	simm.s32 $0xE000  }
0x4: {  	s13 =	simm.s32 $0xE280;
	s14 =	simm.s32 $0xE500;
	s15 =	simm.s32 $0x0  }
0x5: {  	[smem:$0x7FF] =	sst s1;
	s3 =	sadd.s32 $0x3600, s7;
	s8 =	sand.u32 $0x1, s2  }
0x6: {  	s4 =	sadd.s32 $0x10E00, s7;
	s2 =	stileid.u32;
	s5 =	sadd.s32 $0x7E00, s7  }
0x7: {  	v0 =	vlaneseq.u32;
	s6 =	sadd.s32 $0x15600, s7;
	s7 =	sadd.s32 $0x17200, s7;
	s9 =	ssub.s32 $0x2, s8  }
0x8: {  	v62 =	vmul.u32 $0x10, v0;
	_ =	strace $0x80000047;
	s11 =	sshll.u32 s2, $0x1;
	s10 =	sshrl.u32 s9, $0x1  }
0x9: {  	s8 =	sor.u32 s8, s11;
	s11 =	simm.s32 $0xDD80;
	s9 =	ssub.s32 s9, s10  }
0xa: {  	[tilespmem:$0x1FFF0] =	vst v62;
	s8 =	smul.u32 $0x1200, s8;
	s10 =	simm.s32 $0x1;
	s9 =	smax.u32 s9, $0x1  }
.LBB2_1:
0xb: {  	[tilespmem:s1], [sflag:$0x1] =	stream.linear.gather [hbm4b:s6+s1], $0xDD80, $0x38;
	[tilespmem:$0x10900] =	vst v63  }
0xc: {  	_ =	swait.ge [sflag:s10], $0xDD80  }
0xd: {  	[sflag:s10] =	ssyncset.done $0x0  }
0xe: {  	s16 =	simm.s32 $0x0;
	[sflag:s10] =	ssyncadd.s32 $0xFFFF2280  }
.LBB2_2:
0xf: {  	s17 =	smul.u32 $0x240, s16;
	_ =	sdelay $0x1  }
0x10: {  	s17 =	sadd.s32 s8, s17  }
0x11: {  	s19 =	sshrl.u32 s17, $0x3  }
0x12: {  	s18 =	simm.s32 $0x0;
	s20 =	sadd.s32 s3, s19  }
0x13: {  	[tilespmem:s11], [sflag:$0x1] =	stream.linear.gather [hbm4b:s20+s18], $0x240, $0x38;
	[tilespmem:$0x10900] =	vst v63  }
0x14: {  	_ =	swait.ge [sflag:s10], $0x240  }
0x15: {  	[sflag:s10] =	ssyncset.done $0x0  }
0x16: {  	s31 =	sadd.s32 s4, s19;
	[sflag:s10] =	ssyncadd.s32 $0xFFFFFDC0  }
0x17: {  	[tilespmem:s12], [sflag:$0x1] =	stream.linear.gather [hbm4b:s31+s18], $0x240, $0x38;
	[tilespmem:$0x10900] =	vst v63  }
0x18: {  	_ =	swait.ge [sflag:s10], $0x240  }
0x19: {  	[sflag:s10] =	ssyncset.done $0x0  }
0x1a: {  	s19 =	sadd.s32 s5, s19;
	[sflag:s10] =	ssyncadd.s32 $0xFFFFFDC0  }
0x1b: {  	[tilespmem:s13], [sflag:$0x1] =	stream.linear.gather [hbm4b:s19+s18], $0x240, $0x38;
	[tilespmem:$0x10900] =	vst v63  }
0x1c: {  	_ =	swait.ge [sflag:s10], $0x240  }
0x1d: {  	[sflag:s10] =	ssyncset.done $0x0  }
0x1e: {  	s20 =	simm.s32 $0xE290;
	[sflag:s10] =	ssyncadd.s32 $0xFFFFFDC0  }
0x1f: {  	v2 =	vld [tilespmem:s20+$0x0];
	_ =	sdelay $0x4  }
0x20: {  	s21 =	simm.s32 $0xDD90;
	v1 =	vshll.u32 v2, $0x4  }
0x21: {  	v5 =	vld [tilespmem:s21+$0x0];
	v7 =	vand.u32 $0x3FF0, v1  }
0x22: {  	v3 =	vadd.s32 $0xA370, v7;
	_ =	sdelay $0x3  }
0x23: {  	v0 =	vshll.u32 v5, $0x4  }
0x24: {  	v12 =	vand.u32 $0x7FF0, v0;
	v3 =	vld.idx.msk [tilespmem:v3+s1+$0x0], $0xffff  }
0x25: {  	v4 =	vadd.s32 $0xA371, v7  }
0x26: {  	s19 =	simm.s32 $0xE010;
	v8 =	vld [tilespmem:s21+$0xFFFFFFF0]  }
0x27: {  	v1 =	vld [tilespmem:s19+$0x0]  }
0x28: {  	v0 =	vld [tilespmem:s20+$0xFFFFFFF0]  }
0x29: {  	v13 =	vld.idx.msk [tilespmem:v12+s1+$0x0], $0xffff;
	[tilespmem:$0x1FA00] =	vst v3  }
0x2a: {  	v4 =	vld.idx.msk [tilespmem:v4+s1+$0x0], $0xffff  }
0x2b: {  	v6 =	vadd.s32 $0xA372, v7;
	_ =	sdelay $0x3  }
0x2c: {  	[tilespmem:$0x1FA10] =	vst v4  }
0x2d: {  	v6 =	vld.idx.msk [tilespmem:v6+s1+$0x0], $0xffff  }
0x2e: {  	v9 =	vadd.s32 $0xA373, v7;
	_ =	sdelay $0x3  }
0x2f: {  	[tilespmem:$0x1FA20] =	vst v6  }
0x30: {  	v6 =	vld.idx.msk [tilespmem:v9+s1+$0x0], $0xffff  }
0x31: {  	v10 =	vadd.s32 $0xA374, v7;
	_ =	sdelay $0x3  }
0x32: {  	[tilespmem:$0x1FA30] =	vst v6  }
0x33: {  	v9 =	vld.idx.msk [tilespmem:v10+s1+$0x0], $0xffff  }
0x34: {  	v3 =	vadd.s32 $0xA375, v7;
	_ =	sdelay $0x3  }
0x35: {  	v11 =	vshll.u32 v1, $0x4;
	[tilespmem:$0x1FA40] =	vst v9  }
0x36: {  	v2 =	vshra.s32 v2, $0x6;
	v19 =	vand.u32 $0x3FF0, v11;
	v3 =	vld.idx.msk [tilespmem:v3+s1+$0x0], $0xffff  }
0x37: {  	v2 =	vand.u32 $0xFFFFFFF0, v2;
	v4 =	vadd.s32 $0xA370, v19  }
0x38: {  	v11 =	vadd.s32 $0x8170, v2  }
0x39: {  	v6 =	vshra.s32 v5, $0x10;
	v10 =	vadd.s32 $0x8172, v2  }
0x3a: {  	v14 =	vadd.s32 $0x8171, v2;
	v6 =	vand.u32 $0xFFFFFFF0, v6  }
0x3b: {  	v15 =	vadd.s32 $0x6E00, v6;
	[tilespmem:$0x1FA50] =	vst v3  }
0x3c: {  	v16 =	vadd.s32 $0x6E01, v6;
	v9 =	vld.idx.msk [tilespmem:v4+s1+$0x0], $0xffff  }
0x3d: {  	v17 =	vshrl.u32 v5, $0x7;
	v4 =	vld.idx.msk [tilespmem:v11+s1+$0x0], $0xffff;
	v11 =	vadd.s32 $0x6E02, v6  }
0x3e: {  	v18 =	vand.u32 $0x1FF0, v17;
	v5 =	vld.idx.msk [tilespmem:v10+s1+$0x0], $0xffff;
	v10 =	vadd.s32 $0x6E04, v6  }
0x3f: {  	v17 =	vadd.s32 $0x50D0, v18;
	v3 =	vld.idx.msk [tilespmem:v14+s1+$0x0], $0xffff  }
0x40: {  	v20 =	vor.u32 $0x1, v12;
	v15 =	vld.idx.msk [tilespmem:v15+s1+$0x0], $0xffff  }
0x41: {  	v22 =	vor.u32 $0x2, v12;
	v16 =	vld.idx.msk [tilespmem:v16+s1+$0x0], $0xffff  }
0x42: {  	v21 =	vld.idx.msk [tilespmem:v11+s1+$0x0], $0xffff;
	v11 =	vadd.s32 $0x50D1, v18  }
0x43: {  	v23 =	vld.idx.msk [tilespmem:v10+s1+$0x0], $0xffff;
	v10 =	vadd.s32 $0x50D2, v18  }
0x44: {  	v24 =	vld.idx.msk [tilespmem:v17+s1+$0x0], $0xffff;
	v17 =	vor.u32 $0x3, v12  }
0x45: {  	v25 =	vadd.s32 $0x50D3, v18;
	v20 =	vld.idx.msk [tilespmem:v20+s1+$0x0], $0xffff  }
0x46: {  	v27 =	vadd.s32 $0x50D4, v18;
	v22 =	vld.idx.msk [tilespmem:v22+s1+$0x0], $0xffff  }
0x47: {  	v52 =	vld.idx.msk [tilespmem:v11+s1+$0x0], $0xffff;
	v11 =	vor.u32 $0x4, v12  }
0x48: {  	v28 =	vld.idx.msk [tilespmem:v10+s1+$0x0], $0xffff;
	v10 =	vor.u32 $0x5, v12  }
0x49: {  	v29 =	vld.idx.msk [tilespmem:v17+s1+$0x0], $0xffff;
	v17 =	vadd.s32 $0x50D5, v18  }
0x4a: {  	v30 =	vor.u32 $0x6, v12;
	v25 =	vld.idx.msk [tilespmem:v25+s1+$0x0], $0xffff  }
0x4b: {  	v32 =	vor.u32 $0x7, v12;
	v27 =	vld.idx.msk [tilespmem:v27+s1+$0x0], $0xffff  }
0x4c: {  	v31 =	vld.idx.msk [tilespmem:v11+s1+$0x0], $0xffff;
	v11 =	vadd.s32 $0x50D6, v18  }
0x4d: {  	v33 =	vld.idx.msk [tilespmem:v10+s1+$0x0], $0xffff;
	v10 =	vadd.s32 $0x50D7, v18  }
0x4e: {  	v34 =	vld.idx.msk [tilespmem:v17+s1+$0x0], $0xffff;
	v17 =	vor.u32 $0x8, v12  }
0x4f: {  	v35 =	vadd.s32 $0x50D8, v18;
	v30 =	vld.idx.msk [tilespmem:v30+s1+$0x0], $0xffff  }
0x50: {  	v37 =	vadd.s32 $0x50D9, v18;
	v32 =	vld.idx.msk [tilespmem:v32+s1+$0x0], $0xffff  }
0x51: {  	v36 =	vld.idx.msk [tilespmem:v11+s1+$0x0], $0xffff;
	v11 =	vor.u32 $0x9, v12  }
0x52: {  	v38 =	vld.idx.msk [tilespmem:v10+s1+$0x0], $0xffff;
	v10 =	vor.u32 $0xA, v12  }
0x53: {  	v39 =	vld.idx.msk [tilespmem:v17+s1+$0x0], $0xffff;
	v17 =	vadd.s32 $0x50DA, v18  }
0x54: {  	v14 =	vadd.s32 $0x6E03, v6;
	v35 =	vld.idx.msk [tilespmem:v35+s1+$0x0], $0xffff  }
0x55: {  	v40 =	vor.u32 $0xB, v12;
	v37 =	vld.idx.msk [tilespmem:v37+s1+$0x0], $0xffff  }
0x56: {  	v43 =	vshrl.u32 v8, $0x7;
	v41 =	vld.idx.msk [tilespmem:v11+s1+$0x0], $0xffff  }
0x57: {  	v11 =	vadd.s32 $0x50DB, v18;
	v44 =	vld.idx.msk [tilespmem:v10+s1+$0x0], $0xffff;
	v10 =	vand.u32 $0x1FF0, v43  }
0x58: {  	v60 =	vld.idx.msk [tilespmem:v17+s1+$0x0], $0xffff;
	v17 =	vadd.s32 $0x50D0, v10  }
0x59: {  	v14 =	vld.idx.msk [tilespmem:v14+s1+$0x0], $0xffff;
	[tilespmem:$0x1FA60] =	vst v17;
	v17 =	vadd.s32 $0x50D1, v10  }
0x5a: {  	v42 =	vor.u32 $0xC, v12;
	v40 =	vld.idx.msk [tilespmem:v40+s1+$0x0], $0xffff;
	[tilespmem:$0x1FA70] =	vst v17;
	v17 =	vadd.s32 $0x50D2, v10  }
0x5b: {  	v45 =	vadd.s32 $0x50DC, v18;
	[tilespmem:$0x1FA80] =	vst v17  }
0x5c: {  	v47 =	vor.u32 $0xD, v12;
	v48 =	vld.idx.msk [tilespmem:v11+s1+$0x0], $0xffff;
	v11 =	vadd.s32 $0x50D3, v10  }
0x5d: {  	v61 =	vadd.s32 $0x50DD, v18;
	[tilespmem:$0x1FA90] =	vst v11;
	v11 =	vadd.s32 $0x50D4, v10  }
0x5e: {  	v49 =	vor.u32 $0xE, v12;
	[tilespmem:$0x1FAA0] =	vst v11;
	v11 =	vadd.s32 $0x50D5, v10  }
0x5f: {  	v50 =	vadd.s32 $0x50DE, v18;
	v51 =	vor.u32 $0xF, v12;
	v12 =	vadd.s32 $0x50D6, v10;
	v42 =	vld.idx.msk [tilespmem:v42+s1+$0x0], $0xffff;
	[tilespmem:$0x1FAB0] =	vst v11  }
0x60: {  	v45 =	vld.idx.msk [tilespmem:v45+s1+$0x0], $0xffff;
	[tilespmem:$0x1FAC0] =	vst v12  }
0x61: {  	v46 =	vshll.u32 v8, $0x4;
	v13 =	vadd.bf16 v24, v13;
	v18 =	vadd.s32 $0x50DF, v18;
	v47 =	vld.idx.msk [tilespmem:v47+s1+$0x0], $0xffff  }
0x62: {  	v24 =	vadd.s32 $0x6E05, v6;
	v25 =	vadd.bf16 v25, v29;
	v29 =	vadd.s32 $0x50D7, v10;
	v17 =	vld.idx.msk [tilespmem:v61+s1+$0x0], $0xffff  }
0x63: {  	v26 =	vand.u32 $0x7FF0, v46;
	v22 =	vadd.bf16 v28, v22;
	v28 =	vadd.s32 $0x6E06, v6;
	v63 =	vld.idx.msk [tilespmem:v49+s1+$0x0], $0xffff;
	[tilespmem:$0x1FAD0] =	vst v29  }
0x64: {  	v20 =	vadd.bf16 v52, v20;
	v52 =	vadd.s32 $0x6E08, v6;
	v27 =	vadd.bf16 v27, v31;
	v31 =	vld.idx.msk [tilespmem:v50+s1+$0x0], $0xffff  }
0x65: {  	v54 =	vadd.s32 $0x6E09, v6;
	v55 =	vadd.s32 $0x6E0A, v6;
	v13 =	vadd.bf16 v15, v13;
	v53 =	vld.idx.msk [tilespmem:v51+s1+$0x0], $0xffff  }
0x66: {  	v58 =	vadd.s32 $0x6E0B, v6;
	v56 =	vadd.s32 $0x50D8, v10;
	v29 =	vadd.s32 $0x6E07, v6;
	v18 =	vld.idx.msk [tilespmem:v18+s1+$0x0], $0xffff  }
0x67: {  	v59 =	vadd.s32 $0x6E0C, v6;
	v13 =	vadd.bf16 v4, v13;
	v14 =	vadd.bf16 v14, v25;
	v24 =	vld.idx.msk [tilespmem:v24+s1+$0x0], $0xffff;
	[tilespmem:$0x1FAE0] =	vst v56  }
0x68: {  	v15 =	vadd.s32 $0xA37A, v7;
	v16 =	vadd.bf16 v16, v20;
	v33 =	vadd.bf16 v34, v33;
	v28 =	vld.idx.msk [tilespmem:v28+s1+$0x0], $0xffff  }
0x69: {  	v4 =	vadd.s32 $0x817D, v2;
	v32 =	vadd.bf16 v38, v32;
	v57 =	vadd.bf16 v60, v44;
	v34 =	vld.idx.msk [tilespmem:v52+s1+$0x0], $0xffff  }
0x6a: {  	v60 =	vadd.s32 $0x6E0D, v6;
	v38 =	vld.idx.msk [tilespmem:v54+s1+$0x0], $0xffff;
	v31 =	vadd.bf16 v31, v63;
	v63 =	vadd.s32 $0x50D9, v10  }
0x6b: {  	v20 =	vadd.s32 $0x8173, v2;
	v61 =	vadd.s32 $0x6E0E, v6;
	v6 =	vadd.s32 $0x6E0F, v6;
	v29 =	vld.idx.msk [tilespmem:v29+s1+$0x0], $0xffff;
	[tilespmem:$0x1FAF0] =	vst v63  }
0x6c: {  	v21 =	vadd.bf16 v21, v22;
	v22 =	vadd.s32 $0x8174, v2;
	v35 =	vadd.bf16 v35, v39;
	v39 =	vld.idx.msk [tilespmem:v55+s1+$0x0], $0xffff  }
0x6d: {  	v16 =	vadd.bf16 v3, v16;
	v23 =	vadd.bf16 v23, v27;
	v25 =	vadd.s32 $0x50DA, v10;
	v43 =	vld.idx.msk [tilespmem:v58+s1+$0x0], $0xffff  }
0x6e: {  	v30 =	vadd.bf16 v36, v30;
	v36 =	vadd.s32 $0xA378, v7;
	v37 =	vadd.bf16 v37, v41;
	v44 =	vld.idx.msk [tilespmem:v59+s1+$0x0], $0xffff;
	[tilespmem:$0x1FB00] =	vst v25  }
0x6f: {  	v11 =	vadd.s32 $0xA376, v7;
	v12 =	vadd.s32 $0xA377, v7;
	v51 =	vadd.s32 $0x8176, v2;
	v27 =	vld.idx.msk [tilespmem:v60+s1+$0x0], $0xffff  }
0x70: {  	v40 =	vadd.bf16 v48, v40;
	v56 =	vadd.s32 $0x8179, v2;
	v52 =	vadd.s32 $0x8177, v2;
	v6 =	vld.idx.msk [tilespmem:v6+s1+$0x0], $0xffff  }
0x71: {  	v54 =	vadd.s32 $0x50DB, v10;
	v42 =	vadd.bf16 v45, v42;
	v25 =	vadd.s32 $0x8175, v2;
	v46 =	vld.idx.msk [tilespmem:v61+s1+$0x0], $0xffff  }
0x72: {  	v17 =	vadd.bf16 v17, v47;
	v18 =	vadd.bf16 v18, v53;
	v53 =	vadd.s32 $0x8178, v2;
	v20 =	vld.idx.msk [tilespmem:v20+s1+$0x0], $0xffff;
	[tilespmem:$0x1FB10] =	vst v54  }
0x73: {  	v45 =	vadd.s32 $0xA379, v7;
	v22 =	vld.idx.msk [tilespmem:v22+s1+$0x0], $0xffff;
	v55 =	vadd.bf16 v39, v57;
	v57 =	vadd.s32 $0x817A, v2  }
0x74: {  	v24 =	vadd.bf16 v24, v33;
	v33 =	vld.idx.msk [tilespmem:v51+s1+$0x0], $0xffff;
	v17 =	vadd.bf16 v27, v17;
	v27 =	vadd.s32 $0x817B, v2  }
0x75: {  	v29 =	vadd.bf16 v29, v32;
	v32 =	vld.idx.msk [tilespmem:v52+s1+$0x0], $0xffff;
	v18 =	vadd.bf16 v6, v18;
	v6 =	vadd.s32 $0x50DC, v10  }
0x76: {  	v47 =	vadd.s32 $0xA37D, v7;
	v28 =	vadd.bf16 v28, v30;
	v58 =	vadd.s32 $0x817C, v2;
	v25 =	vld.idx.msk [tilespmem:v25+s1+$0x0], $0xffff;
	[tilespmem:$0x1FB20] =	vst v6  }
0x77: {  	v30 =	vadd.s32 $0xA37B, v7;
	v34 =	vadd.bf16 v34, v35;
	v60 =	vadd.s32 $0x817E, v2;
	v6 =	vld.idx.msk [tilespmem:v53+s1+$0x0], $0xffff  }
0x78: {  	v61 =	vadd.s32 $0x817F, v2;
	v40 =	vadd.bf16 v43, v40;
	v42 =	vadd.bf16 v44, v42;
	v41 =	vld.idx.msk [tilespmem:v57+s1+$0x0], $0xffff  }
0x79: {  	v43 =	vadd.s32 $0xA37C, v7;
	v14 =	vadd.bf16 v20, v14;
	v20 =	vshra.s32 v1, $0x10;
	v27 =	vld.idx.msk [tilespmem:v27+s1+$0x0], $0xffff  }
0x7a: {  	v22 =	vadd.bf16 v22, v23;
	v23 =	vadd.s32 $0xA371, v19;
	v2 =	vadd.bf16 v33, v28;
	v59 =	vld.idx.msk [tilespmem:v56+s1+$0x0], $0xffff  }
0x7b: {  	v28 =	vadd.s32 $0xA37E, v7;
	v44 =	vld.idx.msk [tilespmem:v58+s1+$0x0], $0xffff;
	v24 =	vadd.bf16 v25, v24;
	v25 =	vadd.s32 $0xA372, v19  }
0x7c: {  	v3 =	vadd.bf16 v32, v29;
	v63 =	vld.idx.msk [tilespmem:v4+s1+$0x0], $0xffff;
	v4 =	vadd.bf16 v6, v34;
	v6 =	vadd.s32 $0x50DD, v10  }
0x7d: {  	v29 =	vadd.s32 $0xA373, v19;
	v49 =	vld.idx.msk [tilespmem:v60+s1+$0x0], $0xffff;
	[tilespmem:$0x1FB30] =	vst v6;
	v6 =	vadd.bf16 v41, v55;
	v41 =	vand.u32 $0xFFFFFFF0, v20  }
0x7e: {  	v51 =	vld.idx.msk [tilespmem:v61+s1+$0x0], $0xffff;
	v20 =	vadd.s32 $0xA37F, v7;
	v7 =	vadd.bf16 v27, v40;
	v27 =	vadd.s32 $0x50DE, v10  }
0x7f: {  	v48 =	vadd.s32 $0xA374, v19;
	v23 =	vld.idx.msk [tilespmem:v23+s1+$0x0], $0xffff;
	v10 =	vadd.s32 $0x50DF, v10;
	[tilespmem:$0x1FB40] =	vst v27  }
0x80: {  	v50 =	vadd.s32 $0xA375, v19;
	v25 =	vld.idx.msk [tilespmem:v25+s1+$0x0], $0xffff;
	[tilespmem:$0x1FB50] =	vst v10  }
0x81: {  	v11 =	vld.idx.msk [tilespmem:v11+s1+$0x0], $0xffff  }
0x82: {  	v8 =	vshra.s32 v8, $0x10;
	v31 =	vadd.bf16 v46, v31  }
0x83: {  	v53 =	vand.u32 $0xFFFFFFF0, v8;
	v55 =	vadd.bf16 v63, v17;
	v17 =	vld.idx.msk [tilespmem:v29+s1+$0x0], $0xffff  }
0x84: {  	v58 =	vadd.bf16 v9, v13;
	v9 =	vadd.s32 $0x6E00, v53;
	v56 =	vadd.bf16 v49, v31;
	v31 =	vld.idx.msk [tilespmem:v48+s1+$0x0], $0xffff  }
0x85: {  	v8 =	vld.idx.msk [tilespmem:v50+s1+$0x0], $0xffff;
	[tilespmem:$0x1FB70] =	vst v9  }
0x86: {  	[tilespmem:$0x1FB60] =	vst v11  }
0x87: {  	v9 =	vld.idx.msk [tilespmem:v12+s1+$0x0], $0xffff;
	_ =	sdelay $0x4  }
0x88: {  	[tilespmem:$0x1FB80] =	vst v9;
	v9 =	vadd.s32 $0x6E01, v53  }
0x89: {  	[tilespmem:$0x1FB90] =	vst v9  }
0x8a: {  	v9 =	vld.idx.msk [tilespmem:v36+s1+$0x0], $0xffff;
	_ =	sdelay $0x4  }
0x8b: {  	[tilespmem:$0x1FBA0] =	vst v9;
	v9 =	vadd.s32 $0x6E02, v53  }
0x8c: {  	[tilespmem:$0x1FBB0] =	vst v9  }
0x8d: {  	v9 =	vld.idx.msk [tilespmem:v45+s1+$0x0], $0xffff;
	_ =	sdelay $0x4  }
0x8e: {  	[tilespmem:$0x1FBC0] =	vst v9;
	v9 =	vadd.s32 $0x6E03, v53  }
0x8f: {  	[tilespmem:$0x1FBD0] =	vst v9  }
0x90: {  	v9 =	vld.idx.msk [tilespmem:v15+s1+$0x0], $0xffff;
	_ =	sdelay $0x4  }
0x91: {  	[tilespmem:$0x1FBE0] =	vst v9;
	v9 =	vadd.s32 $0x6E04, v53  }
0x92: {  	[tilespmem:$0x1FBF0] =	vst v9;
	v9 =	vadd.s32 $0x6E05, v53  }
0x93: {  	[tilespmem:$0x1FC00] =	vst v9  }
0x94: {  	v9 =	vld.idx.msk [tilespmem:v30+s1+$0x0], $0xffff;
	_ =	sdelay $0x4  }
0x95: {  	[tilespmem:$0x1FC10] =	vst v9;
	v9 =	vadd.s32 $0x6E06, v53  }
0x96: {  	[tilespmem:$0x1FC20] =	vst v9;
	v9 =	vadd.s32 $0x6E07, v53  }
0x97: {  	[tilespmem:$0x1FC30] =	vst v9;
	v9 =	vadd.s32 $0x6E08, v53  }
0x98: {  	[tilespmem:$0x1FC40] =	vst v9  }
0x99: {  	v9 =	vld.idx.msk [tilespmem:v43+s1+$0x0], $0xffff;
	_ =	sdelay $0x4  }
0x9a: {  	[tilespmem:$0x1FC50] =	vst v9;
	v9 =	vadd.s32 $0x6E09, v53  }
0x9b: {  	[tilespmem:$0x1FC60] =	vst v9;
	v9 =	vadd.s32 $0x6E0A, v53  }
0x9c: {  	[tilespmem:$0x1FC70] =	vst v9;
	v9 =	vadd.s32 $0x6E0B, v53  }
0x9d: {  	[tilespmem:$0x1FC80] =	vst v9;
	v9 =	vadd.s32 $0x6E0C, v53  }
0x9e: {  	v34 =	vld.idx.msk [tilespmem:v47+s1+$0x0], $0xffff;
	[tilespmem:$0x1FC90] =	vst v9;
	v9 =	vadd.s32 $0x6E0D, v53  }
0x9f: {  	[tilespmem:$0x1FCA0] =	vst v9;
	v9 =	vadd.s32 $0x6E0E, v53  }
0xa0: {  	[tilespmem:$0x1FCB0] =	vst v9  }
0xa1: {  	v9 =	vld.idx.msk [tilespmem:v28+s1+$0x0], $0xffff;
	_ =	sdelay $0x4  }
0xa2: {  	[tilespmem:$0x1FCC0] =	vst v9;
	v9 =	vadd.s32 $0x6E0F, v53  }
0xa3: {  	[tilespmem:$0x1FCD0] =	vst v9  }
0xa4: {  	v13 =	vld.idx.msk [tilespmem:v20+s1+$0x0], $0xffff  }
0xa5: {  	v27 =	vadd.s32 $0xA370, v41;
	_ =	sdelay $0x2  }
0xa6: {  	v37 =	vadd.bf16 v38, v37  }
0xa7: {  	v21 =	vadd.bf16 v5, v21;
	[tilespmem:$0x1FCE0] =	vst v13  }
0xa8: {  	v5 =	vadd.bf16 v59, v37;
	v59 =	vadd.bf16 v23, v16;
	v16 =	vld.idx.msk [tilespmem:v27+s1+$0x0], $0xffff  }
0xa9: {  	v10 =	vadd.s32 $0xA371, v41;
	_ =	sdelay $0x3  }
0xaa: {  	[tilespmem:$0x1FCF0] =	vst v16  }
0xab: {  	v10 =	vld.idx.msk [tilespmem:v10+s1+$0x0], $0xffff;
	_ =	sdelay $0x2  }
0xac: {  	v29 =	vshra.s32 v0, $0x6  }
0xad: {  	v57 =	vadd.bf16 v51, v18;
	v18 =	vadd.s32 $0xA372, v41;
	v11 =	vand.u32 $0xFFFFFFF0, v29  }
0xae: {  	[tilespmem:$0x1FD00] =	vst v10;
	v10 =	vadd.s32 $0x8170, v11  }
0xaf: {  	[tilespmem:$0x1FD10] =	vst v10;
	v10 =	vadd.s32 $0x8171, v11  }
0xb0: {  	[tilespmem:$0x1FD20] =	vst v10;
	v10 =	vadd.s32 $0x8172, v11  }
0xb1: {  	[tilespmem:$0x1FD30] =	vst v10  }
0xb2: {  	v10 =	vld.idx.msk [tilespmem:v18+s1+$0x0], $0xffff;
	_ =	sdelay $0x3  }
0xb3: {  	v9 =	vadd.s32 $0xA373, v41  }
0xb4: {  	[tilespmem:$0x1FD40] =	vst v10;
	v10 =	vadd.s32 $0x8173, v11  }
0xb5: {  	[tilespmem:$0x1FD50] =	vst v10;
	v10 =	vadd.s32 $0x8174, v11  }
0xb6: {  	[tilespmem:$0x1FD60] =	vst v10;
	v10 =	vadd.s32 $0x8175, v11  }
0xb7: {  	[tilespmem:$0x1FD70] =	vst v10  }
0xb8: {  	v9 =	vld.idx.msk [tilespmem:v9+s1+$0x0], $0xffff;
	_ =	sdelay $0x3  }
0xb9: {  	v12 =	vadd.s32 $0xA374, v41  }
0xba: {  	[tilespmem:$0x1FD80] =	vst v9;
	v9 =	vadd.s32 $0x8176, v11  }
0xbb: {  	[tilespmem:$0x1FD90] =	vst v9;
	v9 =	vadd.s32 $0x8177, v11  }
0xbc: {  	[tilespmem:$0x1FDA0] =	vst v9;
	v9 =	vadd.s32 $0x8178, v11  }
0xbd: {  	[tilespmem:$0x1FDB0] =	vst v9  }
0xbe: {  	v9 =	vld.idx.msk [tilespmem:v12+s1+$0x0], $0xffff;
	_ =	sdelay $0x3  }
0xbf: {  	v13 =	vadd.s32 $0xA375, v41  }
0xc0: {  	[tilespmem:$0x1FDC0] =	vst v9;
	v9 =	vadd.s32 $0x8179, v11  }
0xc1: {  	[tilespmem:$0x1FDD0] =	vst v9;
	v9 =	vadd.s32 $0x817A, v11  }
0xc2: {  	[tilespmem:$0x1FDE0] =	vst v9;
	v9 =	vadd.s32 $0x817B, v11  }
0xc3: {  	[tilespmem:$0x1FDF0] =	vst v9  }
0xc4: {  	v9 =	vld.idx.msk [tilespmem:v13+s1+$0x0], $0xffff;
	_ =	sdelay $0x3  }
0xc5: {  	v61 =	vadd.bf16 v17, v14;
	v14 =	vadd.s32 $0xA376, v41  }
0xc6: {  	[tilespmem:$0x1FE00] =	vst v9;
	v9 =	vadd.s32 $0x817C, v11  }
0xc7: {  	[tilespmem:$0x1FE10] =	vst v9;
	v9 =	vadd.s32 $0x817D, v11  }
0xc8: {  	[tilespmem:$0x1FE20] =	vst v9;
	v9 =	vadd.s32 $0x817E, v11  }
0xc9: {  	[tilespmem:$0x1FE30] =	vst v9  }
0xca: {  	v1 =	vshrl.u32 v1, $0x6;
	v9 =	vld.idx.msk [tilespmem:v14+s1+$0x0], $0xffff  }
0xcb: {  	v46 =	vand.u32 $0x3FF0, v1  }
0xcc: {  	v15 =	vadd.s32 $0xA370, v46  }
0xcd: {  	v16 =	vadd.s32 $0xA371, v46  }
0xce: {  	v20 =	vadd.s32 $0xA372, v46  }
0xcf: {  	[tilespmem:$0x1FE40] =	vst v9;
	v9 =	vadd.s32 $0x817F, v11  }
0xd0: {  	v0 =	vshll.u32 v0, $0x4;
	v60 =	vadd.bf16 v25, v21;
	v21 =	vadd.s32 $0xA373, v46;
	[tilespmem:$0x1FE50] =	vst v9  }
0xd1: {  	v0 =	vand.u32 $0x3FF0, v0;
	v45 =	vld.idx.msk [tilespmem:v15+s1+$0x0], $0xffff  }
0xd2: {  	v47 =	vld.idx.msk [tilespmem:v16+s1+$0x0], $0xffff;
	v15 =	vadd.s32 $0xA370, v0  }
0xd3: {  	v9 =	vadd.s32 $0xA374, v46;
	v48 =	vld.idx.msk [tilespmem:v20+s1+$0x0], $0xffff;
	[tilespmem:$0x1FE60] =	vst v15;
	v15 =	vadd.s32 $0xA371, v0  }
0xd4: {  	[tilespmem:$0x1FE70] =	vst v15;
	v15 =	vadd.s32 $0xA372, v0  }
0xd5: {  	v49 =	vld.idx.msk [tilespmem:v21+s1+$0x0], $0xffff;
	[tilespmem:$0x1FE80] =	vst v15;
	v15 =	vadd.s32 $0xA373, v0  }
0xd6: {  	v10 =	vadd.s32 $0xA375, v46;
	[tilespmem:$0x1FE90] =	vst v15;
	v15 =	vadd.s32 $0xA374, v0  }
0xd7: {  	[tilespmem:$0x1FEA0] =	vst v15  }
0xd8: {  	v50 =	vld.idx.msk [tilespmem:v9+s1+$0x0], $0xffff;
	v9 =	vadd.s32 $0xA375, v0  }
0xd9: {  	v12 =	vadd.s32 $0xA376, v46;
	[tilespmem:$0x1FEB0] =	vst v9;
	v9 =	vadd.s32 $0xA376, v0  }
0xda: {  	[tilespmem:$0x1FEC0] =	vst v9  }
0xdb: {  	v51 =	vld.idx.msk [tilespmem:v10+s1+$0x0], $0xffff;
	v10 =	vadd.s32 $0xA377, v0  }
0xdc: {  	[tilespmem:$0x1FED0] =	vst v10;
	v10 =	vadd.s32 $0xA378, v0  }
0xdd: {  	[tilespmem:$0x1FEE0] =	vst v10  }
0xde: {  	v10 =	vld.idx.msk [tilespmem:v12+s1+$0x0], $0xffff;
	_ =	sdelay $0x2  }
0xdf: {  	v13 =	vadd.s32 $0xA376, v19;
	_ =	sdelay $0x1  }
0xe0: {  	v14 =	vadd.s32 $0xA377, v19;
	[tilespmem:$0x1FEF0] =	vst v10;
	v10 =	vadd.s32 $0xA379, v0  }
0xe1: {  	[tilespmem:$0x1FF00] =	vst v10;
	v10 =	vadd.s32 $0xA37A, v0  }
0xe2: {  	[tilespmem:$0x1FF10] =	vst v10;
	v10 =	vadd.s32 $0xA37B, v0  }
0xe3: {  	v9 =	vadd.s32 $0xA378, v19;
	v52 =	vld.idx.msk [tilespmem:v13+s1+$0x0], $0xffff;
	[tilespmem:$0x1FF20] =	vst v10;
	v10 =	vadd.s32 $0xA37C, v0  }
0xe4: {  	v15 =	vadd.s32 $0xA379, v19;
	[tilespmem:$0x1FF30] =	vst v10;
	v10 =	vadd.s32 $0xA37D, v0  }
0xe5: {  	v16 =	vadd.s32 $0xA37A, v19;
	v53 =	vld.idx.msk [tilespmem:v14+s1+$0x0], $0xffff;
	[tilespmem:$0x1FF40] =	vst v10;
	v10 =	vadd.s32 $0xA37E, v0  }
0xe6: {  	v14 =	vadd.s32 $0xA37C, v19;
	v0 =	vadd.s32 $0xA37F, v0;
	[tilespmem:$0x1FF50] =	vst v10  }
0xe7: {  	v13 =	vadd.s32 $0xA37B, v19;
	[tilespmem:$0x1FF60] =	vst v0  }
0xe8: {  	v10 =	vld.idx.msk [tilespmem:v9+s1+$0x0], $0xffff  }
0xe9: {  	v0 =	vadd.s32 $0xA37D, v19;
	v12 =	vld.idx.msk [tilespmem:v15+s1+$0x0], $0xffff  }
0xea: {  	v20 =	vld.idx.msk [tilespmem:v16+s1+$0x0], $0xffff  }
0xeb: {  	v21 =	vld.idx.msk [tilespmem:v14+s1+$0x0], $0xffff;
	v14 =	vor.u32 $0x8, v26  }
0xec: {  	v16 =	vld.idx.msk [tilespmem:v13+s1+$0x0], $0xffff;
	[tilespmem:$0x1FF70] =	vst v14;
	v14 =	vor.u32 $0x9, v26  }
0xed: {  	s22 =	simm.s32 $0x10;
	v9 =	vadd.s32 $0xA37E, v19;
	[tilespmem:$0x1FF80] =	vst v14  }
0xee: {  	v33 =	vor.u32 $0x1, v26;
	v11 =	vmov s22;
	v15 =	vld.idx.msk [tilespmem:v0+s1+$0x0], $0xffff;
	v0 =	vor.u32 $0xA, v26  }
0xef: {  	v54 =	vadd.bf16 v44, v42;
	v11 =	vshll.u32 v11, $0x4;
	[tilespmem:$0x1FF90] =	vst v0;
	v0 =	vor.u32 $0xB, v26  }
0xf0: {  	v42 =	vor.u32 v62, v11;
	v11 =	vadd.s32 $0xA37F, v19;
	[tilespmem:$0x1FFA0] =	vst v0;
	v0 =	vor.u32 $0xC, v26  }
0xf1: {  	v32 =	vor.u32 $0x2, v26;
	v13 =	vadd.s32 $0xA377, v46;
	[tilespmem:$0x1FFB0] =	vst v0;
	v0 =	vor.u32 $0xD, v26  }
0xf2: {  	v1 =	vadd.bf16 v31, v22;
	v8 =	vadd.bf16 v8, v24;
	v18 =	vld.idx.msk [tilespmem:v9+s1+$0x0], $0xffff;
	[tilespmem:$0x1FFC0] =	vst v0;
	v0 =	vor.u32 $0xE, v26  }
0xf3: {  	v31 =	vor.u32 $0x3, v26;
	v29 =	vor.u32 $0x5, v26;
	[tilespmem:$0x1FFD0] =	vst v0;
	v0 =	vor.u32 $0xF, v26  }
0xf4: {  	v30 =	vor.u32 $0x4, v26;
	v28 =	vor.u32 $0x6, v26;
	v27 =	vor.u32 $0x7, v26;
	[tilespmem:$0x1FFE0] =	vst v0  }
0xf5: {  	v63 =	vor.u32 $0x1, v42;
	v14 =	vadd.s32 $0xA37A, v46;
	v9 =	vadd.s32 $0xA379, v46;
	v23 =	vld.idx.msk [tilespmem:v11+s1+$0x0], $0xffff  }
0xf6: {  	s22 =	simm.s32 $0x20;
	v0 =	vadd.s32 $0xA37B, v46;
	v11 =	vadd.s32 $0xA378, v46;
	v62 =	vld.idx.msk [tilespmem:v13+s1+$0x0], $0xffff;
	v13 =	vadd.s32 $0xA37C, v46  }
.LBB2_3:
0xf7: {  	v17 =	vld [tilespmem:$0x1FEF0];
	_ =	sdelay $0x2  }
0xf8: {  	v2 =	vadd.bf16 v52, v2  }
0xf9: {  	v13 =	vld.idx.msk [tilespmem:v13+s1+$0x0], $0xffff  }
0xfa: {  	v2 =	vadd.bf16 v17, v2;
	v17 =	vld [tilespmem:$0x1FCF0];
	_ =	sdelay $0x1  }
0xfb: {  	v6 =	vadd.bf16 v20, v6;
	v20 =	vadd.bf16 v21, v54  }
0xfc: {  	v22 =	vadd.bf16 v23, v57;
	v23 =	vadd.bf16 v45, v58;
	_ =	sdelay $0x1  }
0xfd: {  	v13 =	vadd.bf16 v13, v20;
	v20 =	vadd.bf16 v17, v23;
	v17 =	vld [tilespmem:$0x1FD00];
	_ =	sdelay $0x2  }
0xfe: {  	v43 =	vadd.bf16 v47, v59;
	_ =	sdelay $0x1  }
0xff: {  	v38 =	vadd.bf16 v17, v43;
	v17 =	vld [tilespmem:$0x1FA00];
	_ =	sdelay $0x3  }
0x100: {  	v11 =	vld.idx.msk [tilespmem:v11+s1+$0x0], $0xffff;
	v19 =	vadd.s32 $0xA37D, v46  }
0x101: {  	v20 =	vadd.bf16 v17, v20;
	v17 =	vld [tilespmem:$0x1FD40]  }
0x102: {  	v5 =	vadd.bf16 v12, v5;
	v12 =	vld.idx.msk [tilespmem:v14+s1+$0x0], $0xffff;
	v14 =	vadd.s32 $0xA37F, v46  }
0x103: {  	v9 =	vld.idx.msk [tilespmem:v9+s1+$0x0], $0xffff;
	v4 =	vadd.bf16 v10, v4;
	v10 =	vadd.s32 $0xA37E, v46  }
0x104: {  	v0 =	vld.idx.msk [tilespmem:v0+s1+$0x0], $0xffff;
	v52 =	vadd.bf16 v48, v60;
	v7 =	vadd.bf16 v16, v7;
	v16 =	vadd.s32 $0xA377, v41  }
0x105: {  	v21 =	vadd.s32 $0xA378, v41;
	v19 =	vld.idx.msk [tilespmem:v19+s1+$0x0], $0xffff  }
0x106: {  	v35 =	vadd.bf16 v17, v52;
	v17 =	vld [tilespmem:$0x1FA10]  }
0x107: {  	v44 =	vadd.s32 $0xA379, v41;
	v14 =	vld.idx.msk [tilespmem:v14+s1+$0x0], $0xffff  }
0x108: {  	v54 =	vadd.s32 $0xA37A, v41;
	v10 =	vld.idx.msk [tilespmem:v10+s1+$0x0], $0xffff  }
0x109: {  	v18 =	vadd.bf16 v18, v56;
	v56 =	vadd.s32 $0xA37C, v41;
	v16 =	vld.idx.msk [tilespmem:v16+s1+$0x0], $0xffff  }
0x10a: {  	v15 =	vadd.bf16 v15, v55;
	v55 =	vadd.s32 $0xA37B, v41;
	v4 =	vadd.bf16 v11, v4;
	v11 =	vld.idx.msk [tilespmem:v21+s1+$0x0], $0xffff  }
0x10b: {  	v38 =	vadd.bf16 v17, v38;
	v17 =	vld [tilespmem:$0x1FD80]  }
0x10c: {  	v5 =	vadd.bf16 v9, v5;
	v9 =	vadd.s32 $0xA37D, v41;
	v21 =	vld.idx.msk [tilespmem:v44+s1+$0x0], $0xffff  }
0x10d: {  	v6 =	vadd.bf16 v12, v6;
	v7 =	vadd.bf16 v0, v7;
	v0 =	vadd.s32 $0xA37E, v41;
	v12 =	vld.idx.msk [tilespmem:v54+s1+$0x0], $0xffff  }
0x10e: {  	v3 =	vadd.bf16 v53, v3;
	v53 =	vadd.bf16 v49, v61;
	v39 =	vld.idx.msk [tilespmem:v56+s1+$0x0], $0xffff  }
0x10f: {  	v15 =	vadd.bf16 v19, v15;
	v19 =	vadd.s32 $0xA37F, v41;
	v23 =	vld.idx.msk [tilespmem:v55+s1+$0x0], $0xffff  }
0x110: {  	v36 =	vadd.bf16 v17, v53;
	v17 =	vld [tilespmem:$0x1FA30]  }
0x111: {  	v9 =	vld.idx.msk [tilespmem:v9+s1+$0x0], $0xffff  }
0x112: {  	v58 =	vld.idx.msk [tilespmem:v0+s1+$0x0], $0xffff  }
0x113: {  	v0 =	vld [tilespmem:$0x1FA20]  }
0x114: {  	v19 =	vld.idx.msk [tilespmem:v19+s1+$0x0], $0xffff  }
0x115: {  	[tilespmem:v42+s14+$0x0] =	vst.idx.msk $0xffff, v20;
	v20 =	vadd.bf16 v17, v36;
	v17 =	vld [tilespmem:$0x1FE00];
	_ =	sdelay $0x2  }
0x116: {  	v8 =	vadd.bf16 v51, v8;
	v35 =	vadd.bf16 v0, v35;
	v0 =	vld [tilespmem:$0x1FDC0];
	_ =	sdelay $0x1  }
0x117: {  	v10 =	vadd.bf16 v10, v18;
	v18 =	vor.u32 $0x2, v42;
	v8 =	vadd.bf16 v17, v8;
	v17 =	vld [tilespmem:$0x1FA40]  }
0x118: {  	v1 =	vadd.bf16 v50, v1;
	_ =	sdelay $0x1  }
0x119: {  	v1 =	vadd.bf16 v0, v1  }
0x11a: {  	v0 =	vld [tilespmem:s19+$0xFFFFFFF0];
	[tilespmem:v63+s14+$0x0] =	vst.idx.msk $0xffff, v38  }
0x11b: {  	v1 =	vadd.bf16 v17, v1;
	v17 =	vld [tilespmem:$0x1FE40];
	[tilespmem:v18+s14+$0x0] =	vst.idx.msk $0xffff, v35  }
0x11c: {  	v4 =	vadd.bf16 v11, v4;
	v11 =	vld [tilespmem:$0x1FB80]  }
0x11d: {  	v3 =	vadd.bf16 v62, v3;
	_ =	sdelay $0x1  }
0x11e: {  	v3 =	vadd.bf16 v16, v3;
	_ =	sdelay $0x1  }
0x11f: {  	v3 =	vadd.bf16 v11, v3;
	v11 =	vld [tilespmem:$0x1FBA0]  }
0x120: {  	v2 =	vadd.bf16 v17, v2;
	v17 =	vld [tilespmem:$0x1FA50];
	_ =	sdelay $0x3  }
0x121: {  	v14 =	vadd.bf16 v14, v22;
	v22 =	vor.u32 $0x3, v42;
	v4 =	vadd.bf16 v11, v4;
	v11 =	vld [tilespmem:$0x1FBC0]  }
0x122: {  	v57 =	vor.u32 $0x4, v42;
	v8 =	vadd.bf16 v17, v8;
	v17 =	vld [tilespmem:$0x1FB60]  }
0x123: {  	v59 =	vor.u32 $0x5, v42  }
0x124: {  	v60 =	vor.u32 $0x6, v42;
	v5 =	vadd.bf16 v21, v5  }
0x125: {  	v18 =	vor.u32 $0x7, v42  }
0x126: {  	v16 =	vor.u32 $0x8, v42;
	[tilespmem:v22+s14+$0x0] =	vst.idx.msk $0xffff, v20;
	v5 =	vadd.bf16 v11, v5;
	v11 =	vld [tilespmem:$0x1FBE0]  }
0x127: {  	[tilespmem:v57+s14+$0x0] =	vst.idx.msk $0xffff, v1;
	v1 =	vor.u32 $0x9, v42;
	v2 =	vadd.bf16 v17, v2  }
0x128: {  	[tilespmem:v59+s14+$0x0] =	vst.idx.msk $0xffff, v8;
	v8 =	vor.u32 $0xA, v42  }
0x129: {  	v6 =	vadd.bf16 v12, v6;
	[tilespmem:v60+s14+$0x0] =	vst.idx.msk $0xffff, v2  }
0x12a: {  	[tilespmem:v18+s14+$0x0] =	vst.idx.msk $0xffff, v3  }
0x12b: {  	[tilespmem:v16+s14+$0x0] =	vst.idx.msk $0xffff, v4;
	v6 =	vadd.bf16 v11, v6  }
0x12c: {  	v12 =	vld [tilespmem:$0x1FC10];
	[tilespmem:v1+s14+$0x0] =	vst.idx.msk $0xffff, v5  }
0x12d: {  	[tilespmem:v8+s14+$0x0] =	vst.idx.msk $0xffff, v6;
	v8 =	vld [tilespmem:$0x1FA60];
	_ =	sdelay $0x1  }
0x12e: {  	v7 =	vadd.bf16 v23, v7;
	v5 =	vld [tilespmem:$0x1FC50]  }
0x12f: {  	v2 =	vor.u32 $0xB, v42  }
0x130: {  	v7 =	vadd.bf16 v12, v7;
	v12 =	vld [tilespmem:$0x1FCC0];
	v3 =	vor.u32 $0xC, v42  }
0x131: {  	v4 =	vor.u32 $0xD, v42;
	v11 =	vadd.bf16 v39, v13  }
0x132: {  	v9 =	vadd.bf16 v9, v15;
	v1 =	vor.u32 $0xE, v42  }
0x133: {  	v10 =	vadd.bf16 v58, v10;
	v5 =	vadd.bf16 v5, v11  }
0x134: {  	[tilespmem:v2+s14+$0x0] =	vst.idx.msk $0xffff, v7;
	v23 =	vld.idx.msk [tilespmem:v8+s1+$0x0], $0xffff;
	v8 =	vadd.bf16 v34, v9  }
0x135: {  	v10 =	vadd.bf16 v12, v10;
	[tilespmem:v3+s14+$0x0] =	vst.idx.msk $0xffff, v5  }
0x136: {  	[tilespmem:v4+s14+$0x0] =	vst.idx.msk $0xffff, v8  }
0x137: {  	[tilespmem:v1+s14+$0x0] =	vst.idx.msk $0xffff, v10;
	v1 =	vld [tilespmem:$0x1FA80];
	_ =	sdelay $0x6  }
0x138: {  	v4 =	vld.idx.msk [tilespmem:v32+s1+$0x0], $0xffff  }
0x139: {  	v1 =	vld.idx.msk [tilespmem:v1+s1+$0x0], $0xffff;
	_ =	sdelay $0x4  }
0x13a: {  	v2 =	vshll.u32 v0, $0x4;
	v53 =	vadd.bf16 v1, v4;
	v1 =	vld [tilespmem:$0x1FAB0]  }
0x13b: {  	v2 =	vand.u32 $0x3FF0, v2  }
0x13c: {  	v6 =	vor.u32 $0xF, v42;
	v51 =	vadd.s32 $0xA370, v2;
	v49 =	vadd.s32 $0xA371, v2  }
0x13d: {  	v48 =	vadd.s32 $0xA372, v2;
	v50 =	vadd.s32 $0xA373, v2;
	v47 =	vadd.s32 $0xA374, v2  }
0x13e: {  	v45 =	vadd.s32 $0xA375, v2;
	v46 =	vadd.s32 $0xA376, v2;
	v22 =	vadd.s32 $0xA377, v2  }
0x13f: {  	v21 =	vadd.s32 $0xA378, v2;
	v44 =	vadd.s32 $0xA379, v2;
	v20 =	vadd.s32 $0xA37A, v2  }
0x140: {  	v42 =	vadd.s32 $0xA37B, v2;
	v43 =	vadd.s32 $0xA37C, v2;
	v40 =	vadd.s32 $0xA37E, v2  }
0x141: {  	v41 =	vadd.s32 $0xA37F, v2;
	v9 =	vadd.bf16 v19, v14;
	v19 =	vadd.s32 $0xA37D, v2;
	v2 =	vld.idx.msk [tilespmem:v29+s1+$0x0], $0xffff  }
0x142: {  	v1 =	vld.idx.msk [tilespmem:v1+s1+$0x0], $0xffff;
	_ =	sdelay $0x4  }
0x143: {  	v58 =	vadd.bf16 v1, v2;
	v1 =	vld [tilespmem:$0x1FF80];
	_ =	sdelay $0x5  }
0x144: {  	v7 =	vshrl.u32 v0, $0x6  }
0x145: {  	v3 =	vand.u32 $0x3FF0, v7;
	v7 =	vld [tilespmem:$0x1FCE0]  }
0x146: {  	v25 =	vld.idx.msk [tilespmem:v1+s1+$0x0], $0xffff  }
0x147: {  	v1 =	vld [tilespmem:$0x1FAF0];
	_ =	sdelay $0x3  }
0x148: {  	v55 =	vld.idx.msk [tilespmem:v27+s1+$0x0], $0xffff  }
0x149: {  	v0 =	vshra.s32 v0, $0x10;
	v11 =	vld.idx.msk [tilespmem:v33+s1+$0x0], $0xffff;
	v7 =	vadd.bf16 v7, v9  }
0x14a: {  	v57 =	vand.u32 $0xFFFFFFF0, v0;
	v0 =	vld [tilespmem:$0x1FAE0]  }
0x14b: {  	v37 =	vadd.s32 $0xA370, v3;
	v39 =	vadd.s32 $0xA371, v3;
	[tilespmem:v6+s14+$0x0] =	vst.idx.msk $0xffff, v7;
	v6 =	vld.idx.msk [tilespmem:v31+s1+$0x0], $0xffff  }
0x14c: {  	v38 =	vadd.s32 $0xA372, v3;
	v36 =	vadd.s32 $0xA374, v3;
	v60 =	vld.idx.msk [tilespmem:v1+s1+$0x0], $0xffff;
	v1 =	vadd.s32 $0xA377, v57  }
0x14d: {  	v35 =	vadd.s32 $0xA375, v3;
	v33 =	vadd.s32 $0xA376, v3;
	v27 =	vadd.s32 $0xA37B, v3;
	[tilespmem:$0x1F880] =	vst v1;
	v1 =	vld [tilespmem:$0x1FF90]  }
0x14e: {  	v18 =	vadd.s32 $0xA37C, v3;
	v12 =	vadd.s32 $0xA37D, v3;
	v34 =	vadd.s32 $0xA373, v3;
	v7 =	vld [tilespmem:$0x1FA90]  }
0x14f: {  	v29 =	vadd.s32 $0xA378, v3;
	v14 =	vadd.s32 $0xA37E, v3;
	v32 =	vadd.s32 $0xA377, v3;
	v4 =	vld.idx.msk [tilespmem:v28+s1+$0x0], $0xffff  }
0x150: {  	v10 =	vadd.s32 $0xA37F, v3;
	v31 =	vadd.s32 $0xA379, v3;
	v28 =	vadd.s32 $0xA37A, v3;
	v3 =	vld [tilespmem:$0x1FF70];
	_ =	sdelay $0x3  }
0x151: {  	v0 =	vld.idx.msk [tilespmem:v0+s1+$0x0], $0xffff  }
0x152: {  	v24 =	vld.idx.msk [tilespmem:v1+s1+$0x0], $0xffff;
	v1 =	vadd.s32 $0xA379, v57  }
0x153: {  	[tilespmem:$0x1F890] =	vst v1;
	v1 =	vld [tilespmem:$0x1FB00]  }
0x154: {  	v7 =	vld.idx.msk [tilespmem:v7+s1+$0x0], $0xffff  }
0x155: {  	v3 =	vld.idx.msk [tilespmem:v3+s1+$0x0], $0xffff;
	_ =	sdelay $0x2  }
0x156: {  	v5 =	vld [tilespmem:$0x1FA70]  }
0x157: {  	v54 =	vadd.bf16 v7, v6;
	v6 =	vld [tilespmem:$0x1FAC0]  }
0x158: {  	v63 =	vadd.bf16 v0, v3;
	v0 =	vld [tilespmem:$0x1FB10]  }
0x159: {  	v61 =	vld.idx.msk [tilespmem:v1+s1+$0x0], $0xffff;
	v1 =	vadd.s32 $0xA37A, v57  }
0x15a: {  	[tilespmem:$0x1F8A0] =	vst v1;
	v1 =	vld [tilespmem:$0x1FFA0];
	_ =	sdelay $0x4  }
0x15b: {  	v5 =	vld.idx.msk [tilespmem:v5+s1+$0x0], $0xffff  }
0x15c: {  	v6 =	vld.idx.msk [tilespmem:v6+s1+$0x0], $0xffff  }
0x15d: {  	v0 =	vld.idx.msk [tilespmem:v0+s1+$0x0], $0xffff  }
0x15e: {  	v62 =	vld.idx.msk [tilespmem:v1+s1+$0x0], $0xffff;
	_ =	sdelay $0x2  }
0x15f: {  	v52 =	vadd.bf16 v5, v11;
	v5 =	vld [tilespmem:$0x1FAA0];
	_ =	sdelay $0x1  }
0x160: {  	v59 =	vadd.bf16 v6, v4;
	v6 =	vadd.bf16 v0, v62;
	v0 =	vld [tilespmem:$0x1FB40];
	_ =	sdelay $0x4  }
0x161: {  	v8 =	vld.idx.msk [tilespmem:v30+s1+$0x0], $0xffff  }
0x162: {  	v5 =	vld.idx.msk [tilespmem:v5+s1+$0x0], $0xffff;
	_ =	sdelay $0x1  }
0x163: {  	v62 =	vld.idx.msk [tilespmem:v0+s1+$0x0], $0xffff  }
0x164: {  	v1 =	vadd.s32 $0xA37B, v57;
	v0 =	vld [tilespmem:$0x1FFE0]  }
0x165: {  	[tilespmem:$0x1F8B0] =	vst v1;
	v1 =	vadd.s32 $0xA37C, v57  }
0x166: {  	v56 =	vadd.bf16 v5, v8;
	v5 =	vld [tilespmem:$0x1FAD0];
	[tilespmem:$0x1F8C0] =	vst v1;
	v1 =	vadd.s32 $0xA37D, v57  }
0x167: {  	v2 =	vld [tilespmem:$0x1FB20];
	[tilespmem:$0x1F8D0] =	vst v1;
	v1 =	vadd.s32 $0xA37E, v57  }
0x168: {  	[tilespmem:$0x1F8E0] =	vst v1;
	v1 =	vld [tilespmem:$0x1FFB0];
	_ =	sdelay $0x3  }
0x169: {  	v17 =	vld.idx.msk [tilespmem:v0+s1+$0x0], $0xffff  }
0x16a: {  	v0 =	vld [tilespmem:$0x1FB50]  }
0x16b: {  	v5 =	vld.idx.msk [tilespmem:v5+s1+$0x0], $0xffff  }
0x16c: {  	v25 =	vadd.bf16 v60, v25;
	v60 =	vld.idx.msk [tilespmem:v2+s1+$0x0], $0xffff  }
0x16d: {  	v1 =	vld.idx.msk [tilespmem:v1+s1+$0x0], $0xffff;
	_ =	sdelay $0x1  }
0x16e: {  	v2 =	vld [tilespmem:$0x1FFC0]  }
0x16f: {  	v3 =	vld [tilespmem:$0x1FB30]  }
0x170: {  	v26 =	vld.idx.msk [tilespmem:v26+s1+$0x0], $0xffff  }
0x171: {  	v55 =	vadd.bf16 v5, v55;
	v5 =	vadd.bf16 v60, v1;
	v60 =	vld.idx.msk [tilespmem:v0+s1+$0x0], $0xffff  }
0x172: {  	v0 =	vld [tilespmem:$0x1FB70]  }
0x173: {  	v51 =	vld.idx.msk [tilespmem:v51+s1+$0x0], $0xffff  }
0x174: {  	v49 =	vld.idx.msk [tilespmem:v49+s1+$0x0], $0xffff  }
0x175: {  	v48 =	vld.idx.msk [tilespmem:v48+s1+$0x0], $0xffff  }
0x176: {  	v2 =	vld.idx.msk [tilespmem:v2+s1+$0x0], $0xffff  }
0x177: {  	v24 =	vadd.bf16 v61, v24;
	v61 =	vld.idx.msk [tilespmem:v3+s1+$0x0], $0xffff  }
0x178: {  	v3 =	vld [tilespmem:$0x1FFD0]  }
0x179: {  	v50 =	vld.idx.msk [tilespmem:v50+s1+$0x0], $0xffff  }
0x17a: {  	v1 =	vld.idx.msk [tilespmem:v0+s1+$0x0], $0xffff  }
0x17b: {  	v0 =	vld [tilespmem:$0x1FB90]  }
0x17c: {  	v47 =	vld.idx.msk [tilespmem:v47+s1+$0x0], $0xffff  }
0x17d: {  	v4 =	vadd.bf16 v61, v2;
	v2 =	vld [tilespmem:$0x1FBD0]  }
0x17e: {  	v45 =	vld.idx.msk [tilespmem:v45+s1+$0x0], $0xffff  }
0x17f: {  	v46 =	vld.idx.msk [tilespmem:v46+s1+$0x0], $0xffff  }
0x180: {  	v3 =	vld.idx.msk [tilespmem:v3+s1+$0x0], $0xffff  }
0x181: {  	v22 =	vld.idx.msk [tilespmem:v22+s1+$0x0], $0xffff  }
0x182: {  	v21 =	vld.idx.msk [tilespmem:v21+s1+$0x0], $0xffff  }
0x183: {  	v61 =	vld.idx.msk [tilespmem:v0+s1+$0x0], $0xffff  }
0x184: {  	v44 =	vld.idx.msk [tilespmem:v44+s1+$0x0], $0xffff  }
0x185: {  	v3 =	vadd.bf16 v62, v3;
	v62 =	vld.idx.msk [tilespmem:v2+s1+$0x0], $0xffff  }
0x186: {  	v23 =	vadd.bf16 v23, v26;
	v2 =	vld [tilespmem:$0x1FBF0]  }
0x187: {  	v20 =	vld.idx.msk [tilespmem:v20+s1+$0x0], $0xffff  }
0x188: {  	v1 =	vadd.bf16 v1, v23;
	v23 =	vadd.bf16 v61, v52;
	v61 =	vld [tilespmem:$0x1FC30]  }
0x189: {  	v42 =	vld.idx.msk [tilespmem:v42+s1+$0x0], $0xffff  }
0x18a: {  	v43 =	vld.idx.msk [tilespmem:v43+s1+$0x0], $0xffff  }
0x18b: {  	v40 =	vld.idx.msk [tilespmem:v40+s1+$0x0], $0xffff  }
0x18c: {  	v0 =	vld [tilespmem:$0x1FBB0]  }
0x18d: {  	v54 =	vadd.bf16 v62, v54;
	v62 =	vld [tilespmem:$0x1FC70]  }
0x18e: {  	v2 =	vld.idx.msk [tilespmem:v2+s1+$0x0], $0xffff  }
0x18f: {  	v17 =	vadd.bf16 v60, v17;
	v60 =	vld [tilespmem:$0x1FC20]  }
0x190: {  	v15 =	vadd.s32 $0xA372, v57;
	v52 =	vld.idx.msk [tilespmem:v61+s1+$0x0], $0xffff  }
0x191: {  	v61 =	vld [tilespmem:$0x1FC40]  }
0x192: {  	v41 =	vld.idx.msk [tilespmem:v41+s1+$0x0], $0xffff  }
0x193: {  	v26 =	vld [tilespmem:$0x1FC00]  }
0x194: {  	v0 =	vld.idx.msk [tilespmem:v0+s1+$0x0], $0xffff  }
0x195: {  	v16 =	vadd.s32 $0xA373, v57;
	v15 =	vld.idx.msk [tilespmem:v15+s1+$0x0], $0xffff  }
0x196: {  	v2 =	vadd.bf16 v2, v56;
	v56 =	vld.idx.msk [tilespmem:v62+s1+$0x0], $0xffff  }
0x197: {  	v60 =	vld.idx.msk [tilespmem:v60+s1+$0x0], $0xffff  }
0x198: {  	v62 =	vld [tilespmem:$0x1FC80]  }
0x199: {  	v0 =	vadd.bf16 v0, v53;
	v53 =	vld.idx.msk [tilespmem:v61+s1+$0x0], $0xffff  }
0x19a: {  	v16 =	vld.idx.msk [tilespmem:v16+s1+$0x0], $0xffff  }
0x19b: {  	v26 =	vld.idx.msk [tilespmem:v26+s1+$0x0], $0xffff  }
0x19c: {  	v59 =	vadd.bf16 v60, v59;
	v60 =	vld [tilespmem:$0x1FC90]  }
0x19d: {  	v37 =	vld.idx.msk [tilespmem:v37+s1+$0x0], $0xffff  }
0x19e: {  	v53 =	vadd.bf16 v53, v63;
	v63 =	vld [tilespmem:$0x1FD10]  }
0x19f: {  	v38 =	vld.idx.msk [tilespmem:v38+s1+$0x0], $0xffff  }
0x1a0: {  	v35 =	vld.idx.msk [tilespmem:v35+s1+$0x0], $0xffff  }
0x1a1: {  	v26 =	vadd.bf16 v26, v58;
	v58 =	vld.idx.msk [tilespmem:v62+s1+$0x0], $0xffff  }
0x1a2: {  	v62 =	vld [tilespmem:$0x1FCA0]  }
0x1a3: {  	v24 =	vadd.bf16 v56, v24;
	v56 =	vld [tilespmem:$0x1FD20]  }
0x1a4: {  	v60 =	vld.idx.msk [tilespmem:v60+s1+$0x0], $0xffff  }
0x1a5: {  	v61 =	vld [tilespmem:$0x1FC60]  }
0x1a6: {  	v63 =	vld.idx.msk [tilespmem:v63+s1+$0x0], $0xffff  }
0x1a7: {  	v33 =	vld.idx.msk [tilespmem:v33+s1+$0x0], $0xffff  }
0x1a8: {  	v6 =	vadd.bf16 v58, v6;
	v58 =	vld [tilespmem:$0x1FD30]  }
0x1a9: {  	v5 =	vadd.bf16 v60, v5;
	v60 =	vld [tilespmem:$0x1FD50]  }
0x1aa: {  	v52 =	vadd.bf16 v52, v55;
	v55 =	vld.idx.msk [tilespmem:v62+s1+$0x0], $0xffff  }
0x1ab: {  	v1 =	vadd.bf16 v63, v1;
	v63 =	vld [tilespmem:$0x1FDA0]  }
0x1ac: {  	v62 =	vld [tilespmem:$0x1FCB0]  }
0x1ad: {  	v61 =	vld.idx.msk [tilespmem:v61+s1+$0x0], $0xffff  }
0x1ae: {  	v56 =	vld.idx.msk [tilespmem:v56+s1+$0x0], $0xffff  }
0x1af: {  	v27 =	vld.idx.msk [tilespmem:v27+s1+$0x0], $0xffff  }
0x1b0: {  	v58 =	vld.idx.msk [tilespmem:v58+s1+$0x0], $0xffff  }
0x1b1: {  	v60 =	vld.idx.msk [tilespmem:v60+s1+$0x0], $0xffff  }
0x1b2: {  	v25 =	vadd.bf16 v61, v25;
	v61 =	vld [tilespmem:$0x1FCD0]  }
0x1b3: {  	v23 =	vadd.bf16 v56, v23;
	v56 =	vld.idx.msk [tilespmem:v63+s1+$0x0], $0xffff  }
0x1b4: {  	v63 =	vld [tilespmem:$0x1FDB0]  }
0x1b5: {  	v62 =	vld.idx.msk [tilespmem:v62+s1+$0x0], $0xffff  }
0x1b6: {  	v4 =	vadd.bf16 v55, v4;
	v55 =	vld [tilespmem:$0x1FD60]  }
0x1b7: {  	v54 =	vadd.bf16 v60, v54;
	v60 =	vld [tilespmem:$0x1FDD0]  }
0x1b8: {  	v18 =	vld.idx.msk [tilespmem:v18+s1+$0x0], $0xffff  }
0x1b9: {  	v12 =	vld.idx.msk [tilespmem:v12+s1+$0x0], $0xffff  }
0x1ba: {  	v3 =	vadd.bf16 v62, v3;
	v62 =	vld [tilespmem:$0x1FD70]  }
0x1bb: {  	v61 =	vld.idx.msk [tilespmem:v61+s1+$0x0], $0xffff  }
0x1bc: {  	v0 =	vadd.bf16 v58, v0;
	v58 =	vld.idx.msk [tilespmem:v63+s1+$0x0], $0xffff  }
0x1bd: {  	v63 =	vld [tilespmem:$0x1FDE0]  }
0x1be: {  	v55 =	vld.idx.msk [tilespmem:v55+s1+$0x0], $0xffff  }
0x1bf: {  	v60 =	vld.idx.msk [tilespmem:v60+s1+$0x0], $0xffff  }
0x1c0: {  	v17 =	vadd.bf16 v61, v17;
	v61 =	vld [tilespmem:$0x1FD90]  }
0x1c1: {  	v19 =	vld.idx.msk [tilespmem:v19+s1+$0x0], $0xffff  }
0x1c2: {  	v34 =	vld.idx.msk [tilespmem:v34+s1+$0x0], $0xffff  }
0x1c3: {  	v62 =	vld.idx.msk [tilespmem:v62+s1+$0x0], $0xffff  }
0x1c4: {  	v25 =	vadd.bf16 v60, v25;
	v60 =	vld [tilespmem:$0x1FE50]  }
0x1c5: {  	v2 =	vadd.bf16 v55, v2;
	v55 =	vld.idx.msk [tilespmem:v63+s1+$0x0], $0xffff  }
0x1c6: {  	v9 =	vadd.s32 $0xA376, v57;
	v63 =	vld [tilespmem:$0x1FE20]  }
0x1c7: {  	v29 =	vld.idx.msk [tilespmem:v29+s1+$0x0], $0xffff  }
0x1c8: {  	v61 =	vld.idx.msk [tilespmem:v61+s1+$0x0], $0xffff  }
0x1c9: {  	v14 =	vld.idx.msk [tilespmem:v14+s1+$0x0], $0xffff  }
0x1ca: {  	v26 =	vadd.bf16 v62, v26;
	v62 =	vld [tilespmem:$0x1FDF0]  }
0x1cb: {  	v9 =	vld.idx.msk [tilespmem:v9+s1+$0x0], $0xffff  }
0x1cc: {  	v60 =	vld.idx.msk [tilespmem:v60+s1+$0x0], $0xffff  }
0x1cd: {  	v59 =	vadd.bf16 v61, v59;
	v61 =	vld [tilespmem:$0x1FE10]  }
0x1ce: {  	v11 =	vadd.s32 $0xA374, v57;
	v52 =	vadd.bf16 v56, v52;
	v56 =	vld.idx.msk [tilespmem:v63+s1+$0x0], $0xffff  }
0x1cf: {  	v8 =	vadd.s32 $0xA378, v57;
	v63 =	vld [tilespmem:$0x1FE30]  }
0x1d0: {  	v10 =	vld.idx.msk [tilespmem:v10+s1+$0x0], $0xffff  }
0x1d1: {  	v31 =	vld.idx.msk [tilespmem:v31+s1+$0x0], $0xffff  }
0x1d2: {  	v0 =	vadd.bf16 v48, v0;
	v62 =	vld.idx.msk [tilespmem:v62+s1+$0x0], $0xffff  }
0x1d3: {  	v11 =	vld.idx.msk [tilespmem:v11+s1+$0x0], $0xffff;
	v23 =	vadd.bf16 v49, v23;
	v17 =	vadd.bf16 v60, v17  }
0x1d4: {  	v8 =	vld.idx.msk [tilespmem:v8+s1+$0x0], $0xffff;
	v0 =	vadd.bf16 v38, v0;
	v4 =	vadd.bf16 v56, v4  }
0x1d5: {  	v7 =	vadd.s32 $0xA371, v57;
	v17 =	vadd.bf16 v41, v17;
	v53 =	vadd.bf16 v58, v53;
	v61 =	vld.idx.msk [tilespmem:v61+s1+$0x0], $0xffff  }
0x1d6: {  	v24 =	vadd.bf16 v55, v24;
	v4 =	vadd.bf16 v19, v4;
	v19 =	vld.idx.msk [tilespmem:v36+s1+$0x0], $0xffff  }
0x1d7: {  	v6 =	vadd.bf16 v62, v6;
	v21 =	vadd.bf16 v21, v53;
	v58 =	vld.idx.msk [tilespmem:v63+s1+$0x0], $0xffff  }
0x1d8: {  	v62 =	vadd.bf16 v50, v54;
	v20 =	vadd.bf16 v20, v24;
	v24 =	vld.idx.msk [tilespmem:v39+s1+$0x0], $0xffff  }
0x1d9: {  	v10 =	vadd.bf16 v10, v17;
	v17 =	vld [tilespmem:$0x1F8C0];
	v21 =	vadd.bf16 v29, v21  }
0x1da: {  	v7 =	vld.idx.msk [tilespmem:v7+s1+$0x0], $0xffff;
	v0 =	vadd.bf16 v15, v0;
	v2 =	vadd.bf16 v47, v2  }
0x1db: {  	v48 =	vadd.bf16 v34, v62;
	v8 =	vadd.bf16 v8, v21;
	v21 =	vld [tilespmem:$0x1FE60]  }
0x1dc: {  	v15 =	vld [tilespmem:$0x1F890];
	v2 =	vadd.bf16 v19, v2;
	v3 =	vadd.bf16 v58, v3  }
0x1dd: {  	v5 =	vadd.bf16 v61, v5;
	v23 =	vadd.bf16 v24, v23;
	v24 =	vld.idx.msk [tilespmem:v32+s1+$0x0], $0xffff  }
0x1de: {  	v11 =	vadd.bf16 v11, v2;
	v2 =	vld [tilespmem:$0x1F8A0];
	v3 =	vadd.bf16 v40, v3  }
0x1df: {  	v5 =	vadd.bf16 v43, v5;
	v19 =	vld.idx.msk [tilespmem:v28+s1+$0x0], $0xffff  }
0x1e0: {  	v30 =	vadd.s32 $0xA370, v57;
	v3 =	vadd.bf16 v14, v3;
	v14 =	vadd.bf16 v16, v48;
	v16 =	vld [tilespmem:$0x1F8B0]  }
0x1e1: {  	v17 =	vld.idx.msk [tilespmem:v17+s1+$0x0], $0xffff  }
0x1e2: {  	v13 =	vadd.s32 $0xA375, v57;
	v5 =	vadd.bf16 v18, v5;
	v18 =	vld [tilespmem:$0x1F8D0]  }
0x1e3: {  	v25 =	vadd.bf16 v44, v25;
	v22 =	vadd.bf16 v22, v52;
	v21 =	vld.idx.msk [tilespmem:v21+s1+$0x0], $0xffff  }
0x1e4: {  	v19 =	vadd.bf16 v19, v20;
	v20 =	vld [tilespmem:$0x1F8E0]  }
0x1e5: {  	v22 =	vadd.bf16 v24, v22;
	v24 =	vadd.bf16 v31, v25;
	v25 =	vld.idx.msk [tilespmem:v30+s1+$0x0], $0xffff  }
0x1e6: {  	v2 =	vld.idx.msk [tilespmem:v2+s1+$0x0], $0xffff  }
0x1e7: {  	v4 =	vadd.bf16 v12, v4;
	v12 =	vld.idx.msk [tilespmem:v13+s1+$0x0], $0xffff  }
0x1e8: {  	v16 =	vld.idx.msk [tilespmem:v16+s1+$0x0], $0xffff  }
0x1e9: {  	v6 =	vadd.bf16 v42, v6;
	v13 =	vld [tilespmem:$0x1F880]  }
0x1ea: {  	v18 =	vld.idx.msk [tilespmem:v18+s1+$0x0], $0xffff  }
0x1eb: {  	v6 =	vadd.bf16 v27, v6;
	v52 =	vadd.bf16 v2, v19;
	v2 =	vld [tilespmem:$0x1FE70]  }
0x1ec: {  	v1 =	vadd.bf16 v51, v1;
	v20 =	vld.idx.msk [tilespmem:v20+s1+$0x0], $0xffff  }
0x1ed: {  	v51 =	vadd.bf16 v16, v6;
	v6 =	vld [tilespmem:$0x1FE80]  }
0x1ee: {  	v15 =	vld.idx.msk [tilespmem:v15+s1+$0x0], $0xffff;
	v1 =	vadd.bf16 v37, v1  }
0x1ef: {  	v56 =	vadd.bf16 v18, v4;
	v4 =	vld [tilespmem:$0x1FEA0]  }
0x1f0: {  	v50 =	vld [tilespmem:$0x1FFF0];
	v1 =	vadd.bf16 v25, v1  }
0x1f1: {  	v57 =	vadd.s32 $0xA37F, v57;
	v63 =	vadd.bf16 v46, v59;
	v59 =	vadd.bf16 v20, v3;
	v3 =	vld [tilespmem:$0x1FEB0]  }
0x1f2: {  	v58 =	vadd.bf16 v17, v5;
	v17 =	vadd.bf16 v21, v1;
	v1 =	vld [tilespmem:$0x1FEC0]  }
0x1f3: {  	v2 =	vld.idx.msk [tilespmem:v2+s1+$0x0], $0xffff  }
0x1f4: {  	v13 =	vld.idx.msk [tilespmem:v13+s1+$0x0], $0xffff  }
0x1f5: {  	v6 =	vld.idx.msk [tilespmem:v6+s1+$0x0], $0xffff  }
0x1f6: {  	v7 =	vadd.bf16 v7, v23;
	v53 =	vadd.bf16 v15, v24;
	v15 =	vld.idx.msk [tilespmem:v57+s1+$0x0], $0xffff  }
0x1f7: {  	v26 =	vadd.bf16 v45, v26;
	v4 =	vld.idx.msk [tilespmem:v4+s1+$0x0], $0xffff  }
0x1f8: {  	v20 =	vadd.bf16 v2, v7;
	v2 =	vld [tilespmem:$0x1FED0]  }
0x1f9: {  	v26 =	vadd.bf16 v35, v26;
	v3 =	vld.idx.msk [tilespmem:v3+s1+$0x0], $0xffff  }
0x1fa: {  	s21 =	sadd.s32 $0x20, s21;
	v13 =	vadd.bf16 v13, v22;
	v22 =	vadd.bf16 v6, v0;
	v0 =	vld [tilespmem:$0x1FEE0]  }
0x1fb: {  	v19 =	vld [tilespmem:s21+$0xFFFFFFF0]  }
0x1fc: {  	v5 =	vld [tilespmem:$0x1FE90];
	v12 =	vadd.bf16 v12, v26  }
0x1fd: {  	v57 =	vadd.bf16 v15, v10;
	v15 =	vld.idx.msk [tilespmem:v1+s1+$0x0], $0xffff  }
0x1fe: {  	v49 =	vadd.bf16 v3, v12;
	v3 =	vld [tilespmem:$0x1FF00]  }
0x1ff: {  	v34 =	vadd.bf16 v4, v11;
	v4 =	vld [tilespmem:$0x1FF20]  }
0x200: {  	v11 =	vshll.u32 v19, $0x4;
	v7 =	vld.idx.msk [tilespmem:v2+s1+$0x0], $0xffff  }
0x201: {  	v26 =	vand.u32 $0x7FF0, v11;
	v12 =	vshrl.u32 v19, $0x7;
	v2 =	vld [tilespmem:s21+$0x0]  }
0x202: {  	s20 =	sadd.s32 $0x20, s20;
	v28 =	vadd.bf16 v33, v63;
	v11 =	vor.u32 $0x1, v26;
	v63 =	vand.u32 $0x1FF0, v12;
	v6 =	vld.idx.msk [tilespmem:v0+s1+$0x0], $0xffff  }
0x203: {  	[tilespmem:$0x1F940] =	vst v11;
	v12 =	vadd.s32 $0x50D0, v63;
	v0 =	vld [tilespmem:s20+$0x0]  }
0x204: {  	v11 =	vld [tilespmem:$0x1FF50];
	[tilespmem:$0x1FA60] =	vst v12;
	v12 =	vadd.s32 $0x50D1, v63  }
0x205: {  	v9 =	vadd.bf16 v9, v28;
	[tilespmem:$0x1FA70] =	vst v12;
	v12 =	vld [tilespmem:$0x1FF60]  }
0x206: {  	v16 =	vld.idx.msk [tilespmem:v3+s1+$0x0], $0xffff  }
0x207: {  	v10 =	vmov s18;
	v40 =	vadd.bf16 v15, v9;
	v3 =	vld [tilespmem:$0x1FF10];
	v9 =	vshll.u32 v2, $0x4  }
0x208: {  	v1 =	vshll.u32 v10, $0x4;
	v42 =	vand.u32 $0x7FF0, v9;
	v9 =	vld [tilespmem:$0x1FF30];
	v10 =	vshll.u32 v0, $0x4  }
0x209: {  	v62 =	vand.u32 $0x3FF0, v10;
	v10 =	vld [tilespmem:$0x1FF40]  }
0x20a: {  	v5 =	vld.idx.msk [tilespmem:v5+s1+$0x0], $0xffff  }
0x20b: {  	v21 =	vor.u32 v50, v1;
	v1 =	vld [tilespmem:s20+$0xFFFFFFF0]  }
0x20c: {  	v11 =	vld.idx.msk [tilespmem:v11+s1+$0x0], $0xffff  }
0x20d: {  	v12 =	vld.idx.msk [tilespmem:v12+s1+$0x0], $0xffff  }
0x20e: {  	v61 =	vadd.bf16 v6, v8;
	v8 =	vld.idx.msk [tilespmem:v4+s1+$0x0], $0xffff  }
0x20f: {  	v18 =	vld.idx.msk [tilespmem:v3+s1+$0x0], $0xffff  }
0x210: {  	v9 =	vld.idx.msk [tilespmem:v9+s1+$0x0], $0xffff  }
0x211: {  	v10 =	vld.idx.msk [tilespmem:v10+s1+$0x0], $0xffff;
	[tilespmem:v21+s14+$0x0] =	vst.idx.msk $0xffff, v17;
	v17 =	vadd.s32 $0xA373, v62  }
0x212: {  	v23 =	vor.u32 $0x1, v21  }
0x213: {  	v24 =	vor.u32 $0x2, v21;
	v25 =	vadd.bf16 v5, v14  }
0x214: {  	v27 =	vor.u32 $0x3, v21;
	v28 =	vor.u32 $0x4, v21;
	v35 =	vor.u32 $0x5, v21  }
0x215: {  	v36 =	vor.u32 $0x6, v21;
	v38 =	vor.u32 $0x7, v21;
	v29 =	vadd.s32 $0xA370, v62  }
0x216: {  	v39 =	vor.u32 $0x8, v21;
	v30 =	vor.u32 $0xA, v21;
	v5 =	vor.u32 $0xC, v21;
	v17 =	vld.idx.msk [tilespmem:v17+s1+$0x0], $0xffff  }
0x217: {  	v15 =	vor.u32 $0x9, v21;
	v60 =	vadd.bf16 v7, v13;
	[tilespmem:v23+s14+$0x0] =	vst.idx.msk $0xffff, v20;
	v20 =	vadd.s32 $0x50D3, v63  }
0x218: {  	v7 =	vor.u32 $0xB, v21;
	v6 =	vor.u32 $0xD, v21;
	[tilespmem:$0x1FA90] =	vst v20;
	v20 =	vadd.s32 $0xA374, v62  }
0x219: {  	v4 =	vor.u32 $0xF, v21;
	v3 =	vor.u32 $0xE, v21;
	v21 =	vadd.s32 $0x50D4, v63  }
0x21a: {  	[tilespmem:$0x1FAA0] =	vst v21;
	v21 =	vld.idx.msk [tilespmem:v29+s1+$0x0], $0xffff  }
0x21b: {  	[tilespmem:$0x1FA30] =	vst v17;
	v17 =	vor.u32 $0x8, v26  }
0x21c: {  	v33 =	vadd.s32 $0xA371, v62;
	[tilespmem:$0x1FF70] =	vst v17;
	v17 =	vadd.s32 $0x50D8, v63  }
0x21d: {  	[tilespmem:$0x1FAE0] =	vst v17;
	v17 =	vld.idx.msk [tilespmem:v20+s1+$0x0], $0xffff;
	_ =	sdelay $0x1  }
0x21e: {  	[tilespmem:$0x1FA00] =	vst v21;
	v21 =	vadd.s32 $0xA375, v62  }
0x21f: {  	[tilespmem:v24+s14+$0x0] =	vst.idx.msk $0xffff, v22;
	v22 =	vadd.s32 $0x50D5, v63  }
0x220: {  	[tilespmem:$0x1FAB0] =	vst v22;
	v22 =	vld.idx.msk [tilespmem:v33+s1+$0x0], $0xffff  }
0x221: {  	[tilespmem:$0x1FA40] =	vst v17;
	v17 =	vor.u32 $0x9, v26  }
0x222: {  	v48 =	vadd.s32 $0xA372, v62;
	[tilespmem:$0x1FF80] =	vst v17;
	v17 =	vadd.s32 $0x50D9, v63  }
0x223: {  	[tilespmem:$0x1FAF0] =	vst v17;
	v17 =	vld.idx.msk [tilespmem:v21+s1+$0x0], $0xffff;
	_ =	sdelay $0x1  }
0x224: {  	[tilespmem:$0x1FA10] =	vst v22;
	v22 =	vadd.s32 $0xA376, v62  }
0x225: {  	v23 =	vadd.s32 $0x50D6, v63  }
0x226: {  	[tilespmem:$0x1FAC0] =	vst v23;
	v23 =	vld.idx.msk [tilespmem:v48+s1+$0x0], $0xffff  }
0x227: {  	[tilespmem:$0x1FA50] =	vst v17;
	v17 =	vor.u32 $0xA, v26  }
0x228: {  	[tilespmem:$0x1FF90] =	vst v17;
	v17 =	vadd.s32 $0x50DA, v63  }
0x229: {  	[tilespmem:$0x1FB00] =	vst v17;
	v17 =	vld.idx.msk [tilespmem:v22+s1+$0x0], $0xffff;
	_ =	sdelay $0x1  }
0x22a: {  	[tilespmem:$0x1FA20] =	vst v23;
	v23 =	vadd.s32 $0xA377, v62;
	_ =	sdelay $0x1  }
0x22b: {  	[tilespmem:v27+s14+$0x0] =	vst.idx.msk $0xffff, v25  }
0x22c: {  	[tilespmem:$0x1FB60] =	vst v17;
	v17 =	vor.u32 $0xB, v26  }
0x22d: {  	[tilespmem:$0x1FFA0] =	vst v17;
	v17 =	vadd.s32 $0x50DB, v63  }
0x22e: {  	[tilespmem:$0x1FB10] =	vst v17;
	v17 =	vld.idx.msk [tilespmem:v23+s1+$0x0], $0xffff  }
0x22f: {  	[tilespmem:v28+s14+$0x0] =	vst.idx.msk $0xffff, v34  }
0x230: {  	[tilespmem:v35+s14+$0x0] =	vst.idx.msk $0xffff, v49;
	v49 =	vadd.s32 $0xA378, v62;
	_ =	sdelay $0x2  }
0x231: {  	[tilespmem:$0x1FB80] =	vst v17;
	v17 =	vor.u32 $0xC, v26  }
0x232: {  	[tilespmem:$0x1FFB0] =	vst v17;
	v17 =	vadd.s32 $0x50DC, v63  }
0x233: {  	[tilespmem:$0x1FB20] =	vst v17;
	v17 =	vld.idx.msk [tilespmem:v49+s1+$0x0], $0xffff  }
0x234: {  	v20 =	vadd.s32 $0xA379, v62;
	_ =	sdelay $0x3  }
0x235: {  	[tilespmem:$0x1FBA0] =	vst v17;
	v17 =	vor.u32 $0xD, v26  }
0x236: {  	[tilespmem:$0x1FFC0] =	vst v17;
	v17 =	vld.idx.msk [tilespmem:v20+s1+$0x0], $0xffff  }
0x237: {  	v21 =	vadd.s32 $0xA37A, v62;
	_ =	sdelay $0x3  }
0x238: {  	[tilespmem:$0x1FBC0] =	vst v17;
	v17 =	vadd.s32 $0x50DD, v63  }
0x239: {  	[tilespmem:$0x1FB30] =	vst v17;
	v17 =	vld.idx.msk [tilespmem:v21+s1+$0x0], $0xffff;
	_ =	sdelay $0x1  }
0x23a: {  	v22 =	vadd.s32 $0xA37B, v62;
	_ =	sdelay $0x2  }
0x23b: {  	[tilespmem:$0x1FBE0] =	vst v17;
	v17 =	vor.u32 $0xE, v26  }
0x23c: {  	[tilespmem:$0x1FFD0] =	vst v17;
	v17 =	vadd.s32 $0x50DE, v63  }
0x23d: {  	[tilespmem:$0x1FB40] =	vst v17;
	v17 =	vld.idx.msk [tilespmem:v22+s1+$0x0], $0xffff;
	_ =	sdelay $0x1  }
0x23e: {  	v23 =	vadd.s32 $0xA37C, v62;
	_ =	sdelay $0x2  }
0x23f: {  	[tilespmem:$0x1FC10] =	vst v17;
	v17 =	vor.u32 $0xF, v26  }
0x240: {  	[tilespmem:$0x1FFE0] =	vst v17;
	v17 =	vadd.s32 $0x50DF, v63  }
0x241: {  	v20 =	vadd.s32 $0xA37E, v62;
	[tilespmem:$0x1FB50] =	vst v17;
	v17 =	vld.idx.msk [tilespmem:v23+s1+$0x0], $0xffff;
	_ =	sdelay $0x2  }
0x242: {  	v13 =	vor.u32 $0x2, v26  }
0x243: {  	[tilespmem:$0x1F930] =	vst v13  }
0x244: {  	s19 =	sadd.s32 $0x20, s19;
	v13 =	vadd.s32 $0x50D2, v63;
	[tilespmem:$0x1FC50] =	vst v17;
	v17 =	vld.idx.msk [tilespmem:v20+s1+$0x0], $0xffff  }
0x245: {  	[tilespmem:$0x1FA80] =	vst v13;
	v13 =	vld [tilespmem:s19+$0x0]  }
0x246: {  	v21 =	vadd.s32 $0xA37F, v62  }
0x247: {  	v19 =	vshra.s32 v19, $0x10;
	[tilespmem:v36+s14+$0x0] =	vst.idx.msk $0xffff, v40  }
0x248: {  	v19 =	vand.u32 $0xFFFFFFF0, v19;
	[tilespmem:v38+s14+$0x0] =	vst.idx.msk $0xffff, v60  }
0x249: {  	[tilespmem:$0x1FCC0] =	vst v17;
	v17 =	vadd.s32 $0x6E00, v19  }
0x24a: {  	v60 =	vshra.s32 v13, $0x10;
	[tilespmem:$0x1FB70] =	vst v17;
	v17 =	vadd.s32 $0x6E01, v19  }
0x24b: {  	v41 =	vand.u32 $0xFFFFFFF0, v60;
	[tilespmem:$0x1FB90] =	vst v17;
	v17 =	vld.idx.msk [tilespmem:v21+s1+$0x0], $0xffff  }
0x24c: {  	v35 =	vadd.s32 $0xA370, v41;
	_ =	sdelay $0x3  }
0x24d: {  	[tilespmem:$0x1FCE0] =	vst v17;
	v17 =	vadd.s32 $0x6E02, v19  }
0x24e: {  	[tilespmem:$0x1FBB0] =	vst v17;
	v17 =	vld.idx.msk [tilespmem:v35+s1+$0x0], $0xffff  }
0x24f: {  	v22 =	vadd.s32 $0xA371, v41;
	_ =	sdelay $0x3  }
0x250: {  	[tilespmem:$0x1FCF0] =	vst v17;
	v17 =	vadd.s32 $0x6E03, v19  }
0x251: {  	[tilespmem:$0x1FBD0] =	vst v17;
	v17 =	vld.idx.msk [tilespmem:v22+s1+$0x0], $0xffff;
	_ =	sdelay $0x1  }
0x252: {  	[tilespmem:v39+s14+$0x0] =	vst.idx.msk $0xffff, v61;
	v61 =	vadd.s32 $0xA372, v41;
	_ =	sdelay $0x2  }
0x253: {  	[tilespmem:$0x1FD00] =	vst v17;
	v17 =	vadd.s32 $0x6E04, v19  }
0x254: {  	[tilespmem:$0x1FBF0] =	vst v17;
	v17 =	vadd.s32 $0x6E05, v19  }
0x255: {  	[tilespmem:$0x1FC00] =	vst v17;
	v17 =	vld.idx.msk [tilespmem:v61+s1+$0x0], $0xffff;
	_ =	sdelay $0x1  }
0x256: {  	v55 =	vadd.s32 $0xA37D, v62;
	v62 =	vadd.s32 $0xA373, v41;
	_ =	sdelay $0x2  }
0x257: {  	[tilespmem:$0x1FD40] =	vst v17;
	v17 =	vadd.s32 $0x6E06, v19  }
0x258: {  	[tilespmem:$0x1FC20] =	vst v17;
	v17 =	vadd.s32 $0x6E07, v19  }
0x259: {  	[tilespmem:$0x1FC30] =	vst v17;
	v17 =	vld.idx.msk [tilespmem:v62+s1+$0x0], $0xffff;
	_ =	sdelay $0x1  }
0x25a: {  	v20 =	vadd.s32 $0xA374, v41  }
0x25b: {  	v14 =	vor.u32 $0x3, v26  }
0x25c: {  	[tilespmem:$0x1F9B0] =	vst v14  }
0x25d: {  	[tilespmem:$0x1FD80] =	vst v17;
	v17 =	vadd.s32 $0x6E08, v19  }
0x25e: {  	v21 =	vshrl.u32 v13, $0x6;
	[tilespmem:$0x1FC40] =	vst v17;
	v17 =	vadd.s32 $0x6E09, v19  }
0x25f: {  	v14 =	vor.u32 $0x4, v26;
	v46 =	vand.u32 $0x3FF0, v21;
	[tilespmem:$0x1FC60] =	vst v17;
	v17 =	vld.idx.msk [tilespmem:v20+s1+$0x0], $0xffff  }
0x260: {  	[tilespmem:$0x1F920] =	vst v14;
	v14 =	vor.u32 $0x5, v26;
	v32 =	vadd.s32 $0xA371, v46  }
0x261: {  	[tilespmem:$0x1F9F0] =	vst v14;
	v14 =	vor.u32 $0x6, v26;
	v24 =	vadd.s32 $0x50D7, v63;
	v63 =	vadd.s32 $0xA375, v41  }
0x262: {  	[tilespmem:$0x1F970] =	vst v14;
	v14 =	vor.u32 $0x7, v26  }
0x263: {  	[tilespmem:$0x1F960] =	vst v14  }
0x264: {  	v14 =	vld.idx.msk [tilespmem:v55+s1+$0x0], $0xffff;
	v13 =	vshll.u32 v13, $0x4;
	[tilespmem:$0x1FDC0] =	vst v17;
	v17 =	vadd.s32 $0x6E0A, v19  }
0x265: {  	v55 =	vand.u32 $0x3FF0, v13;
	v13 =	vld.idx.msk [tilespmem:v32+s1+$0x0], $0xffff;
	[tilespmem:$0x1FC70] =	vst v17;
	v17 =	vadd.s32 $0x6E0B, v19  }
0x266: {  	[tilespmem:$0x1FC80] =	vst v17;
	v17 =	vld.idx.msk [tilespmem:v63+s1+$0x0], $0xffff;
	_ =	sdelay $0x1  }
0x267: {  	v21 =	vadd.s32 $0xA376, v41;
	_ =	sdelay $0x1  }
0x268: {  	[tilespmem:$0x1F900] =	vst v13  }
0x269: {  	[tilespmem:$0x1FE00] =	vst v17;
	v17 =	vadd.s32 $0x6E0C, v19  }
0x26a: {  	v13 =	vadd.s32 $0xA376, v46;
	[tilespmem:$0x1FC90] =	vst v17;
	v17 =	vadd.s32 $0x6E0D, v19  }
0x26b: {  	[tilespmem:$0x1FCA0] =	vst v17;
	v17 =	vld.idx.msk [tilespmem:v21+s1+$0x0], $0xffff;
	_ =	sdelay $0x3  }
0x26c: {  	v13 =	vld.idx.msk [tilespmem:v13+s1+$0x0], $0xffff  }
0x26d: {  	v22 =	vadd.s32 $0xA370, v46;
	[tilespmem:$0x1FE40] =	vst v17;
	v17 =	vadd.s32 $0x6E0E, v19  }
0x26e: {  	[tilespmem:$0x1FCB0] =	vst v17;
	v17 =	vadd.s32 $0x6E0F, v19;
	v19 =	vadd.s32 $0xA370, v55  }
0x26f: {  	v23 =	vshra.s32 v1, $0x6  }
0x270: {  	[tilespmem:$0x1F950] =	vst v14;
	v23 =	vand.u32 $0xFFFFFFF0, v23  }
0x271: {  	[tilespmem:$0x1FEF0] =	vst v13;
	v13 =	vadd.s32 $0x817A, v23  }
0x272: {  	v14 =	vld.idx.msk [tilespmem:v22+s1+$0x0], $0xffff;
	[tilespmem:$0x1FDE0] =	vst v13;
	v13 =	vadd.s32 $0x817B, v23;
	v20 =	vadd.s32 $0xA373, v46  }
0x273: {  	[tilespmem:$0x1FDF0] =	vst v13;
	v13 =	vld.idx.msk [tilespmem:v19+s1+$0x0], $0xffff  }
0x274: {  	v22 =	vadd.s32 $0xA371, v55;
	_ =	sdelay $0x2  }
0x275: {  	[tilespmem:$0x1F8F0] =	vst v14;
	v14 =	vld.idx.msk [tilespmem:v20+s1+$0x0], $0xffff  }
0x276: {  	[tilespmem:$0x1F980] =	vst v13;
	v13 =	vadd.s32 $0x817C, v23  }
0x277: {  	[tilespmem:$0x1FE10] =	vst v13;
	v13 =	vld.idx.msk [tilespmem:v22+s1+$0x0], $0xffff  }
0x278: {  	v20 =	vadd.s32 $0xA372, v55  }
0x279: {  	[tilespmem:$0x1FAD0] =	vst v24  }
0x27a: {  	[tilespmem:$0x1F910] =	vst v14  }
0x27b: {  	[tilespmem:$0x1FCD0] =	vst v17  }
0x27c: {  	v0 =	vshra.s32 v0, $0x6;
	[tilespmem:$0x1F990] =	vst v13;
	v13 =	vadd.s32 $0x817D, v23  }
0x27d: {  	v43 =	vor.u32 $0x6, v42;
	v17 =	vadd.s32 $0x8170, v23;
	[tilespmem:$0x1FE20] =	vst v13;
	v13 =	vand.u32 $0xFFFFFFF0, v0;
	v0 =	vld.idx.msk [tilespmem:v20+s1+$0x0], $0xffff  }
0x27e: {  	v21 =	vadd.s32 $0xA375, v46;
	[tilespmem:$0x1FD10] =	vst v17;
	v17 =	vadd.s32 $0x8171, v23  }
0x27f: {  	v35 =	vadd.s32 $0xA373, v55;
	[tilespmem:$0x1FD20] =	vst v17;
	v17 =	vadd.s32 $0x8172, v23  }
0x280: {  	v39 =	vor.u32 $0x5, v42;
	[tilespmem:$0x1FD30] =	vst v17;
	v17 =	vadd.s32 $0x8173, v23  }
0x281: {  	v54 =	vld.idx.msk [tilespmem:v42+s1+$0x0], $0xffff;
	v36 =	vshll.u32 v1, $0x4;
	v1 =	vor.u32 $0xD, v42;
	[tilespmem:$0x1FD50] =	vst v17  }
0x282: {  	v47 =	vor.u32 $0x8, v42;
	v9 =	vadd.bf16 v9, v58;
	v58 =	vld.idx.msk [tilespmem:v43+s1+$0x0], $0xffff;
	[tilespmem:$0x1F9A0] =	vst v0;
	v0 =	vadd.s32 $0x817E, v23  }
0x283: {  	v33 =	vadd.s32 $0xA372, v46;
	v61 =	vld.idx.msk [tilespmem:v21+s1+$0x0], $0xffff;
	[tilespmem:$0x1FE30] =	vst v0;
	v0 =	vadd.s32 $0x817F, v23  }
0x284: {  	v21 =	vadd.s32 $0xA374, v55;
	v17 =	vadd.s32 $0x8174, v23;
	[tilespmem:$0x1FE50] =	vst v0;
	v0 =	vld.idx.msk [tilespmem:v35+s1+$0x0], $0xffff  }
0x285: {  	v10 =	vadd.bf16 v10, v56;
	v56 =	vld.idx.msk [tilespmem:v39+s1+$0x0], $0xffff;
	v34 =	vadd.s32 $0xA374, v46;
	[tilespmem:$0x1FD60] =	vst v17;
	v17 =	vadd.s32 $0x8175, v23  }
0x286: {  	v1 =	vld.idx.msk [tilespmem:v1+s1+$0x0], $0xffff;
	[tilespmem:$0x1FD70] =	vst v17;
	v17 =	vadd.s32 $0x8176, v23;
	v22 =	vadd.s32 $0xA376, v55  }
0x287: {  	v32 =	vld.idx.msk [tilespmem:v47+s1+$0x0], $0xffff;
	[tilespmem:$0x1FD90] =	vst v17;
	v17 =	vadd.s32 $0x8177, v23;
	v20 =	vadd.s32 $0xA377, v55  }
0x288: {  	v62 =	vld.idx.msk [tilespmem:v33+s1+$0x0], $0xffff;
	[tilespmem:$0x1FDA0] =	vst v17;
	v24 =	vadd.s32 $0x8171, v13  }
0x289: {  	v19 =	vadd.s32 $0xA375, v55;
	v17 =	vadd.s32 $0x8178, v23;
	[tilespmem:$0x1F9C0] =	vst v0;
	v0 =	vld.idx.msk [tilespmem:v21+s1+$0x0], $0xffff  }
0x28a: {  	v14 =	vld.idx.msk [tilespmem:v34+s1+$0x0], $0xffff;
	[tilespmem:$0x1FDB0] =	vst v17;
	v17 =	vadd.s32 $0x8179, v23;
	v23 =	vadd.s32 $0x8170, v13  }
0x28b: {  	v16 =	vadd.bf16 v16, v53;
	v18 =	vadd.bf16 v18, v52;
	v52 =	vld.idx.msk [tilespmem:v22+s1+$0x0], $0xffff;
	v25 =	vadd.s32 $0x8172, v13  }
0x28c: {  	v45 =	vor.u32 $0x7, v42;
	v53 =	vld.idx.msk [tilespmem:v20+s1+$0x0], $0xffff  }
0x28d: {  	[tilespmem:v15+s14+$0x0] =	vst.idx.msk $0xffff, v16;
	v20 =	vadd.s32 $0x8175, v13;
	v15 =	vld.idx.msk [tilespmem:v24+s1+$0x0], $0xffff  }
0x28e: {  	[tilespmem:$0x1F9D0] =	vst v0;
	v0 =	vld.idx.msk [tilespmem:v19+s1+$0x0], $0xffff;
	v19 =	vadd.s32 $0x8173, v13  }
0x28f: {  	v16 =	vshra.s32 v2, $0x10;
	v22 =	vadd.s32 $0x8174, v13;
	v60 =	vld.idx.msk [tilespmem:v23+s1+$0x0], $0xffff  }
0x290: {  	v23 =	vand.u32 $0xFFFFFFF0, v16;
	v16 =	vld.idx.msk [tilespmem:v25+s1+$0x0], $0xffff;
	v25 =	vadd.s32 $0x8177, v13  }
0x291: {  	[tilespmem:$0x1FDD0] =	vst v17;
	v35 =	vld.idx.msk [tilespmem:v45+s1+$0x0], $0xffff;
	v17 =	vadd.s32 $0x6E00, v23  }
0x292: {  	v20 =	vld.idx.msk [tilespmem:v20+s1+$0x0], $0xffff;
	v27 =	vadd.s32 $0x6E01, v23  }
0x293: {  	[tilespmem:v30+s14+$0x0] =	vst.idx.msk $0xffff, v18;
	v28 =	vadd.s32 $0x6E02, v23;
	v18 =	vld.idx.msk [tilespmem:v19+s1+$0x0], $0xffff  }
0x294: {  	v29 =	vadd.s32 $0x6E03, v23;
	v19 =	vld.idx.msk [tilespmem:v22+s1+$0x0], $0xffff  }
0x295: {  	v21 =	vand.u32 $0x3FF0, v36;
	v36 =	vor.u32 $0xA, v42;
	v22 =	vld.idx.msk [tilespmem:v25+s1+$0x0], $0xffff  }
0x296: {  	v25 =	vadd.bf16 v8, v51;
	v8 =	vld.idx.msk [tilespmem:v17+s1+$0x0], $0xffff;
	v17 =	vadd.s32 $0x6E05, v23  }
0x297: {  	v37 =	vshrl.u32 v2, $0x7;
	v2 =	vld.idx.msk [tilespmem:v27+s1+$0x0], $0xffff;
	v27 =	vadd.s32 $0x6E06, v23  }
0x298: {  	[tilespmem:v7+s14+$0x0] =	vst.idx.msk $0xffff, v25;
	v7 =	vld.idx.msk [tilespmem:v28+s1+$0x0], $0xffff;
	v28 =	vadd.s32 $0x6E07, v23  }
0x299: {  	v11 =	vadd.bf16 v11, v59;
	v25 =	vand.u32 $0x1FF0, v37;
	[tilespmem:v5+s14+$0x0] =	vst.idx.msk $0xffff, v9;
	v5 =	vld.idx.msk [tilespmem:v29+s1+$0x0], $0xffff;
	v29 =	vor.u32 $0x4, v42  }
0x29a: {  	v12 =	vadd.bf16 v12, v57;
	v36 =	vld.idx.msk [tilespmem:v36+s1+$0x0], $0xffff;
	v38 =	vadd.s32 $0x50D4, v25;
	[tilespmem:v6+s14+$0x0] =	vst.idx.msk $0xffff, v10  }
0x29b: {  	v40 =	vadd.s32 $0x50D5, v25;
	[tilespmem:v3+s14+$0x0] =	vst.idx.msk $0xffff, v11;
	v3 =	vld.idx.msk [tilespmem:v17+s1+$0x0], $0xffff  }
0x29c: {  	v44 =	vadd.s32 $0x50D6, v25;
	[tilespmem:v4+s14+$0x0] =	vst.idx.msk $0xffff, v12;
	v4 =	vld.idx.msk [tilespmem:v27+s1+$0x0], $0xffff  }
0x29d: {  	v31 =	vadd.s32 $0x50D7, v25;
	v9 =	vld.idx.msk [tilespmem:v28+s1+$0x0], $0xffff  }
0x29e: {  	v63 =	vadd.s32 $0x50D8, v25;
	v29 =	vld.idx.msk [tilespmem:v29+s1+$0x0], $0xffff  }
0x29f: {  	v45 =	vor.u32 $0xB, v42;
	v30 =	vld.idx.msk [tilespmem:v38+s1+$0x0], $0xffff  }
0x2a0: {  	v47 =	vadd.s32 $0x50DB, v25;
	v57 =	vld.idx.msk [tilespmem:v40+s1+$0x0], $0xffff  }
0x2a1: {  	v10 =	vor.u32 $0x1, v42;
	v59 =	vld.idx.msk [tilespmem:v44+s1+$0x0], $0xffff  }
0x2a2: {  	v11 =	vadd.s32 $0x50D1, v25;
	v31 =	vld.idx.msk [tilespmem:v31+s1+$0x0], $0xffff  }
0x2a3: {  	[tilespmem:$0x1F9E0] =	vst v0;
	v0 =	vadd.s32 $0xA370, v21;
	v17 =	vadd.s32 $0x50D2, v25;
	v33 =	vld.idx.msk [tilespmem:v63+s1+$0x0], $0xffff  }
0x2a4: {  	[tilespmem:$0x1FE60] =	vst v0;
	v0 =	vadd.s32 $0xA371, v21;
	v12 =	vor.u32 $0x2, v42;
	v38 =	vld.idx.msk [tilespmem:v45+s1+$0x0], $0xffff  }
0x2a5: {  	[tilespmem:$0x1FE70] =	vst v0;
	v0 =	vadd.s32 $0xA372, v21;
	v27 =	vor.u32 $0x3, v42;
	v39 =	vld.idx.msk [tilespmem:v47+s1+$0x0], $0xffff  }
0x2a6: {  	[tilespmem:$0x1FE80] =	vst v0;
	v0 =	vadd.s32 $0xA373, v21;
	v28 =	vadd.s32 $0x50D3, v25;
	v10 =	vld.idx.msk [tilespmem:v10+s1+$0x0], $0xffff  }
0x2a7: {  	[tilespmem:$0x1FE90] =	vst v0;
	v0 =	vadd.s32 $0xA374, v21;
	v40 =	vor.u32 $0x9, v42;
	v11 =	vld.idx.msk [tilespmem:v11+s1+$0x0], $0xffff  }
0x2a8: {  	v43 =	vadd.s32 $0x50D9, v25;
	[tilespmem:$0x1FEA0] =	vst v0;
	v0 =	vadd.s32 $0xA375, v21;
	v17 =	vld.idx.msk [tilespmem:v17+s1+$0x0], $0xffff  }
0x2a9: {  	[tilespmem:$0x1FEB0] =	vst v0;
	v0 =	vadd.s32 $0xA376, v21;
	v44 =	vadd.s32 $0x50DA, v25;
	v12 =	vld.idx.msk [tilespmem:v12+s1+$0x0], $0xffff  }
0x2aa: {  	[tilespmem:$0x1FEC0] =	vst v0;
	v0 =	vadd.s32 $0xA377, v21;
	v63 =	vor.u32 $0xC, v42;
	v27 =	vld.idx.msk [tilespmem:v27+s1+$0x0], $0xffff  }
0x2ab: {  	[tilespmem:$0x1FED0] =	vst v0;
	v0 =	vadd.s32 $0xA378, v21;
	v47 =	vor.u32 $0xF, v42;
	v28 =	vld.idx.msk [tilespmem:v28+s1+$0x0], $0xffff  }
0x2ac: {  	v49 =	vadd.s32 $0x6E09, v23;
	[tilespmem:$0x1FEE0] =	vst v0;
	v0 =	vadd.s32 $0xA379, v21;
	v34 =	vld.idx.msk [tilespmem:v40+s1+$0x0], $0xffff  }
0x2ad: {  	v24 =	vadd.s32 $0x8176, v13;
	[tilespmem:$0x1FF00] =	vst v0;
	v0 =	vadd.s32 $0xA37A, v21;
	v40 =	vld.idx.msk [tilespmem:v43+s1+$0x0], $0xffff  }
0x2ae: {  	[tilespmem:$0x1FF10] =	vst v0;
	v0 =	vadd.s32 $0xA37B, v21;
	v37 =	vld.idx.msk [tilespmem:v44+s1+$0x0], $0xffff  }
0x2af: {  	v48 =	vadd.s32 $0x6E08, v23;
	v51 =	vadd.s32 $0x50D0, v25;
	[tilespmem:$0x1FF20] =	vst v0;
	v0 =	vadd.s32 $0xA37C, v21;
	v45 =	vld.idx.msk [tilespmem:v63+s1+$0x0], $0xffff  }
0x2b0: {  	s23 =	sadd.s32 $0x10, s22;
	[tilespmem:$0x1FF30] =	vst v0;
	v0 =	vadd.s32 $0xA37D, v21;
	v43 =	vadd.s32 $0x50DD, v25;
	v44 =	vor.u32 $0xE, v42;
	v47 =	vld.idx.msk [tilespmem:v47+s1+$0x0], $0xffff  }
0x2b1: {  	v63 =	vmov s23;
	v31 =	vadd.bf16 v31, v35;
	v35 =	vld.idx.msk [tilespmem:v49+s1+$0x0], $0xffff;
	[tilespmem:$0x1FF40] =	vst v0;
	v0 =	vadd.s32 $0xA37E, v21  }
0x2b2: {  	v42 =	vshll.u32 v63, $0x4;
	[tilespmem:$0x1FF50] =	vst v0;
	v0 =	vadd.s32 $0xA37F, v21;
	v21 =	vld.idx.msk [tilespmem:v24+s1+$0x0], $0xffff;
	v24 =	vadd.s32 $0x6E04, v23  }
0x2b3: {  	v32 =	vadd.bf16 v33, v32;
	v33 =	vld [tilespmem:$0x1F940];
	v42 =	vor.u32 v50, v42;
	v12 =	vadd.bf16 v17, v12  }
0x2b4: {  	v50 =	vadd.s32 $0x6E0A, v23;
	v17 =	vadd.bf16 v28, v27;
	v28 =	vadd.bf16 v30, v29;
	v30 =	vld.idx.msk [tilespmem:v48+s1+$0x0], $0xffff  }
0x2b5: {  	v10 =	vadd.bf16 v11, v10;
	v11 =	vadd.s32 $0x6E0B, v23;
	v43 =	vld.idx.msk [tilespmem:v43+s1+$0x0], $0xffff  }
0x2b6: {  	[tilespmem:$0x1FF60] =	vst v0;
	v0 =	vadd.s32 $0x50DC, v25;
	v44 =	vld.idx.msk [tilespmem:v44+s1+$0x0], $0xffff  }
0x2b7: {  	v27 =	vadd.s32 $0x6E0C, v23;
	v6 =	vld.idx.msk [tilespmem:v24+s1+$0x0], $0xffff  }
0x2b8: {  	v49 =	vadd.s32 $0x6E0E, v23;
	v48 =	vadd.s32 $0x6E0D, v23;
	v23 =	vadd.s32 $0x6E0F, v23;
	v24 =	vld.idx.msk [tilespmem:v51+s1+$0x0], $0xffff  }
0x2b9: {  	v29 =	vadd.bf16 v57, v56;
	v57 =	vadd.s32 $0x8178, v13;
	v56 =	vadd.bf16 v40, v34;
	v34 =	vld.idx.msk [tilespmem:v50+s1+$0x0], $0xffff  }
0x2ba: {  	v11 =	vld.idx.msk [tilespmem:v11+s1+$0x0], $0xffff  }
0x2bb: {  	v0 =	vld.idx.msk [tilespmem:v0+s1+$0x0], $0xffff  }
0x2bc: {  	v51 =	vadd.s32 $0x50DE, v25;
	v27 =	vld.idx.msk [tilespmem:v27+s1+$0x0], $0xffff  }
0x2bd: {  	v5 =	vadd.bf16 v5, v17;
	v25 =	vadd.s32 $0x50DF, v25;
	v17 =	vld.idx.msk [tilespmem:v23+s1+$0x0], $0xffff  }
0x2be: {  	v23 =	vld.idx.msk [tilespmem:v57+s1+$0x0], $0xffff  }
0x2bf: {  	v30 =	vadd.bf16 v30, v32;
	v32 =	vld [tilespmem:$0x1F930]  }
0x2c0: {  	v36 =	vadd.bf16 v37, v36;
	v1 =	vadd.bf16 v43, v1;
	v43 =	vld.idx.msk [tilespmem:v48+s1+$0x0], $0xffff  }
0x2c1: {  	v37 =	vadd.bf16 v39, v38;
	v7 =	vadd.bf16 v7, v12;
	v12 =	vadd.s32 $0x817C, v13;
	v51 =	vld.idx.msk [tilespmem:v51+s1+$0x0], $0xffff  }
0x2c2: {  	v39 =	vadd.bf16 v18, v5;
	v24 =	vadd.bf16 v24, v54;
	v25 =	vld.idx.msk [tilespmem:v25+s1+$0x0], $0xffff  }
0x2c3: {  	v18 =	vadd.s32 $0xA37C, v55;
	v54 =	vadd.bf16 v59, v58;
	v0 =	vadd.bf16 v0, v45;
	v45 =	vld [tilespmem:$0x1F8F0]  }
0x2c4: {  	v2 =	vadd.bf16 v2, v10;
	v58 =	vadd.s32 $0x8179, v13;
	v8 =	vadd.bf16 v8, v24;
	v24 =	vld.idx.msk [tilespmem:v49+s1+$0x0], $0xffff  }
0x2c5: {  	v49 =	vld [tilespmem:$0x1F910];
	v4 =	vadd.bf16 v4, v54  }
0x2c6: {  	v50 =	vmovc v14;
	v14 =	vadd.bf16 v15, v2;
	v59 =	vadd.s32 $0x817A, v13;
	v0 =	vadd.bf16 v27, v0;
	v27 =	vld.idx.msk [tilespmem:v12+s1+$0x0], $0xffff  }
0x2c7: {  	v10 =	vadd.s32 $0x817B, v13;
	v2 =	vadd.bf16 v21, v4;
	v4 =	vadd.bf16 v23, v30;
	v30 =	vld [tilespmem:$0x1F920]  }
0x2c8: {  	v6 =	vadd.bf16 v6, v28;
	v28 =	vadd.s32 $0x817D, v13;
	v21 =	vld.idx.msk [tilespmem:v18+s1+$0x0], $0xffff  }
0x2c9: {  	v9 =	vadd.bf16 v9, v31;
	v3 =	vadd.bf16 v3, v29;
	v29 =	vld.idx.msk [tilespmem:v58+s1+$0x0], $0xffff  }
0x2ca: {  	v31 =	vadd.s32 $0x817E, v13;
	v13 =	vadd.s32 $0x817F, v13;
	v25 =	vadd.bf16 v25, v47;
	v47 =	vld [tilespmem:$0x1F900]  }
0x2cb: {  	v57 =	vadd.s32 $0xA378, v55;
	v54 =	vadd.bf16 v35, v56;
	v56 =	vld.idx.msk [tilespmem:v59+s1+$0x0], $0xffff  }
0x2cc: {  	v58 =	vld.idx.msk [tilespmem:v10+s1+$0x0], $0xffff  }
0x2cd: {  	v15 =	vadd.s32 $0xA37B, v55;
	v28 =	vld.idx.msk [tilespmem:v28+s1+$0x0], $0xffff  }
0x2ce: {  	v5 =	vadd.bf16 v29, v54;
	v54 =	vadd.bf16 v27, v0;
	v0 =	vld [tilespmem:$0x1F980]  }
0x2cf: {  	v48 =	vmov v62;
	v62 =	vadd.s32 $0xA37D, v55;
	v13 =	vld.idx.msk [tilespmem:v13+s1+$0x0], $0xffff  }
0x2d0: {  	v11 =	vadd.bf16 v11, v37;
	v23 =	vadd.s32 $0xA37F, v55;
	v10 =	vld.idx.msk [tilespmem:v57+s1+$0x0], $0xffff  }
0x2d1: {  	v8 =	vadd.bf16 v60, v8;
	v59 =	vadd.s32 $0xA379, v55;
	v17 =	vadd.bf16 v17, v25;
	v25 =	vld.idx.msk [tilespmem:v31+s1+$0x0], $0xffff  }
0x2d2: {  	v44 =	vadd.bf16 v51, v44;
	v51 =	vmovc v61;
	v61 =	vadd.s32 $0xA37A, v55;
	v31 =	vadd.bf16 v16, v7;
	v16 =	vld.idx.msk [tilespmem:v15+s1+$0x0], $0xffff  }
0x2d3: {  	v7 =	vadd.bf16 v58, v11;
	v58 =	vadd.bf16 v0, v8;
	v0 =	vld [tilespmem:$0x1F990]  }
0x2d4: {  	v15 =	vld.idx.msk [tilespmem:v62+s1+$0x0], $0xffff  }
0x2d5: {  	v23 =	vld.idx.msk [tilespmem:v23+s1+$0x0], $0xffff  }
0x2d6: {  	v34 =	vadd.bf16 v34, v36;
	v12 =	vld.idx.msk [tilespmem:v59+s1+$0x0], $0xffff  }
0x2d7: {  	v24 =	vadd.bf16 v24, v44;
	v44 =	vadd.bf16 v20, v3;
	v20 =	vld.idx.msk [tilespmem:v61+s1+$0x0], $0xffff  }
0x2d8: {  	v19 =	vadd.bf16 v19, v6;
	v59 =	vadd.bf16 v0, v14;
	v0 =	vld [tilespmem:$0x1F9A0]  }
0x2d9: {  	v1 =	vadd.bf16 v43, v1;
	v6 =	vadd.bf16 v56, v34;
	v34 =	vld [tilespmem:$0x1F950]  }
0x2da: {  	v3 =	vadd.bf16 v22, v9;
	v22 =	vadd.s32 $0xA37E, v55;
	v27 =	vld [tilespmem:$0x1F960]  }
0x2db: {  	v29 =	vadd.s32 $0xA377, v46;
	v55 =	vadd.bf16 v28, v1;
	v1 =	vld [tilespmem:$0x1F9D0]  }
0x2dc: {  	v8 =	vld [tilespmem:$0x1F9E0]  }
0x2dd: {  	p0 =	slt.u32 s22, $0x220;
	v60 =	vadd.bf16 v0, v31;
	v0 =	vld [tilespmem:$0x1F9C0]  }
.Ltmp0:
0x2de: {  	v28 =	vld [tilespmem:$0x1F970];
	(pc) =	sbr.rel @p0 .LBB2_3-.Ltmp0, $4  }
0x2df: {  	v63 =	vor.u32 $0x1, v42;
	v9 =	vadd.s32 $0xA379, v46;
	v18 =	vld.idx.msk [tilespmem:v22+s1+$0x0], $0xffff  }
0x2e0: {  	v11 =	vadd.s32 $0xA378, v46;
	v57 =	vadd.bf16 v13, v17;
	v13 =	vadd.s32 $0xA37C, v46;
	v62 =	vld.idx.msk [tilespmem:v29+s1+$0x0], $0xffff  }
0x2e1: {  	v56 =	vadd.bf16 v25, v24;
	v1 =	vadd.bf16 v1, v19;
	v29 =	vld [tilespmem:$0x1F9F0];
	v14 =	vadd.s32 $0xA37A, v46  }
0x2e2: {  	s18 =	smov.u32 s22;
	s22 =	sadd.s32 $0x20, s22;
	v8 =	vadd.bf16 v8, v44;
	v31 =	vld [tilespmem:$0x1F9B0];
	v61 =	vadd.bf16 v0, v39;
	v0 =	vadd.s32 $0xA37B, v46  }
0x2e3: {  	_ =	sdelay $0x2  }
0x2e4: {  	v43 =	vadd.s32 $0xA37D, v46  }
0x2e5: {  	v35 =	vld.idx.msk [tilespmem:v11+s1+$0x0], $0xffff;
	v44 =	vadd.s32 $0xA37E, v46  }
0x2e6: {  	v36 =	vld.idx.msk [tilespmem:v9+s1+$0x0], $0xffff;
	v22 =	vadd.s32 $0xA37F, v46  }
0x2e7: {  	v37 =	vld.idx.msk [tilespmem:v14+s1+$0x0], $0xffff;
	v24 =	vadd.s32 $0xA377, v41  }
0x2e8: {  	v39 =	vld.idx.msk [tilespmem:v13+s1+$0x0], $0xffff;
	v25 =	vadd.s32 $0xA378, v41  }
0x2e9: {  	v17 =	vadd.s32 $0xA379, v41;
	v40 =	vld.idx.msk [tilespmem:v43+s1+$0x0], $0xffff  }
0x2ea: {  	v19 =	vadd.s32 $0xA37A, v41;
	v43 =	vld.idx.msk [tilespmem:v44+s1+$0x0], $0xffff  }
0x2eb: {  	v44 =	vld.idx.msk [tilespmem:v22+s1+$0x0], $0xffff  }
0x2ec: {  	v22 =	vadd.s32 $0xA37B, v41;
	v11 =	vld.idx.msk [tilespmem:v24+s1+$0x0], $0xffff  }
0x2ed: {  	v46 =	vadd.s32 $0xA37C, v41;
	v9 =	vld.idx.msk [tilespmem:v25+s1+$0x0], $0xffff  }
0x2ee: {  	v24 =	vadd.s32 $0xA37D, v41;
	v13 =	vld.idx.msk [tilespmem:v17+s1+$0x0], $0xffff  }
0x2ef: {  	v14 =	vld.idx.msk [tilespmem:v19+s1+$0x0], $0xffff;
	v25 =	vadd.s32 $0xA37F, v41  }
0x2f0: {  	v17 =	vadd.s32 $0xA37E, v41;
	v41 =	vld [tilespmem:$0x1FA60]  }
0x2f1: {  	v19 =	vld.idx.msk [tilespmem:v22+s1+$0x0], $0xffff  }
0x2f2: {  	v22 =	vld.idx.msk [tilespmem:v46+s1+$0x0], $0xffff  }
0x2f3: {  	v46 =	vld.idx.msk [tilespmem:v24+s1+$0x0], $0xffff  }
0x2f4: {  	v24 =	vld.idx.msk [tilespmem:v25+s1+$0x0], $0xffff  }
0x2f5: {  	v25 =	vld.idx.msk [tilespmem:v33+s1+$0x0], $0xffff;
	_ =	sdelay $0x1  }
0x2f6: {  	v38 =	vld.idx.msk [tilespmem:v0+s1+$0x0], $0xffff  }
0x2f7: {  	v33 =	vld [tilespmem:$0x1FA70]  }
0x2f8: {  	v0 =	vld.idx.msk [tilespmem:v17+s1+$0x0], $0xffff  }
0x2f9: {  	v41 =	vld.idx.msk [tilespmem:v41+s1+$0x0], $0xffff;
	[tilespmem:$0x1F410] =	vst v25  }
0x2fa: {  	v25 =	vld.idx.msk [tilespmem:v32+s1+$0x0], $0xffff;
	_ =	sdelay $0x2  }
0x2fb: {  	v32 =	vld [tilespmem:$0x1FA80];
	_ =	sdelay $0x1  }
0x2fc: {  	v33 =	vld.idx.msk [tilespmem:v33+s1+$0x0], $0xffff;
	[tilespmem:$0x1F420] =	vst v25  }
0x2fd: {  	v25 =	vld.idx.msk [tilespmem:v31+s1+$0x0], $0xffff;
	_ =	sdelay $0x2  }
0x2fe: {  	v31 =	vld [tilespmem:$0x1FA90];
	_ =	sdelay $0x1  }
0x2ff: {  	v32 =	vld.idx.msk [tilespmem:v32+s1+$0x0], $0xffff;
	[tilespmem:$0x1F430] =	vst v25  }
0x300: {  	v25 =	vld.idx.msk [tilespmem:v30+s1+$0x0], $0xffff;
	_ =	sdelay $0x2  }
0x301: {  	v30 =	vld [tilespmem:$0x1FAA0];
	_ =	sdelay $0x1  }
0x302: {  	v31 =	vld.idx.msk [tilespmem:v31+s1+$0x0], $0xffff;
	[tilespmem:$0x1F440] =	vst v25  }
0x303: {  	v25 =	vld.idx.msk [tilespmem:v29+s1+$0x0], $0xffff;
	_ =	sdelay $0x2  }
0x304: {  	v29 =	vld [tilespmem:$0x1FAB0];
	_ =	sdelay $0x1  }
0x305: {  	v30 =	vld.idx.msk [tilespmem:v30+s1+$0x0], $0xffff;
	[tilespmem:$0x1F450] =	vst v25  }
0x306: {  	v25 =	vld.idx.msk [tilespmem:v28+s1+$0x0], $0xffff;
	_ =	sdelay $0x1  }
0x307: {  	v28 =	vld [tilespmem:$0x1FAC0];
	_ =	sdelay $0x2  }
0x308: {  	v29 =	vld.idx.msk [tilespmem:v29+s1+$0x0], $0xffff;
	[tilespmem:$0x1F460] =	vst v25  }
0x309: {  	v25 =	vld.idx.msk [tilespmem:v27+s1+$0x0], $0xffff;
	_ =	sdelay $0x3  }
0x30a: {  	v28 =	vld.idx.msk [tilespmem:v28+s1+$0x0], $0xffff  }
0x30b: {  	[tilespmem:$0x1F470] =	vst v25;
	v25 =	vld [tilespmem:$0x1FF70];
	_ =	sdelay $0x6  }
0x30c: {  	v27 =	vld [tilespmem:$0x1FAD0]  }
0x30d: {  	v17 =	vld.idx.msk [tilespmem:v25+s1+$0x0], $0xffff  }
0x30e: {  	v25 =	vld [tilespmem:$0x1FAE0];
	_ =	sdelay $0x6  }
0x30f: {  	v27 =	vld.idx.msk [tilespmem:v27+s1+$0x0], $0xffff;
	[tilespmem:$0x1F480] =	vst v17  }
0x310: {  	v17 =	vld.idx.msk [tilespmem:v25+s1+$0x0], $0xffff  }
0x311: {  	v25 =	vld [tilespmem:$0x1FF80];
	_ =	sdelay $0x6  }
0x312: {  	[tilespmem:$0x1F490] =	vst v17  }
0x313: {  	v17 =	vld.idx.msk [tilespmem:v25+s1+$0x0], $0xffff;
	_ =	sdelay $0x4  }
0x314: {  	[tilespmem:$0x1F4A0] =	vst v17;
	v17 =	vld [tilespmem:$0x1FF90];
	_ =	sdelay $0x3  }
0x315: {  	v25 =	vld [tilespmem:$0x1FAF0];
	_ =	sdelay $0x3  }
0x316: {  	v17 =	vld.idx.msk [tilespmem:v17+s1+$0x0], $0xffff;
	_ =	sdelay $0x3  }
0x317: {  	v25 =	vld.idx.msk [tilespmem:v25+s1+$0x0], $0xffff  }
0x318: {  	[tilespmem:$0x1F4B0] =	vst v17;
	v17 =	vld [tilespmem:$0x1FB00];
	_ =	sdelay $0x7  }
0x319: {  	v17 =	vld.idx.msk [tilespmem:v17+s1+$0x0], $0xffff;
	_ =	sdelay $0x4  }
0x31a: {  	[tilespmem:$0x1F4C0] =	vst v17;
	v17 =	vld [tilespmem:$0x1FFA0];
	_ =	sdelay $0x7  }
0x31b: {  	v17 =	vld.idx.msk [tilespmem:v17+s1+$0x0], $0xffff;
	_ =	sdelay $0x4  }
0x31c: {  	[tilespmem:$0x1F4D0] =	vst v17;
	v17 =	vld [tilespmem:$0x1FB10];
	_ =	sdelay $0x7  }
0x31d: {  	v17 =	vld.idx.msk [tilespmem:v17+s1+$0x0], $0xffff;
	_ =	sdelay $0x4  }
0x31e: {  	[tilespmem:$0x1F4E0] =	vst v17;
	v17 =	vld [tilespmem:$0x1FFB0];
	_ =	sdelay $0x7  }
0x31f: {  	v17 =	vld.idx.msk [tilespmem:v17+s1+$0x0], $0xffff;
	_ =	sdelay $0x4  }
0x320: {  	[tilespmem:$0x1F4F0] =	vst v17;
	v17 =	vld [tilespmem:$0x1FB20];
	_ =	sdelay $0x7  }
0x321: {  	v17 =	vld.idx.msk [tilespmem:v17+s1+$0x0], $0xffff;
	_ =	sdelay $0x4  }
0x322: {  	[tilespmem:$0x1F500] =	vst v17;
	v17 =	vld [tilespmem:$0x1FFC0];
	_ =	sdelay $0x7  }
0x323: {  	v17 =	vld.idx.msk [tilespmem:v17+s1+$0x0], $0xffff;
	_ =	sdelay $0x4  }
0x324: {  	[tilespmem:$0x1F510] =	vst v17;
	v17 =	vld [tilespmem:$0x1FB30];
	_ =	sdelay $0x7  }
0x325: {  	v17 =	vld.idx.msk [tilespmem:v17+s1+$0x0], $0xffff;
	_ =	sdelay $0x4  }
0x326: {  	[tilespmem:$0x1F520] =	vst v17;
	v17 =	vld [tilespmem:$0x1FFD0];
	_ =	sdelay $0x7  }
0x327: {  	v17 =	vld.idx.msk [tilespmem:v17+s1+$0x0], $0xffff;
	_ =	sdelay $0x4  }
0x328: {  	[tilespmem:$0x1F530] =	vst v17;
	v17 =	vld [tilespmem:$0x1FB40];
	_ =	sdelay $0x7  }
0x329: {  	v17 =	vld.idx.msk [tilespmem:v17+s1+$0x0], $0xffff;
	_ =	sdelay $0x4  }
0x32a: {  	[tilespmem:$0x1F540] =	vst v17;
	v17 =	vld [tilespmem:$0x1FFE0];
	_ =	sdelay $0x7  }
0x32b: {  	v17 =	vld.idx.msk [tilespmem:v17+s1+$0x0], $0xffff;
	_ =	sdelay $0x4  }
0x32c: {  	[tilespmem:$0x1F550] =	vst v17;
	v17 =	vld [tilespmem:$0x1FB50];
	_ =	sdelay $0x7  }
0x32d: {  	v17 =	vld.idx.msk [tilespmem:v17+s1+$0x0], $0xffff;
	_ =	sdelay $0x4  }
0x32e: {  	[tilespmem:$0x1F560] =	vst v17  }
0x32f: {  	v17 =	vld.idx.msk [tilespmem:v26+s1+$0x0], $0xffff  }
0x330: {  	v26 =	vld [tilespmem:$0x1FB70];
	_ =	sdelay $0x7  }
0x331: {  	v26 =	vld.idx.msk [tilespmem:v26+s1+$0x0], $0xffff;
	_ =	sdelay $0x4  }
0x332: {  	[tilespmem:$0x1F570] =	vst v26;
	v26 =	vld [tilespmem:$0x1FB90];
	_ =	sdelay $0x7  }
0x333: {  	v26 =	vld.idx.msk [tilespmem:v26+s1+$0x0], $0xffff;
	_ =	sdelay $0x4  }
0x334: {  	[tilespmem:$0x1F580] =	vst v26;
	v26 =	vld [tilespmem:$0x1FBB0];
	_ =	sdelay $0x7  }
0x335: {  	v26 =	vld.idx.msk [tilespmem:v26+s1+$0x0], $0xffff;
	_ =	sdelay $0x4  }
0x336: {  	[tilespmem:$0x1F590] =	vst v26;
	v26 =	vld [tilespmem:$0x1FBD0];
	_ =	sdelay $0x7  }
0x337: {  	v26 =	vld.idx.msk [tilespmem:v26+s1+$0x0], $0xffff;
	_ =	sdelay $0x4  }
0x338: {  	[tilespmem:$0x1F5A0] =	vst v26;
	v26 =	vld [tilespmem:$0x1FBF0];
	_ =	sdelay $0x7  }
0x339: {  	v26 =	vld.idx.msk [tilespmem:v26+s1+$0x0], $0xffff;
	_ =	sdelay $0x4  }
0x33a: {  	[tilespmem:$0x1F5B0] =	vst v26;
	v26 =	vld [tilespmem:$0x1FC00];
	_ =	sdelay $0x7  }
0x33b: {  	v26 =	vld.idx.msk [tilespmem:v26+s1+$0x0], $0xffff;
	_ =	sdelay $0x4  }
0x33c: {  	[tilespmem:$0x1F5C0] =	vst v26;
	v26 =	vld [tilespmem:$0x1FC20];
	_ =	sdelay $0x7  }
0x33d: {  	v26 =	vld.idx.msk [tilespmem:v26+s1+$0x0], $0xffff;
	_ =	sdelay $0x4  }
0x33e: {  	[tilespmem:$0x1F5D0] =	vst v26;
	v26 =	vld [tilespmem:$0x1FC30];
	_ =	sdelay $0x7  }
0x33f: {  	v26 =	vld.idx.msk [tilespmem:v26+s1+$0x0], $0xffff;
	_ =	sdelay $0x4  }
0x340: {  	[tilespmem:$0x1F5E0] =	vst v26;
	v26 =	vld [tilespmem:$0x1FC40];
	_ =	sdelay $0x7  }
0x341: {  	v26 =	vld.idx.msk [tilespmem:v26+s1+$0x0], $0xffff;
	_ =	sdelay $0x4  }
0x342: {  	[tilespmem:$0x1F5F0] =	vst v26;
	v26 =	vld [tilespmem:$0x1FC60];
	_ =	sdelay $0x7  }
0x343: {  	v26 =	vld.idx.msk [tilespmem:v26+s1+$0x0], $0xffff;
	_ =	sdelay $0x4  }
0x344: {  	[tilespmem:$0x1F600] =	vst v26;
	v26 =	vld [tilespmem:$0x1FC70];
	_ =	sdelay $0x7  }
0x345: {  	v26 =	vld.idx.msk [tilespmem:v26+s1+$0x0], $0xffff;
	_ =	sdelay $0x4  }
0x346: {  	[tilespmem:$0x1F610] =	vst v26;
	v26 =	vld [tilespmem:$0x1FC80];
	_ =	sdelay $0x7  }
0x347: {  	v26 =	vld.idx.msk [tilespmem:v26+s1+$0x0], $0xffff;
	_ =	sdelay $0x4  }
0x348: {  	[tilespmem:$0x1F620] =	vst v26;
	v26 =	vld [tilespmem:$0x1FC90];
	_ =	sdelay $0x7  }
0x349: {  	v26 =	vld.idx.msk [tilespmem:v26+s1+$0x0], $0xffff;
	_ =	sdelay $0x4  }
0x34a: {  	[tilespmem:$0x1F630] =	vst v26;
	v26 =	vld [tilespmem:$0x1FCA0];
	_ =	sdelay $0x7  }
0x34b: {  	v26 =	vld.idx.msk [tilespmem:v26+s1+$0x0], $0xffff;
	_ =	sdelay $0x4  }
0x34c: {  	[tilespmem:$0x1F640] =	vst v26;
	v26 =	vld [tilespmem:$0x1FCB0];
	_ =	sdelay $0x7  }
0x34d: {  	v26 =	vld.idx.msk [tilespmem:v26+s1+$0x0], $0xffff;
	_ =	sdelay $0x4  }
0x34e: {  	[tilespmem:$0x1F650] =	vst v26;
	v26 =	vld [tilespmem:$0x1FCD0];
	_ =	sdelay $0x7  }
0x34f: {  	v26 =	vld.idx.msk [tilespmem:v26+s1+$0x0], $0xffff;
	_ =	sdelay $0x4  }
0x350: {  	[tilespmem:$0x1F660] =	vst v26;
	v26 =	vld [tilespmem:$0x1FD10];
	_ =	sdelay $0x7  }
0x351: {  	v26 =	vld.idx.msk [tilespmem:v26+s1+$0x0], $0xffff;
	_ =	sdelay $0x4  }
0x352: {  	[tilespmem:$0x1F670] =	vst v26;
	v26 =	vld [tilespmem:$0x1FD20];
	_ =	sdelay $0x5  }
0x353: {  	v2 =	vadd.bf16 v52, v2;
	v52 =	vld [tilespmem:$0x1FD30];
	_ =	sdelay $0x1  }
0x354: {  	v26 =	vld.idx.msk [tilespmem:v26+s1+$0x0], $0xffff;
	_ =	sdelay $0x4  }
0x355: {  	[tilespmem:$0x1F680] =	vst v26  }
0x356: {  	v26 =	vld.idx.msk [tilespmem:v52+s1+$0x0], $0xffff;
	_ =	sdelay $0x4  }
0x357: {  	[tilespmem:$0x1F690] =	vst v26;
	v26 =	vld [tilespmem:$0x1FD50];
	_ =	sdelay $0x5  }
0x358: {  	v52 =	vld [tilespmem:$0x1FD60];
	_ =	sdelay $0x1  }
0x359: {  	v4 =	vadd.bf16 v10, v4;
	v10 =	vld.idx.msk [tilespmem:v26+s1+$0x0], $0xffff;
	_ =	sdelay $0x3  }
0x35a: {  	v3 =	vadd.bf16 v53, v3;
	v53 =	vld [tilespmem:$0x1FD70]  }
0x35b: {  	[tilespmem:$0x1F6A0] =	vst v10  }
0x35c: {  	v10 =	vadd.bf16 v12, v5;
	v5 =	vld.idx.msk [tilespmem:v52+s1+$0x0], $0xffff;
	_ =	sdelay $0x3  }
0x35d: {  	v21 =	vadd.bf16 v21, v54;
	v54 =	vld [tilespmem:$0x1FD90]  }
0x35e: {  	[tilespmem:$0x1F6B0] =	vst v5  }
0x35f: {  	v5 =	vld.idx.msk [tilespmem:v53+s1+$0x0], $0xffff;
	_ =	sdelay $0x2  }
0x360: {  	v15 =	vadd.bf16 v15, v55  }
0x361: {  	v55 =	vadd.bf16 v47, v59;
	v47 =	vadd.bf16 v48, v60;
	v60 =	vld [tilespmem:$0x1FDA0]  }
0x362: {  	v12 =	vld [tilespmem:s19+$0xFFFFFFF0];
	[tilespmem:$0x1F6C0] =	vst v5  }
0x363: {  	v5 =	vld.idx.msk [tilespmem:v54+s1+$0x0], $0xffff;
	_ =	sdelay $0x3  }
0x364: {  	v48 =	vadd.bf16 v49, v61;
	v61 =	vld [tilespmem:$0x1FDB0]  }
0x365: {  	[tilespmem:$0x1F6D0] =	vst v5  }
0x366: {  	v5 =	vld.idx.msk [tilespmem:v60+s1+$0x0], $0xffff;
	_ =	sdelay $0x3  }
0x367: {  	v20 =	vadd.bf16 v20, v6;
	v6 =	vld [tilespmem:$0x1FDD0]  }
0x368: {  	[tilespmem:$0x1F6E0] =	vst v5  }
0x369: {  	v49 =	vadd.bf16 v50, v1;
	v1 =	vld.idx.msk [tilespmem:v61+s1+$0x0], $0xffff;
	_ =	sdelay $0x3  }
0x36a: {  	v50 =	vadd.bf16 v51, v8;
	v8 =	vld [tilespmem:$0x1FDE0]  }
0x36b: {  	[tilespmem:$0x1F6F0] =	vst v1  }
0x36c: {  	v1 =	vld.idx.msk [tilespmem:v6+s1+$0x0], $0xffff;
	_ =	sdelay $0x3  }
0x36d: {  	v37 =	vadd.bf16 v37, v20;
	v20 =	vld [tilespmem:$0x1FDF0]  }
0x36e: {  	[tilespmem:$0x1F700] =	vst v1  }
0x36f: {  	v1 =	vld.idx.msk [tilespmem:v8+s1+$0x0], $0xffff;
	_ =	sdelay $0x1  }
0x370: {  	v16 =	vadd.bf16 v16, v7;
	_ =	sdelay $0x1  }
0x371: {  	v61 =	vadd.bf16 v38, v16;
	v38 =	vld [tilespmem:$0x1FE10]  }
0x372: {  	[tilespmem:$0x1F710] =	vst v1  }
0x373: {  	v1 =	vld.idx.msk [tilespmem:v20+s1+$0x0], $0xffff;
	_ =	sdelay $0x4  }
0x374: {  	[tilespmem:$0x1F720] =	vst v1  }
0x375: {  	v1 =	vld.idx.msk [tilespmem:v38+s1+$0x0], $0xffff  }
0x376: {  	v38 =	vadd.bf16 v40, v15;
	v40 =	vld [tilespmem:$0x1FE20];
	_ =	sdelay $0x2  }
0x377: {  	v5 =	vld [tilespmem:$0x1FEF0];
	_ =	sdelay $0x2  }
0x378: {  	v54 =	vld [tilespmem:$0x1FE30]  }
0x379: {  	[tilespmem:$0x1F730] =	vst v1  }
0x37a: {  	v2 =	vadd.bf16 v5, v2;
	v5 =	vld.idx.msk [tilespmem:v40+s1+$0x0], $0xffff;
	_ =	sdelay $0x1  }
0x37b: {  	v52 =	vld [tilespmem:$0x1FD00];
	_ =	sdelay $0x1  }
0x37c: {  	v18 =	vadd.bf16 v18, v56;
	v56 =	vld [tilespmem:$0x1FE50]  }
0x37d: {  	v51 =	vadd.bf16 v62, v3;
	v62 =	vadd.bf16 v39, v21;
	v39 =	vld [tilespmem:$0x1FCF0];
	[tilespmem:$0x1F740] =	vst v5  }
0x37e: {  	v5 =	vld.idx.msk [tilespmem:v54+s1+$0x0], $0xffff  }
0x37f: {  	v53 =	vadd.bf16 v52, v55;
	v55 =	vld [tilespmem:$0x1FA00]  }
0x380: {  	v26 =	vadd.bf16 v45, v58;
	_ =	sdelay $0x1  }
0x381: {  	v1 =	vadd.bf16 v39, v26  }
0x382: {  	v7 =	vshll.u32 v12, $0x4;
	[tilespmem:$0x1F750] =	vst v5  }
0x383: {  	v23 =	vadd.bf16 v23, v57;
	v57 =	vand.u32 $0x3FF0, v7;
	v58 =	vadd.bf16 v55, v1;
	v1 =	vld.idx.msk [tilespmem:v56+s1+$0x0], $0xffff  }
0x384: {  	v3 =	vadd.s32 $0xA370, v57;
	_ =	sdelay $0x3  }
0x385: {  	[tilespmem:$0x1F760] =	vst v1  }
0x386: {  	v7 =	vld.idx.msk [tilespmem:v3+s1+$0x0], $0xffff  }
0x387: {  	v35 =	vadd.bf16 v35, v4;
	v4 =	vadd.s32 $0xA371, v57;
	_ =	sdelay $0x3  }
0x388: {  	v59 =	vld [tilespmem:$0x1FD40];
	[tilespmem:$0x1F770] =	vst v7  }
0x389: {  	v54 =	vld.idx.msk [tilespmem:v4+s1+$0x0], $0xffff  }
0x38a: {  	v15 =	vadd.s32 $0xA372, v57;
	v55 =	vld [tilespmem:$0x1FA20];
	_ =	sdelay $0x2  }
0x38b: {  	v60 =	vadd.bf16 v59, v47  }
0x38c: {  	[tilespmem:$0x1F780] =	vst v54  }
0x38d: {  	v47 =	vadd.bf16 v55, v60;
	v60 =	vld.idx.msk [tilespmem:v15+s1+$0x0], $0xffff  }
0x38e: {  	v16 =	vadd.s32 $0xA373, v57;
	v6 =	vld [tilespmem:$0x1FA10];
	_ =	sdelay $0x3  }
0x38f: {  	[tilespmem:$0x1F790] =	vst v60  }
0x390: {  	v52 =	vadd.bf16 v6, v53;
	v6 =	vld.idx.msk [tilespmem:v16+s1+$0x0], $0xffff  }
0x391: {  	v21 =	vadd.s32 $0xA374, v57;
	_ =	sdelay $0x3  }
0x392: {  	v8 =	vld [tilespmem:$0x1FD80];
	[tilespmem:$0x1F7A0] =	vst v6  }
0x393: {  	v45 =	vld.idx.msk [tilespmem:v21+s1+$0x0], $0xffff  }
0x394: {  	v26 =	vadd.s32 $0xA375, v57;
	_ =	sdelay $0x3  }
0x395: {  	v36 =	vadd.bf16 v36, v10;
	v10 =	vadd.bf16 v8, v48;
	v48 =	vld [tilespmem:$0x1FDC0];
	[tilespmem:$0x1F7B0] =	vst v45  }
0x396: {  	v1 =	vld.idx.msk [tilespmem:v26+s1+$0x0], $0xffff  }
0x397: {  	v40 =	vadd.s32 $0xA376, v57;
	v4 =	vld [tilespmem:$0x1FA30];
	_ =	sdelay $0x3  }
0x398: {  	[tilespmem:$0x1F7C0] =	vst v1  }
0x399: {  	v53 =	vadd.bf16 v48, v49;
	v49 =	vadd.bf16 v4, v10;
	v4 =	vld.idx.msk [tilespmem:v40+s1+$0x0], $0xffff  }
0x39a: {  	v48 =	vadd.s32 $0xA377, v57;
	_ =	sdelay $0x3  }
0x39b: {  	[tilespmem:$0x1F7D0] =	vst v4  }
0x39c: {  	v21 =	vld.idx.msk [tilespmem:v48+s1+$0x0], $0xffff  }
0x39d: {  	v18 =	vadd.bf16 v43, v18;
	v43 =	vld [tilespmem:$0x1FE40];
	v7 =	vadd.s32 $0xA378, v57  }
0x39e: {  	v56 =	vld [tilespmem:$0x1FE00];
	_ =	sdelay $0x2  }
0x39f: {  	[tilespmem:$0x1F7E0] =	vst v21  }
0x3a0: {  	v2 =	vadd.bf16 v43, v2;
	v43 =	vld.idx.msk [tilespmem:v7+s1+$0x0], $0xffff  }
0x3a1: {  	v59 =	vadd.bf16 v56, v50;
	v50 =	vadd.s32 $0xA379, v57;
	_ =	sdelay $0x2  }
0x3a2: {  	v40 =	vld [tilespmem:$0x1FBC0]  }
0x3a3: {  	v23 =	vadd.bf16 v44, v23;
	v44 =	vld [tilespmem:$0x1FA50];
	[tilespmem:$0x1F7F0] =	vst v43  }
0x3a4: {  	v1 =	vld.idx.msk [tilespmem:v50+s1+$0x0], $0xffff  }
0x3a5: {  	v20 =	vld [tilespmem:$0x1FBA0];
	v60 =	vadd.bf16 v13, v36;
	v26 =	vadd.s32 $0xA37A, v57  }
0x3a6: {  	v5 =	vld [tilespmem:$0x1FA40]  }
0x3a7: {  	v60 =	vadd.bf16 v40, v60;
	v40 =	vld [tilespmem:$0x1FC10]  }
0x3a8: {  	v56 =	vadd.bf16 v44, v59;
	v59 =	vld [tilespmem:$0x1FB60]  }
0x3a9: {  	v9 =	vadd.bf16 v9, v35;
	v35 =	vadd.bf16 v14, v37;
	v14 =	vld [tilespmem:$0x1F4A0];
	[tilespmem:$0x1F800] =	vst v1  }
0x3aa: {  	v19 =	vadd.bf16 v19, v61;
	v39 =	vld.idx.msk [tilespmem:v26+s1+$0x0], $0xffff  }
0x3ab: {  	v37 =	vld [tilespmem:$0x1F530];
	v55 =	vadd.bf16 v5, v53;
	v5 =	vadd.s32 $0xA37B, v57  }
0x3ac: {  	v8 =	vld [tilespmem:$0x1F450];
	v1 =	vadd.bf16 v40, v19  }
0x3ad: {  	v54 =	vadd.bf16 v59, v2;
	v59 =	vadd.bf16 v20, v9;
	v20 =	vld [tilespmem:$0x1F4E0]  }
0x3ae: {  	v16 =	vld [tilespmem:$0x1FB80];
	[tilespmem:$0x1F830] =	vst v1  }
0x3af: {  	v6 =	vld [tilespmem:$0x1FBE0];
	[tilespmem:$0x1F810] =	vst v39  }
0x3b0: {  	v1 =	vld.idx.msk [tilespmem:v5+s1+$0x0], $0xffff  }
0x3b1: {  	v11 =	vadd.bf16 v11, v51;
	v9 =	vadd.s32 $0xA37C, v57;
	v10 =	vadd.bf16 v24, v23;
	v24 =	vld [tilespmem:$0x1F500]  }
0x3b2: {  	v13 =	vld [tilespmem:$0x1F490]  }
0x3b3: {  	v53 =	vadd.bf16 v16, v11;
	v11 =	vld [tilespmem:$0x1F480]  }
0x3b4: {  	v16 =	vld [tilespmem:$0x1F4C0]  }
0x3b5: {  	v51 =	vadd.bf16 v6, v35;
	v35 =	vld [tilespmem:$0x1FCE0];
	[tilespmem:$0x1F820] =	vst v1  }
0x3b6: {  	v44 =	vadd.s32 $0xA37D, v57;
	v4 =	vadd.s32 $0xA37E, v57;
	v7 =	vadd.s32 $0xA37F, v57;
	v57 =	vld.idx.msk [tilespmem:v9+s1+$0x0], $0xffff  }
0x3b7: {  	v29 =	vadd.bf16 v29, v8;
	v9 =	vld [tilespmem:$0x1FC50]  }
0x3b8: {  	v8 =	vadd.bf16 v13, v11;
	v13 =	vadd.bf16 v25, v14;
	v14 =	vld [tilespmem:$0x1F560]  }
0x3b9: {  	v39 =	vld [tilespmem:$0x1FCC0]  }
0x3ba: {  	v22 =	vadd.bf16 v22, v62;
	v21 =	vld [tilespmem:$0x1F4F0];
	v5 =	vadd.bf16 v46, v38  }
0x3bb: {  	v18 =	vadd.bf16 v0, v18;
	v50 =	vld [tilespmem:$0x1F420]  }
0x3bc: {  	v38 =	vadd.bf16 v34, v5;
	v34 =	vld [tilespmem:$0x1F510];
	v0 =	vadd.bf16 v9, v22  }
0x3bd: {  	v9 =	vld [tilespmem:$0x1F460]  }
0x3be: {  	v61 =	vshrl.u32 v12, $0x6;
	[tilespmem:$0x1F840] =	vst v0;
	v0 =	vadd.bf16 v39, v18;
	v18 =	vld [tilespmem:$0x1F4D0]  }
0x3bf: {  	v36 =	vand.u32 $0x3FF0, v61;
	v61 =	vld.idx.msk [tilespmem:v44+s1+$0x0], $0xffff  }
0x3c0: {  	[tilespmem:$0x1F850] =	vst v38;
	v38 =	vld [tilespmem:$0x1F410]  }
0x3c1: {  	[tilespmem:$0x1F860] =	vst v0;
	v0 =	vadd.bf16 v35, v10;
	v10 =	vld [tilespmem:$0x1F470]  }
0x3c2: {  	v35 =	vld [tilespmem:$0x1F520]  }
0x3c3: {  	v62 =	vld.idx.msk [tilespmem:v4+s1+$0x0], $0xffff  }
0x3c4: {  	v6 =	vadd.s32 $0xA371, v36;
	v4 =	vld [tilespmem:$0x1F430]  }
0x3c5: {  	v15 =	vadd.s32 $0xA372, v36;
	v28 =	vadd.bf16 v28, v9;
	v9 =	vadd.bf16 v24, v21;
	v21 =	vld [tilespmem:$0x1F5A0]  }
0x3c6: {  	v24 =	vld [tilespmem:$0x1F5C0];
	[tilespmem:$0x1F870] =	vst v0  }
0x3c7: {  	v39 =	vadd.s32 $0xA374, v36;
	v48 =	vld.idx.msk [tilespmem:v7+s1+$0x0], $0xffff  }
0x3c8: {  	v7 =	vld [tilespmem:$0x1F440]  }
0x3c9: {  	v45 =	vld.idx.msk [tilespmem:v6+s1+$0x0], $0xffff  }
0x3ca: {  	v44 =	vld.idx.msk [tilespmem:v15+s1+$0x0], $0xffff  }
0x3cb: {  	v19 =	vadd.s32 $0xA37A, v36;
	v15 =	vld [tilespmem:$0x1F4B0]  }
0x3cc: {  	v46 =	vld.idx.msk [tilespmem:v39+s1+$0x0], $0xffff  }
0x3cd: {  	v39 =	vld [tilespmem:$0x1F550]  }
0x3ce: {  	v5 =	vadd.s32 $0xA375, v36;
	v11 =	vadd.bf16 v20, v18;
	v20 =	vld [tilespmem:$0x1F650]  }
0x3cf: {  	v33 =	vadd.bf16 v33, v38;
	v38 =	vld [tilespmem:$0x1F540]  }
0x3d0: {  	v23 =	vadd.s32 $0xA377, v36;
	v6 =	vadd.bf16 v35, v34;
	v35 =	vld.idx.msk [tilespmem:v19+s1+$0x0], $0xffff  }
0x3d1: {  	v19 =	vld [tilespmem:$0x1F640]  }
0x3d2: {  	v25 =	vadd.s32 $0xA378, v36;
	v29 =	vadd.bf16 v24, v29;
	v24 =	vld [tilespmem:$0x1F680]  }
0x3d3: {  	v22 =	vadd.bf16 v30, v7;
	v30 =	vadd.bf16 v41, v17;
	v41 =	vld.idx.msk [tilespmem:v5+s1+$0x0], $0xffff  }
0x3d4: {  	v27 =	vadd.bf16 v27, v10;
	v10 =	vadd.bf16 v16, v15;
	v15 =	vld [tilespmem:$0x1F570]  }
0x3d5: {  	v31 =	vadd.bf16 v31, v4;
	v4 =	vadd.bf16 v14, v39;
	v39 =	vld.idx.msk [tilespmem:v23+s1+$0x0], $0xffff  }
0x3d6: {  	v16 =	vld [tilespmem:$0x1F580]  }
0x3d7: {  	v1 =	vadd.s32 $0xA379, v36;
	v7 =	vadd.bf16 v38, v37;
	v38 =	vld.idx.msk [tilespmem:v25+s1+$0x0], $0xffff  }
0x3d8: {  	v25 =	vld [tilespmem:$0x1F5D0]  }
0x3d9: {  	v17 =	vld [tilespmem:$0x1F590]  }
0x3da: {  	v23 =	vld [tilespmem:$0x1F5B0]  }
0x3db: {  	v31 =	vadd.bf16 v21, v31;
	v21 =	vld [tilespmem:$0x1F660]  }
0x3dc: {  	v37 =	vld.idx.msk [tilespmem:v1+s1+$0x0], $0xffff  }
0x3dd: {  	v18 =	vadd.s32 $0xA37D, v36;
	v14 =	vadd.bf16 v25, v28;
	v28 =	vld [tilespmem:$0x1F5E0]  }
0x3de: {  	v5 =	vadd.bf16 v15, v30;
	v30 =	vld [tilespmem:$0x1F5F0]  }
0x3df: {  	v32 =	vadd.bf16 v32, v50;
	v15 =	vld [tilespmem:$0x1F600]  }
0x3e0: {  	v1 =	vadd.s32 $0xA37E, v36;
	v33 =	vadd.bf16 v16, v33;
	v16 =	vld [tilespmem:$0x1F610]  }
0x3e1: {  	v32 =	vadd.bf16 v17, v32;
	v17 =	vld [tilespmem:$0x1F620]  }
0x3e2: {  	v0 =	vadd.s32 $0xA37C, v36;
	v27 =	vadd.bf16 v28, v27;
	v28 =	vld.idx.msk [tilespmem:v18+s1+$0x0], $0xffff  }
0x3e3: {  	v18 =	vld [tilespmem:$0x1F630]  }
0x3e4: {  	v22 =	vadd.bf16 v23, v22;
	v23 =	vld [tilespmem:$0x1F670]  }
0x3e5: {  	v25 =	vld.idx.msk [tilespmem:v1+s1+$0x0], $0xffff  }
0x3e6: {  	v12 =	vshra.s32 v12, $0x10;
	v33 =	vadd.bf16 v24, v33;
	v24 =	vld [tilespmem:$0x1F6C0]  }
0x3e7: {  	v12 =	vand.u32 $0xFFFFFFF0, v12;
	v8 =	vadd.bf16 v30, v8;
	v30 =	vld.idx.msk [tilespmem:v0+s1+$0x0], $0xffff;
	v11 =	vadd.bf16 v17, v11  }
0x3e8: {  	v0 =	vadd.s32 $0xA372, v12;
	v17 =	vadd.bf16 v18, v9;
	v18 =	vadd.bf16 v20, v7;
	v20 =	vld [tilespmem:$0x1F6A0]  }
0x3e9: {  	v13 =	vadd.bf16 v15, v13;
	v15 =	vadd.bf16 v21, v4;
	v21 =	vld [tilespmem:$0x1F6B0]  }
0x3ea: {  	v1 =	vadd.s32 $0xA373, v12;
	v9 =	vadd.bf16 v19, v6;
	v19 =	vld [tilespmem:$0x1F690];
	[tilespmem:v42+s14+$0x0] =	vst.idx.msk $0xffff, v58  }
0x3eb: {  	v2 =	vadd.s32 $0xA374, v12;
	v58 =	vld [tilespmem:$0x1F6D0];
	[tilespmem:v63+s14+$0x0] =	vst.idx.msk $0xffff, v52  }
0x3ec: {  	v43 =	vadd.s32 $0xA370, v36;
	v52 =	vld [tilespmem:$0x1F6E0]  }
0x3ed: {  	v40 =	vadd.s32 $0xA373, v36;
	v31 =	vadd.bf16 v20, v31;
	v20 =	vld.idx.msk [tilespmem:v0+s1+$0x0], $0xffff;
	v0 =	vor.u32 $0x2, v42;
	_ =	sdelay $0x1  }
0x3ee: {  	v26 =	vadd.s32 $0xA376, v36;
	v32 =	vadd.bf16 v19, v32;
	v19 =	vld.idx.msk [tilespmem:v1+s1+$0x0], $0xffff;
	v1 =	vor.u32 $0x3, v42  }
0x3ef: {  	v22 =	vadd.bf16 v21, v22;
	v21 =	vld.idx.msk [tilespmem:v2+s1+$0x0], $0xffff;
	v2 =	vor.u32 $0x4, v42  }
0x3f0: {  	v50 =	vld.idx.msk [tilespmem:v43+s1+$0x0], $0xffff;
	v14 =	vadd.bf16 v58, v14;
	v58 =	vor.u32 $0x5, v42  }
0x3f1: {  	v43 =	vld.idx.msk [tilespmem:v40+s1+$0x0], $0xffff;
	v27 =	vadd.bf16 v52, v27;
	v52 =	vor.u32 $0x6, v42;
	[tilespmem:v0+s14+$0x0] =	vst.idx.msk $0xffff, v47  }
0x3f2: {  	v0 =	vld [tilespmem:$0x1F6F0]  }
0x3f3: {  	v40 =	vld.idx.msk [tilespmem:v26+s1+$0x0], $0xffff;
	[tilespmem:v1+s14+$0x0] =	vst.idx.msk $0xffff, v49  }
0x3f4: {  	v1 =	vld [tilespmem:$0x1F700];
	[tilespmem:v2+s14+$0x0] =	vst.idx.msk $0xffff, v55  }
0x3f5: {  	v2 =	vld [tilespmem:$0x1F710];
	[tilespmem:v58+s14+$0x0] =	vst.idx.msk $0xffff, v56  }
0x3f6: {  	v26 =	vadd.s32 $0xA37B, v36;
	v56 =	vld [tilespmem:$0x1F720];
	[tilespmem:v52+s14+$0x0] =	vst.idx.msk $0xffff, v54  }
0x3f7: {  	v63 =	vadd.s32 $0xA37B, v12;
	v52 =	vld [tilespmem:$0x1F730];
	v0 =	vadd.bf16 v0, v8;
	v8 =	vor.u32 $0x7, v42;
	_ =	sdelay $0x1  }
0x3f8: {  	v10 =	vadd.bf16 v16, v10;
	v58 =	vld [tilespmem:$0x1F740];
	v1 =	vadd.bf16 v1, v13;
	v13 =	vor.u32 $0x8, v42;
	_ =	sdelay $0x1  }
0x3f9: {  	v34 =	vld.idx.msk [tilespmem:v26+s1+$0x0], $0xffff;
	v2 =	vadd.bf16 v2, v10;
	v10 =	vor.u32 $0x9, v42  }
0x3fa: {  	v17 =	vadd.bf16 v52, v17;
	v52 =	vld.idx.msk [tilespmem:v63+s1+$0x0], $0xffff;
	[tilespmem:v8+s14+$0x0] =	vst.idx.msk $0xffff, v53  }
0x3fb: {  	v47 =	vadd.s32 $0xA37C, v12;
	v8 =	vld [tilespmem:$0x1F750]  }
0x3fc: {  	v11 =	vadd.bf16 v56, v11;
	v56 =	vor.u32 $0xA, v42;
	v9 =	vadd.bf16 v58, v9;
	v58 =	vld [tilespmem:$0x1F760];
	[tilespmem:v13+s14+$0x0] =	vst.idx.msk $0xffff, v59  }
0x3fd: {  	v13 =	vld [tilespmem:$0x1F770]  }
0x3fe: {  	v49 =	vadd.s32 $0xA37D, v12;
	v63 =	vld [tilespmem:$0x1F780];
	[tilespmem:v10+s14+$0x0] =	vst.idx.msk $0xffff, v60  }
0x3ff: {  	v10 =	vld [tilespmem:$0x1F790]  }
0x400: {  	v8 =	vadd.bf16 v8, v18;
	v18 =	vld.idx.msk [tilespmem:v47+s1+$0x0], $0xffff  }
0x401: {  	v16 =	vadd.bf16 v23, v5;
	v47 =	vld [tilespmem:$0x1F7A0];
	[tilespmem:v56+s14+$0x0] =	vst.idx.msk $0xffff, v51  }
0x402: {  	v51 =	vld [tilespmem:$0x1F7C0]  }
0x403: {  	v13 =	vadd.bf16 v13, v16;
	v16 =	vadd.bf16 v63, v33;
	v33 =	vld.idx.msk [tilespmem:v49+s1+$0x0], $0xffff  }
0x404: {  	v15 =	vadd.bf16 v58, v15;
	v58 =	vld [tilespmem:$0x1FE70]  }
0x405: {  	v29 =	vadd.bf16 v24, v29;
	v49 =	vld [tilespmem:$0x1F7B0]  }
0x406: {  	v55 =	vadd.s32 $0xA37E, v12;
	v53 =	vld [tilespmem:$0x1F7D0]  }
0x407: {  	v29 =	vadd.bf16 v51, v29;
	v51 =	vld [tilespmem:$0x1F7F0]  }
0x408: {  	v54 =	vld [tilespmem:$0x1F7E0]  }
0x409: {  	v56 =	vld [tilespmem:$0x1F800]  }
0x40a: {  	v59 =	vld [tilespmem:$0x1F820]  }
0x40b: {  	v10 =	vadd.bf16 v10, v32;
	v32 =	vld.idx.msk [tilespmem:v55+s1+$0x0], $0xffff  }
0x40c: {  	v0 =	vadd.bf16 v51, v0;
	v51 =	vld.idx.msk [tilespmem:v58+s1+$0x0], $0xffff  }
0x40d: {  	v22 =	vadd.bf16 v49, v22;
	v49 =	vor.u32 $0xB, v42;
	v58 =	vld [tilespmem:$0x1F830]  }
0x40e: {  	v55 =	vld [tilespmem:$0x1FE60]  }
0x40f: {  	v26 =	vadd.s32 $0xA370, v12;
	v60 =	vld [tilespmem:$0x1FE80]  }
0x410: {  	v3 =	vadd.s32 $0xA371, v12;
	v63 =	vld [tilespmem:$0x1FEA0]  }
0x411: {  	v27 =	vadd.bf16 v54, v27;
	v54 =	vld [tilespmem:$0x1F810]  }
0x412: {  	v1 =	vadd.bf16 v56, v1;
	v56 =	vld [tilespmem:$0x1FE90];
	[tilespmem:v49+s14+$0x0] =	vst.idx.msk $0xffff, v58  }
0x413: {  	v14 =	vadd.bf16 v53, v14;
	v53 =	vor.u32 $0xC, v42;
	v49 =	vld [tilespmem:$0x1F840]  }
0x414: {  	v26 =	vld.idx.msk [tilespmem:v26+s1+$0x0], $0xffff  }
0x415: {  	v36 =	vadd.s32 $0xA37F, v36;
	v23 =	vld.idx.msk [tilespmem:v3+s1+$0x0], $0xffff  }
0x416: {  	v4 =	vadd.s32 $0xA375, v12;
	v31 =	vadd.bf16 v47, v31;
	v47 =	vld.idx.msk [tilespmem:v55+s1+$0x0], $0xffff  }
0x417: {  	v3 =	vadd.s32 $0xA376, v12;
	v2 =	vadd.bf16 v54, v2;
	v54 =	vld.idx.msk [tilespmem:v60+s1+$0x0], $0xffff  }
0x418: {  	v5 =	vadd.s32 $0xA377, v12;
	v58 =	vld [tilespmem:$0x1FEB0];
	[tilespmem:v53+s14+$0x0] =	vst.idx.msk $0xffff, v49  }
0x419: {  	v55 =	vor.u32 $0xD, v42;
	v60 =	vld [tilespmem:$0x1F850]  }
0x41a: {  	v36 =	vld.idx.msk [tilespmem:v36+s1+$0x0], $0xffff  }
0x41b: {  	v24 =	vld.idx.msk [tilespmem:v4+s1+$0x0], $0xffff;
	v4 =	vadd.s32 $0xA37A, v12  }
0x41c: {  	v3 =	vld.idx.msk [tilespmem:v3+s1+$0x0], $0xffff;
	v6 =	vadd.s32 $0xA378, v12  }
0x41d: {  	v5 =	vld.idx.msk [tilespmem:v5+s1+$0x0], $0xffff;
	v7 =	vadd.s32 $0xA379, v12  }
0x41e: {  	v11 =	vadd.bf16 v59, v11;
	v59 =	vld [tilespmem:$0x1FEC0];
	[tilespmem:v55+s14+$0x0] =	vst.idx.msk $0xffff, v60  }
0x41f: {  	v17 =	vadd.bf16 v57, v17;
	v57 =	vor.u32 $0xE, v42;
	v10 =	vadd.bf16 v44, v10;
	v44 =	vld [tilespmem:$0x1F860]  }
0x420: {  	v4 =	vld.idx.msk [tilespmem:v4+s1+$0x0], $0xffff  }
0x421: {  	v6 =	vld.idx.msk [tilespmem:v6+s1+$0x0], $0xffff;
	v12 =	vadd.s32 $0xA37F, v12  }
0x422: {  	v7 =	vld.idx.msk [tilespmem:v7+s1+$0x0], $0xffff  }
0x423: {  	v15 =	vadd.bf16 v48, v15;
	v48 =	vld.idx.msk [tilespmem:v63+s1+$0x0], $0xffff  }
0x424: {  	v9 =	vadd.bf16 v61, v9;
	v61 =	vld [tilespmem:$0x1FED0];
	[tilespmem:v57+s14+$0x0] =	vst.idx.msk $0xffff, v44  }
0x425: {  	v42 =	vor.u32 $0xF, v42;
	v63 =	vld [tilespmem:$0x1F870]  }
0x426: {  	v12 =	vld.idx.msk [tilespmem:v12+s1+$0x0], $0xffff  }
0x427: {  	v56 =	vld.idx.msk [tilespmem:v56+s1+$0x0], $0xffff  }
0x428: {  	v8 =	vadd.bf16 v62, v8;
	v62 =	vld [tilespmem:$0x1FEE0]  }
0x429: {  	v16 =	vadd.bf16 v45, v16;
	v45 =	vld.idx.msk [tilespmem:v58+s1+$0x0], $0xffff  }
0x42a: {  	v31 =	vadd.bf16 v43, v31;
	v43 =	vld.idx.msk [tilespmem:v59+s1+$0x0], $0xffff;
	[tilespmem:v42+s14+$0x0] =	vst.idx.msk $0xffff, v63  }
0x42b: {  	v44 =	vld [tilespmem:$0x1FF00]  }
0x42c: {  	v49 =	vld [tilespmem:$0x1FF10]  }
0x42d: {  	v13 =	vadd.bf16 v50, v13;
	v50 =	vld [tilespmem:$0x1FF20]  }
0x42e: {  	v55 =	vld [tilespmem:$0x1FF30]  }
0x42f: {  	v58 =	vld [tilespmem:$0x1FF40]  }
0x430: {  	v27 =	vadd.bf16 v39, v27;
	v39 =	vld.idx.msk [tilespmem:v62+s1+$0x0], $0xffff  }
0x431: {  	v62 =	vld [tilespmem:$0x1FFF0]  }
0x432: {  	v17 =	vadd.bf16 v30, v17;
	v9 =	vadd.bf16 v28, v9;
	v60 =	vld [tilespmem:$0x1FF50]  }
0x433: {  	v8 =	vadd.bf16 v25, v8;
	v15 =	vadd.bf16 v36, v15;
	v63 =	vld [tilespmem:$0x1FF60]  }
0x434: {  	v13 =	vadd.bf16 v26, v13;
	v29 =	vadd.bf16 v41, v29;
	v41 =	vld.idx.msk [tilespmem:v61+s1+$0x0], $0xffff;
	v42 =	vmov s18  }
0x435: {  	v22 =	vadd.bf16 v46, v22;
	v0 =	vadd.bf16 v38, v0;
	v46 =	vshll.u32 v42, $0x4;
	v38 =	vld.idx.msk [tilespmem:v44+s1+$0x0], $0xffff  }
0x436: {  	v16 =	vadd.bf16 v23, v16;
	v2 =	vadd.bf16 v35, v2;
	v28 =	vor.u32 v62, v46;
	v35 =	vld.idx.msk [tilespmem:v49+s1+$0x0], $0xffff  }
0x437: {  	v10 =	vadd.bf16 v20, v10;
	v14 =	vadd.bf16 v40, v14;
	v30 =	vld.idx.msk [tilespmem:v50+s1+$0x0], $0xffff;
	v53 =	vor.u32 $0x1, v28  }
0x438: {  	v1 =	vadd.bf16 v37, v1;
	v11 =	vadd.bf16 v34, v11;
	v26 =	vld.idx.msk [tilespmem:v55+s1+$0x0], $0xffff;
	v57 =	vor.u32 $0x2, v28  }
0x439: {  	v19 =	vadd.bf16 v19, v31;
	v13 =	vadd.bf16 v47, v13;
	v34 =	vld.idx.msk [tilespmem:v58+s1+$0x0], $0xffff;
	v59 =	vor.u32 $0x3, v28  }
0x43a: {  	v21 =	vadd.bf16 v21, v22;
	v16 =	vadd.bf16 v51, v16;
	v36 =	vld.idx.msk [tilespmem:v60+s1+$0x0], $0xffff;
	v61 =	vor.u32 $0x4, v28  }
0x43b: {  	v10 =	vadd.bf16 v54, v10;
	v37 =	vld.idx.msk [tilespmem:v63+s1+$0x0], $0xffff;
	v40 =	vor.u32 $0x5, v28;
	[tilespmem:v28+s14+$0x0] =	vst.idx.msk $0xffff, v13  }
0x43c: {  	v19 =	vadd.bf16 v56, v19;
	v42 =	vadd.bf16 v24, v29;
	v44 =	vor.u32 $0x6, v28;
	[tilespmem:v53+s14+$0x0] =	vst.idx.msk $0xffff, v16  }
0x43d: {  	v3 =	vadd.bf16 v3, v14;
	v46 =	vadd.bf16 v48, v21;
	v47 =	vor.u32 $0x7, v28;
	[tilespmem:v57+s14+$0x0] =	vst.idx.msk $0xffff, v10  }
0x43e: {  	v5 =	vadd.bf16 v5, v27;
	v48 =	vor.u32 $0x8, v28;
	v16 =	vadd.bf16 v45, v42;
	[tilespmem:v59+s14+$0x0] =	vst.idx.msk $0xffff, v19  }
0x43f: {  	v0 =	vadd.bf16 v6, v0;
	v3 =	vadd.bf16 v43, v3;
	v49 =	vor.u32 $0x9, v28;
	[tilespmem:v61+s14+$0x0] =	vst.idx.msk $0xffff, v46  }
0x440: {  	v1 =	vadd.bf16 v7, v1;
	v5 =	vadd.bf16 v41, v5;
	v50 =	vor.u32 $0xA, v28;
	[tilespmem:v40+s14+$0x0] =	vst.idx.msk $0xffff, v16  }
0x441: {  	v2 =	vadd.bf16 v4, v2;
	v0 =	vadd.bf16 v39, v0;
	v51 =	vor.u32 $0xB, v28;
	[tilespmem:v44+s14+$0x0] =	vst.idx.msk $0xffff, v3  }
0x442: {  	v52 =	vadd.bf16 v52, v11;
	v1 =	vadd.bf16 v38, v1;
	v53 =	vor.u32 $0xC, v28;
	[tilespmem:v47+s14+$0x0] =	vst.idx.msk $0xffff, v5  }
0x443: {  	v54 =	vadd.bf16 v18, v17;
	v55 =	vor.u32 $0xD, v28;
	v2 =	vadd.bf16 v35, v2;
	[tilespmem:v48+s14+$0x0] =	vst.idx.msk $0xffff, v0  }
0x444: {  	v56 =	vadd.bf16 v33, v9;
	v4 =	vadd.bf16 v30, v52;
	v57 =	vor.u32 $0xE, v28;
	[tilespmem:v49+s14+$0x0] =	vst.idx.msk $0xffff, v1  }
0x445: {  	v58 =	vadd.bf16 v32, v8;
	v59 =	vor.u32 $0xF, v28;
	v0 =	vadd.bf16 v26, v54;
	[tilespmem:v50+s14+$0x0] =	vst.idx.msk $0xffff, v2  }
0x446: {  	v60 =	vadd.bf16 v12, v15;
	v1 =	vadd.bf16 v34, v56;
	[tilespmem:v51+s14+$0x0] =	vst.idx.msk $0xffff, v4  }
0x447: {  	v61 =	vadd.bf16 v36, v58;
	[tilespmem:v53+s14+$0x0] =	vst.idx.msk $0xffff, v0  }
0x448: {  	s16 =	sadd.s32 $0x1, s16;
	v63 =	vadd.bf16 v37, v60;
	[tilespmem:v55+s14+$0x0] =	vst.idx.msk $0xffff, v1  }
0x449: {  	s17 =	sshll.u32 s17, $0x1;
	p0 =	sne.s32 s16, $0x8;
	[tilespmem:v57+s14+$0x0] =	vst.idx.msk $0xffff, v61  }
.Ltmp1:
0x44a: {  	s17 =	sadd.s32 s7, s17;
	[tilespmem:v59+s14+$0x0] =	vst.idx.msk $0xffff, v63;
	(pc) =	sbr.rel @p0 .LBB2_2-.Ltmp1, $4  }
0x44b: {  	[hbm4b:s17+s1] =	stream.linear.scatter [tilespmem:s14], [sflag:$0x1], $0x2400, $0x38;
	[tilespmem:$0x10900] =	vst v63  }
0x44c: {  	_ =	swait.ge [sflag:s10], $0x2400  }
0x44d: {  	[sflag:s10] =	ssyncset.done $0x0  }
0x44e: {  	[sflag:s10] =	ssyncadd.s32 $0xFFFFDC00  }
0x44f: {  	s15 =	sadd.s32 $0x1, s15  }
0x450: {  	p0 =	sne.s32 s15, s9  }
.Ltmp2:
0x451: {  	_ = 	snop;
	(pc) =	sbr.rel @p0 .LBB2_1-.Ltmp2, $1  }
0x452: {  	_ =	sdelay $0x3  }
0x453: {  	_ =	sfence.sel $0x180000  }
0x454: {  	[bflag:$0x0] =	sbarrier.arrive $0xFFFF  }
0x455: {  	p0 =	sne.s32 s2, $0x0;
	_ =	strace $0x90000047  }
0x456: {  	s0 =	sadd.s32 @!p0 $0x100000, s0;
	[bflag:$0x2] =	sbarrier.arrive $0xFFFF  }
0x457: {  	[sflag:s0] =	ssyncadd.tile.s32 @!p0 $0x1;
	_ =	shalt  }
.Lfunc_end2:
_tile_overlayer_lowered:
.L_overlay_start_2:
0x458: {  	(tag) =	ssettag $0x2  }
0x459: {  	s0 =	rddreg [dreg:$0x0];
	s2 =	stileid.u32  }
0x45a: {  	s1 =	rddreg [dreg:$0x1];
	p0 =	sne.s32 s2, $0x0  }
0x45b: {  	s3 =	rddreg [dreg:$0x2];
	[bflag:$0x3] =	sbarrier.arrive $0xFFFF;
	s2 =	simm.s32 @!p0 $0x1C01  }
0x45c: {  	[timem:s3], [sflag:s2] =	dma.local @!p0 [hbm:s0], s1  }
0x45d: {  	s0 =	simm.s32 @!p0 $0x1  }
0x45e: {  	_ =	swait.ge @!p0 [sflag:s0], s1  }
0x45f: {  	s1 =	ssub.s32 @!p0 $0x0, s1;
	[sflag:s0] =	ssyncset.done @!p0 $0x0  }
0x460: {  	[sflag:s0] =	ssyncadd.s32 @!p0 s1  }
0x461: {  	[bflag:$0x3] =	sbarrier.arrive $0xFFFF  }
0x462: {  	_ =	shalt  }

</sc_bundles>
